<compile_context>
chip_gen: v7x
topology: tpu7x:2x2x1
jax: 0.10.2.dev20260603
libtpu: 0.0.44.dev20260713+nightly
codegen_flags: <defaults>
</compile_context>

<pallas_src>
import functools

import jax
import jax.numpy as jnp
from jax import lax
from jax.experimental import pallas as pl
from jax.experimental.pallas import tpu as pltpu
from jax.experimental.pallas import tpu_sc as plsc

N = 10000
E = 320000
D = 128
NP = 10240
NH = NP // 2
NSC = 2
NTILE = 16
NW = NSC * NTILE
WIN = 128
WPT = 80
EP = NW * WPT * WIN
EPT = EP // NW
LHALF = EPT + WIN
LWPT = LHALF // WIN
LTILE = 2 * LHALF
RPT = NP // NTILE
HRPT = NH // NTILE

_mesh = plsc.VectorSubcoreMesh(
    core_axis_name="c", subcore_axis_name="s", num_cores=NSC,
    num_subcores=NTILE)



@functools.partial(
    pl.kernel,
    out_type=[jax.ShapeDtypeStruct((NSC, NP), jnp.float32),
              jax.ShapeDtypeStruct((NSC, NTILE, LTILE), jnp.int32),
              jax.ShapeDtypeStruct((NSC, NTILE, LTILE), jnp.int32)],
    mesh=_mesh,
    scratch_types=[
        pltpu.VMEM((WPT, WIN), jnp.int32),
        pltpu.VMEM((WPT, WIN), jnp.int32),
        pltpu.VMEM((WPT, WIN), jnp.int32),
        pltpu.VMEM((WPT, WIN), jnp.int32),
        pltpu.VMEM((WIN,), jnp.float32),
        pltpu.VMEM_SHARED((NP,), jnp.float32),
        pltpu.VMEM_SHARED((NTILE * LTILE,), jnp.int32),
        pltpu.VMEM_SHARED((NTILE * LTILE,), jnp.int32),
    ],
)
def _sc_prep(dstw_hbm, srcw_hbm, ldw_hbm, posw_hbm, tsrc_hbm, tld_hbm,
             zeros_hbm, hist_hbm, lsrc_hbm, lld_hbm,
             idx_v, srcv, ldv, posv, ones_v, hist_sh, spm_src, spm_ld):
    cid = lax.axis_index("c")
    sid = lax.axis_index("s")
    wid = cid * NTILE + sid
    pltpu.sync_copy(dstw_hbm.at[wid], idx_v)
    pltpu.sync_copy(srcw_hbm.at[wid], srcv)
    pltpu.sync_copy(ldw_hbm.at[wid], ldv)
    pltpu.sync_copy(posw_hbm.at[wid], posv)
    pltpu.sync_copy(zeros_hbm.at[pl.ds(sid * RPT, RPT)],
                    hist_sh.at[pl.ds(sid * RPT, RPT)])
    pltpu.sync_copy(tsrc_hbm, spm_src.at[pl.ds(sid * LTILE, LTILE)])
    pltpu.sync_copy(tld_hbm, spm_ld.at[pl.ds(sid * LTILE, LTILE)])
    for i in range(WIN // 16):
        ones_v[pl.ds(i * 16, 16)] = jnp.ones((16,), jnp.float32)
    plsc.subcore_barrier()

    def body(w, carry):
        pltpu.sync_copy(ones_v, hist_sh.at[idx_v.at[w]], add=True)
        pltpu.sync_copy(srcv.at[w], spm_src.at[posv.at[w]])
        pltpu.sync_copy(ldv.at[w], spm_ld.at[posv.at[w]])
        return carry

    lax.fori_loop(0, WPT, body, 0)
    plsc.subcore_barrier()
    pltpu.sync_copy(hist_sh.at[pl.ds(sid * RPT, RPT)],
                    hist_hbm.at[cid, pl.ds(sid * RPT, RPT)])
    pltpu.sync_copy(spm_src.at[pl.ds(sid * LTILE, LTILE)],
                    lsrc_hbm.at[cid, sid])
    pltpu.sync_copy(spm_ld.at[pl.ds(sid * LTILE, LTILE)],
                    lld_hbm.at[cid, sid])


@functools.partial(
    pl.kernel,
    out_type=jax.ShapeDtypeStruct((NSC, NP, D), jnp.float32),
    mesh=_mesh,
    scratch_types=[
        pltpu.VMEM((LWPT, WIN), jnp.int32),
        pltpu.VMEM((LWPT, WIN), jnp.int32),
        pltpu.VMEM((16,), jnp.int32),
        pltpu.VMEM((WIN, D), jnp.float32),
        pltpu.VMEM((WIN, D), jnp.float32),
        pltpu.VMEM((WIN, D), jnp.float32),
        pltpu.VMEM_SHARED((NH, D), jnp.float32),
        pltpu.SemaphoreType.DMA,
        pltpu.SemaphoreType.DMA,
        pltpu.SemaphoreType.DMA,
    ],
)
def _sc_scatter(gl_hbm, ll_hbm, cnt_hbm, y_hbm, out_hbm,
                gf, lf, cntv, buf0, buf1, buf2, acc, sem0, sem1, sem2):
    cid = lax.axis_index("c")
    sid = lax.axis_index("s")
    wid = cid * NTILE + sid
    pltpu.sync_copy(cnt_hbm.at[wid], cntv)

    bufs = (buf0, buf1, buf2)
    sems = (sem0, sem1, sem2)

    for half in (0, 1):
        base = half * NH
        pltpu.sync_copy(gl_hbm.at[wid, half], gf)
        pltpu.sync_copy(ll_hbm.at[wid, half], lf)
        cw = cntv[pl.ds(0, 16)][half]
        pltpu.sync_copy(y_hbm.at[pl.ds(base + sid * HRPT, HRPT)],
                        acc.at[pl.ds(sid * HRPT, HRPT)])
        plsc.subcore_barrier()

        @pl.when(cw > 0)
        def _():
            pltpu.async_copy(y_hbm.at[gf.at[0]], buf0, sem0)

        @pl.when(cw > WIN)
        def _():
            pltpu.async_copy(y_hbm.at[gf.at[1]], buf1, sem1)

        @pl.when(cw > 2 * WIN)
        def _():
            pltpu.async_copy(y_hbm.at[gf.at[2]], buf2, sem2)

        def body(i, carry):
            for b in range(3):
                w = 3 * i + b

                @pl.when(w * WIN < cw)
                def _():
                    pltpu.make_async_copy(y_hbm.at[gf.at[w]], bufs[b],
                                          sems[b]).wait()
                    pltpu.sync_copy(bufs[b], acc.at[lf.at[w]], add=True)

                    @pl.when((w + 3) * WIN < cw)
                    def _():
                        pltpu.async_copy(y_hbm.at[gf.at[w + 3]], bufs[b],
                                         sems[b])
            return carry

        lax.fori_loop(0, (LWPT + 2) // 3, body, 0)
        plsc.subcore_barrier()
        pltpu.sync_copy(acc.at[pl.ds(sid * HRPT, HRPT)],
                        out_hbm.at[cid, pl.ds(base + sid * HRPT, HRPT)])



R = 1280
_HI = lax.Precision.HIGHEST


def _tc_pos_body(d_ref, pos_out, cnt_out):
    d = d_ref[...]
    m0 = (d < NH).astype(jnp.float32)
    m1 = 1.0 - m0
    rc = lax.broadcasted_iota(jnp.int32, (WIN, WIN), 0)
    cc = lax.broadcasted_iota(jnp.int32, (WIN, WIN), 1)
    u = (rc < cc).astype(jnp.float32)
    rr = lax.broadcasted_iota(jnp.int32, (WPT, WPT), 0)
    cr = lax.broadcasted_iota(jnp.int32, (WPT, WPT), 1)
    t = (cr < rr).astype(jnp.float32)

    def prefix(m):
        wexc = jnp.dot(m, u, precision=_HI,
                       preferred_element_type=jnp.float32)
        rows = jnp.sum(m, axis=1, keepdims=True)
        rexc = jnp.dot(t, rows, precision=_HI,
                       preferred_element_type=jnp.float32)
        return wexc + rexc, jnp.sum(rows)

    p0, c0 = prefix(m0)
    p1, c1 = prefix(m1)
    pos = jnp.where(d < NH, p0, LHALF + p1).astype(jnp.int32)
    pos_out[...] = pos + (pl.program_id(0) % NTILE) * LTILE
    cnt = jnp.concatenate(
        [c0.reshape(1, 1), c1.reshape(1, 1), jnp.zeros((1, 126))], axis=1)
    cnt_out[...] = (cnt + jnp.zeros((8, 128))).astype(jnp.int32)


_tc_pos = pl.pallas_call(
    _tc_pos_body,
    grid=(NW,),
    in_specs=[pl.BlockSpec((WPT, WIN), lambda i: (i, 0))],
    out_specs=[pl.BlockSpec((WPT, WIN), lambda i: (i, 0)),
               pl.BlockSpec((8, 128), lambda i: (i, 0))],
    out_shape=[jax.ShapeDtypeStruct((NW * WPT, WIN), jnp.int32),
               jax.ShapeDtypeStruct((NW * 8, 128), jnp.int32)],
)


def _tc_first_body(h0, h1, x, w, y_out, dinv_out):
    deg = h0[...] + h1[...] + 1.0
    row = pl.program_id(0) * R + lax.broadcasted_iota(jnp.int32, (R, 1), 0)
    dinv = jnp.where(row < N, lax.rsqrt(deg), 0.0)
    y_out[...] = jnp.dot(x[...], w[...], precision=_HI,
                         preferred_element_type=jnp.float32) * dinv
    dinv_out[...] = dinv


def _tc_mid_body(p0, p1, y, dinv, b, w, yn_out):
    h = jnp.maximum(dinv[...] * (p0[...] + p1[...] - y[...]) + b[...], 0.0)
    yn_out[...] = jnp.dot(h, w[...], precision=_HI,
                          preferred_element_type=jnp.float32) * dinv[...]


def _tc_last_body(p0, p1, y, dinv, b, out):
    h = dinv[...] * (p0[...] + p1[...] - y[...]) + b[...]
    m = jnp.max(h, axis=-1, keepdims=True)
    s = jnp.sum(jnp.exp(h - m), axis=-1, keepdims=True)
    out[...] = h - m - jnp.log(s)


_col = pl.BlockSpec((R, 1), lambda i: (i, 0))
_rowblk = pl.BlockSpec((R, D), lambda i: (i, 0))
_wspec = pl.BlockSpec((D, D), lambda i: (0, 0))
_bspec = pl.BlockSpec((1, D), lambda i: (0, 0))
_grid = NP // R

_tc_first = pl.pallas_call(
    _tc_first_body,
    grid=(_grid,),
    in_specs=[_col, _col, _rowblk, _wspec],
    out_specs=[_rowblk, _col],
    out_shape=[jax.ShapeDtypeStruct((NP, D), jnp.float32),
               jax.ShapeDtypeStruct((NP, 1), jnp.float32)],
)

_tc_mid = pl.pallas_call(
    _tc_mid_body,
    grid=(_grid,),
    in_specs=[_rowblk, _rowblk, _rowblk, _col, _bspec, _wspec],
    out_specs=_rowblk,
    out_shape=jax.ShapeDtypeStruct((NP, D), jnp.float32),
)

_tc_last = pl.pallas_call(
    _tc_last_body,
    grid=(_grid,),
    in_specs=[_rowblk, _rowblk, _rowblk, _col, _bspec],
    out_specs=_rowblk,
    out_shape=jax.ShapeDtypeStruct((NP, D), jnp.float32),
)



def kernel(x, edge_index, batch, W1, b1, W2, b2, W3, b3):
    src = edge_index[0].astype(jnp.int32)
    dst = edge_index[1].astype(jnp.int32)
    npad = EP - E
    ar = jnp.arange(npad, dtype=jnp.int32)
    srcf = jnp.concatenate([src, N + (ar % 128)])
    dstf = jnp.concatenate([dst, N + (ar % 8)])
    ldf = jnp.where(dstf >= NH, dstf - NH, dstf)
    dstw = dstf.reshape(NW, WPT, WIN)
    srcw = srcf.reshape(NW, WPT, WIN)
    ldw = ldf.reshape(NW, WPT, WIN)
    xp = jnp.zeros((NP, D), jnp.float32).at[:N].set(x)
    zeros1d = jnp.zeros((NP,), jnp.float32)
    tsrc = N + (jnp.arange(LTILE, dtype=jnp.int32) % 128)
    tld = jnp.zeros((LTILE,), jnp.int32)

    posb, cntb = _tc_pos(dstf.reshape(NW * WPT, WIN))
    posw = posb.reshape(NW, WPT, WIN)
    cnt = cntb.reshape(NW, 8, 128)[:, 0, :16]
    hist, lsrc, lld = _sc_prep(dstw, srcw, ldw, posw, tsrc, tld, zeros1d)
    gl = lsrc.reshape(NW, 2, LWPT, WIN)
    ll = lld.reshape(NW, 2, LWPT, WIN)

    y, dinv = _tc_first(hist[0][:, None], hist[1][:, None], xp, W1)
    p = _sc_scatter(gl, ll, cnt, y)
    y = _tc_mid(p[0], p[1], y, dinv, b1.reshape(1, D), W2)
    p = _sc_scatter(gl, ll, cnt, y)
    y = _tc_mid(p[0], p[1], y, dinv, b2.reshape(1, D), W3)
    p = _sc_scatter(gl, ll, cnt, y)
    out = _tc_last(p[0], p[1], y, dinv, b3.reshape(1, D))
    return out[:N]

# --- scband reference (transcript-rebuilt; emitter-appended) ---
"""Pipeline reference for scband-node-classifier-53197464928913 (READ-ONLY COPY).

The authoritative reference and input builder live on the scoring server;
editing this copy changes nothing except your own understanding.
"""

import jax, jax.numpy as jnp
import numpy as np

N_NODES = 10000
N_EDGES = 320000
D_IN = 128
D_HID = 128
D_OUT = 128


def _gcn_conv(x, W, b, src, dst, norm_w, n):
    # PyG GCNConv: x' = D^{-1/2} (A + I) D^{-1/2} X W + b
    xw = x @ W
    msg = xw[src] * norm_w[:, None]
    out = jax.ops.segment_sum(msg, dst, num_segments=n)
    return out + b


def setup_inputs(seed: int = 0) -> dict:
    key = jax.random.key(seed)
    ks = jax.random.split(key, 8)
    x = jax.random.normal(ks[0], (N_NODES, D_IN), dtype=jnp.float32)
    edge_index = jax.random.randint(ks[1], (2, N_EDGES), 0, N_NODES)
    batch = jnp.zeros((N_NODES,), dtype=jnp.int32)
    s1 = 1.0 / np.sqrt(D_IN)
    s2 = 1.0 / np.sqrt(D_HID)
    W1 = jax.random.normal(ks[2], (D_IN, D_HID), dtype=jnp.float32) * s1
    b1 = jnp.zeros((D_HID,), dtype=jnp.float32)
    W2 = jax.random.normal(ks[3], (D_HID, D_HID), dtype=jnp.float32) * s2
    b2 = jnp.zeros((D_HID,), dtype=jnp.float32)
    W3 = jax.random.normal(ks[4], (D_HID, D_OUT), dtype=jnp.float32) * s2
    b3 = jnp.zeros((D_OUT,), dtype=jnp.float32)
    return {"x": x, "edge_index": edge_index, "batch": batch,
            "W1": W1, "b1": b1, "W2": W2, "b2": b2, "W3": W3, "b3": b3}


def reference(x, edge_index, batch, W1, b1, W2, b2, W3, b3):
    n = x.shape[0]
    self_idx = jnp.arange(n, dtype=edge_index.dtype)
    src = jnp.concatenate([edge_index[0], self_idx])
    dst = jnp.concatenate([edge_index[1], self_idx])
    deg = jnp.zeros((n,), dtype=jnp.float32).at[dst].add(1.0)
    dinv = jnp.where(deg > 0, deg ** -0.5, 0.0)
    norm_w = dinv[src] * dinv[dst]

    # layer 1 (GCNConv + shared ReLU activation; dropout p=0 is a no-op)
    h = _gcn_conv(x, W1, b1, src, dst, norm_w, n)
    h = jax.nn.relu(h)
    # layer 2
    h = _gcn_conv(h, W2, b2, src, dst, norm_w, n)
    h = jax.nn.relu(h)
    # layer 3 (final layer: no activation)
    h = _gcn_conv(h, W3, b3, src, dst, norm_w, n)
    return jax.nn.log_softmax(h, axis=-1)

if __name__ == "__main__":
    import jax
    _d = setup_inputs()
    print(jax.jit(kernel)(*tuple(_d.values())))

</pallas_src>

<mosaic_0001>
#map = affine_map<(d0, d1) -> (0, 0, 0, 0)>
#map1 = affine_map<(d0, d1) -> (0, 0)>
#map2 = affine_map<(d0, d1) -> (0, 0, 0)>
module attributes {stable_mosaic.version = 14 : i64} {
  func.func @_sc_scatter(%arg0: i32, %arg1: i32, %arg2: memref<32x2x81x128xi32, #tpu.memory_space<hbm>>, %arg3: memref<32x2x81x128xi32, #tpu.memory_space<hbm>>, %arg4: memref<32x16xi32, #tpu.memory_space<hbm>>, %arg5: memref<10240x128xf32, #tpu.memory_space<hbm>>, %arg6: memref<2x10240x128xf32, #tpu.memory_space<hbm>>, %arg7: memref<81x128xi32, #tpu.memory_space<vmem>>, %arg8: memref<81x128xi32, #tpu.memory_space<vmem>>, %arg9: memref<16xi32, #tpu.memory_space<vmem>>, %arg10: memref<128x128xf32, #tpu.memory_space<vmem>>, %arg11: memref<128x128xf32, #tpu.memory_space<vmem>>, %arg12: memref<128x128xf32, #tpu.memory_space<vmem>>, %arg13: memref<5120x128xf32, #tpu.memory_space<vmem_shared>>, %arg14: memref<!tpu.dma_semaphore, #tpu.memory_space<semaphore_mem>>, %arg15: memref<!tpu.dma_semaphore, #tpu.memory_space<semaphore_mem>>, %arg16: memref<!tpu.dma_semaphore, #tpu.memory_space<semaphore_mem>>) attributes {dimension_semantics = [#tpu.dimension_semantics<core_parallel>, #tpu.dimension_semantics<subcore_parallel>], iteration_bounds = array<i64: 2, 16>, scalar_prefetch = 0 : i64, scratch_operands = 10 : i64, tpu.core_type = #tpu.core_type<sc_vector_subcore>, window_params = [{transform_indices = #map}, {transform_indices = #map}, {transform_indices = #map1}, {transform_indices = #map1}, {transform_indices = #map2}]} {
    %mul3A = arith.constant 16 : i32
    %mul3A_0 = arith.muli %arg0, %mul3A : i32
    %add3A = arith.addi %mul3A_0, %arg1 : i32
    "tpu.region"() ({
      %run_scoped3A_76 = tpu.sem_alloc : memref<!tpu.dma_semaphore, #tpu.memory_space<semaphore_mem>>
      %dma_start3A = arith.constant 0 : i32
      %dma_start3A_77 = tpu.memref_slice %arg4[%add3A, %dma_start3A] : memref<32x16xi32, #tpu.memory_space<hbm>> -> memref<1x16xi32, #tpu.memory_space<hbm>>
      %dma_start3A_78 = tpu.memref_squeeze %dma_start3A_77 : memref<1x16xi32, #tpu.memory_space<hbm>> -> memref<16xi32, #tpu.memory_space<hbm>>
      %dma_start3A_79 = arith.constant 0 : i32
      %dma_start3A_80 = tpu.memref_slice %arg4[%add3A, %dma_start3A_79] : memref<32x16xi32, #tpu.memory_space<hbm>> -> memref<1x16xi32, #tpu.memory_space<hbm>>
      %dma_start3A_81 = tpu.memref_squeeze %dma_start3A_80 : memref<1x16xi32, #tpu.memory_space<hbm>> -> memref<16xi32, #tpu.memory_space<hbm>>
      tpu.enqueue_dma source(%dma_start3A_81 : memref<16xi32, #tpu.memory_space<hbm>>) target(%arg9 : memref<16xi32, #tpu.memory_space<vmem>>) target_semaphore(%run_scoped3A_76 : memref<!tpu.dma_semaphore, #tpu.memory_space<semaphore_mem>>)
      %dma_wait3A = arith.constant 0 : i32
      %dma_wait3A_82 = tpu.memref_slice %arg4[%add3A, %dma_wait3A] : memref<32x16xi32, #tpu.memory_space<hbm>> -> memref<1x16xi32, #tpu.memory_space<hbm>>
      %dma_wait3A_83 = tpu.memref_squeeze %dma_wait3A_82 : memref<1x16xi32, #tpu.memory_space<hbm>> -> memref<16xi32, #tpu.memory_space<hbm>>
      %dma_wait3A_84 = arith.constant 0 : i32
      %dma_wait3A_85 = tpu.memref_slice %arg4[%add3A, %dma_wait3A_84] : memref<32x16xi32, #tpu.memory_space<hbm>> -> memref<1x16xi32, #tpu.memory_space<hbm>>
      %dma_wait3A_86 = tpu.memref_squeeze %dma_wait3A_85 : memref<1x16xi32, #tpu.memory_space<hbm>> -> memref<16xi32, #tpu.memory_space<hbm>>
      tpu.wait_dma2 semaphore(%run_scoped3A_76 : memref<!tpu.dma_semaphore, #tpu.memory_space<semaphore_mem>>) src(%dma_wait3A_86 : memref<16xi32, #tpu.memory_space<hbm>>) dst(%arg9 : memref<16xi32, #tpu.memory_space<vmem>>)
      tpu.yield
    }) : () -> ()
    %run_scoped3A = arith.constant 0 : i32
    "tpu.region"() ({
      %run_scoped3A_76 = tpu.sem_alloc : memref<!tpu.dma_semaphore, #tpu.memory_space<semaphore_mem>>
      %dma_start3A = arith.constant 0 : i32
      %dma_start3A_77 = arith.constant 0 : i32
      %dma_start3A_78 = tpu.memref_slice %arg2[%add3A, %run_scoped3A, %dma_start3A, %dma_start3A_77] : memref<32x2x81x128xi32, #tpu.memory_space<hbm>> -> memref<1x1x81x128xi32, #tpu.memory_space<hbm>>
      %dma_start3A_79 = tpu.memref_squeeze %dma_start3A_78 : memref<1x1x81x128xi32, #tpu.memory_space<hbm>> -> memref<81x128xi32, #tpu.memory_space<hbm>>
      %dma_start3A_80 = arith.constant 0 : i32
      %dma_start3A_81 = arith.constant 0 : i32
      %dma_start3A_82 = tpu.memref_slice %arg2[%add3A, %run_scoped3A, %dma_start3A_80, %dma_start3A_81] : memref<32x2x81x128xi32, #tpu.memory_space<hbm>> -> memref<1x1x81x128xi32, #tpu.memory_space<hbm>>
      %dma_start3A_83 = tpu.memref_squeeze %dma_start3A_82 : memref<1x1x81x128xi32, #tpu.memory_space<hbm>> -> memref<81x128xi32, #tpu.memory_space<hbm>>
      tpu.enqueue_dma source(%dma_start3A_83 : memref<81x128xi32, #tpu.memory_space<hbm>>) target(%arg7 : memref<81x128xi32, #tpu.memory_space<vmem>>) target_semaphore(%run_scoped3A_76 : memref<!tpu.dma_semaphore, #tpu.memory_space<semaphore_mem>>)
      %dma_wait3A = arith.constant 0 : i32
      %dma_wait3A_84 = arith.constant 0 : i32
      %dma_wait3A_85 = tpu.memref_slice %arg2[%add3A, %run_scoped3A, %dma_wait3A, %dma_wait3A_84] : memref<32x2x81x128xi32, #tpu.memory_space<hbm>> -> memref<1x1x81x128xi32, #tpu.memory_space<hbm>>
      %dma_wait3A_86 = tpu.memref_squeeze %dma_wait3A_85 : memref<1x1x81x128xi32, #tpu.memory_space<hbm>> -> memref<81x128xi32, #tpu.memory_space<hbm>>
      %dma_wait3A_87 = arith.constant 0 : i32
      %dma_wait3A_88 = arith.constant 0 : i32
      %dma_wait3A_89 = tpu.memref_slice %arg2[%add3A, %run_scoped3A, %dma_wait3A_87, %dma_wait3A_88] : memref<32x2x81x128xi32, #tpu.memory_space<hbm>> -> memref<1x1x81x128xi32, #tpu.memory_space<hbm>>
      %dma_wait3A_90 = tpu.memref_squeeze %dma_wait3A_89 : memref<1x1x81x128xi32, #tpu.memory_space<hbm>> -> memref<81x128xi32, #tpu.memory_space<hbm>>
      tpu.wait_dma2 semaphore(%run_scoped3A_76 : memref<!tpu.dma_semaphore, #tpu.memory_space<semaphore_mem>>) src(%dma_wait3A_90 : memref<81x128xi32, #tpu.memory_space<hbm>>) dst(%arg7 : memref<81x128xi32, #tpu.memory_space<vmem>>)
      tpu.yield
    }) : () -> ()
    %run_scoped3A_1 = arith.constant 0 : i32
    "tpu.region"() ({
      %run_scoped3A_76 = tpu.sem_alloc : memref<!tpu.dma_semaphore, #tpu.memory_space<semaphore_mem>>
      %dma_start3A = arith.constant 0 : i32
      %dma_start3A_77 = arith.constant 0 : i32
      %dma_start3A_78 = tpu.memref_slice %arg3[%add3A, %run_scoped3A_1, %dma_start3A, %dma_start3A_77] : memref<32x2x81x128xi32, #tpu.memory_space<hbm>> -> memref<1x1x81x128xi32, #tpu.memory_space<hbm>>
      %dma_start3A_79 = tpu.memref_squeeze %dma_start3A_78 : memref<1x1x81x128xi32, #tpu.memory_space<hbm>> -> memref<81x128xi32, #tpu.memory_space<hbm>>
      %dma_start3A_80 = arith.constant 0 : i32
      %dma_start3A_81 = arith.constant 0 : i32
      %dma_start3A_82 = tpu.memref_slice %arg3[%add3A, %run_scoped3A_1, %dma_start3A_80, %dma_start3A_81] : memref<32x2x81x128xi32, #tpu.memory_space<hbm>> -> memref<1x1x81x128xi32, #tpu.memory_space<hbm>>
      %dma_start3A_83 = tpu.memref_squeeze %dma_start3A_82 : memref<1x1x81x128xi32, #tpu.memory_space<hbm>> -> memref<81x128xi32, #tpu.memory_space<hbm>>
      tpu.enqueue_dma source(%dma_start3A_83 : memref<81x128xi32, #tpu.memory_space<hbm>>) target(%arg8 : memref<81x128xi32, #tpu.memory_space<vmem>>) target_semaphore(%run_scoped3A_76 : memref<!tpu.dma_semaphore, #tpu.memory_space<semaphore_mem>>)
      %dma_wait3A = arith.constant 0 : i32
      %dma_wait3A_84 = arith.constant 0 : i32
      %dma_wait3A_85 = tpu.memref_slice %arg3[%add3A, %run_scoped3A_1, %dma_wait3A, %dma_wait3A_84] : memref<32x2x81x128xi32, #tpu.memory_space<hbm>> -> memref<1x1x81x128xi32, #tpu.memory_space<hbm>>
      %dma_wait3A_86 = tpu.memref_squeeze %dma_wait3A_85 : memref<1x1x81x128xi32, #tpu.memory_space<hbm>> -> memref<81x128xi32, #tpu.memory_space<hbm>>
      %dma_wait3A_87 = arith.constant 0 : i32
      %dma_wait3A_88 = arith.constant 0 : i32
      %dma_wait3A_89 = tpu.memref_slice %arg3[%add3A, %run_scoped3A_1, %dma_wait3A_87, %dma_wait3A_88] : memref<32x2x81x128xi32, #tpu.memory_space<hbm>> -> memref<1x1x81x128xi32, #tpu.memory_space<hbm>>
      %dma_wait3A_90 = tpu.memref_squeeze %dma_wait3A_89 : memref<1x1x81x128xi32, #tpu.memory_space<hbm>> -> memref<81x128xi32, #tpu.memory_space<hbm>>
      tpu.wait_dma2 semaphore(%run_scoped3A_76 : memref<!tpu.dma_semaphore, #tpu.memory_space<semaphore_mem>>) src(%dma_wait3A_90 : memref<81x128xi32, #tpu.memory_space<hbm>>) dst(%arg8 : memref<81x128xi32, #tpu.memory_space<vmem>>)
      tpu.yield
    }) : () -> ()
    %get3A = arith.constant 0 : index
    %get3A_2 = tpu.vector_load %arg9[%get3A] {strides = array<i32>} : memref<16xi32, #tpu.memory_space<vmem>>, vector<16xi32>,
    %get3A_3 = vector.shape_cast %get3A_2 : vector<16xi32> to vector<16xi32>
    %slice3A = vector.extract_strided_slice %get3A_3 {offsets = [0], sizes = [1], strides = [1]} : vector<16xi32> to vector<1xi32>
    %squeeze3A = vector.extract %slice3A[0] : i32 from vector<1xi32>
    %mul3A_4 = arith.constant 320 : i32
    %mul3A_5 = arith.muli %arg1, %mul3A_4 : i32
    %add3A_6 = arith.constant 0 : i32
    %add3A_7 = arith.addi %add3A_6, %mul3A_5 : i32
    %mul3A_8 = arith.constant 320 : i32
    %mul3A_9 = arith.muli %arg1, %mul3A_8 : i32
    "tpu.region"() ({
      %run_scoped3A_76 = tpu.sem_alloc : memref<!tpu.dma_semaphore, #tpu.memory_space<semaphore_mem>>
      %dma_start3A = arith.constant 0 : i32
      %dma_start3A_77 = tpu.memref_slice %arg13[%mul3A_9, %dma_start3A] : memref<5120x128xf32, #tpu.memory_space<vmem_shared>> -> memref<320x128xf32, #tpu.memory_space<vmem_shared>>
      %dma_start3A_78 = arith.constant 0 : i32
      %dma_start3A_79 = tpu.memref_slice %arg5[%add3A_7, %dma_start3A_78] : memref<10240x128xf32, #tpu.memory_space<hbm>> -> memref<320x128xf32, #tpu.memory_space<hbm>>
      tpu.enqueue_dma source(%dma_start3A_79 : memref<320x128xf32, #tpu.memory_space<hbm>>) target(%dma_start3A_77 : memref<320x128xf32, #tpu.memory_space<vmem_shared>>) target_semaphore(%run_scoped3A_76 : memref<!tpu.dma_semaphore, #tpu.memory_space<semaphore_mem>>)
      %dma_wait3A = arith.constant 0 : i32
      %dma_wait3A_80 = tpu.memref_slice %arg13[%mul3A_9, %dma_wait3A] : memref<5120x128xf32, #tpu.memory_space<vmem_shared>> -> memref<320x128xf32, #tpu.memory_space<vmem_shared>>
      %dma_wait3A_81 = arith.constant 0 : i32
      %dma_wait3A_82 = tpu.memref_slice %arg5[%add3A_7, %dma_wait3A_81] : memref<10240x128xf32, #tpu.memory_space<hbm>> -> memref<320x128xf32, #tpu.memory_space<hbm>>
      tpu.wait_dma2 semaphore(%run_scoped3A_76 : memref<!tpu.dma_semaphore, #tpu.memory_space<semaphore_mem>>) src(%dma_wait3A_82 : memref<320x128xf32, #tpu.memory_space<hbm>>) dst(%dma_wait3A_80 : memref<320x128xf32, #tpu.memory_space<vmem_shared>>)
      tpu.yield
    }) : () -> ()
    %barrier3A = arith.constant 0 : index
    tpu.barrier barrier_id(%barrier3A)
    %gt3A = arith.constant 0 : i32
    %gt3A_10 = arith.cmpi sgt, %squeeze3A, %gt3A : i32
    %convert_element_type3A = arith.extui %gt3A_10 : i1 to i32
    %cond3A = arith.constant 0 : i32
    %cond3A_11 = arith.cmpi ne, %convert_element_type3A, %cond3A : i32
    scf.if %cond3A_11 {
      %dma_start3A = arith.constant 0 : i32
      %dma_start3A_76 = arith.constant 0 : i32
      %dma_start3A_77 = tpu.memref_slice %arg7[%dma_start3A, %dma_start3A_76] : memref<81x128xi32, #tpu.memory_space<vmem>> -> memref<1x128xi32, #tpu.memory_space<vmem>>
      %dma_start3A_78 = tpu.memref_squeeze %dma_start3A_77 : memref<1x128xi32, #tpu.memory_space<vmem>> -> memref<128xi32, #tpu.memory_space<vmem>>
      %dma_start3A_79 = arith.constant 0 : i32
      %dma_start3A_80 = arith.constant 0 : i32
      %dma_start3A_81 = tpu.memref_slice %arg5[%dma_start3A_79, %dma_start3A_80] : memref<10240x128xf32, #tpu.memory_space<hbm>> -> memref<10240x128xf32, #tpu.memory_space<hbm>>
      tpu.enqueue_indirect_dma source(%dma_start3A_81 : memref<10240x128xf32, #tpu.memory_space<hbm>>) target(%arg10 : memref<128x128xf32, #tpu.memory_space<vmem>>) offsets(%dma_start3A_78 : memref<128xi32, #tpu.memory_space<vmem>>) semaphore(%arg14 : memref<!tpu.dma_semaphore, #tpu.memory_space<semaphore_mem>>)
    } else {
    }
    %gt3A_12 = arith.constant 128 : i32
    %gt3A_13 = arith.cmpi sgt, %squeeze3A, %gt3A_12 : i32
    %convert_element_type3A_14 = arith.extui %gt3A_13 : i1 to i32
    %cond3A_15 = arith.constant 0 : i32
    %cond3A_16 = arith.cmpi ne, %convert_element_type3A_14, %cond3A_15 : i32
    scf.if %cond3A_16 {
      %dma_start3A = arith.constant 1 : i32
      %dma_start3A_76 = arith.constant 0 : i32
      %dma_start3A_77 = tpu.memref_slice %arg7[%dma_start3A, %dma_start3A_76] : memref<81x128xi32, #tpu.memory_space<vmem>> -> memref<1x128xi32, #tpu.memory_space<vmem>>
      %dma_start3A_78 = tpu.memref_squeeze %dma_start3A_77 : memref<1x128xi32, #tpu.memory_space<vmem>> -> memref<128xi32, #tpu.memory_space<vmem>>
      %dma_start3A_79 = arith.constant 0 : i32
      %dma_start3A_80 = arith.constant 0 : i32
      %dma_start3A_81 = tpu.memref_slice %arg5[%dma_start3A_79, %dma_start3A_80] : memref<10240x128xf32, #tpu.memory_space<hbm>> -> memref<10240x128xf32, #tpu.memory_space<hbm>>
      tpu.enqueue_indirect_dma source(%dma_start3A_81 : memref<10240x128xf32, #tpu.memory_space<hbm>>) target(%arg11 : memref<128x128xf32, #tpu.memory_space<vmem>>) offsets(%dma_start3A_78 : memref<128xi32, #tpu.memory_space<vmem>>) semaphore(%arg15 : memref<!tpu.dma_semaphore, #tpu.memory_space<semaphore_mem>>)
    } else {
    }
    %gt3A_17 = arith.constant 256 : i32
    %gt3A_18 = arith.cmpi sgt, %squeeze3A, %gt3A_17 : i32
    %convert_element_type3A_19 = arith.extui %gt3A_18 : i1 to i32
    %cond3A_20 = arith.constant 0 : i32
    %cond3A_21 = arith.cmpi ne, %convert_element_type3A_19, %cond3A_20 : i32
    scf.if %cond3A_21 {
      %dma_start3A = arith.constant 2 : i32
      %dma_start3A_76 = arith.constant 0 : i32
      %dma_start3A_77 = tpu.memref_slice %arg7[%dma_start3A, %dma_start3A_76] : memref<81x128xi32, #tpu.memory_space<vmem>> -> memref<1x128xi32, #tpu.memory_space<vmem>>
      %dma_start3A_78 = tpu.memref_squeeze %dma_start3A_77 : memref<1x128xi32, #tpu.memory_space<vmem>> -> memref<128xi32, #tpu.memory_space<vmem>>
      %dma_start3A_79 = arith.constant 0 : i32
      %dma_start3A_80 = arith.constant 0 : i32
      %dma_start3A_81 = tpu.memref_slice %arg5[%dma_start3A_79, %dma_start3A_80] : memref<10240x128xf32, #tpu.memory_space<hbm>> -> memref<10240x128xf32, #tpu.memory_space<hbm>>
      tpu.enqueue_indirect_dma source(%dma_start3A_81 : memref<10240x128xf32, #tpu.memory_space<hbm>>) target(%arg12 : memref<128x128xf32, #tpu.memory_space<vmem>>) offsets(%dma_start3A_78 : memref<128xi32, #tpu.memory_space<vmem>>) semaphore(%arg16 : memref<!tpu.dma_semaphore, #tpu.memory_space<semaphore_mem>>)
    } else {
    }
    %scan3A = arith.constant 0 : i32
    %scan3A_22 = arith.constant 0 : i32
    %scan3A_23 = arith.constant 27 : i32
    %scan3A_24 = arith.addi %scan3A_22, %scan3A_23 : i32
    %scan3A_25 = arith.constant 1 : i32
    scf.for %scan3A_76 = %scan3A_22 to %scan3A_24 step %scan3A_25  : i32 {
      %mul3A_77 = arith.constant 3 : i32
      %mul3A_78 = arith.muli %mul3A_77, %scan3A_76 : i32
      %add3A_79 = arith.constant 0 : i32
      %add3A_80 = arith.addi %mul3A_78, %add3A_79 : i32
      %mul3A_81 = arith.constant 128 : i32
      %mul3A_82 = arith.muli %add3A_80, %mul3A_81 : i32
      %lt3A = arith.cmpi slt, %mul3A_82, %squeeze3A : i32
      %convert_element_type3A_83 = arith.extui %lt3A : i1 to i32
      %cond3A_84 = arith.constant 0 : i32
      %cond3A_85 = arith.cmpi ne, %convert_element_type3A_83, %cond3A_84 : i32
      scf.if %cond3A_85 {
        %dma_wait3A = arith.constant 0 : i32
        %dma_wait3A_106 = tpu.memref_slice %arg7[%add3A_80, %dma_wait3A] : memref<81x128xi32, #tpu.memory_space<vmem>> -> memref<1x128xi32, #tpu.memory_space<vmem>>
        %dma_wait3A_107 = tpu.memref_squeeze %dma_wait3A_106 : memref<1x128xi32, #tpu.memory_space<vmem>> -> memref<128xi32, #tpu.memory_space<vmem>>
        %dma_wait3A_108 = arith.constant 0 : i32
        %dma_wait3A_109 = arith.constant 0 : i32
        %dma_wait3A_110 = tpu.memref_slice %arg5[%dma_wait3A_108, %dma_wait3A_109] : memref<10240x128xf32, #tpu.memory_space<hbm>> -> memref<10240x128xf32, #tpu.memory_space<hbm>>
        tpu.wait_indirect_dma semaphore(%arg14 : memref<!tpu.dma_semaphore, #tpu.memory_space<semaphore_mem>>) src(%dma_wait3A_110 : memref<10240x128xf32, #tpu.memory_space<hbm>>) dst(%arg10 : memref<128x128xf32, #tpu.memory_space<vmem>>)
        "tpu.region"() ({
          %run_scoped3A_119 = tpu.sem_alloc : memref<!tpu.dma_semaphore, #tpu.memory_space<semaphore_mem>>
          %dma_start3A = arith.constant 0 : i32
          %dma_start3A_120 = tpu.memref_slice %arg8[%add3A_80, %dma_start3A] : memref<81x128xi32, #tpu.memory_space<vmem>> -> memref<1x128xi32, #tpu.memory_space<vmem>>
          %dma_start3A_121 = tpu.memref_squeeze %dma_start3A_120 : memref<1x128xi32, #tpu.memory_space<vmem>> -> memref<128xi32, #tpu.memory_space<vmem>>
          %dma_start3A_122 = arith.constant 0 : i32
          %dma_start3A_123 = arith.constant 0 : i32
          %dma_start3A_124 = tpu.memref_slice %arg13[%dma_start3A_122, %dma_start3A_123] : memref<5120x128xf32, #tpu.memory_space<vmem_shared>> -> memref<5120x128xf32, #tpu.memory_space<vmem_shared>>
          tpu.enqueue_indirect_dma source(%arg10 : memref<128x128xf32, #tpu.memory_space<vmem>>) target(%dma_start3A_124 : memref<5120x128xf32, #tpu.memory_space<vmem_shared>>) offsets(%dma_start3A_121 : memref<128xi32, #tpu.memory_space<vmem>>) semaphore(%run_scoped3A_119 : memref<!tpu.dma_semaphore, #tpu.memory_space<semaphore_mem>>) {add = true}
          %dma_wait3A_125 = arith.constant 0 : i32
          %dma_wait3A_126 = tpu.memref_slice %arg8[%add3A_80, %dma_wait3A_125] : memref<81x128xi32, #tpu.memory_space<vmem>> -> memref<1x128xi32, #tpu.memory_space<vmem>>
          %dma_wait3A_127 = tpu.memref_squeeze %dma_wait3A_126 : memref<1x128xi32, #tpu.memory_space<vmem>> -> memref<128xi32, #tpu.memory_space<vmem>>
          %dma_wait3A_128 = arith.constant 0 : i32
          %dma_wait3A_129 = arith.constant 0 : i32
          %dma_wait3A_130 = tpu.memref_slice %arg13[%dma_wait3A_128, %dma_wait3A_129] : memref<5120x128xf32, #tpu.memory_space<vmem_shared>> -> memref<5120x128xf32, #tpu.memory_space<vmem_shared>>
          tpu.wait_indirect_dma semaphore(%run_scoped3A_119 : memref<!tpu.dma_semaphore, #tpu.memory_space<semaphore_mem>>) src(%arg10 : memref<128x128xf32, #tpu.memory_space<vmem>>) dst(%dma_wait3A_130 : memref<5120x128xf32, #tpu.memory_space<vmem_shared>>)
          tpu.yield
        }) : () -> ()
        %add3A_111 = arith.constant 3 : i32
        %add3A_112 = arith.addi %add3A_80, %add3A_111 : i32
        %mul3A_113 = arith.constant 128 : i32
        %mul3A_114 = arith.muli %add3A_112, %mul3A_113 : i32
        %lt3A_115 = arith.cmpi slt, %mul3A_114, %squeeze3A : i32
        %convert_element_type3A_116 = arith.extui %lt3A_115 : i1 to i32
        %cond3A_117 = arith.constant 0 : i32
        %cond3A_118 = arith.cmpi ne, %convert_element_type3A_116, %cond3A_117 : i32
        scf.if %cond3A_118 {
          %add3A_119 = arith.constant 3 : i32
          %add3A_120 = arith.addi %add3A_80, %add3A_119 : i32
          %dma_start3A = arith.constant 0 : i32
          %dma_start3A_121 = tpu.memref_slice %arg7[%add3A_120, %dma_start3A] : memref<81x128xi32, #tpu.memory_space<vmem>> -> memref<1x128xi32, #tpu.memory_space<vmem>>
          %dma_start3A_122 = tpu.memref_squeeze %dma_start3A_121 : memref<1x128xi32, #tpu.memory_space<vmem>> -> memref<128xi32, #tpu.memory_space<vmem>>
          %dma_start3A_123 = arith.constant 0 : i32
          %dma_start3A_124 = arith.constant 0 : i32
          %dma_start3A_125 = tpu.memref_slice %arg5[%dma_start3A_123, %dma_start3A_124] : memref<10240x128xf32, #tpu.memory_space<hbm>> -> memref<10240x128xf32, #tpu.memory_space<hbm>>
          tpu.enqueue_indirect_dma source(%dma_start3A_125 : memref<10240x128xf32, #tpu.memory_space<hbm>>) target(%arg10 : memref<128x128xf32, #tpu.memory_space<vmem>>) offsets(%dma_start3A_122 : memref<128xi32, #tpu.memory_space<vmem>>) semaphore(%arg14 : memref<!tpu.dma_semaphore, #tpu.memory_space<semaphore_mem>>)
        } else {
        }
      } else {
      }
      %mul3A_86 = arith.constant 3 : i32
      %mul3A_87 = arith.muli %mul3A_86, %scan3A_76 : i32
      %add3A_88 = arith.constant 1 : i32
      %add3A_89 = arith.addi %mul3A_87, %add3A_88 : i32
      %mul3A_90 = arith.constant 128 : i32
      %mul3A_91 = arith.muli %add3A_89, %mul3A_90 : i32
      %lt3A_92 = arith.cmpi slt, %mul3A_91, %squeeze3A : i32
      %convert_element_type3A_93 = arith.extui %lt3A_92 : i1 to i32
      %cond3A_94 = arith.constant 0 : i32
      %cond3A_95 = arith.cmpi ne, %convert_element_type3A_93, %cond3A_94 : i32
      scf.if %cond3A_95 {
        %dma_wait3A = arith.constant 0 : i32
        %dma_wait3A_106 = tpu.memref_slice %arg7[%add3A_89, %dma_wait3A] : memref<81x128xi32, #tpu.memory_space<vmem>> -> memref<1x128xi32, #tpu.memory_space<vmem>>
        %dma_wait3A_107 = tpu.memref_squeeze %dma_wait3A_106 : memref<1x128xi32, #tpu.memory_space<vmem>> -> memref<128xi32, #tpu.memory_space<vmem>>
        %dma_wait3A_108 = arith.constant 0 : i32
        %dma_wait3A_109 = arith.constant 0 : i32
        %dma_wait3A_110 = tpu.memref_slice %arg5[%dma_wait3A_108, %dma_wait3A_109] : memref<10240x128xf32, #tpu.memory_space<hbm>> -> memref<10240x128xf32, #tpu.memory_space<hbm>>
        tpu.wait_indirect_dma semaphore(%arg15 : memref<!tpu.dma_semaphore, #tpu.memory_space<semaphore_mem>>) src(%dma_wait3A_110 : memref<10240x128xf32, #tpu.memory_space<hbm>>) dst(%arg11 : memref<128x128xf32, #tpu.memory_space<vmem>>)
        "tpu.region"() ({
          %run_scoped3A_119 = tpu.sem_alloc : memref<!tpu.dma_semaphore, #tpu.memory_space<semaphore_mem>>
          %dma_start3A = arith.constant 0 : i32
          %dma_start3A_120 = tpu.memref_slice %arg8[%add3A_89, %dma_start3A] : memref<81x128xi32, #tpu.memory_space<vmem>> -> memref<1x128xi32, #tpu.memory_space<vmem>>
          %dma_start3A_121 = tpu.memref_squeeze %dma_start3A_120 : memref<1x128xi32, #tpu.memory_space<vmem>> -> memref<128xi32, #tpu.memory_space<vmem>>
          %dma_start3A_122 = arith.constant 0 : i32
          %dma_start3A_123 = arith.constant 0 : i32
          %dma_start3A_124 = tpu.memref_slice %arg13[%dma_start3A_122, %dma_start3A_123] : memref<5120x128xf32, #tpu.memory_space<vmem_shared>> -> memref<5120x128xf32, #tpu.memory_space<vmem_shared>>
          tpu.enqueue_indirect_dma source(%arg11 : memref<128x128xf32, #tpu.memory_space<vmem>>) target(%dma_start3A_124 : memref<5120x128xf32, #tpu.memory_space<vmem_shared>>) offsets(%dma_start3A_121 : memref<128xi32, #tpu.memory_space<vmem>>) semaphore(%run_scoped3A_119 : memref<!tpu.dma_semaphore, #tpu.memory_space<semaphore_mem>>) {add = true}
          %dma_wait3A_125 = arith.constant 0 : i32
          %dma_wait3A_126 = tpu.memref_slice %arg8[%add3A_89, %dma_wait3A_125] : memref<81x128xi32, #tpu.memory_space<vmem>> -> memref<1x128xi32, #tpu.memory_space<vmem>>
          %dma_wait3A_127 = tpu.memref_squeeze %dma_wait3A_126 : memref<1x128xi32, #tpu.memory_space<vmem>> -> memref<128xi32, #tpu.memory_space<vmem>>
          %dma_wait3A_128 = arith.constant 0 : i32
          %dma_wait3A_129 = arith.constant 0 : i32
          %dma_wait3A_130 = tpu.memref_slice %arg13[%dma_wait3A_128, %dma_wait3A_129] : memref<5120x128xf32, #tpu.memory_space<vmem_shared>> -> memref<5120x128xf32, #tpu.memory_space<vmem_shared>>
          tpu.wait_indirect_dma semaphore(%run_scoped3A_119 : memref<!tpu.dma_semaphore, #tpu.memory_space<semaphore_mem>>) src(%arg11 : memref<128x128xf32, #tpu.memory_space<vmem>>) dst(%dma_wait3A_130 : memref<5120x128xf32, #tpu.memory_space<vmem_shared>>)
          tpu.yield
        }) : () -> ()
        %add3A_111 = arith.constant 3 : i32
        %add3A_112 = arith.addi %add3A_89, %add3A_111 : i32
        %mul3A_113 = arith.constant 128 : i32
        %mul3A_114 = arith.muli %add3A_112, %mul3A_113 : i32
        %lt3A_115 = arith.cmpi slt, %mul3A_114, %squeeze3A : i32
        %convert_element_type3A_116 = arith.extui %lt3A_115 : i1 to i32
        %cond3A_117 = arith.constant 0 : i32
        %cond3A_118 = arith.cmpi ne, %convert_element_type3A_116, %cond3A_117 : i32
        scf.if %cond3A_118 {
          %add3A_119 = arith.constant 3 : i32
          %add3A_120 = arith.addi %add3A_89, %add3A_119 : i32
          %dma_start3A = arith.constant 0 : i32
          %dma_start3A_121 = tpu.memref_slice %arg7[%add3A_120, %dma_start3A] : memref<81x128xi32, #tpu.memory_space<vmem>> -> memref<1x128xi32, #tpu.memory_space<vmem>>
          %dma_start3A_122 = tpu.memref_squeeze %dma_start3A_121 : memref<1x128xi32, #tpu.memory_space<vmem>> -> memref<128xi32, #tpu.memory_space<vmem>>
          %dma_start3A_123 = arith.constant 0 : i32
          %dma_start3A_124 = arith.constant 0 : i32
          %dma_start3A_125 = tpu.memref_slice %arg5[%dma_start3A_123, %dma_start3A_124] : memref<10240x128xf32, #tpu.memory_space<hbm>> -> memref<10240x128xf32, #tpu.memory_space<hbm>>
          tpu.enqueue_indirect_dma source(%dma_start3A_125 : memref<10240x128xf32, #tpu.memory_space<hbm>>) target(%arg11 : memref<128x128xf32, #tpu.memory_space<vmem>>) offsets(%dma_start3A_122 : memref<128xi32, #tpu.memory_space<vmem>>) semaphore(%arg15 : memref<!tpu.dma_semaphore, #tpu.memory_space<semaphore_mem>>)
        } else {
        }
      } else {
      }
      %mul3A_96 = arith.constant 3 : i32
      %mul3A_97 = arith.muli %mul3A_96, %scan3A_76 : i32
      %add3A_98 = arith.constant 2 : i32
      %add3A_99 = arith.addi %mul3A_97, %add3A_98 : i32
      %mul3A_100 = arith.constant 128 : i32
      %mul3A_101 = arith.muli %add3A_99, %mul3A_100 : i32
      %lt3A_102 = arith.cmpi slt, %mul3A_101, %squeeze3A : i32
      %convert_element_type3A_103 = arith.extui %lt3A_102 : i1 to i32
      %cond3A_104 = arith.constant 0 : i32
      %cond3A_105 = arith.cmpi ne, %convert_element_type3A_103, %cond3A_104 : i32
      scf.if %cond3A_105 {
        %dma_wait3A = arith.constant 0 : i32
        %dma_wait3A_106 = tpu.memref_slice %arg7[%add3A_99, %dma_wait3A] : memref<81x128xi32, #tpu.memory_space<vmem>> -> memref<1x128xi32, #tpu.memory_space<vmem>>
        %dma_wait3A_107 = tpu.memref_squeeze %dma_wait3A_106 : memref<1x128xi32, #tpu.memory_space<vmem>> -> memref<128xi32, #tpu.memory_space<vmem>>
        %dma_wait3A_108 = arith.constant 0 : i32
        %dma_wait3A_109 = arith.constant 0 : i32
        %dma_wait3A_110 = tpu.memref_slice %arg5[%dma_wait3A_108, %dma_wait3A_109] : memref<10240x128xf32, #tpu.memory_space<hbm>> -> memref<10240x128xf32, #tpu.memory_space<hbm>>
        tpu.wait_indirect_dma semaphore(%arg16 : memref<!tpu.dma_semaphore, #tpu.memory_space<semaphore_mem>>) src(%dma_wait3A_110 : memref<10240x128xf32, #tpu.memory_space<hbm>>) dst(%arg12 : memref<128x128xf32, #tpu.memory_space<vmem>>)
        "tpu.region"() ({
          %run_scoped3A_119 = tpu.sem_alloc : memref<!tpu.dma_semaphore, #tpu.memory_space<semaphore_mem>>
          %dma_start3A = arith.constant 0 : i32
          %dma_start3A_120 = tpu.memref_slice %arg8[%add3A_99, %dma_start3A] : memref<81x128xi32, #tpu.memory_space<vmem>> -> memref<1x128xi32, #tpu.memory_space<vmem>>
          %dma_start3A_121 = tpu.memref_squeeze %dma_start3A_120 : memref<1x128xi32, #tpu.memory_space<vmem>> -> memref<128xi32, #tpu.memory_space<vmem>>
          %dma_start3A_122 = arith.constant 0 : i32
          %dma_start3A_123 = arith.constant 0 : i32
          %dma_start3A_124 = tpu.memref_slice %arg13[%dma_start3A_122, %dma_start3A_123] : memref<5120x128xf32, #tpu.memory_space<vmem_shared>> -> memref<5120x128xf32, #tpu.memory_space<vmem_shared>>
          tpu.enqueue_indirect_dma source(%arg12 : memref<128x128xf32, #tpu.memory_space<vmem>>) target(%dma_start3A_124 : memref<5120x128xf32, #tpu.memory_space<vmem_shared>>) offsets(%dma_start3A_121 : memref<128xi32, #tpu.memory_space<vmem>>) semaphore(%run_scoped3A_119 : memref<!tpu.dma_semaphore, #tpu.memory_space<semaphore_mem>>) {add = true}
          %dma_wait3A_125 = arith.constant 0 : i32
          %dma_wait3A_126 = tpu.memref_slice %arg8[%add3A_99, %dma_wait3A_125] : memref<81x128xi32, #tpu.memory_space<vmem>> -> memref<1x128xi32, #tpu.memory_space<vmem>>
          %dma_wait3A_127 = tpu.memref_squeeze %dma_wait3A_126 : memref<1x128xi32, #tpu.memory_space<vmem>> -> memref<128xi32, #tpu.memory_space<vmem>>
          %dma_wait3A_128 = arith.constant 0 : i32
          %dma_wait3A_129 = arith.constant 0 : i32
          %dma_wait3A_130 = tpu.memref_slice %arg13[%dma_wait3A_128, %dma_wait3A_129] : memref<5120x128xf32, #tpu.memory_space<vmem_shared>> -> memref<5120x128xf32, #tpu.memory_space<vmem_shared>>
          tpu.wait_indirect_dma semaphore(%run_scoped3A_119 : memref<!tpu.dma_semaphore, #tpu.memory_space<semaphore_mem>>) src(%arg12 : memref<128x128xf32, #tpu.memory_space<vmem>>) dst(%dma_wait3A_130 : memref<5120x128xf32, #tpu.memory_space<vmem_shared>>)
          tpu.yield
        }) : () -> ()
        %add3A_111 = arith.constant 3 : i32
        %add3A_112 = arith.addi %add3A_99, %add3A_111 : i32
        %mul3A_113 = arith.constant 128 : i32
        %mul3A_114 = arith.muli %add3A_112, %mul3A_113 : i32
        %lt3A_115 = arith.cmpi slt, %mul3A_114, %squeeze3A : i32
        %convert_element_type3A_116 = arith.extui %lt3A_115 : i1 to i32
        %cond3A_117 = arith.constant 0 : i32
        %cond3A_118 = arith.cmpi ne, %convert_element_type3A_116, %cond3A_117 : i32
        scf.if %cond3A_118 {
          %add3A_119 = arith.constant 3 : i32
          %add3A_120 = arith.addi %add3A_99, %add3A_119 : i32
          %dma_start3A = arith.constant 0 : i32
          %dma_start3A_121 = tpu.memref_slice %arg7[%add3A_120, %dma_start3A] : memref<81x128xi32, #tpu.memory_space<vmem>> -> memref<1x128xi32, #tpu.memory_space<vmem>>
          %dma_start3A_122 = tpu.memref_squeeze %dma_start3A_121 : memref<1x128xi32, #tpu.memory_space<vmem>> -> memref<128xi32, #tpu.memory_space<vmem>>
          %dma_start3A_123 = arith.constant 0 : i32
          %dma_start3A_124 = arith.constant 0 : i32
          %dma_start3A_125 = tpu.memref_slice %arg5[%dma_start3A_123, %dma_start3A_124] : memref<10240x128xf32, #tpu.memory_space<hbm>> -> memref<10240x128xf32, #tpu.memory_space<hbm>>
          tpu.enqueue_indirect_dma source(%dma_start3A_125 : memref<10240x128xf32, #tpu.memory_space<hbm>>) target(%arg12 : memref<128x128xf32, #tpu.memory_space<vmem>>) offsets(%dma_start3A_122 : memref<128xi32, #tpu.memory_space<vmem>>) semaphore(%arg16 : memref<!tpu.dma_semaphore, #tpu.memory_space<semaphore_mem>>)
        } else {
        }
      } else {
      }
    }
    %scan3A_26 = arith.constant 27 : i32
    %barrier3A_27 = arith.constant 0 : index
    tpu.barrier barrier_id(%barrier3A_27)
    %mul3A_28 = arith.constant 320 : i32
    %mul3A_29 = arith.muli %arg1, %mul3A_28 : i32
    %mul3A_30 = arith.constant 320 : i32
    %mul3A_31 = arith.muli %arg1, %mul3A_30 : i32
    %add3A_32 = arith.constant 0 : i32
    %add3A_33 = arith.addi %add3A_32, %mul3A_31 : i32
    "tpu.region"() ({
      %run_scoped3A_76 = tpu.sem_alloc : memref<!tpu.dma_semaphore, #tpu.memory_space<semaphore_mem>>
      %dma_start3A = arith.constant 0 : i32
      %dma_start3A_77 = tpu.memref_slice %arg6[%arg0, %add3A_33, %dma_start3A] : memref<2x10240x128xf32, #tpu.memory_space<hbm>> -> memref<1x320x128xf32, #tpu.memory_space<hbm>>
      %dma_start3A_78 = tpu.memref_squeeze %dma_start3A_77 : memref<1x320x128xf32, #tpu.memory_space<hbm>> -> memref<320x128xf32, #tpu.memory_space<hbm>>
      %dma_start3A_79 = arith.constant 0 : i32
      %dma_start3A_80 = tpu.memref_slice %arg13[%mul3A_29, %dma_start3A_79] : memref<5120x128xf32, #tpu.memory_space<vmem_shared>> -> memref<320x128xf32, #tpu.memory_space<vmem_shared>>
      tpu.enqueue_dma source(%dma_start3A_80 : memref<320x128xf32, #tpu.memory_space<vmem_shared>>) target(%dma_start3A_78 : memref<320x128xf32, #tpu.memory_space<hbm>>) target_semaphore(%run_scoped3A_76 : memref<!tpu.dma_semaphore, #tpu.memory_space<semaphore_mem>>)
      %dma_wait3A = arith.constant 0 : i32
      %dma_wait3A_81 = tpu.memref_slice %arg6[%arg0, %add3A_33, %dma_wait3A] : memref<2x10240x128xf32, #tpu.memory_space<hbm>> -> memref<1x320x128xf32, #tpu.memory_space<hbm>>
      %dma_wait3A_82 = tpu.memref_squeeze %dma_wait3A_81 : memref<1x320x128xf32, #tpu.memory_space<hbm>> -> memref<320x128xf32, #tpu.memory_space<hbm>>
      %dma_wait3A_83 = arith.constant 0 : i32
      %dma_wait3A_84 = tpu.memref_slice %arg13[%mul3A_29, %dma_wait3A_83] : memref<5120x128xf32, #tpu.memory_space<vmem_shared>> -> memref<320x128xf32, #tpu.memory_space<vmem_shared>>
      tpu.wait_dma2 semaphore(%run_scoped3A_76 : memref<!tpu.dma_semaphore, #tpu.memory_space<semaphore_mem>>) src(%dma_wait3A_84 : memref<320x128xf32, #tpu.memory_space<vmem_shared>>) dst(%dma_wait3A_82 : memref<320x128xf32, #tpu.memory_space<hbm>>)
      tpu.yield
    }) : () -> ()
    %run_scoped3A_34 = arith.constant 1 : i32
    "tpu.region"() ({
      %run_scoped3A_76 = tpu.sem_alloc : memref<!tpu.dma_semaphore, #tpu.memory_space<semaphore_mem>>
      %dma_start3A = arith.constant 0 : i32
      %dma_start3A_77 = arith.constant 0 : i32
      %dma_start3A_78 = tpu.memref_slice %arg2[%add3A, %run_scoped3A_34, %dma_start3A, %dma_start3A_77] : memref<32x2x81x128xi32, #tpu.memory_space<hbm>> -> memref<1x1x81x128xi32, #tpu.memory_space<hbm>>
      %dma_start3A_79 = tpu.memref_squeeze %dma_start3A_78 : memref<1x1x81x128xi32, #tpu.memory_space<hbm>> -> memref<81x128xi32, #tpu.memory_space<hbm>>
      %dma_start3A_80 = arith.constant 0 : i32
      %dma_start3A_81 = arith.constant 0 : i32
      %dma_start3A_82 = tpu.memref_slice %arg2[%add3A, %run_scoped3A_34, %dma_start3A_80, %dma_start3A_81] : memref<32x2x81x128xi32, #tpu.memory_space<hbm>> -> memref<1x1x81x128xi32, #tpu.memory_space<hbm>>
      %dma_start3A_83 = tpu.memref_squeeze %dma_start3A_82 : memref<1x1x81x128xi32, #tpu.memory_space<hbm>> -> memref<81x128xi32, #tpu.memory_space<hbm>>
      tpu.enqueue_dma source(%dma_start3A_83 : memref<81x128xi32, #tpu.memory_space<hbm>>) target(%arg7 : memref<81x128xi32, #tpu.memory_space<vmem>>) target_semaphore(%run_scoped3A_76 : memref<!tpu.dma_semaphore, #tpu.memory_space<semaphore_mem>>)
      %dma_wait3A = arith.constant 0 : i32
      %dma_wait3A_84 = arith.constant 0 : i32
      %dma_wait3A_85 = tpu.memref_slice %arg2[%add3A, %run_scoped3A_34, %dma_wait3A, %dma_wait3A_84] : memref<32x2x81x128xi32, #tpu.memory_space<hbm>> -> memref<1x1x81x128xi32, #tpu.memory_space<hbm>>
      %dma_wait3A_86 = tpu.memref_squeeze %dma_wait3A_85 : memref<1x1x81x128xi32, #tpu.memory_space<hbm>> -> memref<81x128xi32, #tpu.memory_space<hbm>>
      %dma_wait3A_87 = arith.constant 0 : i32
      %dma_wait3A_88 = arith.constant 0 : i32
      %dma_wait3A_89 = tpu.memref_slice %arg2[%add3A, %run_scoped3A_34, %dma_wait3A_87, %dma_wait3A_88] : memref<32x2x81x128xi32, #tpu.memory_space<hbm>> -> memref<1x1x81x128xi32, #tpu.memory_space<hbm>>
      %dma_wait3A_90 = tpu.memref_squeeze %dma_wait3A_89 : memref<1x1x81x128xi32, #tpu.memory_space<hbm>> -> memref<81x128xi32, #tpu.memory_space<hbm>>
      tpu.wait_dma2 semaphore(%run_scoped3A_76 : memref<!tpu.dma_semaphore, #tpu.memory_space<semaphore_mem>>) src(%dma_wait3A_90 : memref<81x128xi32, #tpu.memory_space<hbm>>) dst(%arg7 : memref<81x128xi32, #tpu.memory_space<vmem>>)
      tpu.yield
    }) : () -> ()
    %run_scoped3A_35 = arith.constant 1 : i32
    "tpu.region"() ({
      %run_scoped3A_76 = tpu.sem_alloc : memref<!tpu.dma_semaphore, #tpu.memory_space<semaphore_mem>>
      %dma_start3A = arith.constant 0 : i32
      %dma_start3A_77 = arith.constant 0 : i32
      %dma_start3A_78 = tpu.memref_slice %arg3[%add3A, %run_scoped3A_35, %dma_start3A, %dma_start3A_77] : memref<32x2x81x128xi32, #tpu.memory_space<hbm>> -> memref<1x1x81x128xi32, #tpu.memory_space<hbm>>
      %dma_start3A_79 = tpu.memref_squeeze %dma_start3A_78 : memref<1x1x81x128xi32, #tpu.memory_space<hbm>> -> memref<81x128xi32, #tpu.memory_space<hbm>>
      %dma_start3A_80 = arith.constant 0 : i32
      %dma_start3A_81 = arith.constant 0 : i32
      %dma_start3A_82 = tpu.memref_slice %arg3[%add3A, %run_scoped3A_35, %dma_start3A_80, %dma_start3A_81] : memref<32x2x81x128xi32, #tpu.memory_space<hbm>> -> memref<1x1x81x128xi32, #tpu.memory_space<hbm>>
      %dma_start3A_83 = tpu.memref_squeeze %dma_start3A_82 : memref<1x1x81x128xi32, #tpu.memory_space<hbm>> -> memref<81x128xi32, #tpu.memory_space<hbm>>
      tpu.enqueue_dma source(%dma_start3A_83 : memref<81x128xi32, #tpu.memory_space<hbm>>) target(%arg8 : memref<81x128xi32, #tpu.memory_space<vmem>>) target_semaphore(%run_scoped3A_76 : memref<!tpu.dma_semaphore, #tpu.memory_space<semaphore_mem>>)
      %dma_wait3A = arith.constant 0 : i32
      %dma_wait3A_84 = arith.constant 0 : i32
      %dma_wait3A_85 = tpu.memref_slice %arg3[%add3A, %run_scoped3A_35, %dma_wait3A, %dma_wait3A_84] : memref<32x2x81x128xi32, #tpu.memory_space<hbm>> -> memref<1x1x81x128xi32, #tpu.memory_space<hbm>>
      %dma_wait3A_86 = tpu.memref_squeeze %dma_wait3A_85 : memref<1x1x81x128xi32, #tpu.memory_space<hbm>> -> memref<81x128xi32, #tpu.memory_space<hbm>>
      %dma_wait3A_87 = arith.constant 0 : i32
      %dma_wait3A_88 = arith.constant 0 : i32
      %dma_wait3A_89 = tpu.memref_slice %arg3[%add3A, %run_scoped3A_35, %dma_wait3A_87, %dma_wait3A_88] : memref<32x2x81x128xi32, #tpu.memory_space<hbm>> -> memref<1x1x81x128xi32, #tpu.memory_space<hbm>>
      %dma_wait3A_90 = tpu.memref_squeeze %dma_wait3A_89 : memref<1x1x81x128xi32, #tpu.memory_space<hbm>> -> memref<81x128xi32, #tpu.memory_space<hbm>>
      tpu.wait_dma2 semaphore(%run_scoped3A_76 : memref<!tpu.dma_semaphore, #tpu.memory_space<semaphore_mem>>) src(%dma_wait3A_90 : memref<81x128xi32, #tpu.memory_space<hbm>>) dst(%arg8 : memref<81x128xi32, #tpu.memory_space<vmem>>)
      tpu.yield
    }) : () -> ()
    %get3A_36 = arith.constant 0 : index
    %get3A_37 = tpu.vector_load %arg9[%get3A_36] {strides = array<i32>} : memref<16xi32, #tpu.memory_space<vmem>>, vector<16xi32>,
    %get3A_38 = vector.shape_cast %get3A_37 : vector<16xi32> to vector<16xi32>
    %slice3A_39 = vector.extract_strided_slice %get3A_38 {offsets = [1], sizes = [1], strides = [1]} : vector<16xi32> to vector<1xi32>
    %squeeze3A_40 = vector.extract %slice3A_39[0] : i32 from vector<1xi32>
    %mul3A_41 = arith.constant 320 : i32
    %mul3A_42 = arith.muli %arg1, %mul3A_41 : i32
    %add3A_43 = arith.constant 5120 : i32
    %add3A_44 = arith.addi %add3A_43, %mul3A_42 : i32
    %mul3A_45 = arith.constant 320 : i32
    %mul3A_46 = arith.muli %arg1, %mul3A_45 : i32
    "tpu.region"() ({
      %run_scoped3A_76 = tpu.sem_alloc : memref<!tpu.dma_semaphore, #tpu.memory_space<semaphore_mem>>
      %dma_start3A = arith.constant 0 : i32
      %dma_start3A_77 = tpu.memref_slice %arg13[%mul3A_46, %dma_start3A] : memref<5120x128xf32, #tpu.memory_space<vmem_shared>> -> memref<320x128xf32, #tpu.memory_space<vmem_shared>>
      %dma_start3A_78 = arith.constant 0 : i32
      %dma_start3A_79 = tpu.memref_slice %arg5[%add3A_44, %dma_start3A_78] : memref<10240x128xf32, #tpu.memory_space<hbm>> -> memref<320x128xf32, #tpu.memory_space<hbm>>
      tpu.enqueue_dma source(%dma_start3A_79 : memref<320x128xf32, #tpu.memory_space<hbm>>) target(%dma_start3A_77 : memref<320x128xf32, #tpu.memory_space<vmem_shared>>) target_semaphore(%run_scoped3A_76 : memref<!tpu.dma_semaphore, #tpu.memory_space<semaphore_mem>>)
      %dma_wait3A = arith.constant 0 : i32
      %dma_wait3A_80 = tpu.memref_slice %arg13[%mul3A_46, %dma_wait3A] : memref<5120x128xf32, #tpu.memory_space<vmem_shared>> -> memref<320x128xf32, #tpu.memory_space<vmem_shared>>
      %dma_wait3A_81 = arith.constant 0 : i32
      %dma_wait3A_82 = tpu.memref_slice %arg5[%add3A_44, %dma_wait3A_81] : memref<10240x128xf32, #tpu.memory_space<hbm>> -> memref<320x128xf32, #tpu.memory_space<hbm>>
      tpu.wait_dma2 semaphore(%run_scoped3A_76 : memref<!tpu.dma_semaphore, #tpu.memory_space<semaphore_mem>>) src(%dma_wait3A_82 : memref<320x128xf32, #tpu.memory_space<hbm>>) dst(%dma_wait3A_80 : memref<320x128xf32, #tpu.memory_space<vmem_shared>>)
      tpu.yield
    }) : () -> ()
    %barrier3A_47 = arith.constant 0 : index
    tpu.barrier barrier_id(%barrier3A_47)
    %gt3A_48 = arith.constant 0 : i32
    %gt3A_49 = arith.cmpi sgt, %squeeze3A_40, %gt3A_48 : i32
    %convert_element_type3A_50 = arith.extui %gt3A_49 : i1 to i32
    %cond3A_51 = arith.constant 0 : i32
    %cond3A_52 = arith.cmpi ne, %convert_element_type3A_50, %cond3A_51 : i32
    scf.if %cond3A_52 {
      %dma_start3A = arith.constant 0 : i32
      %dma_start3A_76 = arith.constant 0 : i32
      %dma_start3A_77 = tpu.memref_slice %arg7[%dma_start3A, %dma_start3A_76] : memref<81x128xi32, #tpu.memory_space<vmem>> -> memref<1x128xi32, #tpu.memory_space<vmem>>
      %dma_start3A_78 = tpu.memref_squeeze %dma_start3A_77 : memref<1x128xi32, #tpu.memory_space<vmem>> -> memref<128xi32, #tpu.memory_space<vmem>>
      %dma_start3A_79 = arith.constant 0 : i32
      %dma_start3A_80 = arith.constant 0 : i32
      %dma_start3A_81 = tpu.memref_slice %arg5[%dma_start3A_79, %dma_start3A_80] : memref<10240x128xf32, #tpu.memory_space<hbm>> -> memref<10240x128xf32, #tpu.memory_space<hbm>>
      tpu.enqueue_indirect_dma source(%dma_start3A_81 : memref<10240x128xf32, #tpu.memory_space<hbm>>) target(%arg10 : memref<128x128xf32, #tpu.memory_space<vmem>>) offsets(%dma_start3A_78 : memref<128xi32, #tpu.memory_space<vmem>>) semaphore(%arg14 : memref<!tpu.dma_semaphore, #tpu.memory_space<semaphore_mem>>)
    } else {
    }
    %gt3A_53 = arith.constant 128 : i32
    %gt3A_54 = arith.cmpi sgt, %squeeze3A_40, %gt3A_53 : i32
    %convert_element_type3A_55 = arith.extui %gt3A_54 : i1 to i32
    %cond3A_56 = arith.constant 0 : i32
    %cond3A_57 = arith.cmpi ne, %convert_element_type3A_55, %cond3A_56 : i32
    scf.if %cond3A_57 {
      %dma_start3A = arith.constant 1 : i32
      %dma_start3A_76 = arith.constant 0 : i32
      %dma_start3A_77 = tpu.memref_slice %arg7[%dma_start3A, %dma_start3A_76] : memref<81x128xi32, #tpu.memory_space<vmem>> -> memref<1x128xi32, #tpu.memory_space<vmem>>
      %dma_start3A_78 = tpu.memref_squeeze %dma_start3A_77 : memref<1x128xi32, #tpu.memory_space<vmem>> -> memref<128xi32, #tpu.memory_space<vmem>>
      %dma_start3A_79 = arith.constant 0 : i32
      %dma_start3A_80 = arith.constant 0 : i32
      %dma_start3A_81 = tpu.memref_slice %arg5[%dma_start3A_79, %dma_start3A_80] : memref<10240x128xf32, #tpu.memory_space<hbm>> -> memref<10240x128xf32, #tpu.memory_space<hbm>>
      tpu.enqueue_indirect_dma source(%dma_start3A_81 : memref<10240x128xf32, #tpu.memory_space<hbm>>) target(%arg11 : memref<128x128xf32, #tpu.memory_space<vmem>>) offsets(%dma_start3A_78 : memref<128xi32, #tpu.memory_space<vmem>>) semaphore(%arg15 : memref<!tpu.dma_semaphore, #tpu.memory_space<semaphore_mem>>)
    } else {
    }
    %gt3A_58 = arith.constant 256 : i32
    %gt3A_59 = arith.cmpi sgt, %squeeze3A_40, %gt3A_58 : i32
    %convert_element_type3A_60 = arith.extui %gt3A_59 : i1 to i32
    %cond3A_61 = arith.constant 0 : i32
    %cond3A_62 = arith.cmpi ne, %convert_element_type3A_60, %cond3A_61 : i32
    scf.if %cond3A_62 {
      %dma_start3A = arith.constant 2 : i32
      %dma_start3A_76 = arith.constant 0 : i32
      %dma_start3A_77 = tpu.memref_slice %arg7[%dma_start3A, %dma_start3A_76] : memref<81x128xi32, #tpu.memory_space<vmem>> -> memref<1x128xi32, #tpu.memory_space<vmem>>
      %dma_start3A_78 = tpu.memref_squeeze %dma_start3A_77 : memref<1x128xi32, #tpu.memory_space<vmem>> -> memref<128xi32, #tpu.memory_space<vmem>>
      %dma_start3A_79 = arith.constant 0 : i32
      %dma_start3A_80 = arith.constant 0 : i32
      %dma_start3A_81 = tpu.memref_slice %arg5[%dma_start3A_79, %dma_start3A_80] : memref<10240x128xf32, #tpu.memory_space<hbm>> -> memref<10240x128xf32, #tpu.memory_space<hbm>>
      tpu.enqueue_indirect_dma source(%dma_start3A_81 : memref<10240x128xf32, #tpu.memory_space<hbm>>) target(%arg12 : memref<128x128xf32, #tpu.memory_space<vmem>>) offsets(%dma_start3A_78 : memref<128xi32, #tpu.memory_space<vmem>>) semaphore(%arg16 : memref<!tpu.dma_semaphore, #tpu.memory_space<semaphore_mem>>)
    } else {
    }
    %scan3A_63 = arith.constant 0 : i32
    %scan3A_64 = arith.constant 0 : i32
    %scan3A_65 = arith.constant 27 : i32
    %scan3A_66 = arith.addi %scan3A_64, %scan3A_65 : i32
    %scan3A_67 = arith.constant 1 : i32
    scf.for %scan3A_76 = %scan3A_64 to %scan3A_66 step %scan3A_67  : i32 {
      %mul3A_77 = arith.constant 3 : i32
      %mul3A_78 = arith.muli %mul3A_77, %scan3A_76 : i32
      %add3A_79 = arith.constant 0 : i32
      %add3A_80 = arith.addi %mul3A_78, %add3A_79 : i32
      %mul3A_81 = arith.constant 128 : i32
      %mul3A_82 = arith.muli %add3A_80, %mul3A_81 : i32
      %lt3A = arith.cmpi slt, %mul3A_82, %squeeze3A_40 : i32
      %convert_element_type3A_83 = arith.extui %lt3A : i1 to i32
      %cond3A_84 = arith.constant 0 : i32
      %cond3A_85 = arith.cmpi ne, %convert_element_type3A_83, %cond3A_84 : i32
      scf.if %cond3A_85 {
        %dma_wait3A = arith.constant 0 : i32
        %dma_wait3A_106 = tpu.memref_slice %arg7[%add3A_80, %dma_wait3A] : memref<81x128xi32, #tpu.memory_space<vmem>> -> memref<1x128xi32, #tpu.memory_space<vmem>>
        %dma_wait3A_107 = tpu.memref_squeeze %dma_wait3A_106 : memref<1x128xi32, #tpu.memory_space<vmem>> -> memref<128xi32, #tpu.memory_space<vmem>>
        %dma_wait3A_108 = arith.constant 0 : i32
        %dma_wait3A_109 = arith.constant 0 : i32
        %dma_wait3A_110 = tpu.memref_slice %arg5[%dma_wait3A_108, %dma_wait3A_109] : memref<10240x128xf32, #tpu.memory_space<hbm>> -> memref<10240x128xf32, #tpu.memory_space<hbm>>
        tpu.wait_indirect_dma semaphore(%arg14 : memref<!tpu.dma_semaphore, #tpu.memory_space<semaphore_mem>>) src(%dma_wait3A_110 : memref<10240x128xf32, #tpu.memory_space<hbm>>) dst(%arg10 : memref<128x128xf32, #tpu.memory_space<vmem>>)
        "tpu.region"() ({
          %run_scoped3A_119 = tpu.sem_alloc : memref<!tpu.dma_semaphore, #tpu.memory_space<semaphore_mem>>
          %dma_start3A = arith.constant 0 : i32
          %dma_start3A_120 = tpu.memref_slice %arg8[%add3A_80, %dma_start3A] : memref<81x128xi32, #tpu.memory_space<vmem>> -> memref<1x128xi32, #tpu.memory_space<vmem>>
          %dma_start3A_121 = tpu.memref_squeeze %dma_start3A_120 : memref<1x128xi32, #tpu.memory_space<vmem>> -> memref<128xi32, #tpu.memory_space<vmem>>
          %dma_start3A_122 = arith.constant 0 : i32
          %dma_start3A_123 = arith.constant 0 : i32
          %dma_start3A_124 = tpu.memref_slice %arg13[%dma_start3A_122, %dma_start3A_123] : memref<5120x128xf32, #tpu.memory_space<vmem_shared>> -> memref<5120x128xf32, #tpu.memory_space<vmem_shared>>
          tpu.enqueue_indirect_dma source(%arg10 : memref<128x128xf32, #tpu.memory_space<vmem>>) target(%dma_start3A_124 : memref<5120x128xf32, #tpu.memory_space<vmem_shared>>) offsets(%dma_start3A_121 : memref<128xi32, #tpu.memory_space<vmem>>) semaphore(%run_scoped3A_119 : memref<!tpu.dma_semaphore, #tpu.memory_space<semaphore_mem>>) {add = true}
          %dma_wait3A_125 = arith.constant 0 : i32
          %dma_wait3A_126 = tpu.memref_slice %arg8[%add3A_80, %dma_wait3A_125] : memref<81x128xi32, #tpu.memory_space<vmem>> -> memref<1x128xi32, #tpu.memory_space<vmem>>
          %dma_wait3A_127 = tpu.memref_squeeze %dma_wait3A_126 : memref<1x128xi32, #tpu.memory_space<vmem>> -> memref<128xi32, #tpu.memory_space<vmem>>
          %dma_wait3A_128 = arith.constant 0 : i32
          %dma_wait3A_129 = arith.constant 0 : i32
          %dma_wait3A_130 = tpu.memref_slice %arg13[%dma_wait3A_128, %dma_wait3A_129] : memref<5120x128xf32, #tpu.memory_space<vmem_shared>> -> memref<5120x128xf32, #tpu.memory_space<vmem_shared>>
          tpu.wait_indirect_dma semaphore(%run_scoped3A_119 : memref<!tpu.dma_semaphore, #tpu.memory_space<semaphore_mem>>) src(%arg10 : memref<128x128xf32, #tpu.memory_space<vmem>>) dst(%dma_wait3A_130 : memref<5120x128xf32, #tpu.memory_space<vmem_shared>>)
          tpu.yield
        }) : () -> ()
        %add3A_111 = arith.constant 3 : i32
        %add3A_112 = arith.addi %add3A_80, %add3A_111 : i32
        %mul3A_113 = arith.constant 128 : i32
        %mul3A_114 = arith.muli %add3A_112, %mul3A_113 : i32
        %lt3A_115 = arith.cmpi slt, %mul3A_114, %squeeze3A_40 : i32
        %convert_element_type3A_116 = arith.extui %lt3A_115 : i1 to i32
        %cond3A_117 = arith.constant 0 : i32
        %cond3A_118 = arith.cmpi ne, %convert_element_type3A_116, %cond3A_117 : i32
        scf.if %cond3A_118 {
          %add3A_119 = arith.constant 3 : i32
          %add3A_120 = arith.addi %add3A_80, %add3A_119 : i32
          %dma_start3A = arith.constant 0 : i32
          %dma_start3A_121 = tpu.memref_slice %arg7[%add3A_120, %dma_start3A] : memref<81x128xi32, #tpu.memory_space<vmem>> -> memref<1x128xi32, #tpu.memory_space<vmem>>
          %dma_start3A_122 = tpu.memref_squeeze %dma_start3A_121 : memref<1x128xi32, #tpu.memory_space<vmem>> -> memref<128xi32, #tpu.memory_space<vmem>>
          %dma_start3A_123 = arith.constant 0 : i32
          %dma_start3A_124 = arith.constant 0 : i32
          %dma_start3A_125 = tpu.memref_slice %arg5[%dma_start3A_123, %dma_start3A_124] : memref<10240x128xf32, #tpu.memory_space<hbm>> -> memref<10240x128xf32, #tpu.memory_space<hbm>>
          tpu.enqueue_indirect_dma source(%dma_start3A_125 : memref<10240x128xf32, #tpu.memory_space<hbm>>) target(%arg10 : memref<128x128xf32, #tpu.memory_space<vmem>>) offsets(%dma_start3A_122 : memref<128xi32, #tpu.memory_space<vmem>>) semaphore(%arg14 : memref<!tpu.dma_semaphore, #tpu.memory_space<semaphore_mem>>)
        } else {
        }
      } else {
      }
      %mul3A_86 = arith.constant 3 : i32
      %mul3A_87 = arith.muli %mul3A_86, %scan3A_76 : i32
      %add3A_88 = arith.constant 1 : i32
      %add3A_89 = arith.addi %mul3A_87, %add3A_88 : i32
      %mul3A_90 = arith.constant 128 : i32
      %mul3A_91 = arith.muli %add3A_89, %mul3A_90 : i32
      %lt3A_92 = arith.cmpi slt, %mul3A_91, %squeeze3A_40 : i32
      %convert_element_type3A_93 = arith.extui %lt3A_92 : i1 to i32
      %cond3A_94 = arith.constant 0 : i32
      %cond3A_95 = arith.cmpi ne, %convert_element_type3A_93, %cond3A_94 : i32
      scf.if %cond3A_95 {
        %dma_wait3A = arith.constant 0 : i32
        %dma_wait3A_106 = tpu.memref_slice %arg7[%add3A_89, %dma_wait3A] : memref<81x128xi32, #tpu.memory_space<vmem>> -> memref<1x128xi32, #tpu.memory_space<vmem>>
        %dma_wait3A_107 = tpu.memref_squeeze %dma_wait3A_106 : memref<1x128xi32, #tpu.memory_space<vmem>> -> memref<128xi32, #tpu.memory_space<vmem>>
        %dma_wait3A_108 = arith.constant 0 : i32
        %dma_wait3A_109 = arith.constant 0 : i32
        %dma_wait3A_110 = tpu.memref_slice %arg5[%dma_wait3A_108, %dma_wait3A_109] : memref<10240x128xf32, #tpu.memory_space<hbm>> -> memref<10240x128xf32, #tpu.memory_space<hbm>>
        tpu.wait_indirect_dma semaphore(%arg15 : memref<!tpu.dma_semaphore, #tpu.memory_space<semaphore_mem>>) src(%dma_wait3A_110 : memref<10240x128xf32, #tpu.memory_space<hbm>>) dst(%arg11 : memref<128x128xf32, #tpu.memory_space<vmem>>)
        "tpu.region"() ({
          %run_scoped3A_119 = tpu.sem_alloc : memref<!tpu.dma_semaphore, #tpu.memory_space<semaphore_mem>>
          %dma_start3A = arith.constant 0 : i32
          %dma_start3A_120 = tpu.memref_slice %arg8[%add3A_89, %dma_start3A] : memref<81x128xi32, #tpu.memory_space<vmem>> -> memref<1x128xi32, #tpu.memory_space<vmem>>
          %dma_start3A_121 = tpu.memref_squeeze %dma_start3A_120 : memref<1x128xi32, #tpu.memory_space<vmem>> -> memref<128xi32, #tpu.memory_space<vmem>>
          %dma_start3A_122 = arith.constant 0 : i32
          %dma_start3A_123 = arith.constant 0 : i32
          %dma_start3A_124 = tpu.memref_slice %arg13[%dma_start3A_122, %dma_start3A_123] : memref<5120x128xf32, #tpu.memory_space<vmem_shared>> -> memref<5120x128xf32, #tpu.memory_space<vmem_shared>>
          tpu.enqueue_indirect_dma source(%arg11 : memref<128x128xf32, #tpu.memory_space<vmem>>) target(%dma_start3A_124 : memref<5120x128xf32, #tpu.memory_space<vmem_shared>>) offsets(%dma_start3A_121 : memref<128xi32, #tpu.memory_space<vmem>>) semaphore(%run_scoped3A_119 : memref<!tpu.dma_semaphore, #tpu.memory_space<semaphore_mem>>) {add = true}
          %dma_wait3A_125 = arith.constant 0 : i32
          %dma_wait3A_126 = tpu.memref_slice %arg8[%add3A_89, %dma_wait3A_125] : memref<81x128xi32, #tpu.memory_space<vmem>> -> memref<1x128xi32, #tpu.memory_space<vmem>>
          %dma_wait3A_127 = tpu.memref_squeeze %dma_wait3A_126 : memref<1x128xi32, #tpu.memory_space<vmem>> -> memref<128xi32, #tpu.memory_space<vmem>>
          %dma_wait3A_128 = arith.constant 0 : i32
          %dma_wait3A_129 = arith.constant 0 : i32
          %dma_wait3A_130 = tpu.memref_slice %arg13[%dma_wait3A_128, %dma_wait3A_129] : memref<5120x128xf32, #tpu.memory_space<vmem_shared>> -> memref<5120x128xf32, #tpu.memory_space<vmem_shared>>
          tpu.wait_indirect_dma semaphore(%run_scoped3A_119 : memref<!tpu.dma_semaphore, #tpu.memory_space<semaphore_mem>>) src(%arg11 : memref<128x128xf32, #tpu.memory_space<vmem>>) dst(%dma_wait3A_130 : memref<5120x128xf32, #tpu.memory_space<vmem_shared>>)
          tpu.yield
        }) : () -> ()
        %add3A_111 = arith.constant 3 : i32
        %add3A_112 = arith.addi %add3A_89, %add3A_111 : i32
        %mul3A_113 = arith.constant 128 : i32
        %mul3A_114 = arith.muli %add3A_112, %mul3A_113 : i32
        %lt3A_115 = arith.cmpi slt, %mul3A_114, %squeeze3A_40 : i32
        %convert_element_type3A_116 = arith.extui %lt3A_115 : i1 to i32
        %cond3A_117 = arith.constant 0 : i32
        %cond3A_118 = arith.cmpi ne, %convert_element_type3A_116, %cond3A_117 : i32
        scf.if %cond3A_118 {
          %add3A_119 = arith.constant 3 : i32
          %add3A_120 = arith.addi %add3A_89, %add3A_119 : i32
          %dma_start3A = arith.constant 0 : i32
          %dma_start3A_121 = tpu.memref_slice %arg7[%add3A_120, %dma_start3A] : memref<81x128xi32, #tpu.memory_space<vmem>> -> memref<1x128xi32, #tpu.memory_space<vmem>>
          %dma_start3A_122 = tpu.memref_squeeze %dma_start3A_121 : memref<1x128xi32, #tpu.memory_space<vmem>> -> memref<128xi32, #tpu.memory_space<vmem>>
          %dma_start3A_123 = arith.constant 0 : i32
          %dma_start3A_124 = arith.constant 0 : i32
          %dma_start3A_125 = tpu.memref_slice %arg5[%dma_start3A_123, %dma_start3A_124] : memref<10240x128xf32, #tpu.memory_space<hbm>> -> memref<10240x128xf32, #tpu.memory_space<hbm>>
          tpu.enqueue_indirect_dma source(%dma_start3A_125 : memref<10240x128xf32, #tpu.memory_space<hbm>>) target(%arg11 : memref<128x128xf32, #tpu.memory_space<vmem>>) offsets(%dma_start3A_122 : memref<128xi32, #tpu.memory_space<vmem>>) semaphore(%arg15 : memref<!tpu.dma_semaphore, #tpu.memory_space<semaphore_mem>>)
        } else {
        }
      } else {
      }
      %mul3A_96 = arith.constant 3 : i32
      %mul3A_97 = arith.muli %mul3A_96, %scan3A_76 : i32
      %add3A_98 = arith.constant 2 : i32
      %add3A_99 = arith.addi %mul3A_97, %add3A_98 : i32
      %mul3A_100 = arith.constant 128 : i32
      %mul3A_101 = arith.muli %add3A_99, %mul3A_100 : i32
      %lt3A_102 = arith.cmpi slt, %mul3A_101, %squeeze3A_40 : i32
      %convert_element_type3A_103 = arith.extui %lt3A_102 : i1 to i32
      %cond3A_104 = arith.constant 0 : i32
      %cond3A_105 = arith.cmpi ne, %convert_element_type3A_103, %cond3A_104 : i32
      scf.if %cond3A_105 {
        %dma_wait3A = arith.constant 0 : i32
        %dma_wait3A_106 = tpu.memref_slice %arg7[%add3A_99, %dma_wait3A] : memref<81x128xi32, #tpu.memory_space<vmem>> -> memref<1x128xi32, #tpu.memory_space<vmem>>
        %dma_wait3A_107 = tpu.memref_squeeze %dma_wait3A_106 : memref<1x128xi32, #tpu.memory_space<vmem>> -> memref<128xi32, #tpu.memory_space<vmem>>
        %dma_wait3A_108 = arith.constant 0 : i32
        %dma_wait3A_109 = arith.constant 0 : i32
        %dma_wait3A_110 = tpu.memref_slice %arg5[%dma_wait3A_108, %dma_wait3A_109] : memref<10240x128xf32, #tpu.memory_space<hbm>> -> memref<10240x128xf32, #tpu.memory_space<hbm>>
        tpu.wait_indirect_dma semaphore(%arg16 : memref<!tpu.dma_semaphore, #tpu.memory_space<semaphore_mem>>) src(%dma_wait3A_110 : memref<10240x128xf32, #tpu.memory_space<hbm>>) dst(%arg12 : memref<128x128xf32, #tpu.memory_space<vmem>>)
        "tpu.region"() ({
          %run_scoped3A_119 = tpu.sem_alloc : memref<!tpu.dma_semaphore, #tpu.memory_space<semaphore_mem>>
          %dma_start3A = arith.constant 0 : i32
          %dma_start3A_120 = tpu.memref_slice %arg8[%add3A_99, %dma_start3A] : memref<81x128xi32, #tpu.memory_space<vmem>> -> memref<1x128xi32, #tpu.memory_space<vmem>>
          %dma_start3A_121 = tpu.memref_squeeze %dma_start3A_120 : memref<1x128xi32, #tpu.memory_space<vmem>> -> memref<128xi32, #tpu.memory_space<vmem>>
          %dma_start3A_122 = arith.constant 0 : i32
          %dma_start3A_123 = arith.constant 0 : i32
          %dma_start3A_124 = tpu.memref_slice %arg13[%dma_start3A_122, %dma_start3A_123] : memref<5120x128xf32, #tpu.memory_space<vmem_shared>> -> memref<5120x128xf32, #tpu.memory_space<vmem_shared>>
          tpu.enqueue_indirect_dma source(%arg12 : memref<128x128xf32, #tpu.memory_space<vmem>>) target(%dma_start3A_124 : memref<5120x128xf32, #tpu.memory_space<vmem_shared>>) offsets(%dma_start3A_121 : memref<128xi32, #tpu.memory_space<vmem>>) semaphore(%run_scoped3A_119 : memref<!tpu.dma_semaphore, #tpu.memory_space<semaphore_mem>>) {add = true}
          %dma_wait3A_125 = arith.constant 0 : i32
          %dma_wait3A_126 = tpu.memref_slice %arg8[%add3A_99, %dma_wait3A_125] : memref<81x128xi32, #tpu.memory_space<vmem>> -> memref<1x128xi32, #tpu.memory_space<vmem>>
          %dma_wait3A_127 = tpu.memref_squeeze %dma_wait3A_126 : memref<1x128xi32, #tpu.memory_space<vmem>> -> memref<128xi32, #tpu.memory_space<vmem>>
          %dma_wait3A_128 = arith.constant 0 : i32
          %dma_wait3A_129 = arith.constant 0 : i32
          %dma_wait3A_130 = tpu.memref_slice %arg13[%dma_wait3A_128, %dma_wait3A_129] : memref<5120x128xf32, #tpu.memory_space<vmem_shared>> -> memref<5120x128xf32, #tpu.memory_space<vmem_shared>>
          tpu.wait_indirect_dma semaphore(%run_scoped3A_119 : memref<!tpu.dma_semaphore, #tpu.memory_space<semaphore_mem>>) src(%arg12 : memref<128x128xf32, #tpu.memory_space<vmem>>) dst(%dma_wait3A_130 : memref<5120x128xf32, #tpu.memory_space<vmem_shared>>)
          tpu.yield
        }) : () -> ()
        %add3A_111 = arith.constant 3 : i32
        %add3A_112 = arith.addi %add3A_99, %add3A_111 : i32
        %mul3A_113 = arith.constant 128 : i32
        %mul3A_114 = arith.muli %add3A_112, %mul3A_113 : i32
        %lt3A_115 = arith.cmpi slt, %mul3A_114, %squeeze3A_40 : i32
        %convert_element_type3A_116 = arith.extui %lt3A_115 : i1 to i32
        %cond3A_117 = arith.constant 0 : i32
        %cond3A_118 = arith.cmpi ne, %convert_element_type3A_116, %cond3A_117 : i32
        scf.if %cond3A_118 {
          %add3A_119 = arith.constant 3 : i32
          %add3A_120 = arith.addi %add3A_99, %add3A_119 : i32
          %dma_start3A = arith.constant 0 : i32
          %dma_start3A_121 = tpu.memref_slice %arg7[%add3A_120, %dma_start3A] : memref<81x128xi32, #tpu.memory_space<vmem>> -> memref<1x128xi32, #tpu.memory_space<vmem>>
          %dma_start3A_122 = tpu.memref_squeeze %dma_start3A_121 : memref<1x128xi32, #tpu.memory_space<vmem>> -> memref<128xi32, #tpu.memory_space<vmem>>
          %dma_start3A_123 = arith.constant 0 : i32
          %dma_start3A_124 = arith.constant 0 : i32
          %dma_start3A_125 = tpu.memref_slice %arg5[%dma_start3A_123, %dma_start3A_124] : memref<10240x128xf32, #tpu.memory_space<hbm>> -> memref<10240x128xf32, #tpu.memory_space<hbm>>
          tpu.enqueue_indirect_dma source(%dma_start3A_125 : memref<10240x128xf32, #tpu.memory_space<hbm>>) target(%arg12 : memref<128x128xf32, #tpu.memory_space<vmem>>) offsets(%dma_start3A_122 : memref<128xi32, #tpu.memory_space<vmem>>) semaphore(%arg16 : memref<!tpu.dma_semaphore, #tpu.memory_space<semaphore_mem>>)
        } else {
        }
      } else {
      }
    }
    %scan3A_68 = arith.constant 27 : i32
    %barrier3A_69 = arith.constant 0 : index
    tpu.barrier barrier_id(%barrier3A_69)
    %mul3A_70 = arith.constant 320 : i32
    %mul3A_71 = arith.muli %arg1, %mul3A_70 : i32
    %mul3A_72 = arith.constant 320 : i32
    %mul3A_73 = arith.muli %arg1, %mul3A_72 : i32
    %add3A_74 = arith.constant 5120 : i32
    %add3A_75 = arith.addi %add3A_74, %mul3A_73 : i32
    "tpu.region"() ({
      %run_scoped3A_76 = tpu.sem_alloc : memref<!tpu.dma_semaphore, #tpu.memory_space<semaphore_mem>>
      %dma_start3A = arith.constant 0 : i32
      %dma_start3A_77 = tpu.memref_slice %arg6[%arg0, %add3A_75, %dma_start3A] : memref<2x10240x128xf32, #tpu.memory_space<hbm>> -> memref<1x320x128xf32, #tpu.memory_space<hbm>>
      %dma_start3A_78 = tpu.memref_squeeze %dma_start3A_77 : memref<1x320x128xf32, #tpu.memory_space<hbm>> -> memref<320x128xf32, #tpu.memory_space<hbm>>
      %dma_start3A_79 = arith.constant 0 : i32
      %dma_start3A_80 = tpu.memref_slice %arg13[%mul3A_71, %dma_start3A_79] : memref<5120x128xf32, #tpu.memory_space<vmem_shared>> -> memref<320x128xf32, #tpu.memory_space<vmem_shared>>
      tpu.enqueue_dma source(%dma_start3A_80 : memref<320x128xf32, #tpu.memory_space<vmem_shared>>) target(%dma_start3A_78 : memref<320x128xf32, #tpu.memory_space<hbm>>) target_semaphore(%run_scoped3A_76 : memref<!tpu.dma_semaphore, #tpu.memory_space<semaphore_mem>>)
      %dma_wait3A = arith.constant 0 : i32
      %dma_wait3A_81 = tpu.memref_slice %arg6[%arg0, %add3A_75, %dma_wait3A] : memref<2x10240x128xf32, #tpu.memory_space<hbm>> -> memref<1x320x128xf32, #tpu.memory_space<hbm>>
      %dma_wait3A_82 = tpu.memref_squeeze %dma_wait3A_81 : memref<1x320x128xf32, #tpu.memory_space<hbm>> -> memref<320x128xf32, #tpu.memory_space<hbm>>
      %dma_wait3A_83 = arith.constant 0 : i32
      %dma_wait3A_84 = tpu.memref_slice %arg13[%mul3A_71, %dma_wait3A_83] : memref<5120x128xf32, #tpu.memory_space<vmem_shared>> -> memref<320x128xf32, #tpu.memory_space<vmem_shared>>
      tpu.wait_dma2 semaphore(%run_scoped3A_76 : memref<!tpu.dma_semaphore, #tpu.memory_space<semaphore_mem>>) src(%dma_wait3A_84 : memref<320x128xf32, #tpu.memory_space<vmem_shared>>) dst(%dma_wait3A_82 : memref<320x128xf32, #tpu.memory_space<hbm>>)
      tpu.yield
    }) : () -> ()
    return
  }
}

#map = affine_map<(d0, d1) -> (0, 0, 0, 0)>
#map1 = affine_map<(d0, d1) -> (0, 0)>
#map2 = affine_map<(d0, d1) -> (0, 0, 0)>
module attributes {stable_mosaic.version = 14 : i64} {
  func.func @_sc_scatter(%arg0: i32, %arg1: i32, %arg2: memref<32x2x81x128xi32, #tpu.memory_space<hbm>>, %arg3: memref<32x2x81x128xi32, #tpu.memory_space<hbm>>, %arg4: memref<32x16xi32, #tpu.memory_space<hbm>>, %arg5: memref<10240x128xf32, #tpu.memory_space<hbm>>, %arg6: memref<2x10240x128xf32, #tpu.memory_space<hbm>>, %arg7: memref<81x128xi32, #tpu.memory_space<vmem>>, %arg8: memref<81x128xi32, #tpu.memory_space<vmem>>, %arg9: memref<16xi32, #tpu.memory_space<vmem>>, %arg10: memref<128x128xf32, #tpu.memory_space<vmem>>, %arg11: memref<128x128xf32, #tpu.memory_space<vmem>>, %arg12: memref<128x128xf32, #tpu.memory_space<vmem>>, %arg13: memref<5120x128xf32, #tpu.memory_space<vmem_shared>>, %arg14: memref<!tpu.dma_semaphore, #tpu.memory_space<semaphore_mem>>, %arg15: memref<!tpu.dma_semaphore, #tpu.memory_space<semaphore_mem>>, %arg16: memref<!tpu.dma_semaphore, #tpu.memory_space<semaphore_mem>>) attributes {dimension_semantics = [#tpu.dimension_semantics<core_parallel>, #tpu.dimension_semantics<subcore_parallel>], iteration_bounds = array<i64: 2, 16>, scalar_prefetch = 0 : i64, scratch_operands = 10 : i64, tpu.core_type = #tpu.core_type<sc_vector_subcore>, window_params = [{transform_indices = #map}, {transform_indices = #map}, {transform_indices = #map1}, {transform_indices = #map1}, {transform_indices = #map2}]} {
    %mul3A = arith.constant 16 : i32
    %mul3A_0 = arith.muli %arg0, %mul3A : i32
    %add3A = arith.addi %mul3A_0, %arg1 : i32
    "tpu.region"() ({
      %run_scoped3A_76 = tpu.sem_alloc : memref<!tpu.dma_semaphore, #tpu.memory_space<semaphore_mem>>
      %dma_start3A = arith.constant 0 : i32
      %dma_start3A_77 = tpu.memref_slice %arg4[%add3A, %dma_start3A] : memref<32x16xi32, #tpu.memory_space<hbm>> -> memref<1x16xi32, #tpu.memory_space<hbm>>
      %dma_start3A_78 = tpu.memref_squeeze %dma_start3A_77 : memref<1x16xi32, #tpu.memory_space<hbm>> -> memref<16xi32, #tpu.memory_space<hbm>>
      %dma_start3A_79 = arith.constant 0 : i32
      %dma_start3A_80 = tpu.memref_slice %arg4[%add3A, %dma_start3A_79] : memref<32x16xi32, #tpu.memory_space<hbm>> -> memref<1x16xi32, #tpu.memory_space<hbm>>
      %dma_start3A_81 = tpu.memref_squeeze %dma_start3A_80 : memref<1x16xi32, #tpu.memory_space<hbm>> -> memref<16xi32, #tpu.memory_space<hbm>>
      tpu.enqueue_dma source(%dma_start3A_81 : memref<16xi32, #tpu.memory_space<hbm>>) target(%arg9 : memref<16xi32, #tpu.memory_space<vmem>>) target_semaphore(%run_scoped3A_76 : memref<!tpu.dma_semaphore, #tpu.memory_space<semaphore_mem>>)
      %dma_wait3A = arith.constant 0 : i32
      %dma_wait3A_82 = tpu.memref_slice %arg4[%add3A, %dma_wait3A] : memref<32x16xi32, #tpu.memory_space<hbm>> -> memref<1x16xi32, #tpu.memory_space<hbm>>
      %dma_wait3A_83 = tpu.memref_squeeze %dma_wait3A_82 : memref<1x16xi32, #tpu.memory_space<hbm>> -> memref<16xi32, #tpu.memory_space<hbm>>
      %dma_wait3A_84 = arith.constant 0 : i32
      %dma_wait3A_85 = tpu.memref_slice %arg4[%add3A, %dma_wait3A_84] : memref<32x16xi32, #tpu.memory_space<hbm>> -> memref<1x16xi32, #tpu.memory_space<hbm>>
      %dma_wait3A_86 = tpu.memref_squeeze %dma_wait3A_85 : memref<1x16xi32, #tpu.memory_space<hbm>> -> memref<16xi32, #tpu.memory_space<hbm>>
      tpu.wait_dma2 semaphore(%run_scoped3A_76 : memref<!tpu.dma_semaphore, #tpu.memory_space<semaphore_mem>>) src(%dma_wait3A_86 : memref<16xi32, #tpu.memory_space<hbm>>) dst(%arg9 : memref<16xi32, #tpu.memory_space<vmem>>)
      tpu.yield
    }) : () -> ()
    %run_scoped3A = arith.constant 0 : i32
    "tpu.region"() ({
      %run_scoped3A_76 = tpu.sem_alloc : memref<!tpu.dma_semaphore, #tpu.memory_space<semaphore_mem>>
      %dma_start3A = arith.constant 0 : i32
      %dma_start3A_77 = arith.constant 0 : i32
      %dma_start3A_78 = tpu.memref_slice %arg2[%add3A, %run_scoped3A, %dma_start3A, %dma_start3A_77] : memref<32x2x81x128xi32, #tpu.memory_space<hbm>> -> memref<1x1x81x128xi32, #tpu.memory_space<hbm>>
      %dma_start3A_79 = tpu.memref_squeeze %dma_start3A_78 : memref<1x1x81x128xi32, #tpu.memory_space<hbm>> -> memref<81x128xi32, #tpu.memory_space<hbm>>
      %dma_start3A_80 = arith.constant 0 : i32
      %dma_start3A_81 = arith.constant 0 : i32
      %dma_start3A_82 = tpu.memref_slice %arg2[%add3A, %run_scoped3A, %dma_start3A_80, %dma_start3A_81] : memref<32x2x81x128xi32, #tpu.memory_space<hbm>> -> memref<1x1x81x128xi32, #tpu.memory_space<hbm>>
      %dma_start3A_83 = tpu.memref_squeeze %dma_start3A_82 : memref<1x1x81x128xi32, #tpu.memory_space<hbm>> -> memref<81x128xi32, #tpu.memory_space<hbm>>
      tpu.enqueue_dma source(%dma_start3A_83 : memref<81x128xi32, #tpu.memory_space<hbm>>) target(%arg7 : memref<81x128xi32, #tpu.memory_space<vmem>>) target_semaphore(%run_scoped3A_76 : memref<!tpu.dma_semaphore, #tpu.memory_space<semaphore_mem>>)
      %dma_wait3A = arith.constant 0 : i32
      %dma_wait3A_84 = arith.constant 0 : i32
      %dma_wait3A_85 = tpu.memref_slice %arg2[%add3A, %run_scoped3A, %dma_wait3A, %dma_wait3A_84] : memref<32x2x81x128xi32, #tpu.memory_space<hbm>> -> memref<1x1x81x128xi32, #tpu.memory_space<hbm>>
      %dma_wait3A_86 = tpu.memref_squeeze %dma_wait3A_85 : memref<1x1x81x128xi32, #tpu.memory_space<hbm>> -> memref<81x128xi32, #tpu.memory_space<hbm>>
      %dma_wait3A_87 = arith.constant 0 : i32
      %dma_wait3A_88 = arith.constant 0 : i32
      %dma_wait3A_89 = tpu.memref_slice %arg2[%add3A, %run_scoped3A, %dma_wait3A_87, %dma_wait3A_88] : memref<32x2x81x128xi32, #tpu.memory_space<hbm>> -> memref<1x1x81x128xi32, #tpu.memory_space<hbm>>
      %dma_wait3A_90 = tpu.memref_squeeze %dma_wait3A_89 : memref<1x1x81x128xi32, #tpu.memory_space<hbm>> -> memref<81x128xi32, #tpu.memory_space<hbm>>
      tpu.wait_dma2 semaphore(%run_scoped3A_76 : memref<!tpu.dma_semaphore, #tpu.memory_space<semaphore_mem>>) src(%dma_wait3A_90 : memref<81x128xi32, #tpu.memory_space<hbm>>) dst(%arg7 : memref<81x128xi32, #tpu.memory_space<vmem>>)
      tpu.yield
    }) : () -> ()
    %run_scoped3A_1 = arith.constant 0 : i32
    "tpu.region"() ({
      %run_scoped3A_76 = tpu.sem_alloc : memref<!tpu.dma_semaphore, #tpu.memory_space<semaphore_mem>>
      %dma_start3A = arith.constant 0 : i32
      %dma_start3A_77 = arith.constant 0 : i32
      %dma_start3A_78 = tpu.memref_slice %arg3[%add3A, %run_scoped3A_1, %dma_start3A, %dma_start3A_77] : memref<32x2x81x128xi32, #tpu.memory_space<hbm>> -> memref<1x1x81x128xi32, #tpu.memory_space<hbm>>
      %dma_start3A_79 = tpu.memref_squeeze %dma_start3A_78 : memref<1x1x81x128xi32, #tpu.memory_space<hbm>> -> memref<81x128xi32, #tpu.memory_space<hbm>>
      %dma_start3A_80 = arith.constant 0 : i32
      %dma_start3A_81 = arith.constant 0 : i32
      %dma_start3A_82 = tpu.memref_slice %arg3[%add3A, %run_scoped3A_1, %dma_start3A_80, %dma_start3A_81] : memref<32x2x81x128xi32, #tpu.memory_space<hbm>> -> memref<1x1x81x128xi32, #tpu.memory_space<hbm>>
      %dma_start3A_83 = tpu.memref_squeeze %dma_start3A_82 : memref<1x1x81x128xi32, #tpu.memory_space<hbm>> -> memref<81x128xi32, #tpu.memory_space<hbm>>
      tpu.enqueue_dma source(%dma_start3A_83 : memref<81x128xi32, #tpu.memory_space<hbm>>) target(%arg8 : memref<81x128xi32, #tpu.memory_space<vmem>>) target_semaphore(%run_scoped3A_76 : memref<!tpu.dma_semaphore, #tpu.memory_space<semaphore_mem>>)
      %dma_wait3A = arith.constant 0 : i32
      %dma_wait3A_84 = arith.constant 0 : i32
      %dma_wait3A_85 = tpu.memref_slice %arg3[%add3A, %run_scoped3A_1, %dma_wait3A, %dma_wait3A_84] : memref<32x2x81x128xi32, #tpu.memory_space<hbm>> -> memref<1x1x81x128xi32, #tpu.memory_space<hbm>>
      %dma_wait3A_86 = tpu.memref_squeeze %dma_wait3A_85 : memref<1x1x81x128xi32, #tpu.memory_space<hbm>> -> memref<81x128xi32, #tpu.memory_space<hbm>>
      %dma_wait3A_87 = arith.constant 0 : i32
      %dma_wait3A_88 = arith.constant 0 : i32
      %dma_wait3A_89 = tpu.memref_slice %arg3[%add3A, %run_scoped3A_1, %dma_wait3A_87, %dma_wait3A_88] : memref<32x2x81x128xi32, #tpu.memory_space<hbm>> -> memref<1x1x81x128xi32, #tpu.memory_space<hbm>>
      %dma_wait3A_90 = tpu.memref_squeeze %dma_wait3A_89 : memref<1x1x81x128xi32, #tpu.memory_space<hbm>> -> memref<81x128xi32, #tpu.memory_space<hbm>>
      tpu.wait_dma2 semaphore(%run_scoped3A_76 : memref<!tpu.dma_semaphore, #tpu.memory_space<semaphore_mem>>) src(%dma_wait3A_90 : memref<81x128xi32, #tpu.memory_space<hbm>>) dst(%arg8 : memref<81x128xi32, #tpu.memory_space<vmem>>)
      tpu.yield
    }) : () -> ()
    %get3A = arith.constant 0 : index
    %get3A_2 = tpu.vector_load %arg9[%get3A] {strides = array<i32>} : memref<16xi32, #tpu.memory_space<vmem>>, vector<16xi32>,
    %get3A_3 = vector.shape_cast %get3A_2 : vector<16xi32> to vector<16xi32>
    %slice3A = vector.extract_strided_slice %get3A_3 {offsets = [0], sizes = [1], strides = [1]} : vector<16xi32> to vector<1xi32>
    %squeeze3A = vector.extract %slice3A[0] : i32 from vector<1xi32>
    %mul3A_4 = arith.constant 320 : i32
    %mul3A_5 = arith.muli %arg1, %mul3A_4 : i32
    %add3A_6 = arith.constant 0 : i32
    %add3A_7 = arith.addi %add3A_6, %mul3A_5 : i32
    %mul3A_8 = arith.constant 320 : i32
    %mul3A_9 = arith.muli %arg1, %mul3A_8 : i32
    "tpu.region"() ({
      %run_scoped3A_76 = tpu.sem_alloc : memref<!tpu.dma_semaphore, #tpu.memory_space<semaphore_mem>>
      %dma_start3A = arith.constant 0 : i32
      %dma_start3A_77 = tpu.memref_slice %arg13[%mul3A_9, %dma_start3A] : memref<5120x128xf32, #tpu.memory_space<vmem_shared>> -> memref<320x128xf32, #tpu.memory_space<vmem_shared>>
      %dma_start3A_78 = arith.constant 0 : i32
      %dma_start3A_79 = tpu.memref_slice %arg5[%add3A_7, %dma_start3A_78] : memref<10240x128xf32, #tpu.memory_space<hbm>> -> memref<320x128xf32, #tpu.memory_space<hbm>>
      tpu.enqueue_dma source(%dma_start3A_79 : memref<320x128xf32, #tpu.memory_space<hbm>>) target(%dma_start3A_77 : memref<320x128xf32, #tpu.memory_space<vmem_shared>>) target_semaphore(%run_scoped3A_76 : memref<!tpu.dma_semaphore, #tpu.memory_space<semaphore_mem>>)
      %dma_wait3A = arith.constant 0 : i32
      %dma_wait3A_80 = tpu.memref_slice %arg13[%mul3A_9, %dma_wait3A] : memref<5120x128xf32, #tpu.memory_space<vmem_shared>> -> memref<320x128xf32, #tpu.memory_space<vmem_shared>>
      %dma_wait3A_81 = arith.constant 0 : i32
      %dma_wait3A_82 = tpu.memref_slice %arg5[%add3A_7, %dma_wait3A_81] : memref<10240x128xf32, #tpu.memory_space<hbm>> -> memref<320x128xf32, #tpu.memory_space<hbm>>
      tpu.wait_dma2 semaphore(%run_scoped3A_76 : memref<!tpu.dma_semaphore, #tpu.memory_space<semaphore_mem>>) src(%dma_wait3A_82 : memref<320x128xf32, #tpu.memory_space<hbm>>) dst(%dma_wait3A_80 : memref<320x128xf32, #tpu.memory_space<vmem_shared>>)
      tpu.yield
    }) : () -> ()
    %barrier3A = arith.constant 0 : index
    tpu.barrier barrier_id(%barrier3A)
    %gt3A = arith.constant 0 : i32
    %gt3A_10 = arith.cmpi sgt, %squeeze3A, %gt3A : i32
    %convert_element_type3A = arith.extui %gt3A_10 : i1 to i32
    %cond3A = arith.constant 0 : i32
    %cond3A_11 = arith.cmpi ne, %convert_element_type3A, %cond3A : i32
    scf.if %cond3A_11 {
      %dma_start3A = arith.constant 0 : i32
      %dma_start3A_76 = arith.constant 0 : i32
      %dma_start3A_77 = tpu.memref_slice %arg7[%dma_start3A, %dma_start3A_76] : memref<81x128xi32, #tpu.memory_space<vmem>> -> memref<1x128xi32, #tpu.memory_space<vmem>>
      %dma_start3A_78 = tpu.memref_squeeze %dma_start3A_77 : memref<1x128xi32, #tpu.memory_space<vmem>> -> memref<128xi32, #tpu.memory_space<vmem>>
      %dma_start3A_79 = arith.constant 0 : i32
      %dma_start3A_80 = arith.constant 0 : i32
      %dma_start3A_81 = tpu.memref_slice %arg5[%dma_start3A_79, %dma_start3A_80] : memref<10240x128xf32, #tpu.memory_space<hbm>> -> memref<10240x128xf32, #tpu.memory_space<hbm>>
      tpu.enqueue_indirect_dma source(%dma_start3A_81 : memref<10240x128xf32, #tpu.memory_space<hbm>>) target(%arg10 : memref<128x128xf32, #tpu.memory_space<vmem>>) offsets(%dma_start3A_78 : memref<128xi32, #tpu.memory_space<vmem>>) semaphore(%arg14 : memref<!tpu.dma_semaphore, #tpu.memory_space<semaphore_mem>>)
    } else {
    }
    %gt3A_12 = arith.constant 128 : i32
    %gt3A_13 = arith.cmpi sgt, %squeeze3A, %gt3A_12 : i32
    %convert_element_type3A_14 = arith.extui %gt3A_13 : i1 to i32
    %cond3A_15 = arith.constant 0 : i32
    %cond3A_16 = arith.cmpi ne, %convert_element_type3A_14, %cond3A_15 : i32
    scf.if %cond3A_16 {
      %dma_start3A = arith.constant 1 : i32
      %dma_start3A_76 = arith.constant 0 : i32
      %dma_start3A_77 = tpu.memref_slice %arg7[%dma_start3A, %dma_start3A_76] : memref<81x128xi32, #tpu.memory_space<vmem>> -> memref<1x128xi32, #tpu.memory_space<vmem>>
      %dma_start3A_78 = tpu.memref_squeeze %dma_start3A_77 : memref<1x128xi32, #tpu.memory_space<vmem>> -> memref<128xi32, #tpu.memory_space<vmem>>
      %dma_start3A_79 = arith.constant 0 : i32
      %dma_start3A_80 = arith.constant 0 : i32
      %dma_start3A_81 = tpu.memref_slice %arg5[%dma_start3A_79, %dma_start3A_80] : memref<10240x128xf32, #tpu.memory_space<hbm>> -> memref<10240x128xf32, #tpu.memory_space<hbm>>
      tpu.enqueue_indirect_dma source(%dma_start3A_81 : memref<10240x128xf32, #tpu.memory_space<hbm>>) target(%arg11 : memref<128x128xf32, #tpu.memory_space<vmem>>) offsets(%dma_start3A_78 : memref<128xi32, #tpu.memory_space<vmem>>) semaphore(%arg15 : memref<!tpu.dma_semaphore, #tpu.memory_space<semaphore_mem>>)
    } else {
    }
    %gt3A_17 = arith.constant 256 : i32
    %gt3A_18 = arith.cmpi sgt, %squeeze3A, %gt3A_17 : i32
    %convert_element_type3A_19 = arith.extui %gt3A_18 : i1 to i32
    %cond3A_20 = arith.constant 0 : i32
    %cond3A_21 = arith.cmpi ne, %convert_element_type3A_19, %cond3A_20 : i32
    scf.if %cond3A_21 {
      %dma_start3A = arith.constant 2 : i32
      %dma_start3A_76 = arith.constant 0 : i32
      %dma_start3A_77 = tpu.memref_slice %arg7[%dma_start3A, %dma_start3A_76] : memref<81x128xi32, #tpu.memory_space<vmem>> -> memref<1x128xi32, #tpu.memory_space<vmem>>
      %dma_start3A_78 = tpu.memref_squeeze %dma_start3A_77 : memref<1x128xi32, #tpu.memory_space<vmem>> -> memref<128xi32, #tpu.memory_space<vmem>>
      %dma_start3A_79 = arith.constant 0 : i32
      %dma_start3A_80 = arith.constant 0 : i32
      %dma_start3A_81 = tpu.memref_slice %arg5[%dma_start3A_79, %dma_start3A_80] : memref<10240x128xf32, #tpu.memory_space<hbm>> -> memref<10240x128xf32, #tpu.memory_space<hbm>>
      tpu.enqueue_indirect_dma source(%dma_start3A_81 : memref<10240x128xf32, #tpu.memory_space<hbm>>) target(%arg12 : memref<128x128xf32, #tpu.memory_space<vmem>>) offsets(%dma_start3A_78 : memref<128xi32, #tpu.memory_space<vmem>>) semaphore(%arg16 : memref<!tpu.dma_semaphore, #tpu.memory_space<semaphore_mem>>)
    } else {
    }
    %scan3A = arith.constant 0 : i32
    %scan3A_22 = arith.constant 0 : i32
    %scan3A_23 = arith.constant 27 : i32
    %scan3A_24 = arith.addi %scan3A_22, %scan3A_23 : i32
    %scan3A_25 = arith.constant 1 : i32
    scf.for %scan3A_76 = %scan3A_22 to %scan3A_24 step %scan3A_25  : i32 {
      %mul3A_77 = arith.constant 3 : i32
      %mul3A_78 = arith.muli %mul3A_77, %scan3A_76 : i32
      %add3A_79 = arith.constant 0 : i32
      %add3A_80 = arith.addi %mul3A_78, %add3A_79 : i32
      %mul3A_81 = arith.constant 128 : i32
      %mul3A_82 = arith.muli %add3A_80, %mul3A_81 : i32
      %lt3A = arith.cmpi slt, %mul3A_82, %squeeze3A : i32
      %convert_element_type3A_83 = arith.extui %lt3A : i1 to i32
      %cond3A_84 = arith.constant 0 : i32
      %cond3A_85 = arith.cmpi ne, %convert_element_type3A_83, %cond3A_84 : i32
      scf.if %cond3A_85 {
        %dma_wait3A = arith.constant 0 : i32
        %dma_wait3A_106 = tpu.memref_slice %arg7[%add3A_80, %dma_wait3A] : memref<81x128xi32, #tpu.memory_space<vmem>> -> memref<1x128xi32, #tpu.memory_space<vmem>>
        %dma_wait3A_107 = tpu.memref_squeeze %dma_wait3A_106 : memref<1x128xi32, #tpu.memory_space<vmem>> -> memref<128xi32, #tpu.memory_space<vmem>>
        %dma_wait3A_108 = arith.constant 0 : i32
        %dma_wait3A_109 = arith.constant 0 : i32
        %dma_wait3A_110 = tpu.memref_slice %arg5[%dma_wait3A_108, %dma_wait3A_109] : memref<10240x128xf32, #tpu.memory_space<hbm>> -> memref<10240x128xf32, #tpu.memory_space<hbm>>
        tpu.wait_indirect_dma semaphore(%arg14 : memref<!tpu.dma_semaphore, #tpu.memory_space<semaphore_mem>>) src(%dma_wait3A_110 : memref<10240x128xf32, #tpu.memory_space<hbm>>) dst(%arg10 : memref<128x128xf32, #tpu.memory_space<vmem>>)
        "tpu.region"() ({
          %run_scoped3A_119 = tpu.sem_alloc : memref<!tpu.dma_semaphore, #tpu.memory_space<semaphore_mem>>
          %dma_start3A = arith.constant 0 : i32
          %dma_start3A_120 = tpu.memref_slice %arg8[%add3A_80, %dma_start3A] : memref<81x128xi32, #tpu.memory_space<vmem>> -> memref<1x128xi32, #tpu.memory_space<vmem>>
          %dma_start3A_121 = tpu.memref_squeeze %dma_start3A_120 : memref<1x128xi32, #tpu.memory_space<vmem>> -> memref<128xi32, #tpu.memory_space<vmem>>
          %dma_start3A_122 = arith.constant 0 : i32
          %dma_start3A_123 = arith.constant 0 : i32
          %dma_start3A_124 = tpu.memref_slice %arg13[%dma_start3A_122, %dma_start3A_123] : memref<5120x128xf32, #tpu.memory_space<vmem_shared>> -> memref<5120x128xf32, #tpu.memory_space<vmem_shared>>
          tpu.enqueue_indirect_dma source(%arg10 : memref<128x128xf32, #tpu.memory_space<vmem>>) target(%dma_start3A_124 : memref<5120x128xf32, #tpu.memory_space<vmem_shared>>) offsets(%dma_start3A_121 : memref<128xi32, #tpu.memory_space<vmem>>) semaphore(%run_scoped3A_119 : memref<!tpu.dma_semaphore, #tpu.memory_space<semaphore_mem>>) {add = true}
          %dma_wait3A_125 = arith.constant 0 : i32
          %dma_wait3A_126 = tpu.memref_slice %arg8[%add3A_80, %dma_wait3A_125] : memref<81x128xi32, #tpu.memory_space<vmem>> -> memref<1x128xi32, #tpu.memory_space<vmem>>
          %dma_wait3A_127 = tpu.memref_squeeze %dma_wait3A_126 : memref<1x128xi32, #tpu.memory_space<vmem>> -> memref<128xi32, #tpu.memory_space<vmem>>
          %dma_wait3A_128 = arith.constant 0 : i32
          %dma_wait3A_129 = arith.constant 0 : i32
          %dma_wait3A_130 = tpu.memref_slice %arg13[%dma_wait3A_128, %dma_wait3A_129] : memref<5120x128xf32, #tpu.memory_space<vmem_shared>> -> memref<5120x128xf32, #tpu.memory_space<vmem_shared>>
          tpu.wait_indirect_dma semaphore(%run_scoped3A_119 : memref<!tpu.dma_semaphore, #tpu.memory_space<semaphore_mem>>) src(%arg10 : memref<128x128xf32, #tpu.memory_space<vmem>>) dst(%dma_wait3A_130 : memref<5120x128xf32, #tpu.memory_space<vmem_shared>>)
          tpu.yield
        }) : () -> ()
        %add3A_111 = arith.constant 3 : i32
        %add3A_112 = arith.addi %add3A_80, %add3A_111 : i32
        %mul3A_113 = arith.constant 128 : i32
        %mul3A_114 = arith.muli %add3A_112, %mul3A_113 : i32
        %lt3A_115 = arith.cmpi slt, %mul3A_114, %squeeze3A : i32
        %convert_element_type3A_116 = arith.extui %lt3A_115 : i1 to i32
        %cond3A_117 = arith.constant 0 : i32
        %cond3A_118 = arith.cmpi ne, %convert_element_type3A_116, %cond3A_117 : i32
        scf.if %cond3A_118 {
          %add3A_119 = arith.constant 3 : i32
          %add3A_120 = arith.addi %add3A_80, %add3A_119 : i32
          %dma_start3A = arith.constant 0 : i32
          %dma_start3A_121 = tpu.memref_slice %arg7[%add3A_120, %dma_start3A] : memref<81x128xi32, #tpu.memory_space<vmem>> -> memref<1x128xi32, #tpu.memory_space<vmem>>
          %dma_start3A_122 = tpu.memref_squeeze %dma_start3A_121 : memref<1x128xi32, #tpu.memory_space<vmem>> -> memref<128xi32, #tpu.memory_space<vmem>>
          %dma_start3A_123 = arith.constant 0 : i32
          %dma_start3A_124 = arith.constant 0 : i32
          %dma_start3A_125 = tpu.memref_slice %arg5[%dma_start3A_123, %dma_start3A_124] : memref<10240x128xf32, #tpu.memory_space<hbm>> -> memref<10240x128xf32, #tpu.memory_space<hbm>>
          tpu.enqueue_indirect_dma source(%dma_start3A_125 : memref<10240x128xf32, #tpu.memory_space<hbm>>) target(%arg10 : memref<128x128xf32, #tpu.memory_space<vmem>>) offsets(%dma_start3A_122 : memref<128xi32, #tpu.memory_space<vmem>>) semaphore(%arg14 : memref<!tpu.dma_semaphore, #tpu.memory_space<semaphore_mem>>)
        } else {
        }
      } else {
      }
      %mul3A_86 = arith.constant 3 : i32
      %mul3A_87 = arith.muli %mul3A_86, %scan3A_76 : i32
      %add3A_88 = arith.constant 1 : i32
      %add3A_89 = arith.addi %mul3A_87, %add3A_88 : i32
      %mul3A_90 = arith.constant 128 : i32
      %mul3A_91 = arith.muli %add3A_89, %mul3A_90 : i32
      %lt3A_92 = arith.cmpi slt, %mul3A_91, %squeeze3A : i32
      %convert_element_type3A_93 = arith.extui %lt3A_92 : i1 to i32
      %cond3A_94 = arith.constant 0 : i32
      %cond3A_95 = arith.cmpi ne, %convert_element_type3A_93, %cond3A_94 : i32
      scf.if %cond3A_95 {
        %dma_wait3A = arith.constant 0 : i32
        %dma_wait3A_106 = tpu.memref_slice %arg7[%add3A_89, %dma_wait3A] : memref<81x128xi32, #tpu.memory_space<vmem>> -> memref<1x128xi32, #tpu.memory_space<vmem>>
        %dma_wait3A_107 = tpu.memref_squeeze %dma_wait3A_106 : memref<1x128xi32, #tpu.memory_space<vmem>> -> memref<128xi32, #tpu.memory_space<vmem>>
        %dma_wait3A_108 = arith.constant 0 : i32
        %dma_wait3A_109 = arith.constant 0 : i32
        %dma_wait3A_110 = tpu.memref_slice %arg5[%dma_wait3A_108, %dma_wait3A_109] : memref<10240x128xf32, #tpu.memory_space<hbm>> -> memref<10240x128xf32, #tpu.memory_space<hbm>>
        tpu.wait_indirect_dma semaphore(%arg15 : memref<!tpu.dma_semaphore, #tpu.memory_space<semaphore_mem>>) src(%dma_wait3A_110 : memref<10240x128xf32, #tpu.memory_space<hbm>>) dst(%arg11 : memref<128x128xf32, #tpu.memory_space<vmem>>)
        "tpu.region"() ({
          %run_scoped3A_119 = tpu.sem_alloc : memref<!tpu.dma_semaphore, #tpu.memory_space<semaphore_mem>>
          %dma_start3A = arith.constant 0 : i32
          %dma_start3A_120 = tpu.memref_slice %arg8[%add3A_89, %dma_start3A] : memref<81x128xi32, #tpu.memory_space<vmem>> -> memref<1x128xi32, #tpu.memory_space<vmem>>
          %dma_start3A_121 = tpu.memref_squeeze %dma_start3A_120 : memref<1x128xi32, #tpu.memory_space<vmem>> -> memref<128xi32, #tpu.memory_space<vmem>>
          %dma_start3A_122 = arith.constant 0 : i32
          %dma_start3A_123 = arith.constant 0 : i32
          %dma_start3A_124 = tpu.memref_slice %arg13[%dma_start3A_122, %dma_start3A_123] : memref<5120x128xf32, #tpu.memory_space<vmem_shared>> -> memref<5120x128xf32, #tpu.memory_space<vmem_shared>>
          tpu.enqueue_indirect_dma source(%arg11 : memref<128x128xf32, #tpu.memory_space<vmem>>) target(%dma_start3A_124 : memref<5120x128xf32, #tpu.memory_space<vmem_shared>>) offsets(%dma_start3A_121 : memref<128xi32, #tpu.memory_space<vmem>>) semaphore(%run_scoped3A_119 : memref<!tpu.dma_semaphore, #tpu.memory_space<semaphore_mem>>) {add = true}
          %dma_wait3A_125 = arith.constant 0 : i32
          %dma_wait3A_126 = tpu.memref_slice %arg8[%add3A_89, %dma_wait3A_125] : memref<81x128xi32, #tpu.memory_space<vmem>> -> memref<1x128xi32, #tpu.memory_space<vmem>>
          %dma_wait3A_127 = tpu.memref_squeeze %dma_wait3A_126 : memref<1x128xi32, #tpu.memory_space<vmem>> -> memref<128xi32, #tpu.memory_space<vmem>>
          %dma_wait3A_128 = arith.constant 0 : i32
          %dma_wait3A_129 = arith.constant 0 : i32
          %dma_wait3A_130 = tpu.memref_slice %arg13[%dma_wait3A_128, %dma_wait3A_129] : memref<5120x128xf32, #tpu.memory_space<vmem_shared>> -> memref<5120x128xf32, #tpu.memory_space<vmem_shared>>
          tpu.wait_indirect_dma semaphore(%run_scoped3A_119 : memref<!tpu.dma_semaphore, #tpu.memory_space<semaphore_mem>>) src(%arg11 : memref<128x128xf32, #tpu.memory_space<vmem>>) dst(%dma_wait3A_130 : memref<5120x128xf32, #tpu.memory_space<vmem_shared>>)
          tpu.yield
        }) : () -> ()
        %add3A_111 = arith.constant 3 : i32
        %add3A_112 = arith.addi %add3A_89, %add3A_111 : i32
        %mul3A_113 = arith.constant 128 : i32
        %mul3A_114 = arith.muli %add3A_112, %mul3A_113 : i32
        %lt3A_115 = arith.cmpi slt, %mul3A_114, %squeeze3A : i32
        %convert_element_type3A_116 = arith.extui %lt3A_115 : i1 to i32
        %cond3A_117 = arith.constant 0 : i32
        %cond3A_118 = arith.cmpi ne, %convert_element_type3A_116, %cond3A_117 : i32
        scf.if %cond3A_118 {
          %add3A_119 = arith.constant 3 : i32
          %add3A_120 = arith.addi %add3A_89, %add3A_119 : i32
          %dma_start3A = arith.constant 0 : i32
          %dma_start3A_121 = tpu.memref_slice %arg7[%add3A_120, %dma_start3A] : memref<81x128xi32, #tpu.memory_space<vmem>> -> memref<1x128xi32, #tpu.memory_space<vmem>>
          %dma_start3A_122 = tpu.memref_squeeze %dma_start3A_121 : memref<1x128xi32, #tpu.memory_space<vmem>> -> memref<128xi32, #tpu.memory_space<vmem>>
          %dma_start3A_123 = arith.constant 0 : i32
          %dma_start3A_124 = arith.constant 0 : i32
          %dma_start3A_125 = tpu.memref_slice %arg5[%dma_start3A_123, %dma_start3A_124] : memref<10240x128xf32, #tpu.memory_space<hbm>> -> memref<10240x128xf32, #tpu.memory_space<hbm>>
          tpu.enqueue_indirect_dma source(%dma_start3A_125 : memref<10240x128xf32, #tpu.memory_space<hbm>>) target(%arg11 : memref<128x128xf32, #tpu.memory_space<vmem>>) offsets(%dma_start3A_122 : memref<128xi32, #tpu.memory_space<vmem>>) semaphore(%arg15 : memref<!tpu.dma_semaphore, #tpu.memory_space<semaphore_mem>>)
        } else {
        }
      } else {
      }
      %mul3A_96 = arith.constant 3 : i32
      %mul3A_97 = arith.muli %mul3A_96, %scan3A_76 : i32
      %add3A_98 = arith.constant 2 : i32
      %add3A_99 = arith.addi %mul3A_97, %add3A_98 : i32
      %mul3A_100 = arith.constant 128 : i32
      %mul3A_101 = arith.muli %add3A_99, %mul3A_100 : i32
      %lt3A_102 = arith.cmpi slt, %mul3A_101, %squeeze3A : i32
      %convert_element_type3A_103 = arith.extui %lt3A_102 : i1 to i32
      %cond3A_104 = arith.constant 0 : i32
      %cond3A_105 = arith.cmpi ne, %convert_element_type3A_103, %cond3A_104 : i32
      scf.if %cond3A_105 {
        %dma_wait3A = arith.constant 0 : i32
        %dma_wait3A_106 = tpu.memref_slice %arg7[%add3A_99, %dma_wait3A] : memref<81x128xi32, #tpu.memory_space<vmem>> -> memref<1x128xi32, #tpu.memory_space<vmem>>
        %dma_wait3A_107 = tpu.memref_squeeze %dma_wait3A_106 : memref<1x128xi32, #tpu.memory_space<vmem>> -> memref<128xi32, #tpu.memory_space<vmem>>
        %dma_wait3A_108 = arith.constant 0 : i32
        %dma_wait3A_109 = arith.constant 0 : i32
        %dma_wait3A_110 = tpu.memref_slice %arg5[%dma_wait3A_108, %dma_wait3A_109] : memref<10240x128xf32, #tpu.memory_space<hbm>> -> memref<10240x128xf32, #tpu.memory_space<hbm>>
        tpu.wait_indirect_dma semaphore(%arg16 : memref<!tpu.dma_semaphore, #tpu.memory_space<semaphore_mem>>) src(%dma_wait3A_110 : memref<10240x128xf32, #tpu.memory_space<hbm>>) dst(%arg12 : memref<128x128xf32, #tpu.memory_space<vmem>>)
        "tpu.region"() ({
          %run_scoped3A_119 = tpu.sem_alloc : memref<!tpu.dma_semaphore, #tpu.memory_space<semaphore_mem>>
          %dma_start3A = arith.constant 0 : i32
          %dma_start3A_120 = tpu.memref_slice %arg8[%add3A_99, %dma_start3A] : memref<81x128xi32, #tpu.memory_space<vmem>> -> memref<1x128xi32, #tpu.memory_space<vmem>>
          %dma_start3A_121 = tpu.memref_squeeze %dma_start3A_120 : memref<1x128xi32, #tpu.memory_space<vmem>> -> memref<128xi32, #tpu.memory_space<vmem>>
          %dma_start3A_122 = arith.constant 0 : i32
          %dma_start3A_123 = arith.constant 0 : i32
          %dma_start3A_124 = tpu.memref_slice %arg13[%dma_start3A_122, %dma_start3A_123] : memref<5120x128xf32, #tpu.memory_space<vmem_shared>> -> memref<5120x128xf32, #tpu.memory_space<vmem_shared>>
          tpu.enqueue_indirect_dma source(%arg12 : memref<128x128xf32, #tpu.memory_space<vmem>>) target(%dma_start3A_124 : memref<5120x128xf32, #tpu.memory_space<vmem_shared>>) offsets(%dma_start3A_121 : memref<128xi32, #tpu.memory_space<vmem>>) semaphore(%run_scoped3A_119 : memref<!tpu.dma_semaphore, #tpu.memory_space<semaphore_mem>>) {add = true}
          %dma_wait3A_125 = arith.constant 0 : i32
          %dma_wait3A_126 = tpu.memref_slice %arg8[%add3A_99, %dma_wait3A_125] : memref<81x128xi32, #tpu.memory_space<vmem>> -> memref<1x128xi32, #tpu.memory_space<vmem>>
          %dma_wait3A_127 = tpu.memref_squeeze %dma_wait3A_126 : memref<1x128xi32, #tpu.memory_space<vmem>> -> memref<128xi32, #tpu.memory_space<vmem>>
          %dma_wait3A_128 = arith.constant 0 : i32
          %dma_wait3A_129 = arith.constant 0 : i32
          %dma_wait3A_130 = tpu.memref_slice %arg13[%dma_wait3A_128, %dma_wait3A_129] : memref<5120x128xf32, #tpu.memory_space<vmem_shared>> -> memref<5120x128xf32, #tpu.memory_space<vmem_shared>>
          tpu.wait_indirect_dma semaphore(%run_scoped3A_119 : memref<!tpu.dma_semaphore, #tpu.memory_space<semaphore_mem>>) src(%arg12 : memref<128x128xf32, #tpu.memory_space<vmem>>) dst(%dma_wait3A_130 : memref<5120x128xf32, #tpu.memory_space<vmem_shared>>)
          tpu.yield
        }) : () -> ()
        %add3A_111 = arith.constant 3 : i32
        %add3A_112 = arith.addi %add3A_99, %add3A_111 : i32
        %mul3A_113 = arith.constant 128 : i32
        %mul3A_114 = arith.muli %add3A_112, %mul3A_113 : i32
        %lt3A_115 = arith.cmpi slt, %mul3A_114, %squeeze3A : i32
        %convert_element_type3A_116 = arith.extui %lt3A_115 : i1 to i32
        %cond3A_117 = arith.constant 0 : i32
        %cond3A_118 = arith.cmpi ne, %convert_element_type3A_116, %cond3A_117 : i32
        scf.if %cond3A_118 {
          %add3A_119 = arith.constant 3 : i32
          %add3A_120 = arith.addi %add3A_99, %add3A_119 : i32
          %dma_start3A = arith.constant 0 : i32
          %dma_start3A_121 = tpu.memref_slice %arg7[%add3A_120, %dma_start3A] : memref<81x128xi32, #tpu.memory_space<vmem>> -> memref<1x128xi32, #tpu.memory_space<vmem>>
          %dma_start3A_122 = tpu.memref_squeeze %dma_start3A_121 : memref<1x128xi32, #tpu.memory_space<vmem>> -> memref<128xi32, #tpu.memory_space<vmem>>
          %dma_start3A_123 = arith.constant 0 : i32
          %dma_start3A_124 = arith.constant 0 : i32
          %dma_start3A_125 = tpu.memref_slice %arg5[%dma_start3A_123, %dma_start3A_124] : memref<10240x128xf32, #tpu.memory_space<hbm>> -> memref<10240x128xf32, #tpu.memory_space<hbm>>
          tpu.enqueue_indirect_dma source(%dma_start3A_125 : memref<10240x128xf32, #tpu.memory_space<hbm>>) target(%arg12 : memref<128x128xf32, #tpu.memory_space<vmem>>) offsets(%dma_start3A_122 : memref<128xi32, #tpu.memory_space<vmem>>) semaphore(%arg16 : memref<!tpu.dma_semaphore, #tpu.memory_space<semaphore_mem>>)
        } else {
        }
      } else {
      }
    }
    %scan3A_26 = arith.constant 27 : i32
    %barrier3A_27 = arith.constant 0 : index
    tpu.barrier barrier_id(%barrier3A_27)
    %mul3A_28 = arith.constant 320 : i32
    %mul3A_29 = arith.muli %arg1, %mul3A_28 : i32
    %mul3A_30 = arith.constant 320 : i32
    %mul3A_31 = arith.muli %arg1, %mul3A_30 : i32
    %add3A_32 = arith.constant 0 : i32
    %add3A_33 = arith.addi %add3A_32, %mul3A_31 : i32
    "tpu.region"() ({
      %run_scoped3A_76 = tpu.sem_alloc : memref<!tpu.dma_semaphore, #tpu.memory_space<semaphore_mem>>
      %dma_start3A = arith.constant 0 : i32
      %dma_start3A_77 = tpu.memref_slice %arg6[%arg0, %add3A_33, %dma_start3A] : memref<2x10240x128xf32, #tpu.memory_space<hbm>> -> memref<1x320x128xf32, #tpu.memory_space<hbm>>
      %dma_start3A_78 = tpu.memref_squeeze %dma_start3A_77 : memref<1x320x128xf32, #tpu.memory_space<hbm>> -> memref<320x128xf32, #tpu.memory_space<hbm>>
      %dma_start3A_79 = arith.constant 0 : i32
      %dma_start3A_80 = tpu.memref_slice %arg13[%mul3A_29, %dma_start3A_79] : memref<5120x128xf32, #tpu.memory_space<vmem_shared>> -> memref<320x128xf32, #tpu.memory_space<vmem_shared>>
      tpu.enqueue_dma source(%dma_start3A_80 : memref<320x128xf32, #tpu.memory_space<vmem_shared>>) target(%dma_start3A_78 : memref<320x128xf32, #tpu.memory_space<hbm>>) target_semaphore(%run_scoped3A_76 : memref<!tpu.dma_semaphore, #tpu.memory_space<semaphore_mem>>)
      %dma_wait3A = arith.constant 0 : i32
      %dma_wait3A_81 = tpu.memref_slice %arg6[%arg0, %add3A_33, %dma_wait3A] : memref<2x10240x128xf32, #tpu.memory_space<hbm>> -> memref<1x320x128xf32, #tpu.memory_space<hbm>>
      %dma_wait3A_82 = tpu.memref_squeeze %dma_wait3A_81 : memref<1x320x128xf32, #tpu.memory_space<hbm>> -> memref<320x128xf32, #tpu.memory_space<hbm>>
      %dma_wait3A_83 = arith.constant 0 : i32
      %dma_wait3A_84 = tpu.memref_slice %arg13[%mul3A_29, %dma_wait3A_83] : memref<5120x128xf32, #tpu.memory_space<vmem_shared>> -> memref<320x128xf32, #tpu.memory_space<vmem_shared>>
      tpu.wait_dma2 semaphore(%run_scoped3A_76 : memref<!tpu.dma_semaphore, #tpu.memory_space<semaphore_mem>>) src(%dma_wait3A_84 : memref<320x128xf32, #tpu.memory_space<vmem_shared>>) dst(%dma_wait3A_82 : memref<320x128xf32, #tpu.memory_space<hbm>>)
      tpu.yield
    }) : () -> ()
    %run_scoped3A_34 = arith.constant 1 : i32
    "tpu.region"() ({
      %run_scoped3A_76 = tpu.sem_alloc : memref<!tpu.dma_semaphore, #tpu.memory_space<semaphore_mem>>
      %dma_start3A = arith.constant 0 : i32
      %dma_start3A_77 = arith.constant 0 : i32
      %dma_start3A_78 = tpu.memref_slice %arg2[%add3A, %run_scoped3A_34, %dma_start3A, %dma_start3A_77] : memref<32x2x81x128xi32, #tpu.memory_space<hbm>> -> memref<1x1x81x128xi32, #tpu.memory_space<hbm>>
      %dma_start3A_79 = tpu.memref_squeeze %dma_start3A_78 : memref<1x1x81x128xi32, #tpu.memory_space<hbm>> -> memref<81x128xi32, #tpu.memory_space<hbm>>
      %dma_start3A_80 = arith.constant 0 : i32
      %dma_start3A_81 = arith.constant 0 : i32
      %dma_start3A_82 = tpu.memref_slice %arg2[%add3A, %run_scoped3A_34, %dma_start3A_80, %dma_start3A_81] : memref<32x2x81x128xi32, #tpu.memory_space<hbm>> -> memref<1x1x81x128xi32, #tpu.memory_space<hbm>>
      %dma_start3A_83 = tpu.memref_squeeze %dma_start3A_82 : memref<1x1x81x128xi32, #tpu.memory_space<hbm>> -> memref<81x128xi32, #tpu.memory_space<hbm>>
      tpu.enqueue_dma source(%dma_start3A_83 : memref<81x128xi32, #tpu.memory_space<hbm>>) target(%arg7 : memref<81x128xi32, #tpu.memory_space<vmem>>) target_semaphore(%run_scoped3A_76 : memref<!tpu.dma_semaphore, #tpu.memory_space<semaphore_mem>>)
      %dma_wait3A = arith.constant 0 : i32
      %dma_wait3A_84 = arith.constant 0 : i32
      %dma_wait3A_85 = tpu.memref_slice %arg2[%add3A, %run_scoped3A_34, %dma_wait3A, %dma_wait3A_84] : memref<32x2x81x128xi32, #tpu.memory_space<hbm>> -> memref<1x1x81x128xi32, #tpu.memory_space<hbm>>
      %dma_wait3A_86 = tpu.memref_squeeze %dma_wait3A_85 : memref<1x1x81x128xi32, #tpu.memory_space<hbm>> -> memref<81x128xi32, #tpu.memory_space<hbm>>
      %dma_wait3A_87 = arith.constant 0 : i32
      %dma_wait3A_88 = arith.constant 0 : i32
      %dma_wait3A_89 = tpu.memref_slice %arg2[%add3A, %run_scoped3A_34, %dma_wait3A_87, %dma_wait3A_88] : memref<32x2x81x128xi32, #tpu.memory_space<hbm>> -> memref<1x1x81x128xi32, #tpu.memory_space<hbm>>
      %dma_wait3A_90 = tpu.memref_squeeze %dma_wait3A_89 : memref<1x1x81x128xi32, #tpu.memory_space<hbm>> -> memref<81x128xi32, #tpu.memory_space<hbm>>
      tpu.wait_dma2 semaphore(%run_scoped3A_76 : memref<!tpu.dma_semaphore, #tpu.memory_space<semaphore_mem>>) src(%dma_wait3A_90 : memref<81x128xi32, #tpu.memory_space<hbm>>) dst(%arg7 : memref<81x128xi32, #tpu.memory_space<vmem>>)
      tpu.yield
    }) : () -> ()
    %run_scoped3A_35 = arith.constant 1 : i32
    "tpu.region"() ({
      %run_scoped3A_76 = tpu.sem_alloc : memref<!tpu.dma_semaphore, #tpu.memory_space<semaphore_mem>>
      %dma_start3A = arith.constant 0 : i32
      %dma_start3A_77 = arith.constant 0 : i32
      %dma_start3A_78 = tpu.memref_slice %arg3[%add3A, %run_scoped3A_35, %dma_start3A, %dma_start3A_77] : memref<32x2x81x128xi32, #tpu.memory_space<hbm>> -> memref<1x1x81x128xi32, #tpu.memory_space<hbm>>
      %dma_start3A_79 = tpu.memref_squeeze %dma_start3A_78 : memref<1x1x81x128xi32, #tpu.memory_space<hbm>> -> memref<81x128xi32, #tpu.memory_space<hbm>>
      %dma_start3A_80 = arith.constant 0 : i32
      %dma_start3A_81 = arith.constant 0 : i32
      %dma_start3A_82 = tpu.memref_slice %arg3[%add3A, %run_scoped3A_35, %dma_start3A_80, %dma_start3A_81] : memref<32x2x81x128xi32, #tpu.memory_space<hbm>> -> memref<1x1x81x128xi32, #tpu.memory_space<hbm>>
      %dma_start3A_83 = tpu.memref_squeeze %dma_start3A_82 : memref<1x1x81x128xi32, #tpu.memory_space<hbm>> -> memref<81x128xi32, #tpu.memory_space<hbm>>
      tpu.enqueue_dma source(%dma_start3A_83 : memref<81x128xi32, #tpu.memory_space<hbm>>) target(%arg8 : memref<81x128xi32, #tpu.memory_space<vmem>>) target_semaphore(%run_scoped3A_76 : memref<!tpu.dma_semaphore, #tpu.memory_space<semaphore_mem>>)
      %dma_wait3A = arith.constant 0 : i32
      %dma_wait3A_84 = arith.constant 0 : i32
      %dma_wait3A_85 = tpu.memref_slice %arg3[%add3A, %run_scoped3A_35, %dma_wait3A, %dma_wait3A_84] : memref<32x2x81x128xi32, #tpu.memory_space<hbm>> -> memref<1x1x81x128xi32, #tpu.memory_space<hbm>>
      %dma_wait3A_86 = tpu.memref_squeeze %dma_wait3A_85 : memref<1x1x81x128xi32, #tpu.memory_space<hbm>> -> memref<81x128xi32, #tpu.memory_space<hbm>>
      %dma_wait3A_87 = arith.constant 0 : i32
      %dma_wait3A_88 = arith.constant 0 : i32
      %dma_wait3A_89 = tpu.memref_slice %arg3[%add3A, %run_scoped3A_35, %dma_wait3A_87, %dma_wait3A_88] : memref<32x2x81x128xi32, #tpu.memory_space<hbm>> -> memref<1x1x81x128xi32, #tpu.memory_space<hbm>>
      %dma_wait3A_90 = tpu.memref_squeeze %dma_wait3A_89 : memref<1x1x81x128xi32, #tpu.memory_space<hbm>> -> memref<81x128xi32, #tpu.memory_space<hbm>>
      tpu.wait_dma2 semaphore(%run_scoped3A_76 : memref<!tpu.dma_semaphore, #tpu.memory_space<semaphore_mem>>) src(%dma_wait3A_90 : memref<81x128xi32, #tpu.memory_space<hbm>>) dst(%arg8 : memref<81x128xi32, #tpu.memory_space<vmem>>)
      tpu.yield
    }) : () -> ()
    %get3A_36 = arith.constant 0 : index
    %get3A_37 = tpu.vector_load %arg9[%get3A_36] {strides = array<i32>} : memref<16xi32, #tpu.memory_space<vmem>>, vector<16xi32>,
    %get3A_38 = vector.shape_cast %get3A_37 : vector<16xi32> to vector<16xi32>
    %slice3A_39 = vector.extract_strided_slice %get3A_38 {offsets = [1], sizes = [1], strides = [1]} : vector<16xi32> to vector<1xi32>
    %squeeze3A_40 = vector.extract %slice3A_39[0] : i32 from vector<1xi32>
    %mul3A_41 = arith.constant 320 : i32
    %mul3A_42 = arith.muli %arg1, %mul3A_41 : i32
    %add3A_43 = arith.constant 5120 : i32
    %add3A_44 = arith.addi %add3A_43, %mul3A_42 : i32
    %mul3A_45 = arith.constant 320 : i32
    %mul3A_46 = arith.muli %arg1, %mul3A_45 : i32
    "tpu.region"() ({
      %run_scoped3A_76 = tpu.sem_alloc : memref<!tpu.dma_semaphore, #tpu.memory_space<semaphore_mem>>
      %dma_start3A = arith.constant 0 : i32
      %dma_start3A_77 = tpu.memref_slice %arg13[%mul3A_46, %dma_start3A] : memref<5120x128xf32, #tpu.memory_space<vmem_shared>> -> memref<320x128xf32, #tpu.memory_space<vmem_shared>>
      %dma_start3A_78 = arith.constant 0 : i32
      %dma_start3A_79 = tpu.memref_slice %arg5[%add3A_44, %dma_start3A_78] : memref<10240x128xf32, #tpu.memory_space<hbm>> -> memref<320x128xf32, #tpu.memory_space<hbm>>
      tpu.enqueue_dma source(%dma_start3A_79 : memref<320x128xf32, #tpu.memory_space<hbm>>) target(%dma_start3A_77 : memref<320x128xf32, #tpu.memory_space<vmem_shared>>) target_semaphore(%run_scoped3A_76 : memref<!tpu.dma_semaphore, #tpu.memory_space<semaphore_mem>>)
      %dma_wait3A = arith.constant 0 : i32
      %dma_wait3A_80 = tpu.memref_slice %arg13[%mul3A_46, %dma_wait3A] : memref<5120x128xf32, #tpu.memory_space<vmem_shared>> -> memref<320x128xf32, #tpu.memory_space<vmem_shared>>
      %dma_wait3A_81 = arith.constant 0 : i32
      %dma_wait3A_82 = tpu.memref_slice %arg5[%add3A_44, %dma_wait3A_81] : memref<10240x128xf32, #tpu.memory_space<hbm>> -> memref<320x128xf32, #tpu.memory_space<hbm>>
      tpu.wait_dma2 semaphore(%run_scoped3A_76 : memref<!tpu.dma_semaphore, #tpu.memory_space<semaphore_mem>>) src(%dma_wait3A_82 : memref<320x128xf32, #tpu.memory_space<hbm>>) dst(%dma_wait3A_80 : memref<320x128xf32, #tpu.memory_space<vmem_shared>>)
      tpu.yield
    }) : () -> ()
    %barrier3A_47 = arith.constant 0 : index
    tpu.barrier barrier_id(%barrier3A_47)
    %gt3A_48 = arith.constant 0 : i32
    %gt3A_49 = arith.cmpi sgt, %squeeze3A_40, %gt3A_48 : i32
    %convert_element_type3A_50 = arith.extui %gt3A_49 : i1 to i32
    %cond3A_51 = arith.constant 0 : i32
    %cond3A_52 = arith.cmpi ne, %convert_element_type3A_50, %cond3A_51 : i32
    scf.if %cond3A_52 {
      %dma_start3A = arith.constant 0 : i32
      %dma_start3A_76 = arith.constant 0 : i32
      %dma_start3A_77 = tpu.memref_slice %arg7[%dma_start3A, %dma_start3A_76] : memref<81x128xi32, #tpu.memory_space<vmem>> -> memref<1x128xi32, #tpu.memory_space<vmem>>
      %dma_start3A_78 = tpu.memref_squeeze %dma_start3A_77 : memref<1x128xi32, #tpu.memory_space<vmem>> -> memref<128xi32, #tpu.memory_space<vmem>>
      %dma_start3A_79 = arith.constant 0 : i32
      %dma_start3A_80 = arith.constant 0 : i32
      %dma_start3A_81 = tpu.memref_slice %arg5[%dma_start3A_79, %dma_start3A_80] : memref<10240x128xf32, #tpu.memory_space<hbm>> -> memref<10240x128xf32, #tpu.memory_space<hbm>>
      tpu.enqueue_indirect_dma source(%dma_start3A_81 : memref<10240x128xf32, #tpu.memory_space<hbm>>) target(%arg10 : memref<128x128xf32, #tpu.memory_space<vmem>>) offsets(%dma_start3A_78 : memref<128xi32, #tpu.memory_space<vmem>>) semaphore(%arg14 : memref<!tpu.dma_semaphore, #tpu.memory_space<semaphore_mem>>)
    } else {
    }
    %gt3A_53 = arith.constant 128 : i32
    %gt3A_54 = arith.cmpi sgt, %squeeze3A_40, %gt3A_53 : i32
    %convert_element_type3A_55 = arith.extui %gt3A_54 : i1 to i32
    %cond3A_56 = arith.constant 0 : i32
    %cond3A_57 = arith.cmpi ne, %convert_element_type3A_55, %cond3A_56 : i32
    scf.if %cond3A_57 {
      %dma_start3A = arith.constant 1 : i32
      %dma_start3A_76 = arith.constant 0 : i32
      %dma_start3A_77 = tpu.memref_slice %arg7[%dma_start3A, %dma_start3A_76] : memref<81x128xi32, #tpu.memory_space<vmem>> -> memref<1x128xi32, #tpu.memory_space<vmem>>
      %dma_start3A_78 = tpu.memref_squeeze %dma_start3A_77 : memref<1x128xi32, #tpu.memory_space<vmem>> -> memref<128xi32, #tpu.memory_space<vmem>>
      %dma_start3A_79 = arith.constant 0 : i32
      %dma_start3A_80 = arith.constant 0 : i32
      %dma_start3A_81 = tpu.memref_slice %arg5[%dma_start3A_79, %dma_start3A_80] : memref<10240x128xf32, #tpu.memory_space<hbm>> -> memref<10240x128xf32, #tpu.memory_space<hbm>>
      tpu.enqueue_indirect_dma source(%dma_start3A_81 : memref<10240x128xf32, #tpu.memory_space<hbm>>) target(%arg11 : memref<128x128xf32, #tpu.memory_space<vmem>>) offsets(%dma_start3A_78 : memref<128xi32, #tpu.memory_space<vmem>>) semaphore(%arg15 : memref<!tpu.dma_semaphore, #tpu.memory_space<semaphore_mem>>)
    } else {
    }
    %gt3A_58 = arith.constant 256 : i32
    %gt3A_59 = arith.cmpi sgt, %squeeze3A_40, %gt3A_58 : i32
    %convert_element_type3A_60 = arith.extui %gt3A_59 : i1 to i32
    %cond3A_61 = arith.constant 0 : i32
    %cond3A_62 = arith.cmpi ne, %convert_element_type3A_60, %cond3A_61 : i32
    scf.if %cond3A_62 {
      %dma_start3A = arith.constant 2 : i32
      %dma_start3A_76 = arith.constant 0 : i32
      %dma_start3A_77 = tpu.memref_slice %arg7[%dma_start3A, %dma_start3A_76] : memref<81x128xi32, #tpu.memory_space<vmem>> -> memref<1x128xi32, #tpu.memory_space<vmem>>
      %dma_start3A_78 = tpu.memref_squeeze %dma_start3A_77 : memref<1x128xi32, #tpu.memory_space<vmem>> -> memref<128xi32, #tpu.memory_space<vmem>>
      %dma_start3A_79 = arith.constant 0 : i32
      %dma_start3A_80 = arith.constant 0 : i32
      %dma_start3A_81 = tpu.memref_slice %arg5[%dma_start3A_79, %dma_start3A_80] : memref<10240x128xf32, #tpu.memory_space<hbm>> -> memref<10240x128xf32, #tpu.memory_space<hbm>>
      tpu.enqueue_indirect_dma source(%dma_start3A_81 : memref<10240x128xf32, #tpu.memory_space<hbm>>) target(%arg12 : memref<128x128xf32, #tpu.memory_space<vmem>>) offsets(%dma_start3A_78 : memref<128xi32, #tpu.memory_space<vmem>>) semaphore(%arg16 : memref<!tpu.dma_semaphore, #tpu.memory_space<semaphore_mem>>)
    } else {
    }
    %scan3A_63 = arith.constant 0 : i32
    %scan3A_64 = arith.constant 0 : i32
    %scan3A_65 = arith.constant 27 : i32
    %scan3A_66 = arith.addi %scan3A_64, %scan3A_65 : i32
    %scan3A_67 = arith.constant 1 : i32
    scf.for %scan3A_76 = %scan3A_64 to %scan3A_66 step %scan3A_67  : i32 {
      %mul3A_77 = arith.constant 3 : i32
      %mul3A_78 = arith.muli %mul3A_77, %scan3A_76 : i32
      %add3A_79 = arith.constant 0 : i32
      %add3A_80 = arith.addi %mul3A_78, %add3A_79 : i32
      %mul3A_81 = arith.constant 128 : i32
      %mul3A_82 = arith.muli %add3A_80, %mul3A_81 : i32
      %lt3A = arith.cmpi slt, %mul3A_82, %squeeze3A_40 : i32
      %convert_element_type3A_83 = arith.extui %lt3A : i1 to i32
      %cond3A_84 = arith.constant 0 : i32
      %cond3A_85 = arith.cmpi ne, %convert_element_type3A_83, %cond3A_84 : i32
      scf.if %cond3A_85 {
        %dma_wait3A = arith.constant 0 : i32
        %dma_wait3A_106 = tpu.memref_slice %arg7[%add3A_80, %dma_wait3A] : memref<81x128xi32, #tpu.memory_space<vmem>> -> memref<1x128xi32, #tpu.memory_space<vmem>>
        %dma_wait3A_107 = tpu.memref_squeeze %dma_wait3A_106 : memref<1x128xi32, #tpu.memory_space<vmem>> -> memref<128xi32, #tpu.memory_space<vmem>>
        %dma_wait3A_108 = arith.constant 0 : i32
        %dma_wait3A_109 = arith.constant 0 : i32
        %dma_wait3A_110 = tpu.memref_slice %arg5[%dma_wait3A_108, %dma_wait3A_109] : memref<10240x128xf32, #tpu.memory_space<hbm>> -> memref<10240x128xf32, #tpu.memory_space<hbm>>
        tpu.wait_indirect_dma semaphore(%arg14 : memref<!tpu.dma_semaphore, #tpu.memory_space<semaphore_mem>>) src(%dma_wait3A_110 : memref<10240x128xf32, #tpu.memory_space<hbm>>) dst(%arg10 : memref<128x128xf32, #tpu.memory_space<vmem>>)
        "tpu.region"() ({
          %run_scoped3A_119 = tpu.sem_alloc : memref<!tpu.dma_semaphore, #tpu.memory_space<semaphore_mem>>
          %dma_start3A = arith.constant 0 : i32
          %dma_start3A_120 = tpu.memref_slice %arg8[%add3A_80, %dma_start3A] : memref<81x128xi32, #tpu.memory_space<vmem>> -> memref<1x128xi32, #tpu.memory_space<vmem>>
          %dma_start3A_121 = tpu.memref_squeeze %dma_start3A_120 : memref<1x128xi32, #tpu.memory_space<vmem>> -> memref<128xi32, #tpu.memory_space<vmem>>
          %dma_start3A_122 = arith.constant 0 : i32
          %dma_start3A_123 = arith.constant 0 : i32
          %dma_start3A_124 = tpu.memref_slice %arg13[%dma_start3A_122, %dma_start3A_123] : memref<5120x128xf32, #tpu.memory_space<vmem_shared>> -> memref<5120x128xf32, #tpu.memory_space<vmem_shared>>
          tpu.enqueue_indirect_dma source(%arg10 : memref<128x128xf32, #tpu.memory_space<vmem>>) target(%dma_start3A_124 : memref<5120x128xf32, #tpu.memory_space<vmem_shared>>) offsets(%dma_start3A_121 : memref<128xi32, #tpu.memory_space<vmem>>) semaphore(%run_scoped3A_119 : memref<!tpu.dma_semaphore, #tpu.memory_space<semaphore_mem>>) {add = true}
          %dma_wait3A_125 = arith.constant 0 : i32
          %dma_wait3A_126 = tpu.memref_slice %arg8[%add3A_80, %dma_wait3A_125] : memref<81x128xi32, #tpu.memory_space<vmem>> -> memref<1x128xi32, #tpu.memory_space<vmem>>
          %dma_wait3A_127 = tpu.memref_squeeze %dma_wait3A_126 : memref<1x128xi32, #tpu.memory_space<vmem>> -> memref<128xi32, #tpu.memory_space<vmem>>
          %dma_wait3A_128 = arith.constant 0 : i32
          %dma_wait3A_129 = arith.constant 0 : i32
          %dma_wait3A_130 = tpu.memref_slice %arg13[%dma_wait3A_128, %dma_wait3A_129] : memref<5120x128xf32, #tpu.memory_space<vmem_shared>> -> memref<5120x128xf32, #tpu.memory_space<vmem_shared>>
          tpu.wait_indirect_dma semaphore(%run_scoped3A_119 : memref<!tpu.dma_semaphore, #tpu.memory_space<semaphore_mem>>) src(%arg10 : memref<128x128xf32, #tpu.memory_space<vmem>>) dst(%dma_wait3A_130 : memref<5120x128xf32, #tpu.memory_space<vmem_shared>>)
          tpu.yield
        }) : () -> ()
        %add3A_111 = arith.constant 3 : i32
        %add3A_112 = arith.addi %add3A_80, %add3A_111 : i32
        %mul3A_113 = arith.constant 128 : i32
        %mul3A_114 = arith.muli %add3A_112, %mul3A_113 : i32
        %lt3A_115 = arith.cmpi slt, %mul3A_114, %squeeze3A_40 : i32
        %convert_element_type3A_116 = arith.extui %lt3A_115 : i1 to i32
        %cond3A_117 = arith.constant 0 : i32
        %cond3A_118 = arith.cmpi ne, %convert_element_type3A_116, %cond3A_117 : i32
        scf.if %cond3A_118 {
          %add3A_119 = arith.constant 3 : i32
          %add3A_120 = arith.addi %add3A_80, %add3A_119 : i32
          %dma_start3A = arith.constant 0 : i32
          %dma_start3A_121 = tpu.memref_slice %arg7[%add3A_120, %dma_start3A] : memref<81x128xi32, #tpu.memory_space<vmem>> -> memref<1x128xi32, #tpu.memory_space<vmem>>
          %dma_start3A_122 = tpu.memref_squeeze %dma_start3A_121 : memref<1x128xi32, #tpu.memory_space<vmem>> -> memref<128xi32, #tpu.memory_space<vmem>>
          %dma_start3A_123 = arith.constant 0 : i32
          %dma_start3A_124 = arith.constant 0 : i32
          %dma_start3A_125 = tpu.memref_slice %arg5[%dma_start3A_123, %dma_start3A_124] : memref<10240x128xf32, #tpu.memory_space<hbm>> -> memref<10240x128xf32, #tpu.memory_space<hbm>>
          tpu.enqueue_indirect_dma source(%dma_start3A_125 : memref<10240x128xf32, #tpu.memory_space<hbm>>) target(%arg10 : memref<128x128xf32, #tpu.memory_space<vmem>>) offsets(%dma_start3A_122 : memref<128xi32, #tpu.memory_space<vmem>>) semaphore(%arg14 : memref<!tpu.dma_semaphore, #tpu.memory_space<semaphore_mem>>)
        } else {
        }
      } else {
      }
      %mul3A_86 = arith.constant 3 : i32
      %mul3A_87 = arith.muli %mul3A_86, %scan3A_76 : i32
      %add3A_88 = arith.constant 1 : i32
      %add3A_89 = arith.addi %mul3A_87, %add3A_88 : i32
      %mul3A_90 = arith.constant 128 : i32
      %mul3A_91 = arith.muli %add3A_89, %mul3A_90 : i32
      %lt3A_92 = arith.cmpi slt, %mul3A_91, %squeeze3A_40 : i32
      %convert_element_type3A_93 = arith.extui %lt3A_92 : i1 to i32
      %cond3A_94 = arith.constant 0 : i32
      %cond3A_95 = arith.cmpi ne, %convert_element_type3A_93, %cond3A_94 : i32
      scf.if %cond3A_95 {
        %dma_wait3A = arith.constant 0 : i32
        %dma_wait3A_106 = tpu.memref_slice %arg7[%add3A_89, %dma_wait3A] : memref<81x128xi32, #tpu.memory_space<vmem>> -> memref<1x128xi32, #tpu.memory_space<vmem>>
        %dma_wait3A_107 = tpu.memref_squeeze %dma_wait3A_106 : memref<1x128xi32, #tpu.memory_space<vmem>> -> memref<128xi32, #tpu.memory_space<vmem>>
        %dma_wait3A_108 = arith.constant 0 : i32
        %dma_wait3A_109 = arith.constant 0 : i32
        %dma_wait3A_110 = tpu.memref_slice %arg5[%dma_wait3A_108, %dma_wait3A_109] : memref<10240x128xf32, #tpu.memory_space<hbm>> -> memref<10240x128xf32, #tpu.memory_space<hbm>>
        tpu.wait_indirect_dma semaphore(%arg15 : memref<!tpu.dma_semaphore, #tpu.memory_space<semaphore_mem>>) src(%dma_wait3A_110 : memref<10240x128xf32, #tpu.memory_space<hbm>>) dst(%arg11 : memref<128x128xf32, #tpu.memory_space<vmem>>)
        "tpu.region"() ({
          %run_scoped3A_119 = tpu.sem_alloc : memref<!tpu.dma_semaphore, #tpu.memory_space<semaphore_mem>>
          %dma_start3A = arith.constant 0 : i32
          %dma_start3A_120 = tpu.memref_slice %arg8[%add3A_89, %dma_start3A] : memref<81x128xi32, #tpu.memory_space<vmem>> -> memref<1x128xi32, #tpu.memory_space<vmem>>
          %dma_start3A_121 = tpu.memref_squeeze %dma_start3A_120 : memref<1x128xi32, #tpu.memory_space<vmem>> -> memref<128xi32, #tpu.memory_space<vmem>>
          %dma_start3A_122 = arith.constant 0 : i32
          %dma_start3A_123 = arith.constant 0 : i32
          %dma_start3A_124 = tpu.memref_slice %arg13[%dma_start3A_122, %dma_start3A_123] : memref<5120x128xf32, #tpu.memory_space<vmem_shared>> -> memref<5120x128xf32, #tpu.memory_space<vmem_shared>>
          tpu.enqueue_indirect_dma source(%arg11 : memref<128x128xf32, #tpu.memory_space<vmem>>) target(%dma_start3A_124 : memref<5120x128xf32, #tpu.memory_space<vmem_shared>>) offsets(%dma_start3A_121 : memref<128xi32, #tpu.memory_space<vmem>>) semaphore(%run_scoped3A_119 : memref<!tpu.dma_semaphore, #tpu.memory_space<semaphore_mem>>) {add = true}
          %dma_wait3A_125 = arith.constant 0 : i32
          %dma_wait3A_126 = tpu.memref_slice %arg8[%add3A_89, %dma_wait3A_125] : memref<81x128xi32, #tpu.memory_space<vmem>> -> memref<1x128xi32, #tpu.memory_space<vmem>>
          %dma_wait3A_127 = tpu.memref_squeeze %dma_wait3A_126 : memref<1x128xi32, #tpu.memory_space<vmem>> -> memref<128xi32, #tpu.memory_space<vmem>>
          %dma_wait3A_128 = arith.constant 0 : i32
          %dma_wait3A_129 = arith.constant 0 : i32
          %dma_wait3A_130 = tpu.memref_slice %arg13[%dma_wait3A_128, %dma_wait3A_129] : memref<5120x128xf32, #tpu.memory_space<vmem_shared>> -> memref<5120x128xf32, #tpu.memory_space<vmem_shared>>
          tpu.wait_indirect_dma semaphore(%run_scoped3A_119 : memref<!tpu.dma_semaphore, #tpu.memory_space<semaphore_mem>>) src(%arg11 : memref<128x128xf32, #tpu.memory_space<vmem>>) dst(%dma_wait3A_130 : memref<5120x128xf32, #tpu.memory_space<vmem_shared>>)
          tpu.yield
        }) : () -> ()
        %add3A_111 = arith.constant 3 : i32
        %add3A_112 = arith.addi %add3A_89, %add3A_111 : i32
        %mul3A_113 = arith.constant 128 : i32
        %mul3A_114 = arith.muli %add3A_112, %mul3A_113 : i32
        %lt3A_115 = arith.cmpi slt, %mul3A_114, %squeeze3A_40 : i32
        %convert_element_type3A_116 = arith.extui %lt3A_115 : i1 to i32
        %cond3A_117 = arith.constant 0 : i32
        %cond3A_118 = arith.cmpi ne, %convert_element_type3A_116, %cond3A_117 : i32
        scf.if %cond3A_118 {
          %add3A_119 = arith.constant 3 : i32
          %add3A_120 = arith.addi %add3A_89, %add3A_119 : i32
          %dma_start3A = arith.constant 0 : i32
          %dma_start3A_121 = tpu.memref_slice %arg7[%add3A_120, %dma_start3A] : memref<81x128xi32, #tpu.memory_space<vmem>> -> memref<1x128xi32, #tpu.memory_space<vmem>>
          %dma_start3A_122 = tpu.memref_squeeze %dma_start3A_121 : memref<1x128xi32, #tpu.memory_space<vmem>> -> memref<128xi32, #tpu.memory_space<vmem>>
          %dma_start3A_123 = arith.constant 0 : i32
          %dma_start3A_124 = arith.constant 0 : i32
          %dma_start3A_125 = tpu.memref_slice %arg5[%dma_start3A_123, %dma_start3A_124] : memref<10240x128xf32, #tpu.memory_space<hbm>> -> memref<10240x128xf32, #tpu.memory_space<hbm>>
          tpu.enqueue_indirect_dma source(%dma_start3A_125 : memref<10240x128xf32, #tpu.memory_space<hbm>>) target(%arg11 : memref<128x128xf32, #tpu.memory_space<vmem>>) offsets(%dma_start3A_122 : memref<128xi32, #tpu.memory_space<vmem>>) semaphore(%arg15 : memref<!tpu.dma_semaphore, #tpu.memory_space<semaphore_mem>>)
        } else {
        }
      } else {
      }
      %mul3A_96 = arith.constant 3 : i32
      %mul3A_97 = arith.muli %mul3A_96, %scan3A_76 : i32
      %add3A_98 = arith.constant 2 : i32
      %add3A_99 = arith.addi %mul3A_97, %add3A_98 : i32
      %mul3A_100 = arith.constant 128 : i32
      %mul3A_101 = arith.muli %add3A_99, %mul3A_100 : i32
      %lt3A_102 = arith.cmpi slt, %mul3A_101, %squeeze3A_40 : i32
      %convert_element_type3A_103 = arith.extui %lt3A_102 : i1 to i32
      %cond3A_104 = arith.constant 0 : i32
      %cond3A_105 = arith.cmpi ne, %convert_element_type3A_103, %cond3A_104 : i32
      scf.if %cond3A_105 {
        %dma_wait3A = arith.constant 0 : i32
        %dma_wait3A_106 = tpu.memref_slice %arg7[%add3A_99, %dma_wait3A] : memref<81x128xi32, #tpu.memory_space<vmem>> -> memref<1x128xi32, #tpu.memory_space<vmem>>
        %dma_wait3A_107 = tpu.memref_squeeze %dma_wait3A_106 : memref<1x128xi32, #tpu.memory_space<vmem>> -> memref<128xi32, #tpu.memory_space<vmem>>
        %dma_wait3A_108 = arith.constant 0 : i32
        %dma_wait3A_109 = arith.constant 0 : i32
        %dma_wait3A_110 = tpu.memref_slice %arg5[%dma_wait3A_108, %dma_wait3A_109] : memref<10240x128xf32, #tpu.memory_space<hbm>> -> memref<10240x128xf32, #tpu.memory_space<hbm>>
        tpu.wait_indirect_dma semaphore(%arg16 : memref<!tpu.dma_semaphore, #tpu.memory_space<semaphore_mem>>) src(%dma_wait3A_110 : memref<10240x128xf32, #tpu.memory_space<hbm>>) dst(%arg12 : memref<128x128xf32, #tpu.memory_space<vmem>>)
        "tpu.region"() ({
          %run_scoped3A_119 = tpu.sem_alloc : memref<!tpu.dma_semaphore, #tpu.memory_space<semaphore_mem>>
          %dma_start3A = arith.constant 0 : i32
          %dma_start3A_120 = tpu.memref_slice %arg8[%add3A_99, %dma_start3A] : memref<81x128xi32, #tpu.memory_space<vmem>> -> memref<1x128xi32, #tpu.memory_space<vmem>>
          %dma_start3A_121 = tpu.memref_squeeze %dma_start3A_120 : memref<1x128xi32, #tpu.memory_space<vmem>> -> memref<128xi32, #tpu.memory_space<vmem>>
          %dma_start3A_122 = arith.constant 0 : i32
          %dma_start3A_123 = arith.constant 0 : i32
          %dma_start3A_124 = tpu.memref_slice %arg13[%dma_start3A_122, %dma_start3A_123] : memref<5120x128xf32, #tpu.memory_space<vmem_shared>> -> memref<5120x128xf32, #tpu.memory_space<vmem_shared>>
          tpu.enqueue_indirect_dma source(%arg12 : memref<128x128xf32, #tpu.memory_space<vmem>>) target(%dma_start3A_124 : memref<5120x128xf32, #tpu.memory_space<vmem_shared>>) offsets(%dma_start3A_121 : memref<128xi32, #tpu.memory_space<vmem>>) semaphore(%run_scoped3A_119 : memref<!tpu.dma_semaphore, #tpu.memory_space<semaphore_mem>>) {add = true}
          %dma_wait3A_125 = arith.constant 0 : i32
          %dma_wait3A_126 = tpu.memref_slice %arg8[%add3A_99, %dma_wait3A_125] : memref<81x128xi32, #tpu.memory_space<vmem>> -> memref<1x128xi32, #tpu.memory_space<vmem>>
          %dma_wait3A_127 = tpu.memref_squeeze %dma_wait3A_126 : memref<1x128xi32, #tpu.memory_space<vmem>> -> memref<128xi32, #tpu.memory_space<vmem>>
          %dma_wait3A_128 = arith.constant 0 : i32
          %dma_wait3A_129 = arith.constant 0 : i32
          %dma_wait3A_130 = tpu.memref_slice %arg13[%dma_wait3A_128, %dma_wait3A_129] : memref<5120x128xf32, #tpu.memory_space<vmem_shared>> -> memref<5120x128xf32, #tpu.memory_space<vmem_shared>>
          tpu.wait_indirect_dma semaphore(%run_scoped3A_119 : memref<!tpu.dma_semaphore, #tpu.memory_space<semaphore_mem>>) src(%arg12 : memref<128x128xf32, #tpu.memory_space<vmem>>) dst(%dma_wait3A_130 : memref<5120x128xf32, #tpu.memory_space<vmem_shared>>)
          tpu.yield
        }) : () -> ()
        %add3A_111 = arith.constant 3 : i32
        %add3A_112 = arith.addi %add3A_99, %add3A_111 : i32
        %mul3A_113 = arith.constant 128 : i32
        %mul3A_114 = arith.muli %add3A_112, %mul3A_113 : i32
        %lt3A_115 = arith.cmpi slt, %mul3A_114, %squeeze3A_40 : i32
        %convert_element_type3A_116 = arith.extui %lt3A_115 : i1 to i32
        %cond3A_117 = arith.constant 0 : i32
        %cond3A_118 = arith.cmpi ne, %convert_element_type3A_116, %cond3A_117 : i32
        scf.if %cond3A_118 {
          %add3A_119 = arith.constant 3 : i32
          %add3A_120 = arith.addi %add3A_99, %add3A_119 : i32
          %dma_start3A = arith.constant 0 : i32
          %dma_start3A_121 = tpu.memref_slice %arg7[%add3A_120, %dma_start3A] : memref<81x128xi32, #tpu.memory_space<vmem>> -> memref<1x128xi32, #tpu.memory_space<vmem>>
          %dma_start3A_122 = tpu.memref_squeeze %dma_start3A_121 : memref<1x128xi32, #tpu.memory_space<vmem>> -> memref<128xi32, #tpu.memory_space<vmem>>
          %dma_start3A_123 = arith.constant 0 : i32
          %dma_start3A_124 = arith.constant 0 : i32
          %dma_start3A_125 = tpu.memref_slice %arg5[%dma_start3A_123, %dma_start3A_124] : memref<10240x128xf32, #tpu.memory_space<hbm>> -> memref<10240x128xf32, #tpu.memory_space<hbm>>
          tpu.enqueue_indirect_dma source(%dma_start3A_125 : memref<10240x128xf32, #tpu.memory_space<hbm>>) target(%arg12 : memref<128x128xf32, #tpu.memory_space<vmem>>) offsets(%dma_start3A_122 : memref<128xi32, #tpu.memory_space<vmem>>) semaphore(%arg16 : memref<!tpu.dma_semaphore, #tpu.memory_space<semaphore_mem>>)
        } else {
        }
      } else {
      }
    }
    %scan3A_68 = arith.constant 27 : i32
    %barrier3A_69 = arith.constant 0 : index
    tpu.barrier barrier_id(%barrier3A_69)
    %mul3A_70 = arith.constant 320 : i32
    %mul3A_71 = arith.muli %arg1, %mul3A_70 : i32
    %mul3A_72 = arith.constant 320 : i32
    %mul3A_73 = arith.muli %arg1, %mul3A_72 : i32
    %add3A_74 = arith.constant 5120 : i32
    %add3A_75 = arith.addi %add3A_74, %mul3A_73 : i32
    "tpu.region"() ({
      %run_scoped3A_76 = tpu.sem_alloc : memref<!tpu.dma_semaphore, #tpu.memory_space<semaphore_mem>>
      %dma_start3A = arith.constant 0 : i32
      %dma_start3A_77 = tpu.memref_slice %arg6[%arg0, %add3A_75, %dma_start3A] : memref<2x10240x128xf32, #tpu.memory_space<hbm>> -> memref<1x320x128xf32, #tpu.memory_space<hbm>>
      %dma_start3A_78 = tpu.memref_squeeze %dma_start3A_77 : memref<1x320x128xf32, #tpu.memory_space<hbm>> -> memref<320x128xf32, #tpu.memory_space<hbm>>
      %dma_start3A_79 = arith.constant 0 : i32
      %dma_start3A_80 = tpu.memref_slice %arg13[%mul3A_71, %dma_start3A_79] : memref<5120x128xf32, #tpu.memory_space<vmem_shared>> -> memref<320x128xf32, #tpu.memory_space<vmem_shared>>
      tpu.enqueue_dma source(%dma_start3A_80 : memref<320x128xf32, #tpu.memory_space<vmem_shared>>) target(%dma_start3A_78 : memref<320x128xf32, #tpu.memory_space<hbm>>) target_semaphore(%run_scoped3A_76 : memref<!tpu.dma_semaphore, #tpu.memory_space<semaphore_mem>>)
      %dma_wait3A = arith.constant 0 : i32
      %dma_wait3A_81 = tpu.memref_slice %arg6[%arg0, %add3A_75, %dma_wait3A] : memref<2x10240x128xf32, #tpu.memory_space<hbm>> -> memref<1x320x128xf32, #tpu.memory_space<hbm>>
      %dma_wait3A_82 = tpu.memref_squeeze %dma_wait3A_81 : memref<1x320x128xf32, #tpu.memory_space<hbm>> -> memref<320x128xf32, #tpu.memory_space<hbm>>
      %dma_wait3A_83 = arith.constant 0 : i32
      %dma_wait3A_84 = tpu.memref_slice %arg13[%mul3A_71, %dma_wait3A_83] : memref<5120x128xf32, #tpu.memory_space<vmem_shared>> -> memref<320x128xf32, #tpu.memory_space<vmem_shared>>
      tpu.wait_dma2 semaphore(%run_scoped3A_76 : memref<!tpu.dma_semaphore, #tpu.memory_space<semaphore_mem>>) src(%dma_wait3A_84 : memref<320x128xf32, #tpu.memory_space<vmem_shared>>) dst(%dma_wait3A_82 : memref<320x128xf32, #tpu.memory_space<hbm>>)
      tpu.yield
    }) : () -> ()
    return
  }
}

#map = affine_map<(d0, d1) -> (0, 0, 0)>
#map1 = affine_map<(d0, d1) -> (0)>
#map2 = affine_map<(d0, d1) -> (0, 0)>
module attributes {stable_mosaic.version = 14 : i64} {
  func.func @_sc_prep(%arg0: i32, %arg1: i32, %arg2: memref<32x80x128xi32, #tpu.memory_space<hbm>>, %arg3: memref<32x80x128xi32, #tpu.memory_space<hbm>>, %arg4: memref<32x80x128xi32, #tpu.memory_space<hbm>>, %arg5: memref<32x80x128xi32, #tpu.memory_space<hbm>>, %arg6: memref<20736xi32, #tpu.memory_space<hbm>>, %arg7: memref<20736xi32, #tpu.memory_space<hbm>>, %arg8: memref<10240xf32, #tpu.memory_space<hbm>>, %arg9: memref<2x10240xf32, #tpu.memory_space<hbm>>, %arg10: memref<2x16x20736xi32, #tpu.memory_space<hbm>>, %arg11: memref<2x16x20736xi32, #tpu.memory_space<hbm>>, %arg12: memref<80x128xi32, #tpu.memory_space<vmem>>, %arg13: memref<80x128xi32, #tpu.memory_space<vmem>>, %arg14: memref<80x128xi32, #tpu.memory_space<vmem>>, %arg15: memref<80x128xi32, #tpu.memory_space<vmem>>, %arg16: memref<128xf32, #tpu.memory_space<vmem>>, %arg17: memref<10240xf32, #tpu.memory_space<vmem_shared>>, %arg18: memref<331776xi32, #tpu.memory_space<vmem_shared>>, %arg19: memref<331776xi32, #tpu.memory_space<vmem_shared>>) attributes {dimension_semantics = [#tpu.dimension_semantics<core_parallel>, #tpu.dimension_semantics<subcore_parallel>], iteration_bounds = array<i64: 2, 16>, scalar_prefetch = 0 : i64, scratch_operands = 8 : i64, tpu.core_type = #tpu.core_type<sc_vector_subcore>, window_params = [{transform_indices = #map}, {transform_indices = #map}, {transform_indices = #map}, {transform_indices = #map}, {transform_indices = #map1}, {transform_indices = #map1}, {transform_indices = #map1}, {transform_indices = #map2}, {transform_indices = #map}, {transform_indices = #map}]} {
    %mul3A = arith.constant 16 : i32
    %mul3A_0 = arith.muli %arg0, %mul3A : i32
    %add3A = arith.addi %mul3A_0, %arg1 : i32
    "tpu.region"() ({
      %run_scoped3A = tpu.sem_alloc : memref<!tpu.dma_semaphore, #tpu.memory_space<semaphore_mem>>
      %dma_start3A = arith.constant 0 : i32
      %dma_start3A_69 = arith.constant 0 : i32
      %dma_start3A_70 = tpu.memref_slice %arg2[%add3A, %dma_start3A, %dma_start3A_69] : memref<32x80x128xi32, #tpu.memory_space<hbm>> -> memref<1x80x128xi32, #tpu.memory_space<hbm>>
      %dma_start3A_71 = tpu.memref_squeeze %dma_start3A_70 : memref<1x80x128xi32, #tpu.memory_space<hbm>> -> memref<80x128xi32, #tpu.memory_space<hbm>>
      %dma_start3A_72 = arith.constant 0 : i32
      %dma_start3A_73 = arith.constant 0 : i32
      %dma_start3A_74 = tpu.memref_slice %arg2[%add3A, %dma_start3A_72, %dma_start3A_73] : memref<32x80x128xi32, #tpu.memory_space<hbm>> -> memref<1x80x128xi32, #tpu.memory_space<hbm>>
      %dma_start3A_75 = tpu.memref_squeeze %dma_start3A_74 : memref<1x80x128xi32, #tpu.memory_space<hbm>> -> memref<80x128xi32, #tpu.memory_space<hbm>>
      tpu.enqueue_dma source(%dma_start3A_75 : memref<80x128xi32, #tpu.memory_space<hbm>>) target(%arg12 : memref<80x128xi32, #tpu.memory_space<vmem>>) target_semaphore(%run_scoped3A : memref<!tpu.dma_semaphore, #tpu.memory_space<semaphore_mem>>)
      %dma_wait3A = arith.constant 0 : i32
      %dma_wait3A_76 = arith.constant 0 : i32
      %dma_wait3A_77 = tpu.memref_slice %arg2[%add3A, %dma_wait3A, %dma_wait3A_76] : memref<32x80x128xi32, #tpu.memory_space<hbm>> -> memref<1x80x128xi32, #tpu.memory_space<hbm>>
      %dma_wait3A_78 = tpu.memref_squeeze %dma_wait3A_77 : memref<1x80x128xi32, #tpu.memory_space<hbm>> -> memref<80x128xi32, #tpu.memory_space<hbm>>
      %dma_wait3A_79 = arith.constant 0 : i32
      %dma_wait3A_80 = arith.constant 0 : i32
      %dma_wait3A_81 = tpu.memref_slice %arg2[%add3A, %dma_wait3A_79, %dma_wait3A_80] : memref<32x80x128xi32, #tpu.memory_space<hbm>> -> memref<1x80x128xi32, #tpu.memory_space<hbm>>
      %dma_wait3A_82 = tpu.memref_squeeze %dma_wait3A_81 : memref<1x80x128xi32, #tpu.memory_space<hbm>> -> memref<80x128xi32, #tpu.memory_space<hbm>>
      tpu.wait_dma2 semaphore(%run_scoped3A : memref<!tpu.dma_semaphore, #tpu.memory_space<semaphore_mem>>) src(%dma_wait3A_82 : memref<80x128xi32, #tpu.memory_space<hbm>>) dst(%arg12 : memref<80x128xi32, #tpu.memory_space<vmem>>)
      tpu.yield
    }) : () -> ()
    "tpu.region"() ({
      %run_scoped3A = tpu.sem_alloc : memref<!tpu.dma_semaphore, #tpu.memory_space<semaphore_mem>>
      %dma_start3A = arith.constant 0 : i32
      %dma_start3A_69 = arith.constant 0 : i32
      %dma_start3A_70 = tpu.memref_slice %arg3[%add3A, %dma_start3A, %dma_start3A_69] : memref<32x80x128xi32, #tpu.memory_space<hbm>> -> memref<1x80x128xi32, #tpu.memory_space<hbm>>
      %dma_start3A_71 = tpu.memref_squeeze %dma_start3A_70 : memref<1x80x128xi32, #tpu.memory_space<hbm>> -> memref<80x128xi32, #tpu.memory_space<hbm>>
      %dma_start3A_72 = arith.constant 0 : i32
      %dma_start3A_73 = arith.constant 0 : i32
      %dma_start3A_74 = tpu.memref_slice %arg3[%add3A, %dma_start3A_72, %dma_start3A_73] : memref<32x80x128xi32, #tpu.memory_space<hbm>> -> memref<1x80x128xi32, #tpu.memory_space<hbm>>
      %dma_start3A_75 = tpu.memref_squeeze %dma_start3A_74 : memref<1x80x128xi32, #tpu.memory_space<hbm>> -> memref<80x128xi32, #tpu.memory_space<hbm>>
      tpu.enqueue_dma source(%dma_start3A_75 : memref<80x128xi32, #tpu.memory_space<hbm>>) target(%arg13 : memref<80x128xi32, #tpu.memory_space<vmem>>) target_semaphore(%run_scoped3A : memref<!tpu.dma_semaphore, #tpu.memory_space<semaphore_mem>>)
      %dma_wait3A = arith.constant 0 : i32
      %dma_wait3A_76 = arith.constant 0 : i32
      %dma_wait3A_77 = tpu.memref_slice %arg3[%add3A, %dma_wait3A, %dma_wait3A_76] : memref<32x80x128xi32, #tpu.memory_space<hbm>> -> memref<1x80x128xi32, #tpu.memory_space<hbm>>
      %dma_wait3A_78 = tpu.memref_squeeze %dma_wait3A_77 : memref<1x80x128xi32, #tpu.memory_space<hbm>> -> memref<80x128xi32, #tpu.memory_space<hbm>>
      %dma_wait3A_79 = arith.constant 0 : i32
      %dma_wait3A_80 = arith.constant 0 : i32
      %dma_wait3A_81 = tpu.memref_slice %arg3[%add3A, %dma_wait3A_79, %dma_wait3A_80] : memref<32x80x128xi32, #tpu.memory_space<hbm>> -> memref<1x80x128xi32, #tpu.memory_space<hbm>>
      %dma_wait3A_82 = tpu.memref_squeeze %dma_wait3A_81 : memref<1x80x128xi32, #tpu.memory_space<hbm>> -> memref<80x128xi32, #tpu.memory_space<hbm>>
      tpu.wait_dma2 semaphore(%run_scoped3A : memref<!tpu.dma_semaphore, #tpu.memory_space<semaphore_mem>>) src(%dma_wait3A_82 : memref<80x128xi32, #tpu.memory_space<hbm>>) dst(%arg13 : memref<80x128xi32, #tpu.memory_space<vmem>>)
      tpu.yield
    }) : () -> ()
    "tpu.region"() ({
      %run_scoped3A = tpu.sem_alloc : memref<!tpu.dma_semaphore, #tpu.memory_space<semaphore_mem>>
      %dma_start3A = arith.constant 0 : i32
      %dma_start3A_69 = arith.constant 0 : i32
      %dma_start3A_70 = tpu.memref_slice %arg4[%add3A, %dma_start3A, %dma_start3A_69] : memref<32x80x128xi32, #tpu.memory_space<hbm>> -> memref<1x80x128xi32, #tpu.memory_space<hbm>>
      %dma_start3A_71 = tpu.memref_squeeze %dma_start3A_70 : memref<1x80x128xi32, #tpu.memory_space<hbm>> -> memref<80x128xi32, #tpu.memory_space<hbm>>
      %dma_start3A_72 = arith.constant 0 : i32
      %dma_start3A_73 = arith.constant 0 : i32
      %dma_start3A_74 = tpu.memref_slice %arg4[%add3A, %dma_start3A_72, %dma_start3A_73] : memref<32x80x128xi32, #tpu.memory_space<hbm>> -> memref<1x80x128xi32, #tpu.memory_space<hbm>>
      %dma_start3A_75 = tpu.memref_squeeze %dma_start3A_74 : memref<1x80x128xi32, #tpu.memory_space<hbm>> -> memref<80x128xi32, #tpu.memory_space<hbm>>
      tpu.enqueue_dma source(%dma_start3A_75 : memref<80x128xi32, #tpu.memory_space<hbm>>) target(%arg14 : memref<80x128xi32, #tpu.memory_space<vmem>>) target_semaphore(%run_scoped3A : memref<!tpu.dma_semaphore, #tpu.memory_space<semaphore_mem>>)
      %dma_wait3A = arith.constant 0 : i32
      %dma_wait3A_76 = arith.constant 0 : i32
      %dma_wait3A_77 = tpu.memref_slice %arg4[%add3A, %dma_wait3A, %dma_wait3A_76] : memref<32x80x128xi32, #tpu.memory_space<hbm>> -> memref<1x80x128xi32, #tpu.memory_space<hbm>>
      %dma_wait3A_78 = tpu.memref_squeeze %dma_wait3A_77 : memref<1x80x128xi32, #tpu.memory_space<hbm>> -> memref<80x128xi32, #tpu.memory_space<hbm>>
      %dma_wait3A_79 = arith.constant 0 : i32
      %dma_wait3A_80 = arith.constant 0 : i32
      %dma_wait3A_81 = tpu.memref_slice %arg4[%add3A, %dma_wait3A_79, %dma_wait3A_80] : memref<32x80x128xi32, #tpu.memory_space<hbm>> -> memref<1x80x128xi32, #tpu.memory_space<hbm>>
      %dma_wait3A_82 = tpu.memref_squeeze %dma_wait3A_81 : memref<1x80x128xi32, #tpu.memory_space<hbm>> -> memref<80x128xi32, #tpu.memory_space<hbm>>
      tpu.wait_dma2 semaphore(%run_scoped3A : memref<!tpu.dma_semaphore, #tpu.memory_space<semaphore_mem>>) src(%dma_wait3A_82 : memref<80x128xi32, #tpu.memory_space<hbm>>) dst(%arg14 : memref<80x128xi32, #tpu.memory_space<vmem>>)
      tpu.yield
    }) : () -> ()
    "tpu.region"() ({
      %run_scoped3A = tpu.sem_alloc : memref<!tpu.dma_semaphore, #tpu.memory_space<semaphore_mem>>
      %dma_start3A = arith.constant 0 : i32
      %dma_start3A_69 = arith.constant 0 : i32
      %dma_start3A_70 = tpu.memref_slice %arg5[%add3A, %dma_start3A, %dma_start3A_69] : memref<32x80x128xi32, #tpu.memory_space<hbm>> -> memref<1x80x128xi32, #tpu.memory_space<hbm>>
      %dma_start3A_71 = tpu.memref_squeeze %dma_start3A_70 : memref<1x80x128xi32, #tpu.memory_space<hbm>> -> memref<80x128xi32, #tpu.memory_space<hbm>>
      %dma_start3A_72 = arith.constant 0 : i32
      %dma_start3A_73 = arith.constant 0 : i32
      %dma_start3A_74 = tpu.memref_slice %arg5[%add3A, %dma_start3A_72, %dma_start3A_73] : memref<32x80x128xi32, #tpu.memory_space<hbm>> -> memref<1x80x128xi32, #tpu.memory_space<hbm>>
      %dma_start3A_75 = tpu.memref_squeeze %dma_start3A_74 : memref<1x80x128xi32, #tpu.memory_space<hbm>> -> memref<80x128xi32, #tpu.memory_space<hbm>>
      tpu.enqueue_dma source(%dma_start3A_75 : memref<80x128xi32, #tpu.memory_space<hbm>>) target(%arg15 : memref<80x128xi32, #tpu.memory_space<vmem>>) target_semaphore(%run_scoped3A : memref<!tpu.dma_semaphore, #tpu.memory_space<semaphore_mem>>)
      %dma_wait3A = arith.constant 0 : i32
      %dma_wait3A_76 = arith.constant 0 : i32
      %dma_wait3A_77 = tpu.memref_slice %arg5[%add3A, %dma_wait3A, %dma_wait3A_76] : memref<32x80x128xi32, #tpu.memory_space<hbm>> -> memref<1x80x128xi32, #tpu.memory_space<hbm>>
      %dma_wait3A_78 = tpu.memref_squeeze %dma_wait3A_77 : memref<1x80x128xi32, #tpu.memory_space<hbm>> -> memref<80x128xi32, #tpu.memory_space<hbm>>
      %dma_wait3A_79 = arith.constant 0 : i32
      %dma_wait3A_80 = arith.constant 0 : i32
      %dma_wait3A_81 = tpu.memref_slice %arg5[%add3A, %dma_wait3A_79, %dma_wait3A_80] : memref<32x80x128xi32, #tpu.memory_space<hbm>> -> memref<1x80x128xi32, #tpu.memory_space<hbm>>
      %dma_wait3A_82 = tpu.memref_squeeze %dma_wait3A_81 : memref<1x80x128xi32, #tpu.memory_space<hbm>> -> memref<80x128xi32, #tpu.memory_space<hbm>>
      tpu.wait_dma2 semaphore(%run_scoped3A : memref<!tpu.dma_semaphore, #tpu.memory_space<semaphore_mem>>) src(%dma_wait3A_82 : memref<80x128xi32, #tpu.memory_space<hbm>>) dst(%arg15 : memref<80x128xi32, #tpu.memory_space<vmem>>)
      tpu.yield
    }) : () -> ()
    %mul3A_1 = arith.constant 640 : i32
    %mul3A_2 = arith.muli %arg1, %mul3A_1 : i32
    %mul3A_3 = arith.constant 640 : i32
    %mul3A_4 = arith.muli %arg1, %mul3A_3 : i32
    "tpu.region"() ({
      %run_scoped3A = tpu.sem_alloc : memref<!tpu.dma_semaphore, #tpu.memory_space<semaphore_mem>>
      %dma_start3A = tpu.memref_slice %arg17[%mul3A_4] : memref<10240xf32, #tpu.memory_space<vmem_shared>> -> memref<640xf32, #tpu.memory_space<vmem_shared>>
      %dma_start3A_69 = tpu.memref_slice %arg8[%mul3A_2] : memref<10240xf32, #tpu.memory_space<hbm>> -> memref<640xf32, #tpu.memory_space<hbm>>
      tpu.enqueue_dma source(%dma_start3A_69 : memref<640xf32, #tpu.memory_space<hbm>>) target(%dma_start3A : memref<640xf32, #tpu.memory_space<vmem_shared>>) target_semaphore(%run_scoped3A : memref<!tpu.dma_semaphore, #tpu.memory_space<semaphore_mem>>)
      %dma_wait3A = tpu.memref_slice %arg17[%mul3A_4] : memref<10240xf32, #tpu.memory_space<vmem_shared>> -> memref<640xf32, #tpu.memory_space<vmem_shared>>
      %dma_wait3A_70 = tpu.memref_slice %arg8[%mul3A_2] : memref<10240xf32, #tpu.memory_space<hbm>> -> memref<640xf32, #tpu.memory_space<hbm>>
      tpu.wait_dma2 semaphore(%run_scoped3A : memref<!tpu.dma_semaphore, #tpu.memory_space<semaphore_mem>>) src(%dma_wait3A_70 : memref<640xf32, #tpu.memory_space<hbm>>) dst(%dma_wait3A : memref<640xf32, #tpu.memory_space<vmem_shared>>)
      tpu.yield
    }) : () -> ()
    %mul3A_5 = arith.constant 20736 : i32
    %mul3A_6 = arith.muli %arg1, %mul3A_5 : i32
    "tpu.region"() ({
      %run_scoped3A = tpu.sem_alloc : memref<!tpu.dma_semaphore, #tpu.memory_space<semaphore_mem>>
      %dma_start3A = tpu.memref_slice %arg18[%mul3A_6] : memref<331776xi32, #tpu.memory_space<vmem_shared>> -> memref<20736xi32, #tpu.memory_space<vmem_shared>>
      tpu.enqueue_dma source(%arg6 : memref<20736xi32, #tpu.memory_space<hbm>>) target(%dma_start3A : memref<20736xi32, #tpu.memory_space<vmem_shared>>) target_semaphore(%run_scoped3A : memref<!tpu.dma_semaphore, #tpu.memory_space<semaphore_mem>>)
      %dma_wait3A = tpu.memref_slice %arg18[%mul3A_6] : memref<331776xi32, #tpu.memory_space<vmem_shared>> -> memref<20736xi32, #tpu.memory_space<vmem_shared>>
      tpu.wait_dma2 semaphore(%run_scoped3A : memref<!tpu.dma_semaphore, #tpu.memory_space<semaphore_mem>>) src(%arg6 : memref<20736xi32, #tpu.memory_space<hbm>>) dst(%dma_wait3A : memref<20736xi32, #tpu.memory_space<vmem_shared>>)
      tpu.yield
    }) : () -> ()
    %mul3A_7 = arith.constant 20736 : i32
    %mul3A_8 = arith.muli %arg1, %mul3A_7 : i32
    "tpu.region"() ({
      %run_scoped3A = tpu.sem_alloc : memref<!tpu.dma_semaphore, #tpu.memory_space<semaphore_mem>>
      %dma_start3A = tpu.memref_slice %arg19[%mul3A_8] : memref<331776xi32, #tpu.memory_space<vmem_shared>> -> memref<20736xi32, #tpu.memory_space<vmem_shared>>
      tpu.enqueue_dma source(%arg7 : memref<20736xi32, #tpu.memory_space<hbm>>) target(%dma_start3A : memref<20736xi32, #tpu.memory_space<vmem_shared>>) target_semaphore(%run_scoped3A : memref<!tpu.dma_semaphore, #tpu.memory_space<semaphore_mem>>)
      %dma_wait3A = tpu.memref_slice %arg19[%mul3A_8] : memref<331776xi32, #tpu.memory_space<vmem_shared>> -> memref<20736xi32, #tpu.memory_space<vmem_shared>>
      tpu.wait_dma2 semaphore(%run_scoped3A : memref<!tpu.dma_semaphore, #tpu.memory_space<semaphore_mem>>) src(%arg7 : memref<20736xi32, #tpu.memory_space<hbm>>) dst(%dma_wait3A : memref<20736xi32, #tpu.memory_space<vmem_shared>>)
      tpu.yield
    }) : () -> ()
    %broadcast_in_dim3A = arith.constant 1.000000e+00 : f32
    %broadcast_in_dim3A_9 = vector.broadcast %broadcast_in_dim3A : f32 to vector<16xf32>
    %swap3A = arith.constant 0 : index
    %swap3A_10 = tpu.vector_load %arg16[%swap3A] {strides = array<i32>} : memref<128xf32, #tpu.memory_space<vmem>>, vector<16xf32>,
    %swap3A_11 = vector.shape_cast %swap3A_10 : vector<16xf32> to vector<16xf32>
    %swap3A_12 = vector.shape_cast %broadcast_in_dim3A_9 : vector<16xf32> to vector<16xf32>
    tpu.vector_store %arg16[%swap3A], %swap3A_12 {strides = array<i32>} : memref<128xf32, #tpu.memory_space<vmem>>, vector<16xf32>,
    %broadcast_in_dim3A_13 = arith.constant 1.000000e+00 : f32
    %broadcast_in_dim3A_14 = vector.broadcast %broadcast_in_dim3A_13 : f32 to vector<16xf32>
    %swap3A_15 = arith.constant 16 : index
    %swap3A_16 = tpu.vector_load %arg16[%swap3A_15] {strides = array<i32>} : memref<128xf32, #tpu.memory_space<vmem>>, vector<16xf32>,
    %swap3A_17 = vector.shape_cast %swap3A_16 : vector<16xf32> to vector<16xf32>
    %swap3A_18 = vector.shape_cast %broadcast_in_dim3A_14 : vector<16xf32> to vector<16xf32>
    tpu.vector_store %arg16[%swap3A_15], %swap3A_18 {strides = array<i32>} : memref<128xf32, #tpu.memory_space<vmem>>, vector<16xf32>,
    %broadcast_in_dim3A_19 = arith.constant 1.000000e+00 : f32
    %broadcast_in_dim3A_20 = vector.broadcast %broadcast_in_dim3A_19 : f32 to vector<16xf32>
    %swap3A_21 = arith.constant 32 : index
    %swap3A_22 = tpu.vector_load %arg16[%swap3A_21] {strides = array<i32>} : memref<128xf32, #tpu.memory_space<vmem>>, vector<16xf32>,
    %swap3A_23 = vector.shape_cast %swap3A_22 : vector<16xf32> to vector<16xf32>
    %swap3A_24 = vector.shape_cast %broadcast_in_dim3A_20 : vector<16xf32> to vector<16xf32>
    tpu.vector_store %arg16[%swap3A_21], %swap3A_24 {strides = array<i32>} : memref<128xf32, #tpu.memory_space<vmem>>, vector<16xf32>,
    %broadcast_in_dim3A_25 = arith.constant 1.000000e+00 : f32
    %broadcast_in_dim3A_26 = vector.broadcast %broadcast_in_dim3A_25 : f32 to vector<16xf32>
    %swap3A_27 = arith.constant 48 : index
    %swap3A_28 = tpu.vector_load %arg16[%swap3A_27] {strides = array<i32>} : memref<128xf32, #tpu.memory_space<vmem>>, vector<16xf32>,
    %swap3A_29 = vector.shape_cast %swap3A_28 : vector<16xf32> to vector<16xf32>
    %swap3A_30 = vector.shape_cast %broadcast_in_dim3A_26 : vector<16xf32> to vector<16xf32>
    tpu.vector_store %arg16[%swap3A_27], %swap3A_30 {strides = array<i32>} : memref<128xf32, #tpu.memory_space<vmem>>, vector<16xf32>,
    %broadcast_in_dim3A_31 = arith.constant 1.000000e+00 : f32
    %broadcast_in_dim3A_32 = vector.broadcast %broadcast_in_dim3A_31 : f32 to vector<16xf32>
    %swap3A_33 = arith.constant 64 : index
    %swap3A_34 = tpu.vector_load %arg16[%swap3A_33] {strides = array<i32>} : memref<128xf32, #tpu.memory_space<vmem>>, vector<16xf32>,
    %swap3A_35 = vector.shape_cast %swap3A_34 : vector<16xf32> to vector<16xf32>
    %swap3A_36 = vector.shape_cast %broadcast_in_dim3A_32 : vector<16xf32> to vector<16xf32>
    tpu.vector_store %arg16[%swap3A_33], %swap3A_36 {strides = array<i32>} : memref<128xf32, #tpu.memory_space<vmem>>, vector<16xf32>,
    %broadcast_in_dim3A_37 = arith.constant 1.000000e+00 : f32
    %broadcast_in_dim3A_38 = vector.broadcast %broadcast_in_dim3A_37 : f32 to vector<16xf32>
    %swap3A_39 = arith.constant 80 : index
    %swap3A_40 = tpu.vector_load %arg16[%swap3A_39] {strides = array<i32>} : memref<128xf32, #tpu.memory_space<vmem>>, vector<16xf32>,
    %swap3A_41 = vector.shape_cast %swap3A_40 : vector<16xf32> to vector<16xf32>
    %swap3A_42 = vector.shape_cast %broadcast_in_dim3A_38 : vector<16xf32> to vector<16xf32>
    tpu.vector_store %arg16[%swap3A_39], %swap3A_42 {strides = array<i32>} : memref<128xf32, #tpu.memory_space<vmem>>, vector<16xf32>,
    %broadcast_in_dim3A_43 = arith.constant 1.000000e+00 : f32
    %broadcast_in_dim3A_44 = vector.broadcast %broadcast_in_dim3A_43 : f32 to vector<16xf32>
    %swap3A_45 = arith.constant 96 : index
    %swap3A_46 = tpu.vector_load %arg16[%swap3A_45] {strides = array<i32>} : memref<128xf32, #tpu.memory_space<vmem>>, vector<16xf32>,
    %swap3A_47 = vector.shape_cast %swap3A_46 : vector<16xf32> to vector<16xf32>
    %swap3A_48 = vector.shape_cast %broadcast_in_dim3A_44 : vector<16xf32> to vector<16xf32>
    tpu.vector_store %arg16[%swap3A_45], %swap3A_48 {strides = array<i32>} : memref<128xf32, #tpu.memory_space<vmem>>, vector<16xf32>,
    %broadcast_in_dim3A_49 = arith.constant 1.000000e+00 : f32
    %broadcast_in_dim3A_50 = vector.broadcast %broadcast_in_dim3A_49 : f32 to vector<16xf32>
    %swap3A_51 = arith.constant 112 : index
    %swap3A_52 = tpu.vector_load %arg16[%swap3A_51] {strides = array<i32>} : memref<128xf32, #tpu.memory_space<vmem>>, vector<16xf32>,
    %swap3A_53 = vector.shape_cast %swap3A_52 : vector<16xf32> to vector<16xf32>
    %swap3A_54 = vector.shape_cast %broadcast_in_dim3A_50 : vector<16xf32> to vector<16xf32>
    tpu.vector_store %arg16[%swap3A_51], %swap3A_54 {strides = array<i32>} : memref<128xf32, #tpu.memory_space<vmem>>, vector<16xf32>,
    %barrier3A = arith.constant 0 : index
    tpu.barrier barrier_id(%barrier3A)
    %scan3A = arith.constant 0 : i32
    %scan3A_55 = arith.constant 0 : i32
    %scan3A_56 = arith.constant 80 : i32
    %scan3A_57 = arith.addi %scan3A_55, %scan3A_56 : i32
    %scan3A_58 = arith.constant 1 : i32
    scf.for %scan3A_69 = %scan3A_55 to %scan3A_57 step %scan3A_58  : i32 {
      "tpu.region"() ({
        %run_scoped3A = tpu.sem_alloc : memref<!tpu.dma_semaphore, #tpu.memory_space<semaphore_mem>>
        %dma_start3A = arith.constant 0 : i32
        %dma_start3A_70 = tpu.memref_slice %arg12[%scan3A_69, %dma_start3A] : memref<80x128xi32, #tpu.memory_space<vmem>> -> memref<1x128xi32, #tpu.memory_space<vmem>>
        %dma_start3A_71 = tpu.memref_squeeze %dma_start3A_70 : memref<1x128xi32, #tpu.memory_space<vmem>> -> memref<128xi32, #tpu.memory_space<vmem>>
        %dma_start3A_72 = arith.constant 0 : i32
        %dma_start3A_73 = tpu.memref_slice %arg17[%dma_start3A_72] : memref<10240xf32, #tpu.memory_space<vmem_shared>> -> memref<10240xf32, #tpu.memory_space<vmem_shared>>
        tpu.enqueue_indirect_dma source(%arg16 : memref<128xf32, #tpu.memory_space<vmem>>) target(%dma_start3A_73 : memref<10240xf32, #tpu.memory_space<vmem_shared>>) offsets(%dma_start3A_71 : memref<128xi32, #tpu.memory_space<vmem>>) semaphore(%run_scoped3A : memref<!tpu.dma_semaphore, #tpu.memory_space<semaphore_mem>>) {add = true}
        %dma_wait3A = arith.constant 0 : i32
        %dma_wait3A_74 = tpu.memref_slice %arg12[%scan3A_69, %dma_wait3A] : memref<80x128xi32, #tpu.memory_space<vmem>> -> memref<1x128xi32, #tpu.memory_space<vmem>>
        %dma_wait3A_75 = tpu.memref_squeeze %dma_wait3A_74 : memref<1x128xi32, #tpu.memory_space<vmem>> -> memref<128xi32, #tpu.memory_space<vmem>>
        %dma_wait3A_76 = arith.constant 0 : i32
        %dma_wait3A_77 = tpu.memref_slice %arg17[%dma_wait3A_76] : memref<10240xf32, #tpu.memory_space<vmem_shared>> -> memref<10240xf32, #tpu.memory_space<vmem_shared>>
        tpu.wait_indirect_dma semaphore(%run_scoped3A : memref<!tpu.dma_semaphore, #tpu.memory_space<semaphore_mem>>) src(%arg16 : memref<128xf32, #tpu.memory_space<vmem>>) dst(%dma_wait3A_77 : memref<10240xf32, #tpu.memory_space<vmem_shared>>)
        tpu.yield
      }) : () -> ()
      "tpu.region"() ({
        %run_scoped3A = tpu.sem_alloc : memref<!tpu.dma_semaphore, #tpu.memory_space<semaphore_mem>>
        %dma_start3A = arith.constant 0 : i32
        %dma_start3A_70 = tpu.memref_slice %arg13[%scan3A_69, %dma_start3A] : memref<80x128xi32, #tpu.memory_space<vmem>> -> memref<1x128xi32, #tpu.memory_space<vmem>>
        %dma_start3A_71 = tpu.memref_squeeze %dma_start3A_70 : memref<1x128xi32, #tpu.memory_space<vmem>> -> memref<128xi32, #tpu.memory_space<vmem>>
        %dma_start3A_72 = arith.constant 0 : i32
        %dma_start3A_73 = tpu.memref_slice %arg15[%scan3A_69, %dma_start3A_72] : memref<80x128xi32, #tpu.memory_space<vmem>> -> memref<1x128xi32, #tpu.memory_space<vmem>>
        %dma_start3A_74 = tpu.memref_squeeze %dma_start3A_73 : memref<1x128xi32, #tpu.memory_space<vmem>> -> memref<128xi32, #tpu.memory_space<vmem>>
        %dma_start3A_75 = arith.constant 0 : i32
        %dma_start3A_76 = tpu.memref_slice %arg18[%dma_start3A_75] : memref<331776xi32, #tpu.memory_space<vmem_shared>> -> memref<331776xi32, #tpu.memory_space<vmem_shared>>
        tpu.enqueue_indirect_dma source(%dma_start3A_71 : memref<128xi32, #tpu.memory_space<vmem>>) target(%dma_start3A_76 : memref<331776xi32, #tpu.memory_space<vmem_shared>>) offsets(%dma_start3A_74 : memref<128xi32, #tpu.memory_space<vmem>>) semaphore(%run_scoped3A : memref<!tpu.dma_semaphore, #tpu.memory_space<semaphore_mem>>)
        %dma_wait3A = arith.constant 0 : i32
        %dma_wait3A_77 = tpu.memref_slice %arg13[%scan3A_69, %dma_wait3A] : memref<80x128xi32, #tpu.memory_space<vmem>> -> memref<1x128xi32, #tpu.memory_space<vmem>>
        %dma_wait3A_78 = tpu.memref_squeeze %dma_wait3A_77 : memref<1x128xi32, #tpu.memory_space<vmem>> -> memref<128xi32, #tpu.memory_space<vmem>>
        %dma_wait3A_79 = arith.constant 0 : i32
        %dma_wait3A_80 = tpu.memref_slice %arg15[%scan3A_69, %dma_wait3A_79] : memref<80x128xi32, #tpu.memory_space<vmem>> -> memref<1x128xi32, #tpu.memory_space<vmem>>
        %dma_wait3A_81 = tpu.memref_squeeze %dma_wait3A_80 : memref<1x128xi32, #tpu.memory_space<vmem>> -> memref<128xi32, #tpu.memory_space<vmem>>
        %dma_wait3A_82 = arith.constant 0 : i32
        %dma_wait3A_83 = tpu.memref_slice %arg18[%dma_wait3A_82] : memref<331776xi32, #tpu.memory_space<vmem_shared>> -> memref<331776xi32, #tpu.memory_space<vmem_shared>>
        tpu.wait_indirect_dma semaphore(%run_scoped3A : memref<!tpu.dma_semaphore, #tpu.memory_space<semaphore_mem>>) src(%dma_wait3A_78 : memref<128xi32, #tpu.memory_space<vmem>>) dst(%dma_wait3A_83 : memref<331776xi32, #tpu.memory_space<vmem_shared>>)
        tpu.yield
      }) : () -> ()
      "tpu.region"() ({
        %run_scoped3A = tpu.sem_alloc : memref<!tpu.dma_semaphore, #tpu.memory_space<semaphore_mem>>
        %dma_start3A = arith.constant 0 : i32
        %dma_start3A_70 = tpu.memref_slice %arg14[%scan3A_69, %dma_start3A] : memref<80x128xi32, #tpu.memory_space<vmem>> -> memref<1x128xi32, #tpu.memory_space<vmem>>
        %dma_start3A_71 = tpu.memref_squeeze %dma_start3A_70 : memref<1x128xi32, #tpu.memory_space<vmem>> -> memref<128xi32, #tpu.memory_space<vmem>>
        %dma_start3A_72 = arith.constant 0 : i32
        %dma_start3A_73 = tpu.memref_slice %arg15[%scan3A_69, %dma_start3A_72] : memref<80x128xi32, #tpu.memory_space<vmem>> -> memref<1x128xi32, #tpu.memory_space<vmem>>
        %dma_start3A_74 = tpu.memref_squeeze %dma_start3A_73 : memref<1x128xi32, #tpu.memory_space<vmem>> -> memref<128xi32, #tpu.memory_space<vmem>>
        %dma_start3A_75 = arith.constant 0 : i32
        %dma_start3A_76 = tpu.memref_slice %arg19[%dma_start3A_75] : memref<331776xi32, #tpu.memory_space<vmem_shared>> -> memref<331776xi32, #tpu.memory_space<vmem_shared>>
        tpu.enqueue_indirect_dma source(%dma_start3A_71 : memref<128xi32, #tpu.memory_space<vmem>>) target(%dma_start3A_76 : memref<331776xi32, #tpu.memory_space<vmem_shared>>) offsets(%dma_start3A_74 : memref<128xi32, #tpu.memory_space<vmem>>) semaphore(%run_scoped3A : memref<!tpu.dma_semaphore, #tpu.memory_space<semaphore_mem>>)
        %dma_wait3A = arith.constant 0 : i32
        %dma_wait3A_77 = tpu.memref_slice %arg14[%scan3A_69, %dma_wait3A] : memref<80x128xi32, #tpu.memory_space<vmem>> -> memref<1x128xi32, #tpu.memory_space<vmem>>
        %dma_wait3A_78 = tpu.memref_squeeze %dma_wait3A_77 : memref<1x128xi32, #tpu.memory_space<vmem>> -> memref<128xi32, #tpu.memory_space<vmem>>
        %dma_wait3A_79 = arith.constant 0 : i32
        %dma_wait3A_80 = tpu.memref_slice %arg15[%scan3A_69, %dma_wait3A_79] : memref<80x128xi32, #tpu.memory_space<vmem>> -> memref<1x128xi32, #tpu.memory_space<vmem>>
        %dma_wait3A_81 = tpu.memref_squeeze %dma_wait3A_80 : memref<1x128xi32, #tpu.memory_space<vmem>> -> memref<128xi32, #tpu.memory_space<vmem>>
        %dma_wait3A_82 = arith.constant 0 : i32
        %dma_wait3A_83 = tpu.memref_slice %arg19[%dma_wait3A_82] : memref<331776xi32, #tpu.memory_space<vmem_shared>> -> memref<331776xi32, #tpu.memory_space<vmem_shared>>
        tpu.wait_indirect_dma semaphore(%run_scoped3A : memref<!tpu.dma_semaphore, #tpu.memory_space<semaphore_mem>>) src(%dma_wait3A_78 : memref<128xi32, #tpu.memory_space<vmem>>) dst(%dma_wait3A_83 : memref<331776xi32, #tpu.memory_space<vmem_shared>>)
        tpu.yield
      }) : () -> ()
    }
    %scan3A_59 = arith.constant 80 : i32
    %barrier3A_60 = arith.constant 0 : index
    tpu.barrier barrier_id(%barrier3A_60)
    %mul3A_61 = arith.constant 640 : i32
    %mul3A_62 = arith.muli %arg1, %mul3A_61 : i32
    %mul3A_63 = arith.constant 640 : i32
    %mul3A_64 = arith.muli %arg1, %mul3A_63 : i32
    "tpu.region"() ({
      %run_scoped3A = tpu.sem_alloc : memref<!tpu.dma_semaphore, #tpu.memory_space<semaphore_mem>>
      %dma_start3A = tpu.memref_slice %arg9[%arg0, %mul3A_64] : memref<2x10240xf32, #tpu.memory_space<hbm>> -> memref<1x640xf32, #tpu.memory_space<hbm>>
      %dma_start3A_69 = tpu.memref_squeeze %dma_start3A : memref<1x640xf32, #tpu.memory_space<hbm>> -> memref<640xf32, #tpu.memory_space<hbm>>
      %dma_start3A_70 = tpu.memref_slice %arg17[%mul3A_62] : memref<10240xf32, #tpu.memory_space<vmem_shared>> -> memref<640xf32, #tpu.memory_space<vmem_shared>>
      tpu.enqueue_dma source(%dma_start3A_70 : memref<640xf32, #tpu.memory_space<vmem_shared>>) target(%dma_start3A_69 : memref<640xf32, #tpu.memory_space<hbm>>) target_semaphore(%run_scoped3A : memref<!tpu.dma_semaphore, #tpu.memory_space<semaphore_mem>>)
      %dma_wait3A = tpu.memref_slice %arg9[%arg0, %mul3A_64] : memref<2x10240xf32, #tpu.memory_space<hbm>> -> memref<1x640xf32, #tpu.memory_space<hbm>>
      %dma_wait3A_71 = tpu.memref_squeeze %dma_wait3A : memref<1x640xf32, #tpu.memory_space<hbm>> -> memref<640xf32, #tpu.memory_space<hbm>>
      %dma_wait3A_72 = tpu.memref_slice %arg17[%mul3A_62] : memref<10240xf32, #tpu.memory_space<vmem_shared>> -> memref<640xf32, #tpu.memory_space<vmem_shared>>
      tpu.wait_dma2 semaphore(%run_scoped3A : memref<!tpu.dma_semaphore, #tpu.memory_space<semaphore_mem>>) src(%dma_wait3A_72 : memref<640xf32, #tpu.memory_space<vmem_shared>>) dst(%dma_wait3A_71 : memref<640xf32, #tpu.memory_space<hbm>>)
      tpu.yield
    }) : () -> ()
    %mul3A_65 = arith.constant 20736 : i32
    %mul3A_66 = arith.muli %arg1, %mul3A_65 : i32
    "tpu.region"() ({
      %run_scoped3A = tpu.sem_alloc : memref<!tpu.dma_semaphore, #tpu.memory_space<semaphore_mem>>
      %dma_start3A = arith.constant 0 : i32
      %dma_start3A_69 = tpu.memref_slice %arg10[%arg0, %arg1, %dma_start3A] : memref<2x16x20736xi32, #tpu.memory_space<hbm>> -> memref<1x1x20736xi32, #tpu.memory_space<hbm>>
      %dma_start3A_70 = tpu.memref_squeeze %dma_start3A_69 : memref<1x1x20736xi32, #tpu.memory_space<hbm>> -> memref<20736xi32, #tpu.memory_space<hbm>>
      %dma_start3A_71 = tpu.memref_slice %arg18[%mul3A_66] : memref<331776xi32, #tpu.memory_space<vmem_shared>> -> memref<20736xi32, #tpu.memory_space<vmem_shared>>
      tpu.enqueue_dma source(%dma_start3A_71 : memref<20736xi32, #tpu.memory_space<vmem_shared>>) target(%dma_start3A_70 : memref<20736xi32, #tpu.memory_space<hbm>>) target_semaphore(%run_scoped3A : memref<!tpu.dma_semaphore, #tpu.memory_space<semaphore_mem>>)
      %dma_wait3A = arith.constant 0 : i32
      %dma_wait3A_72 = tpu.memref_slice %arg10[%arg0, %arg1, %dma_wait3A] : memref<2x16x20736xi32, #tpu.memory_space<hbm>> -> memref<1x1x20736xi32, #tpu.memory_space<hbm>>
      %dma_wait3A_73 = tpu.memref_squeeze %dma_wait3A_72 : memref<1x1x20736xi32, #tpu.memory_space<hbm>> -> memref<20736xi32, #tpu.memory_space<hbm>>
      %dma_wait3A_74 = tpu.memref_slice %arg18[%mul3A_66] : memref<331776xi32, #tpu.memory_space<vmem_shared>> -> memref<20736xi32, #tpu.memory_space<vmem_shared>>
      tpu.wait_dma2 semaphore(%run_scoped3A : memref<!tpu.dma_semaphore, #tpu.memory_space<semaphore_mem>>) src(%dma_wait3A_74 : memref<20736xi32, #tpu.memory_space<vmem_shared>>) dst(%dma_wait3A_73 : memref<20736xi32, #tpu.memory_space<hbm>>)
      tpu.yield
    }) : () -> ()
    %mul3A_67 = arith.constant 20736 : i32
    %mul3A_68 = arith.muli %arg1, %mul3A_67 : i32
    "tpu.region"() ({
      %run_scoped3A = tpu.sem_alloc : memref<!tpu.dma_semaphore, #tpu.memory_space<semaphore_mem>>
      %dma_start3A = arith.constant 0 : i32
      %dma_start3A_69 = tpu.memref_slice %arg11[%arg0, %arg1, %dma_start3A] : memref<2x16x20736xi32, #tpu.memory_space<hbm>> -> memref<1x1x20736xi32, #tpu.memory_space<hbm>>
      %dma_start3A_70 = tpu.memref_squeeze %dma_start3A_69 : memref<1x1x20736xi32, #tpu.memory_space<hbm>> -> memref<20736xi32, #tpu.memory_space<hbm>>
      %dma_start3A_71 = tpu.memref_slice %arg19[%mul3A_68] : memref<331776xi32, #tpu.memory_space<vmem_shared>> -> memref<20736xi32, #tpu.memory_space<vmem_shared>>
      tpu.enqueue_dma source(%dma_start3A_71 : memref<20736xi32, #tpu.memory_space<vmem_shared>>) target(%dma_start3A_70 : memref<20736xi32, #tpu.memory_space<hbm>>) target_semaphore(%run_scoped3A : memref<!tpu.dma_semaphore, #tpu.memory_space<semaphore_mem>>)
      %dma_wait3A = arith.constant 0 : i32
      %dma_wait3A_72 = tpu.memref_slice %arg11[%arg0, %arg1, %dma_wait3A] : memref<2x16x20736xi32, #tpu.memory_space<hbm>> -> memref<1x1x20736xi32, #tpu.memory_space<hbm>>
      %dma_wait3A_73 = tpu.memref_squeeze %dma_wait3A_72 : memref<1x1x20736xi32, #tpu.memory_space<hbm>> -> memref<20736xi32, #tpu.memory_space<hbm>>
      %dma_wait3A_74 = tpu.memref_slice %arg19[%mul3A_68] : memref<331776xi32, #tpu.memory_space<vmem_shared>> -> memref<20736xi32, #tpu.memory_space<vmem_shared>>
      tpu.wait_dma2 semaphore(%run_scoped3A : memref<!tpu.dma_semaphore, #tpu.memory_space<semaphore_mem>>) src(%dma_wait3A_74 : memref<20736xi32, #tpu.memory_space<vmem_shared>>) dst(%dma_wait3A_73 : memref<20736xi32, #tpu.memory_space<hbm>>)
      tpu.yield
    }) : () -> ()
    return
  }
}

#map = affine_map<(d0, d1) -> (0, 0, 0, 0)>
#map1 = affine_map<(d0, d1) -> (0, 0)>
#map2 = affine_map<(d0, d1) -> (0, 0, 0)>
module attributes {stable_mosaic.version = 14 : i64} {
  func.func @_sc_scatter(%arg0: i32, %arg1: i32, %arg2: memref<32x2x81x128xi32, #tpu.memory_space<hbm>>, %arg3: memref<32x2x81x128xi32, #tpu.memory_space<hbm>>, %arg4: memref<32x16xi32, #tpu.memory_space<hbm>>, %arg5: memref<10240x128xf32, #tpu.memory_space<hbm>>, %arg6: memref<2x10240x128xf32, #tpu.memory_space<hbm>>, %arg7: memref<81x128xi32, #tpu.memory_space<vmem>>, %arg8: memref<81x128xi32, #tpu.memory_space<vmem>>, %arg9: memref<16xi32, #tpu.memory_space<vmem>>, %arg10: memref<128x128xf32, #tpu.memory_space<vmem>>, %arg11: memref<128x128xf32, #tpu.memory_space<vmem>>, %arg12: memref<128x128xf32, #tpu.memory_space<vmem>>, %arg13: memref<5120x128xf32, #tpu.memory_space<vmem_shared>>, %arg14: memref<!tpu.dma_semaphore, #tpu.memory_space<semaphore_mem>>, %arg15: memref<!tpu.dma_semaphore, #tpu.memory_space<semaphore_mem>>, %arg16: memref<!tpu.dma_semaphore, #tpu.memory_space<semaphore_mem>>) attributes {dimension_semantics = [#tpu.dimension_semantics<core_parallel>, #tpu.dimension_semantics<subcore_parallel>], iteration_bounds = array<i64: 2, 16>, scalar_prefetch = 0 : i64, scratch_operands = 10 : i64, tpu.core_type = #tpu.core_type<sc_vector_subcore>, window_params = [{transform_indices = #map}, {transform_indices = #map}, {transform_indices = #map1}, {transform_indices = #map1}, {transform_indices = #map2}]} {
    %mul3A = arith.constant 16 : i32
    %mul3A_0 = arith.muli %arg0, %mul3A : i32
    %add3A = arith.addi %mul3A_0, %arg1 : i32
    "tpu.region"() ({
      %run_scoped3A_76 = tpu.sem_alloc : memref<!tpu.dma_semaphore, #tpu.memory_space<semaphore_mem>>
      %dma_start3A = arith.constant 0 : i32
      %dma_start3A_77 = tpu.memref_slice %arg4[%add3A, %dma_start3A] : memref<32x16xi32, #tpu.memory_space<hbm>> -> memref<1x16xi32, #tpu.memory_space<hbm>>
      %dma_start3A_78 = tpu.memref_squeeze %dma_start3A_77 : memref<1x16xi32, #tpu.memory_space<hbm>> -> memref<16xi32, #tpu.memory_space<hbm>>
      %dma_start3A_79 = arith.constant 0 : i32
      %dma_start3A_80 = tpu.memref_slice %arg4[%add3A, %dma_start3A_79] : memref<32x16xi32, #tpu.memory_space<hbm>> -> memref<1x16xi32, #tpu.memory_space<hbm>>
      %dma_start3A_81 = tpu.memref_squeeze %dma_start3A_80 : memref<1x16xi32, #tpu.memory_space<hbm>> -> memref<16xi32, #tpu.memory_space<hbm>>
      tpu.enqueue_dma source(%dma_start3A_81 : memref<16xi32, #tpu.memory_space<hbm>>) target(%arg9 : memref<16xi32, #tpu.memory_space<vmem>>) target_semaphore(%run_scoped3A_76 : memref<!tpu.dma_semaphore, #tpu.memory_space<semaphore_mem>>)
      %dma_wait3A = arith.constant 0 : i32
      %dma_wait3A_82 = tpu.memref_slice %arg4[%add3A, %dma_wait3A] : memref<32x16xi32, #tpu.memory_space<hbm>> -> memref<1x16xi32, #tpu.memory_space<hbm>>
      %dma_wait3A_83 = tpu.memref_squeeze %dma_wait3A_82 : memref<1x16xi32, #tpu.memory_space<hbm>> -> memref<16xi32, #tpu.memory_space<hbm>>
      %dma_wait3A_84 = arith.constant 0 : i32
      %dma_wait3A_85 = tpu.memref_slice %arg4[%add3A, %dma_wait3A_84] : memref<32x16xi32, #tpu.memory_space<hbm>> -> memref<1x16xi32, #tpu.memory_space<hbm>>
      %dma_wait3A_86 = tpu.memref_squeeze %dma_wait3A_85 : memref<1x16xi32, #tpu.memory_space<hbm>> -> memref<16xi32, #tpu.memory_space<hbm>>
      tpu.wait_dma2 semaphore(%run_scoped3A_76 : memref<!tpu.dma_semaphore, #tpu.memory_space<semaphore_mem>>) src(%dma_wait3A_86 : memref<16xi32, #tpu.memory_space<hbm>>) dst(%arg9 : memref<16xi32, #tpu.memory_space<vmem>>)
      tpu.yield
    }) : () -> ()
    %run_scoped3A = arith.constant 0 : i32
    "tpu.region"() ({
      %run_scoped3A_76 = tpu.sem_alloc : memref<!tpu.dma_semaphore, #tpu.memory_space<semaphore_mem>>
      %dma_start3A = arith.constant 0 : i32
      %dma_start3A_77 = arith.constant 0 : i32
      %dma_start3A_78 = tpu.memref_slice %arg2[%add3A, %run_scoped3A, %dma_start3A, %dma_start3A_77] : memref<32x2x81x128xi32, #tpu.memory_space<hbm>> -> memref<1x1x81x128xi32, #tpu.memory_space<hbm>>
      %dma_start3A_79 = tpu.memref_squeeze %dma_start3A_78 : memref<1x1x81x128xi32, #tpu.memory_space<hbm>> -> memref<81x128xi32, #tpu.memory_space<hbm>>
      %dma_start3A_80 = arith.constant 0 : i32
      %dma_start3A_81 = arith.constant 0 : i32
      %dma_start3A_82 = tpu.memref_slice %arg2[%add3A, %run_scoped3A, %dma_start3A_80, %dma_start3A_81] : memref<32x2x81x128xi32, #tpu.memory_space<hbm>> -> memref<1x1x81x128xi32, #tpu.memory_space<hbm>>
      %dma_start3A_83 = tpu.memref_squeeze %dma_start3A_82 : memref<1x1x81x128xi32, #tpu.memory_space<hbm>> -> memref<81x128xi32, #tpu.memory_space<hbm>>
      tpu.enqueue_dma source(%dma_start3A_83 : memref<81x128xi32, #tpu.memory_space<hbm>>) target(%arg7 : memref<81x128xi32, #tpu.memory_space<vmem>>) target_semaphore(%run_scoped3A_76 : memref<!tpu.dma_semaphore, #tpu.memory_space<semaphore_mem>>)
      %dma_wait3A = arith.constant 0 : i32
      %dma_wait3A_84 = arith.constant 0 : i32
      %dma_wait3A_85 = tpu.memref_slice %arg2[%add3A, %run_scoped3A, %dma_wait3A, %dma_wait3A_84] : memref<32x2x81x128xi32, #tpu.memory_space<hbm>> -> memref<1x1x81x128xi32, #tpu.memory_space<hbm>>
      %dma_wait3A_86 = tpu.memref_squeeze %dma_wait3A_85 : memref<1x1x81x128xi32, #tpu.memory_space<hbm>> -> memref<81x128xi32, #tpu.memory_space<hbm>>
      %dma_wait3A_87 = arith.constant 0 : i32
      %dma_wait3A_88 = arith.constant 0 : i32
      %dma_wait3A_89 = tpu.memref_slice %arg2[%add3A, %run_scoped3A, %dma_wait3A_87, %dma_wait3A_88] : memref<32x2x81x128xi32, #tpu.memory_space<hbm>> -> memref<1x1x81x128xi32, #tpu.memory_space<hbm>>
      %dma_wait3A_90 = tpu.memref_squeeze %dma_wait3A_89 : memref<1x1x81x128xi32, #tpu.memory_space<hbm>> -> memref<81x128xi32, #tpu.memory_space<hbm>>
      tpu.wait_dma2 semaphore(%run_scoped3A_76 : memref<!tpu.dma_semaphore, #tpu.memory_space<semaphore_mem>>) src(%dma_wait3A_90 : memref<81x128xi32, #tpu.memory_space<hbm>>) dst(%arg7 : memref<81x128xi32, #tpu.memory_space<vmem>>)
      tpu.yield
    }) : () -> ()
    %run_scoped3A_1 = arith.constant 0 : i32
    "tpu.region"() ({
      %run_scoped3A_76 = tpu.sem_alloc : memref<!tpu.dma_semaphore, #tpu.memory_space<semaphore_mem>>
      %dma_start3A = arith.constant 0 : i32
      %dma_start3A_77 = arith.constant 0 : i32
      %dma_start3A_78 = tpu.memref_slice %arg3[%add3A, %run_scoped3A_1, %dma_start3A, %dma_start3A_77] : memref<32x2x81x128xi32, #tpu.memory_space<hbm>> -> memref<1x1x81x128xi32, #tpu.memory_space<hbm>>
      %dma_start3A_79 = tpu.memref_squeeze %dma_start3A_78 : memref<1x1x81x128xi32, #tpu.memory_space<hbm>> -> memref<81x128xi32, #tpu.memory_space<hbm>>
      %dma_start3A_80 = arith.constant 0 : i32
      %dma_start3A_81 = arith.constant 0 : i32
      %dma_start3A_82 = tpu.memref_slice %arg3[%add3A, %run_scoped3A_1, %dma_start3A_80, %dma_start3A_81] : memref<32x2x81x128xi32, #tpu.memory_space<hbm>> -> memref<1x1x81x128xi32, #tpu.memory_space<hbm>>
      %dma_start3A_83 = tpu.memref_squeeze %dma_start3A_82 : memref<1x1x81x128xi32, #tpu.memory_space<hbm>> -> memref<81x128xi32, #tpu.memory_space<hbm>>
      tpu.enqueue_dma source(%dma_start3A_83 : memref<81x128xi32, #tpu.memory_space<hbm>>) target(%arg8 : memref<81x128xi32, #tpu.memory_space<vmem>>) target_semaphore(%run_scoped3A_76 : memref<!tpu.dma_semaphore, #tpu.memory_space<semaphore_mem>>)
      %dma_wait3A = arith.constant 0 : i32
      %dma_wait3A_84 = arith.constant 0 : i32
      %dma_wait3A_85 = tpu.memref_slice %arg3[%add3A, %run_scoped3A_1, %dma_wait3A, %dma_wait3A_84] : memref<32x2x81x128xi32, #tpu.memory_space<hbm>> -> memref<1x1x81x128xi32, #tpu.memory_space<hbm>>
      %dma_wait3A_86 = tpu.memref_squeeze %dma_wait3A_85 : memref<1x1x81x128xi32, #tpu.memory_space<hbm>> -> memref<81x128xi32, #tpu.memory_space<hbm>>
      %dma_wait3A_87 = arith.constant 0 : i32
      %dma_wait3A_88 = arith.constant 0 : i32
      %dma_wait3A_89 = tpu.memref_slice %arg3[%add3A, %run_scoped3A_1, %dma_wait3A_87, %dma_wait3A_88] : memref<32x2x81x128xi32, #tpu.memory_space<hbm>> -> memref<1x1x81x128xi32, #tpu.memory_space<hbm>>
      %dma_wait3A_90 = tpu.memref_squeeze %dma_wait3A_89 : memref<1x1x81x128xi32, #tpu.memory_space<hbm>> -> memref<81x128xi32, #tpu.memory_space<hbm>>
      tpu.wait_dma2 semaphore(%run_scoped3A_76 : memref<!tpu.dma_semaphore, #tpu.memory_space<semaphore_mem>>) src(%dma_wait3A_90 : memref<81x128xi32, #tpu.memory_space<hbm>>) dst(%arg8 : memref<81x128xi32, #tpu.memory_space<vmem>>)
      tpu.yield
    }) : () -> ()
    %get3A = arith.constant 0 : index
    %get3A_2 = tpu.vector_load %arg9[%get3A] {strides = array<i32>} : memref<16xi32, #tpu.memory_space<vmem>>, vector<16xi32>,
    %get3A_3 = vector.shape_cast %get3A_2 : vector<16xi32> to vector<16xi32>
    %slice3A = vector.extract_strided_slice %get3A_3 {offsets = [0], sizes = [1], strides = [1]} : vector<16xi32> to vector<1xi32>
    %squeeze3A = vector.extract %slice3A[0] : i32 from vector<1xi32>
    %mul3A_4 = arith.constant 320 : i32
    %mul3A_5 = arith.muli %arg1, %mul3A_4 : i32
    %add3A_6 = arith.constant 0 : i32
    %add3A_7 = arith.addi %add3A_6, %mul3A_5 : i32
    %mul3A_8 = arith.constant 320 : i32
    %mul3A_9 = arith.muli %arg1, %mul3A_8 : i32
    "tpu.region"() ({
      %run_scoped3A_76 = tpu.sem_alloc : memref<!tpu.dma_semaphore, #tpu.memory_space<semaphore_mem>>
      %dma_start3A = arith.constant 0 : i32
      %dma_start3A_77 = tpu.memref_slice %arg13[%mul3A_9, %dma_start3A] : memref<5120x128xf32, #tpu.memory_space<vmem_shared>> -> memref<320x128xf32, #tpu.memory_space<vmem_shared>>
      %dma_start3A_78 = arith.constant 0 : i32
      %dma_start3A_79 = tpu.memref_slice %arg5[%add3A_7, %dma_start3A_78] : memref<10240x128xf32, #tpu.memory_space<hbm>> -> memref<320x128xf32, #tpu.memory_space<hbm>>
      tpu.enqueue_dma source(%dma_start3A_79 : memref<320x128xf32, #tpu.memory_space<hbm>>) target(%dma_start3A_77 : memref<320x128xf32, #tpu.memory_space<vmem_shared>>) target_semaphore(%run_scoped3A_76 : memref<!tpu.dma_semaphore, #tpu.memory_space<semaphore_mem>>)
      %dma_wait3A = arith.constant 0 : i32
      %dma_wait3A_80 = tpu.memref_slice %arg13[%mul3A_9, %dma_wait3A] : memref<5120x128xf32, #tpu.memory_space<vmem_shared>> -> memref<320x128xf32, #tpu.memory_space<vmem_shared>>
      %dma_wait3A_81 = arith.constant 0 : i32
      %dma_wait3A_82 = tpu.memref_slice %arg5[%add3A_7, %dma_wait3A_81] : memref<10240x128xf32, #tpu.memory_space<hbm>> -> memref<320x128xf32, #tpu.memory_space<hbm>>
      tpu.wait_dma2 semaphore(%run_scoped3A_76 : memref<!tpu.dma_semaphore, #tpu.memory_space<semaphore_mem>>) src(%dma_wait3A_82 : memref<320x128xf32, #tpu.memory_space<hbm>>) dst(%dma_wait3A_80 : memref<320x128xf32, #tpu.memory_space<vmem_shared>>)
      tpu.yield
    }) : () -> ()
    %barrier3A = arith.constant 0 : index
    tpu.barrier barrier_id(%barrier3A)
    %gt3A = arith.constant 0 : i32
    %gt3A_10 = arith.cmpi sgt, %squeeze3A, %gt3A : i32
    %convert_element_type3A = arith.extui %gt3A_10 : i1 to i32
    %cond3A = arith.constant 0 : i32
    %cond3A_11 = arith.cmpi ne, %convert_element_type3A, %cond3A : i32
    scf.if %cond3A_11 {
      %dma_start3A = arith.constant 0 : i32
      %dma_start3A_76 = arith.constant 0 : i32
      %dma_start3A_77 = tpu.memref_slice %arg7[%dma_start3A, %dma_start3A_76] : memref<81x128xi32, #tpu.memory_space<vmem>> -> memref<1x128xi32, #tpu.memory_space<vmem>>
      %dma_start3A_78 = tpu.memref_squeeze %dma_start3A_77 : memref<1x128xi32, #tpu.memory_space<vmem>> -> memref<128xi32, #tpu.memory_space<vmem>>
      %dma_start3A_79 = arith.constant 0 : i32
      %dma_start3A_80 = arith.constant 0 : i32
      %dma_start3A_81 = tpu.memref_slice %arg5[%dma_start3A_79, %dma_start3A_80] : memref<10240x128xf32, #tpu.memory_space<hbm>> -> memref<10240x128xf32, #tpu.memory_space<hbm>>
      tpu.enqueue_indirect_dma source(%dma_start3A_81 : memref<10240x128xf32, #tpu.memory_space<hbm>>) target(%arg10 : memref<128x128xf32, #tpu.memory_space<vmem>>) offsets(%dma_start3A_78 : memref<128xi32, #tpu.memory_space<vmem>>) semaphore(%arg14 : memref<!tpu.dma_semaphore, #tpu.memory_space<semaphore_mem>>)
    } else {
    }
    %gt3A_12 = arith.constant 128 : i32
    %gt3A_13 = arith.cmpi sgt, %squeeze3A, %gt3A_12 : i32
    %convert_element_type3A_14 = arith.extui %gt3A_13 : i1 to i32
    %cond3A_15 = arith.constant 0 : i32
    %cond3A_16 = arith.cmpi ne, %convert_element_type3A_14, %cond3A_15 : i32
    scf.if %cond3A_16 {
      %dma_start3A = arith.constant 1 : i32
      %dma_start3A_76 = arith.constant 0 : i32
      %dma_start3A_77 = tpu.memref_slice %arg7[%dma_start3A, %dma_start3A_76] : memref<81x128xi32, #tpu.memory_space<vmem>> -> memref<1x128xi32, #tpu.memory_space<vmem>>
      %dma_start3A_78 = tpu.memref_squeeze %dma_start3A_77 : memref<1x128xi32, #tpu.memory_space<vmem>> -> memref<128xi32, #tpu.memory_space<vmem>>
      %dma_start3A_79 = arith.constant 0 : i32
      %dma_start3A_80 = arith.constant 0 : i32
      %dma_start3A_81 = tpu.memref_slice %arg5[%dma_start3A_79, %dma_start3A_80] : memref<10240x128xf32, #tpu.memory_space<hbm>> -> memref<10240x128xf32, #tpu.memory_space<hbm>>
      tpu.enqueue_indirect_dma source(%dma_start3A_81 : memref<10240x128xf32, #tpu.memory_space<hbm>>) target(%arg11 : memref<128x128xf32, #tpu.memory_space<vmem>>) offsets(%dma_start3A_78 : memref<128xi32, #tpu.memory_space<vmem>>) semaphore(%arg15 : memref<!tpu.dma_semaphore, #tpu.memory_space<semaphore_mem>>)
    } else {
    }
    %gt3A_17 = arith.constant 256 : i32
    %gt3A_18 = arith.cmpi sgt, %squeeze3A, %gt3A_17 : i32
    %convert_element_type3A_19 = arith.extui %gt3A_18 : i1 to i32
    %cond3A_20 = arith.constant 0 : i32
    %cond3A_21 = arith.cmpi ne, %convert_element_type3A_19, %cond3A_20 : i32
    scf.if %cond3A_21 {
      %dma_start3A = arith.constant 2 : i32
      %dma_start3A_76 = arith.constant 0 : i32
      %dma_start3A_77 = tpu.memref_slice %arg7[%dma_start3A, %dma_start3A_76] : memref<81x128xi32, #tpu.memory_space<vmem>> -> memref<1x128xi32, #tpu.memory_space<vmem>>
      %dma_start3A_78 = tpu.memref_squeeze %dma_start3A_77 : memref<1x128xi32, #tpu.memory_space<vmem>> -> memref<128xi32, #tpu.memory_space<vmem>>
      %dma_start3A_79 = arith.constant 0 : i32
      %dma_start3A_80 = arith.constant 0 : i32
      %dma_start3A_81 = tpu.memref_slice %arg5[%dma_start3A_79, %dma_start3A_80] : memref<10240x128xf32, #tpu.memory_space<hbm>> -> memref<10240x128xf32, #tpu.memory_space<hbm>>
      tpu.enqueue_indirect_dma source(%dma_start3A_81 : memref<10240x128xf32, #tpu.memory_space<hbm>>) target(%arg12 : memref<128x128xf32, #tpu.memory_space<vmem>>) offsets(%dma_start3A_78 : memref<128xi32, #tpu.memory_space<vmem>>) semaphore(%arg16 : memref<!tpu.dma_semaphore, #tpu.memory_space<semaphore_mem>>)
    } else {
    }
    %scan3A = arith.constant 0 : i32
    %scan3A_22 = arith.constant 0 : i32
    %scan3A_23 = arith.constant 27 : i32
    %scan3A_24 = arith.addi %scan3A_22, %scan3A_23 : i32
    %scan3A_25 = arith.constant 1 : i32
    scf.for %scan3A_76 = %scan3A_22 to %scan3A_24 step %scan3A_25  : i32 {
      %mul3A_77 = arith.constant 3 : i32
      %mul3A_78 = arith.muli %mul3A_77, %scan3A_76 : i32
      %add3A_79 = arith.constant 0 : i32
      %add3A_80 = arith.addi %mul3A_78, %add3A_79 : i32
      %mul3A_81 = arith.constant 128 : i32
      %mul3A_82 = arith.muli %add3A_80, %mul3A_81 : i32
      %lt3A = arith.cmpi slt, %mul3A_82, %squeeze3A : i32
      %convert_element_type3A_83 = arith.extui %lt3A : i1 to i32
      %cond3A_84 = arith.constant 0 : i32
      %cond3A_85 = arith.cmpi ne, %convert_element_type3A_83, %cond3A_84 : i32
      scf.if %cond3A_85 {
        %dma_wait3A = arith.constant 0 : i32
        %dma_wait3A_106 = tpu.memref_slice %arg7[%add3A_80, %dma_wait3A] : memref<81x128xi32, #tpu.memory_space<vmem>> -> memref<1x128xi32, #tpu.memory_space<vmem>>
        %dma_wait3A_107 = tpu.memref_squeeze %dma_wait3A_106 : memref<1x128xi32, #tpu.memory_space<vmem>> -> memref<128xi32, #tpu.memory_space<vmem>>
        %dma_wait3A_108 = arith.constant 0 : i32
        %dma_wait3A_109 = arith.constant 0 : i32
        %dma_wait3A_110 = tpu.memref_slice %arg5[%dma_wait3A_108, %dma_wait3A_109] : memref<10240x128xf32, #tpu.memory_space<hbm>> -> memref<10240x128xf32, #tpu.memory_space<hbm>>
        tpu.wait_indirect_dma semaphore(%arg14 : memref<!tpu.dma_semaphore, #tpu.memory_space<semaphore_mem>>) src(%dma_wait3A_110 : memref<10240x128xf32, #tpu.memory_space<hbm>>) dst(%arg10 : memref<128x128xf32, #tpu.memory_space<vmem>>)
        "tpu.region"() ({
          %run_scoped3A_119 = tpu.sem_alloc : memref<!tpu.dma_semaphore, #tpu.memory_space<semaphore_mem>>
          %dma_start3A = arith.constant 0 : i32
          %dma_start3A_120 = tpu.memref_slice %arg8[%add3A_80, %dma_start3A] : memref<81x128xi32, #tpu.memory_space<vmem>> -> memref<1x128xi32, #tpu.memory_space<vmem>>
          %dma_start3A_121 = tpu.memref_squeeze %dma_start3A_120 : memref<1x128xi32, #tpu.memory_space<vmem>> -> memref<128xi32, #tpu.memory_space<vmem>>
          %dma_start3A_122 = arith.constant 0 : i32
          %dma_start3A_123 = arith.constant 0 : i32
          %dma_start3A_124 = tpu.memref_slice %arg13[%dma_start3A_122, %dma_start3A_123] : memref<5120x128xf32, #tpu.memory_space<vmem_shared>> -> memref<5120x128xf32, #tpu.memory_space<vmem_shared>>
          tpu.enqueue_indirect_dma source(%arg10 : memref<128x128xf32, #tpu.memory_space<vmem>>) target(%dma_start3A_124 : memref<5120x128xf32, #tpu.memory_space<vmem_shared>>) offsets(%dma_start3A_121 : memref<128xi32, #tpu.memory_space<vmem>>) semaphore(%run_scoped3A_119 : memref<!tpu.dma_semaphore, #tpu.memory_space<semaphore_mem>>) {add = true}
          %dma_wait3A_125 = arith.constant 0 : i32
          %dma_wait3A_126 = tpu.memref_slice %arg8[%add3A_80, %dma_wait3A_125] : memref<81x128xi32, #tpu.memory_space<vmem>> -> memref<1x128xi32, #tpu.memory_space<vmem>>
          %dma_wait3A_127 = tpu.memref_squeeze %dma_wait3A_126 : memref<1x128xi32, #tpu.memory_space<vmem>> -> memref<128xi32, #tpu.memory_space<vmem>>
          %dma_wait3A_128 = arith.constant 0 : i32
          %dma_wait3A_129 = arith.constant 0 : i32
          %dma_wait3A_130 = tpu.memref_slice %arg13[%dma_wait3A_128, %dma_wait3A_129] : memref<5120x128xf32, #tpu.memory_space<vmem_shared>> -> memref<5120x128xf32, #tpu.memory_space<vmem_shared>>
          tpu.wait_indirect_dma semaphore(%run_scoped3A_119 : memref<!tpu.dma_semaphore, #tpu.memory_space<semaphore_mem>>) src(%arg10 : memref<128x128xf32, #tpu.memory_space<vmem>>) dst(%dma_wait3A_130 : memref<5120x128xf32, #tpu.memory_space<vmem_shared>>)
          tpu.yield
        }) : () -> ()
        %add3A_111 = arith.constant 3 : i32
        %add3A_112 = arith.addi %add3A_80, %add3A_111 : i32
        %mul3A_113 = arith.constant 128 : i32
        %mul3A_114 = arith.muli %add3A_112, %mul3A_113 : i32
        %lt3A_115 = arith.cmpi slt, %mul3A_114, %squeeze3A : i32
        %convert_element_type3A_116 = arith.extui %lt3A_115 : i1 to i32
        %cond3A_117 = arith.constant 0 : i32
        %cond3A_118 = arith.cmpi ne, %convert_element_type3A_116, %cond3A_117 : i32
        scf.if %cond3A_118 {
          %add3A_119 = arith.constant 3 : i32
          %add3A_120 = arith.addi %add3A_80, %add3A_119 : i32
          %dma_start3A = arith.constant 0 : i32
          %dma_start3A_121 = tpu.memref_slice %arg7[%add3A_120, %dma_start3A] : memref<81x128xi32, #tpu.memory_space<vmem>> -> memref<1x128xi32, #tpu.memory_space<vmem>>
          %dma_start3A_122 = tpu.memref_squeeze %dma_start3A_121 : memref<1x128xi32, #tpu.memory_space<vmem>> -> memref<128xi32, #tpu.memory_space<vmem>>
          %dma_start3A_123 = arith.constant 0 : i32
          %dma_start3A_124 = arith.constant 0 : i32
          %dma_start3A_125 = tpu.memref_slice %arg5[%dma_start3A_123, %dma_start3A_124] : memref<10240x128xf32, #tpu.memory_space<hbm>> -> memref<10240x128xf32, #tpu.memory_space<hbm>>
          tpu.enqueue_indirect_dma source(%dma_start3A_125 : memref<10240x128xf32, #tpu.memory_space<hbm>>) target(%arg10 : memref<128x128xf32, #tpu.memory_space<vmem>>) offsets(%dma_start3A_122 : memref<128xi32, #tpu.memory_space<vmem>>) semaphore(%arg14 : memref<!tpu.dma_semaphore, #tpu.memory_space<semaphore_mem>>)
        } else {
        }
      } else {
      }
      %mul3A_86 = arith.constant 3 : i32
      %mul3A_87 = arith.muli %mul3A_86, %scan3A_76 : i32
      %add3A_88 = arith.constant 1 : i32
      %add3A_89 = arith.addi %mul3A_87, %add3A_88 : i32
      %mul3A_90 = arith.constant 128 : i32
      %mul3A_91 = arith.muli %add3A_89, %mul3A_90 : i32
      %lt3A_92 = arith.cmpi slt, %mul3A_91, %squeeze3A : i32
      %convert_element_type3A_93 = arith.extui %lt3A_92 : i1 to i32
      %cond3A_94 = arith.constant 0 : i32
      %cond3A_95 = arith.cmpi ne, %convert_element_type3A_93, %cond3A_94 : i32
      scf.if %cond3A_95 {
        %dma_wait3A = arith.constant 0 : i32
        %dma_wait3A_106 = tpu.memref_slice %arg7[%add3A_89, %dma_wait3A] : memref<81x128xi32, #tpu.memory_space<vmem>> -> memref<1x128xi32, #tpu.memory_space<vmem>>
        %dma_wait3A_107 = tpu.memref_squeeze %dma_wait3A_106 : memref<1x128xi32, #tpu.memory_space<vmem>> -> memref<128xi32, #tpu.memory_space<vmem>>
        %dma_wait3A_108 = arith.constant 0 : i32
        %dma_wait3A_109 = arith.constant 0 : i32
        %dma_wait3A_110 = tpu.memref_slice %arg5[%dma_wait3A_108, %dma_wait3A_109] : memref<10240x128xf32, #tpu.memory_space<hbm>> -> memref<10240x128xf32, #tpu.memory_space<hbm>>
        tpu.wait_indirect_dma semaphore(%arg15 : memref<!tpu.dma_semaphore, #tpu.memory_space<semaphore_mem>>) src(%dma_wait3A_110 : memref<10240x128xf32, #tpu.memory_space<hbm>>) dst(%arg11 : memref<128x128xf32, #tpu.memory_space<vmem>>)
        "tpu.region"() ({
          %run_scoped3A_119 = tpu.sem_alloc : memref<!tpu.dma_semaphore, #tpu.memory_space<semaphore_mem>>
          %dma_start3A = arith.constant 0 : i32
          %dma_start3A_120 = tpu.memref_slice %arg8[%add3A_89, %dma_start3A] : memref<81x128xi32, #tpu.memory_space<vmem>> -> memref<1x128xi32, #tpu.memory_space<vmem>>
          %dma_start3A_121 = tpu.memref_squeeze %dma_start3A_120 : memref<1x128xi32, #tpu.memory_space<vmem>> -> memref<128xi32, #tpu.memory_space<vmem>>
          %dma_start3A_122 = arith.constant 0 : i32
          %dma_start3A_123 = arith.constant 0 : i32
          %dma_start3A_124 = tpu.memref_slice %arg13[%dma_start3A_122, %dma_start3A_123] : memref<5120x128xf32, #tpu.memory_space<vmem_shared>> -> memref<5120x128xf32, #tpu.memory_space<vmem_shared>>
          tpu.enqueue_indirect_dma source(%arg11 : memref<128x128xf32, #tpu.memory_space<vmem>>) target(%dma_start3A_124 : memref<5120x128xf32, #tpu.memory_space<vmem_shared>>) offsets(%dma_start3A_121 : memref<128xi32, #tpu.memory_space<vmem>>) semaphore(%run_scoped3A_119 : memref<!tpu.dma_semaphore, #tpu.memory_space<semaphore_mem>>) {add = true}
          %dma_wait3A_125 = arith.constant 0 : i32
          %dma_wait3A_126 = tpu.memref_slice %arg8[%add3A_89, %dma_wait3A_125] : memref<81x128xi32, #tpu.memory_space<vmem>> -> memref<1x128xi32, #tpu.memory_space<vmem>>
          %dma_wait3A_127 = tpu.memref_squeeze %dma_wait3A_126 : memref<1x128xi32, #tpu.memory_space<vmem>> -> memref<128xi32, #tpu.memory_space<vmem>>
          %dma_wait3A_128 = arith.constant 0 : i32
          %dma_wait3A_129 = arith.constant 0 : i32
          %dma_wait3A_130 = tpu.memref_slice %arg13[%dma_wait3A_128, %dma_wait3A_129] : memref<5120x128xf32, #tpu.memory_space<vmem_shared>> -> memref<5120x128xf32, #tpu.memory_space<vmem_shared>>
          tpu.wait_indirect_dma semaphore(%run_scoped3A_119 : memref<!tpu.dma_semaphore, #tpu.memory_space<semaphore_mem>>) src(%arg11 : memref<128x128xf32, #tpu.memory_space<vmem>>) dst(%dma_wait3A_130 : memref<5120x128xf32, #tpu.memory_space<vmem_shared>>)
          tpu.yield
        }) : () -> ()
        %add3A_111 = arith.constant 3 : i32
        %add3A_112 = arith.addi %add3A_89, %add3A_111 : i32
        %mul3A_113 = arith.constant 128 : i32
        %mul3A_114 = arith.muli %add3A_112, %mul3A_113 : i32
        %lt3A_115 = arith.cmpi slt, %mul3A_114, %squeeze3A : i32
        %convert_element_type3A_116 = arith.extui %lt3A_115 : i1 to i32
        %cond3A_117 = arith.constant 0 : i32
        %cond3A_118 = arith.cmpi ne, %convert_element_type3A_116, %cond3A_117 : i32
        scf.if %cond3A_118 {
          %add3A_119 = arith.constant 3 : i32
          %add3A_120 = arith.addi %add3A_89, %add3A_119 : i32
          %dma_start3A = arith.constant 0 : i32
          %dma_start3A_121 = tpu.memref_slice %arg7[%add3A_120, %dma_start3A] : memref<81x128xi32, #tpu.memory_space<vmem>> -> memref<1x128xi32, #tpu.memory_space<vmem>>
          %dma_start3A_122 = tpu.memref_squeeze %dma_start3A_121 : memref<1x128xi32, #tpu.memory_space<vmem>> -> memref<128xi32, #tpu.memory_space<vmem>>
          %dma_start3A_123 = arith.constant 0 : i32
          %dma_start3A_124 = arith.constant 0 : i32
          %dma_start3A_125 = tpu.memref_slice %arg5[%dma_start3A_123, %dma_start3A_124] : memref<10240x128xf32, #tpu.memory_space<hbm>> -> memref<10240x128xf32, #tpu.memory_space<hbm>>
          tpu.enqueue_indirect_dma source(%dma_start3A_125 : memref<10240x128xf32, #tpu.memory_space<hbm>>) target(%arg11 : memref<128x128xf32, #tpu.memory_space<vmem>>) offsets(%dma_start3A_122 : memref<128xi32, #tpu.memory_space<vmem>>) semaphore(%arg15 : memref<!tpu.dma_semaphore, #tpu.memory_space<semaphore_mem>>)
        } else {
        }
      } else {
      }
      %mul3A_96 = arith.constant 3 : i32
      %mul3A_97 = arith.muli %mul3A_96, %scan3A_76 : i32
      %add3A_98 = arith.constant 2 : i32
      %add3A_99 = arith.addi %mul3A_97, %add3A_98 : i32
      %mul3A_100 = arith.constant 128 : i32
      %mul3A_101 = arith.muli %add3A_99, %mul3A_100 : i32
      %lt3A_102 = arith.cmpi slt, %mul3A_101, %squeeze3A : i32
      %convert_element_type3A_103 = arith.extui %lt3A_102 : i1 to i32
      %cond3A_104 = arith.constant 0 : i32
      %cond3A_105 = arith.cmpi ne, %convert_element_type3A_103, %cond3A_104 : i32
      scf.if %cond3A_105 {
        %dma_wait3A = arith.constant 0 : i32
        %dma_wait3A_106 = tpu.memref_slice %arg7[%add3A_99, %dma_wait3A] : memref<81x128xi32, #tpu.memory_space<vmem>> -> memref<1x128xi32, #tpu.memory_space<vmem>>
        %dma_wait3A_107 = tpu.memref_squeeze %dma_wait3A_106 : memref<1x128xi32, #tpu.memory_space<vmem>> -> memref<128xi32, #tpu.memory_space<vmem>>
        %dma_wait3A_108 = arith.constant 0 : i32
        %dma_wait3A_109 = arith.constant 0 : i32
        %dma_wait3A_110 = tpu.memref_slice %arg5[%dma_wait3A_108, %dma_wait3A_109] : memref<10240x128xf32, #tpu.memory_space<hbm>> -> memref<10240x128xf32, #tpu.memory_space<hbm>>
        tpu.wait_indirect_dma semaphore(%arg16 : memref<!tpu.dma_semaphore, #tpu.memory_space<semaphore_mem>>) src(%dma_wait3A_110 : memref<10240x128xf32, #tpu.memory_space<hbm>>) dst(%arg12 : memref<128x128xf32, #tpu.memory_space<vmem>>)
        "tpu.region"() ({
          %run_scoped3A_119 = tpu.sem_alloc : memref<!tpu.dma_semaphore, #tpu.memory_space<semaphore_mem>>
          %dma_start3A = arith.constant 0 : i32
          %dma_start3A_120 = tpu.memref_slice %arg8[%add3A_99, %dma_start3A] : memref<81x128xi32, #tpu.memory_space<vmem>> -> memref<1x128xi32, #tpu.memory_space<vmem>>
          %dma_start3A_121 = tpu.memref_squeeze %dma_start3A_120 : memref<1x128xi32, #tpu.memory_space<vmem>> -> memref<128xi32, #tpu.memory_space<vmem>>
          %dma_start3A_122 = arith.constant 0 : i32
          %dma_start3A_123 = arith.constant 0 : i32
          %dma_start3A_124 = tpu.memref_slice %arg13[%dma_start3A_122, %dma_start3A_123] : memref<5120x128xf32, #tpu.memory_space<vmem_shared>> -> memref<5120x128xf32, #tpu.memory_space<vmem_shared>>
          tpu.enqueue_indirect_dma source(%arg12 : memref<128x128xf32, #tpu.memory_space<vmem>>) target(%dma_start3A_124 : memref<5120x128xf32, #tpu.memory_space<vmem_shared>>) offsets(%dma_start3A_121 : memref<128xi32, #tpu.memory_space<vmem>>) semaphore(%run_scoped3A_119 : memref<!tpu.dma_semaphore, #tpu.memory_space<semaphore_mem>>) {add = true}
          %dma_wait3A_125 = arith.constant 0 : i32
          %dma_wait3A_126 = tpu.memref_slice %arg8[%add3A_99, %dma_wait3A_125] : memref<81x128xi32, #tpu.memory_space<vmem>> -> memref<1x128xi32, #tpu.memory_space<vmem>>
          %dma_wait3A_127 = tpu.memref_squeeze %dma_wait3A_126 : memref<1x128xi32, #tpu.memory_space<vmem>> -> memref<128xi32, #tpu.memory_space<vmem>>
          %dma_wait3A_128 = arith.constant 0 : i32
          %dma_wait3A_129 = arith.constant 0 : i32
          %dma_wait3A_130 = tpu.memref_slice %arg13[%dma_wait3A_128, %dma_wait3A_129] : memref<5120x128xf32, #tpu.memory_space<vmem_shared>> -> memref<5120x128xf32, #tpu.memory_space<vmem_shared>>
          tpu.wait_indirect_dma semaphore(%run_scoped3A_119 : memref<!tpu.dma_semaphore, #tpu.memory_space<semaphore_mem>>) src(%arg12 : memref<128x128xf32, #tpu.memory_space<vmem>>) dst(%dma_wait3A_130 : memref<5120x128xf32, #tpu.memory_space<vmem_shared>>)
          tpu.yield
        }) : () -> ()
        %add3A_111 = arith.constant 3 : i32
        %add3A_112 = arith.addi %add3A_99, %add3A_111 : i32
        %mul3A_113 = arith.constant 128 : i32
        %mul3A_114 = arith.muli %add3A_112, %mul3A_113 : i32
        %lt3A_115 = arith.cmpi slt, %mul3A_114, %squeeze3A : i32
        %convert_element_type3A_116 = arith.extui %lt3A_115 : i1 to i32
        %cond3A_117 = arith.constant 0 : i32
        %cond3A_118 = arith.cmpi ne, %convert_element_type3A_116, %cond3A_117 : i32
        scf.if %cond3A_118 {
          %add3A_119 = arith.constant 3 : i32
          %add3A_120 = arith.addi %add3A_99, %add3A_119 : i32
          %dma_start3A = arith.constant 0 : i32
          %dma_start3A_121 = tpu.memref_slice %arg7[%add3A_120, %dma_start3A] : memref<81x128xi32, #tpu.memory_space<vmem>> -> memref<1x128xi32, #tpu.memory_space<vmem>>
          %dma_start3A_122 = tpu.memref_squeeze %dma_start3A_121 : memref<1x128xi32, #tpu.memory_space<vmem>> -> memref<128xi32, #tpu.memory_space<vmem>>
          %dma_start3A_123 = arith.constant 0 : i32
          %dma_start3A_124 = arith.constant 0 : i32
          %dma_start3A_125 = tpu.memref_slice %arg5[%dma_start3A_123, %dma_start3A_124] : memref<10240x128xf32, #tpu.memory_space<hbm>> -> memref<10240x128xf32, #tpu.memory_space<hbm>>
          tpu.enqueue_indirect_dma source(%dma_start3A_125 : memref<10240x128xf32, #tpu.memory_space<hbm>>) target(%arg12 : memref<128x128xf32, #tpu.memory_space<vmem>>) offsets(%dma_start3A_122 : memref<128xi32, #tpu.memory_space<vmem>>) semaphore(%arg16 : memref<!tpu.dma_semaphore, #tpu.memory_space<semaphore_mem>>)
        } else {
        }
      } else {
      }
    }
    %scan3A_26 = arith.constant 27 : i32
    %barrier3A_27 = arith.constant 0 : index
    tpu.barrier barrier_id(%barrier3A_27)
    %mul3A_28 = arith.constant 320 : i32
    %mul3A_29 = arith.muli %arg1, %mul3A_28 : i32
    %mul3A_30 = arith.constant 320 : i32
    %mul3A_31 = arith.muli %arg1, %mul3A_30 : i32
    %add3A_32 = arith.constant 0 : i32
    %add3A_33 = arith.addi %add3A_32, %mul3A_31 : i32
    "tpu.region"() ({
      %run_scoped3A_76 = tpu.sem_alloc : memref<!tpu.dma_semaphore, #tpu.memory_space<semaphore_mem>>
      %dma_start3A = arith.constant 0 : i32
      %dma_start3A_77 = tpu.memref_slice %arg6[%arg0, %add3A_33, %dma_start3A] : memref<2x10240x128xf32, #tpu.memory_space<hbm>> -> memref<1x320x128xf32, #tpu.memory_space<hbm>>
      %dma_start3A_78 = tpu.memref_squeeze %dma_start3A_77 : memref<1x320x128xf32, #tpu.memory_space<hbm>> -> memref<320x128xf32, #tpu.memory_space<hbm>>
      %dma_start3A_79 = arith.constant 0 : i32
      %dma_start3A_80 = tpu.memref_slice %arg13[%mul3A_29, %dma_start3A_79] : memref<5120x128xf32, #tpu.memory_space<vmem_shared>> -> memref<320x128xf32, #tpu.memory_space<vmem_shared>>
      tpu.enqueue_dma source(%dma_start3A_80 : memref<320x128xf32, #tpu.memory_space<vmem_shared>>) target(%dma_start3A_78 : memref<320x128xf32, #tpu.memory_space<hbm>>) target_semaphore(%run_scoped3A_76 : memref<!tpu.dma_semaphore, #tpu.memory_space<semaphore_mem>>)
      %dma_wait3A = arith.constant 0 : i32
      %dma_wait3A_81 = tpu.memref_slice %arg6[%arg0, %add3A_33, %dma_wait3A] : memref<2x10240x128xf32, #tpu.memory_space<hbm>> -> memref<1x320x128xf32, #tpu.memory_space<hbm>>
      %dma_wait3A_82 = tpu.memref_squeeze %dma_wait3A_81 : memref<1x320x128xf32, #tpu.memory_space<hbm>> -> memref<320x128xf32, #tpu.memory_space<hbm>>
      %dma_wait3A_83 = arith.constant 0 : i32
      %dma_wait3A_84 = tpu.memref_slice %arg13[%mul3A_29, %dma_wait3A_83] : memref<5120x128xf32, #tpu.memory_space<vmem_shared>> -> memref<320x128xf32, #tpu.memory_space<vmem_shared>>
      tpu.wait_dma2 semaphore(%run_scoped3A_76 : memref<!tpu.dma_semaphore, #tpu.memory_space<semaphore_mem>>) src(%dma_wait3A_84 : memref<320x128xf32, #tpu.memory_space<vmem_shared>>) dst(%dma_wait3A_82 : memref<320x128xf32, #tpu.memory_space<hbm>>)
      tpu.yield
    }) : () -> ()
    %run_scoped3A_34 = arith.constant 1 : i32
    "tpu.region"() ({
      %run_scoped3A_76 = tpu.sem_alloc : memref<!tpu.dma_semaphore, #tpu.memory_space<semaphore_mem>>
      %dma_start3A = arith.constant 0 : i32
      %dma_start3A_77 = arith.constant 0 : i32
      %dma_start3A_78 = tpu.memref_slice %arg2[%add3A, %run_scoped3A_34, %dma_start3A, %dma_start3A_77] : memref<32x2x81x128xi32, #tpu.memory_space<hbm>> -> memref<1x1x81x128xi32, #tpu.memory_space<hbm>>
      %dma_start3A_79 = tpu.memref_squeeze %dma_start3A_78 : memref<1x1x81x128xi32, #tpu.memory_space<hbm>> -> memref<81x128xi32, #tpu.memory_space<hbm>>
      %dma_start3A_80 = arith.constant 0 : i32
      %dma_start3A_81 = arith.constant 0 : i32
      %dma_start3A_82 = tpu.memref_slice %arg2[%add3A, %run_scoped3A_34, %dma_start3A_80, %dma_start3A_81] : memref<32x2x81x128xi32, #tpu.memory_space<hbm>> -> memref<1x1x81x128xi32, #tpu.memory_space<hbm>>
      %dma_start3A_83 = tpu.memref_squeeze %dma_start3A_82 : memref<1x1x81x128xi32, #tpu.memory_space<hbm>> -> memref<81x128xi32, #tpu.memory_space<hbm>>
      tpu.enqueue_dma source(%dma_start3A_83 : memref<81x128xi32, #tpu.memory_space<hbm>>) target(%arg7 : memref<81x128xi32, #tpu.memory_space<vmem>>) target_semaphore(%run_scoped3A_76 : memref<!tpu.dma_semaphore, #tpu.memory_space<semaphore_mem>>)
      %dma_wait3A = arith.constant 0 : i32
      %dma_wait3A_84 = arith.constant 0 : i32
      %dma_wait3A_85 = tpu.memref_slice %arg2[%add3A, %run_scoped3A_34, %dma_wait3A, %dma_wait3A_84] : memref<32x2x81x128xi32, #tpu.memory_space<hbm>> -> memref<1x1x81x128xi32, #tpu.memory_space<hbm>>
      %dma_wait3A_86 = tpu.memref_squeeze %dma_wait3A_85 : memref<1x1x81x128xi32, #tpu.memory_space<hbm>> -> memref<81x128xi32, #tpu.memory_space<hbm>>
      %dma_wait3A_87 = arith.constant 0 : i32
      %dma_wait3A_88 = arith.constant 0 : i32
      %dma_wait3A_89 = tpu.memref_slice %arg2[%add3A, %run_scoped3A_34, %dma_wait3A_87, %dma_wait3A_88] : memref<32x2x81x128xi32, #tpu.memory_space<hbm>> -> memref<1x1x81x128xi32, #tpu.memory_space<hbm>>
      %dma_wait3A_90 = tpu.memref_squeeze %dma_wait3A_89 : memref<1x1x81x128xi32, #tpu.memory_space<hbm>> -> memref<81x128xi32, #tpu.memory_space<hbm>>
      tpu.wait_dma2 semaphore(%run_scoped3A_76 : memref<!tpu.dma_semaphore, #tpu.memory_space<semaphore_mem>>) src(%dma_wait3A_90 : memref<81x128xi32, #tpu.memory_space<hbm>>) dst(%arg7 : memref<81x128xi32, #tpu.memory_space<vmem>>)
      tpu.yield
    }) : () -> ()
    %run_scoped3A_35 = arith.constant 1 : i32
    "tpu.region"() ({
      %run_scoped3A_76 = tpu.sem_alloc : memref<!tpu.dma_semaphore, #tpu.memory_space<semaphore_mem>>
      %dma_start3A = arith.constant 0 : i32
      %dma_start3A_77 = arith.constant 0 : i32
      %dma_start3A_78 = tpu.memref_slice %arg3[%add3A, %run_scoped3A_35, %dma_start3A, %dma_start3A_77] : memref<32x2x81x128xi32, #tpu.memory_space<hbm>> -> memref<1x1x81x128xi32, #tpu.memory_space<hbm>>
      %dma_start3A_79 = tpu.memref_squeeze %dma_start3A_78 : memref<1x1x81x128xi32, #tpu.memory_space<hbm>> -> memref<81x128xi32, #tpu.memory_space<hbm>>
      %dma_start3A_80 = arith.constant 0 : i32
      %dma_start3A_81 = arith.constant 0 : i32
      %dma_start3A_82 = tpu.memref_slice %arg3[%add3A, %run_scoped3A_35, %dma_start3A_80, %dma_start3A_81] : memref<32x2x81x128xi32, #tpu.memory_space<hbm>> -> memref<1x1x81x128xi32, #tpu.memory_space<hbm>>
      %dma_start3A_83 = tpu.memref_squeeze %dma_start3A_82 : memref<1x1x81x128xi32, #tpu.memory_space<hbm>> -> memref<81x128xi32, #tpu.memory_space<hbm>>
      tpu.enqueue_dma source(%dma_start3A_83 : memref<81x128xi32, #tpu.memory_space<hbm>>) target(%arg8 : memref<81x128xi32, #tpu.memory_space<vmem>>) target_semaphore(%run_scoped3A_76 : memref<!tpu.dma_semaphore, #tpu.memory_space<semaphore_mem>>)
      %dma_wait3A = arith.constant 0 : i32
      %dma_wait3A_84 = arith.constant 0 : i32
      %dma_wait3A_85 = tpu.memref_slice %arg3[%add3A, %run_scoped3A_35, %dma_wait3A, %dma_wait3A_84] : memref<32x2x81x128xi32, #tpu.memory_space<hbm>> -> memref<1x1x81x128xi32, #tpu.memory_space<hbm>>
      %dma_wait3A_86 = tpu.memref_squeeze %dma_wait3A_85 : memref<1x1x81x128xi32, #tpu.memory_space<hbm>> -> memref<81x128xi32, #tpu.memory_space<hbm>>
      %dma_wait3A_87 = arith.constant 0 : i32
      %dma_wait3A_88 = arith.constant 0 : i32
      %dma_wait3A_89 = tpu.memref_slice %arg3[%add3A, %run_scoped3A_35, %dma_wait3A_87, %dma_wait3A_88] : memref<32x2x81x128xi32, #tpu.memory_space<hbm>> -> memref<1x1x81x128xi32, #tpu.memory_space<hbm>>
      %dma_wait3A_90 = tpu.memref_squeeze %dma_wait3A_89 : memref<1x1x81x128xi32, #tpu.memory_space<hbm>> -> memref<81x128xi32, #tpu.memory_space<hbm>>
      tpu.wait_dma2 semaphore(%run_scoped3A_76 : memref<!tpu.dma_semaphore, #tpu.memory_space<semaphore_mem>>) src(%dma_wait3A_90 : memref<81x128xi32, #tpu.memory_space<hbm>>) dst(%arg8 : memref<81x128xi32, #tpu.memory_space<vmem>>)
      tpu.yield
    }) : () -> ()
    %get3A_36 = arith.constant 0 : index
    %get3A_37 = tpu.vector_load %arg9[%get3A_36] {strides = array<i32>} : memref<16xi32, #tpu.memory_space<vmem>>, vector<16xi32>,
    %get3A_38 = vector.shape_cast %get3A_37 : vector<16xi32> to vector<16xi32>
    %slice3A_39 = vector.extract_strided_slice %get3A_38 {offsets = [1], sizes = [1], strides = [1]} : vector<16xi32> to vector<1xi32>
    %squeeze3A_40 = vector.extract %slice3A_39[0] : i32 from vector<1xi32>
    %mul3A_41 = arith.constant 320 : i32
    %mul3A_42 = arith.muli %arg1, %mul3A_41 : i32
    %add3A_43 = arith.constant 5120 : i32
    %add3A_44 = arith.addi %add3A_43, %mul3A_42 : i32
    %mul3A_45 = arith.constant 320 : i32
    %mul3A_46 = arith.muli %arg1, %mul3A_45 : i32
    "tpu.region"() ({
      %run_scoped3A_76 = tpu.sem_alloc : memref<!tpu.dma_semaphore, #tpu.memory_space<semaphore_mem>>
      %dma_start3A = arith.constant 0 : i32
      %dma_start3A_77 = tpu.memref_slice %arg13[%mul3A_46, %dma_start3A] : memref<5120x128xf32, #tpu.memory_space<vmem_shared>> -> memref<320x128xf32, #tpu.memory_space<vmem_shared>>
      %dma_start3A_78 = arith.constant 0 : i32
      %dma_start3A_79 = tpu.memref_slice %arg5[%add3A_44, %dma_start3A_78] : memref<10240x128xf32, #tpu.memory_space<hbm>> -> memref<320x128xf32, #tpu.memory_space<hbm>>
      tpu.enqueue_dma source(%dma_start3A_79 : memref<320x128xf32, #tpu.memory_space<hbm>>) target(%dma_start3A_77 : memref<320x128xf32, #tpu.memory_space<vmem_shared>>) target_semaphore(%run_scoped3A_76 : memref<!tpu.dma_semaphore, #tpu.memory_space<semaphore_mem>>)
      %dma_wait3A = arith.constant 0 : i32
      %dma_wait3A_80 = tpu.memref_slice %arg13[%mul3A_46, %dma_wait3A] : memref<5120x128xf32, #tpu.memory_space<vmem_shared>> -> memref<320x128xf32, #tpu.memory_space<vmem_shared>>
      %dma_wait3A_81 = arith.constant 0 : i32
      %dma_wait3A_82 = tpu.memref_slice %arg5[%add3A_44, %dma_wait3A_81] : memref<10240x128xf32, #tpu.memory_space<hbm>> -> memref<320x128xf32, #tpu.memory_space<hbm>>
      tpu.wait_dma2 semaphore(%run_scoped3A_76 : memref<!tpu.dma_semaphore, #tpu.memory_space<semaphore_mem>>) src(%dma_wait3A_82 : memref<320x128xf32, #tpu.memory_space<hbm>>) dst(%dma_wait3A_80 : memref<320x128xf32, #tpu.memory_space<vmem_shared>>)
      tpu.yield
    }) : () -> ()
    %barrier3A_47 = arith.constant 0 : index
    tpu.barrier barrier_id(%barrier3A_47)
    %gt3A_48 = arith.constant 0 : i32
    %gt3A_49 = arith.cmpi sgt, %squeeze3A_40, %gt3A_48 : i32
    %convert_element_type3A_50 = arith.extui %gt3A_49 : i1 to i32
    %cond3A_51 = arith.constant 0 : i32
    %cond3A_52 = arith.cmpi ne, %convert_element_type3A_50, %cond3A_51 : i32
    scf.if %cond3A_52 {
      %dma_start3A = arith.constant 0 : i32
      %dma_start3A_76 = arith.constant 0 : i32
      %dma_start3A_77 = tpu.memref_slice %arg7[%dma_start3A, %dma_start3A_76] : memref<81x128xi32, #tpu.memory_space<vmem>> -> memref<1x128xi32, #tpu.memory_space<vmem>>
      %dma_start3A_78 = tpu.memref_squeeze %dma_start3A_77 : memref<1x128xi32, #tpu.memory_space<vmem>> -> memref<128xi32, #tpu.memory_space<vmem>>
      %dma_start3A_79 = arith.constant 0 : i32
      %dma_start3A_80 = arith.constant 0 : i32
      %dma_start3A_81 = tpu.memref_slice %arg5[%dma_start3A_79, %dma_start3A_80] : memref<10240x128xf32, #tpu.memory_space<hbm>> -> memref<10240x128xf32, #tpu.memory_space<hbm>>
      tpu.enqueue_indirect_dma source(%dma_start3A_81 : memref<10240x128xf32, #tpu.memory_space<hbm>>) target(%arg10 : memref<128x128xf32, #tpu.memory_space<vmem>>) offsets(%dma_start3A_78 : memref<128xi32, #tpu.memory_space<vmem>>) semaphore(%arg14 : memref<!tpu.dma_semaphore, #tpu.memory_space<semaphore_mem>>)
    } else {
    }
    %gt3A_53 = arith.constant 128 : i32
    %gt3A_54 = arith.cmpi sgt, %squeeze3A_40, %gt3A_53 : i32
    %convert_element_type3A_55 = arith.extui %gt3A_54 : i1 to i32
    %cond3A_56 = arith.constant 0 : i32
    %cond3A_57 = arith.cmpi ne, %convert_element_type3A_55, %cond3A_56 : i32
    scf.if %cond3A_57 {
      %dma_start3A = arith.constant 1 : i32
      %dma_start3A_76 = arith.constant 0 : i32
      %dma_start3A_77 = tpu.memref_slice %arg7[%dma_start3A, %dma_start3A_76] : memref<81x128xi32, #tpu.memory_space<vmem>> -> memref<1x128xi32, #tpu.memory_space<vmem>>
      %dma_start3A_78 = tpu.memref_squeeze %dma_start3A_77 : memref<1x128xi32, #tpu.memory_space<vmem>> -> memref<128xi32, #tpu.memory_space<vmem>>
      %dma_start3A_79 = arith.constant 0 : i32
      %dma_start3A_80 = arith.constant 0 : i32
      %dma_start3A_81 = tpu.memref_slice %arg5[%dma_start3A_79, %dma_start3A_80] : memref<10240x128xf32, #tpu.memory_space<hbm>> -> memref<10240x128xf32, #tpu.memory_space<hbm>>
      tpu.enqueue_indirect_dma source(%dma_start3A_81 : memref<10240x128xf32, #tpu.memory_space<hbm>>) target(%arg11 : memref<128x128xf32, #tpu.memory_space<vmem>>) offsets(%dma_start3A_78 : memref<128xi32, #tpu.memory_space<vmem>>) semaphore(%arg15 : memref<!tpu.dma_semaphore, #tpu.memory_space<semaphore_mem>>)
    } else {
    }
    %gt3A_58 = arith.constant 256 : i32
    %gt3A_59 = arith.cmpi sgt, %squeeze3A_40, %gt3A_58 : i32
    %convert_element_type3A_60 = arith.extui %gt3A_59 : i1 to i32
    %cond3A_61 = arith.constant 0 : i32
    %cond3A_62 = arith.cmpi ne, %convert_element_type3A_60, %cond3A_61 : i32
    scf.if %cond3A_62 {
      %dma_start3A = arith.constant 2 : i32
      %dma_start3A_76 = arith.constant 0 : i32
      %dma_start3A_77 = tpu.memref_slice %arg7[%dma_start3A, %dma_start3A_76] : memref<81x128xi32, #tpu.memory_space<vmem>> -> memref<1x128xi32, #tpu.memory_space<vmem>>
      %dma_start3A_78 = tpu.memref_squeeze %dma_start3A_77 : memref<1x128xi32, #tpu.memory_space<vmem>> -> memref<128xi32, #tpu.memory_space<vmem>>
      %dma_start3A_79 = arith.constant 0 : i32
      %dma_start3A_80 = arith.constant 0 : i32
      %dma_start3A_81 = tpu.memref_slice %arg5[%dma_start3A_79, %dma_start3A_80] : memref<10240x128xf32, #tpu.memory_space<hbm>> -> memref<10240x128xf32, #tpu.memory_space<hbm>>
      tpu.enqueue_indirect_dma source(%dma_start3A_81 : memref<10240x128xf32, #tpu.memory_space<hbm>>) target(%arg12 : memref<128x128xf32, #tpu.memory_space<vmem>>) offsets(%dma_start3A_78 : memref<128xi32, #tpu.memory_space<vmem>>) semaphore(%arg16 : memref<!tpu.dma_semaphore, #tpu.memory_space<semaphore_mem>>)
    } else {
    }
    %scan3A_63 = arith.constant 0 : i32
    %scan3A_64 = arith.constant 0 : i32
    %scan3A_65 = arith.constant 27 : i32
    %scan3A_66 = arith.addi %scan3A_64, %scan3A_65 : i32
    %scan3A_67 = arith.constant 1 : i32
    scf.for %scan3A_76 = %scan3A_64 to %scan3A_66 step %scan3A_67  : i32 {
      %mul3A_77 = arith.constant 3 : i32
      %mul3A_78 = arith.muli %mul3A_77, %scan3A_76 : i32
      %add3A_79 = arith.constant 0 : i32
      %add3A_80 = arith.addi %mul3A_78, %add3A_79 : i32
      %mul3A_81 = arith.constant 128 : i32
      %mul3A_82 = arith.muli %add3A_80, %mul3A_81 : i32
      %lt3A = arith.cmpi slt, %mul3A_82, %squeeze3A_40 : i32
      %convert_element_type3A_83 = arith.extui %lt3A : i1 to i32
      %cond3A_84 = arith.constant 0 : i32
      %cond3A_85 = arith.cmpi ne, %convert_element_type3A_83, %cond3A_84 : i32
      scf.if %cond3A_85 {
        %dma_wait3A = arith.constant 0 : i32
        %dma_wait3A_106 = tpu.memref_slice %arg7[%add3A_80, %dma_wait3A] : memref<81x128xi32, #tpu.memory_space<vmem>> -> memref<1x128xi32, #tpu.memory_space<vmem>>
        %dma_wait3A_107 = tpu.memref_squeeze %dma_wait3A_106 : memref<1x128xi32, #tpu.memory_space<vmem>> -> memref<128xi32, #tpu.memory_space<vmem>>
        %dma_wait3A_108 = arith.constant 0 : i32
        %dma_wait3A_109 = arith.constant 0 : i32
        %dma_wait3A_110 = tpu.memref_slice %arg5[%dma_wait3A_108, %dma_wait3A_109] : memref<10240x128xf32, #tpu.memory_space<hbm>> -> memref<10240x128xf32, #tpu.memory_space<hbm>>
        tpu.wait_indirect_dma semaphore(%arg14 : memref<!tpu.dma_semaphore, #tpu.memory_space<semaphore_mem>>) src(%dma_wait3A_110 : memref<10240x128xf32, #tpu.memory_space<hbm>>) dst(%arg10 : memref<128x128xf32, #tpu.memory_space<vmem>>)
        "tpu.region"() ({
          %run_scoped3A_119 = tpu.sem_alloc : memref<!tpu.dma_semaphore, #tpu.memory_space<semaphore_mem>>
          %dma_start3A = arith.constant 0 : i32
          %dma_start3A_120 = tpu.memref_slice %arg8[%add3A_80, %dma_start3A] : memref<81x128xi32, #tpu.memory_space<vmem>> -> memref<1x128xi32, #tpu.memory_space<vmem>>
          %dma_start3A_121 = tpu.memref_squeeze %dma_start3A_120 : memref<1x128xi32, #tpu.memory_space<vmem>> -> memref<128xi32, #tpu.memory_space<vmem>>
          %dma_start3A_122 = arith.constant 0 : i32
          %dma_start3A_123 = arith.constant 0 : i32
          %dma_start3A_124 = tpu.memref_slice %arg13[%dma_start3A_122, %dma_start3A_123] : memref<5120x128xf32, #tpu.memory_space<vmem_shared>> -> memref<5120x128xf32, #tpu.memory_space<vmem_shared>>
          tpu.enqueue_indirect_dma source(%arg10 : memref<128x128xf32, #tpu.memory_space<vmem>>) target(%dma_start3A_124 : memref<5120x128xf32, #tpu.memory_space<vmem_shared>>) offsets(%dma_start3A_121 : memref<128xi32, #tpu.memory_space<vmem>>) semaphore(%run_scoped3A_119 : memref<!tpu.dma_semaphore, #tpu.memory_space<semaphore_mem>>) {add = true}
          %dma_wait3A_125 = arith.constant 0 : i32
          %dma_wait3A_126 = tpu.memref_slice %arg8[%add3A_80, %dma_wait3A_125] : memref<81x128xi32, #tpu.memory_space<vmem>> -> memref<1x128xi32, #tpu.memory_space<vmem>>
          %dma_wait3A_127 = tpu.memref_squeeze %dma_wait3A_126 : memref<1x128xi32, #tpu.memory_space<vmem>> -> memref<128xi32, #tpu.memory_space<vmem>>
          %dma_wait3A_128 = arith.constant 0 : i32
          %dma_wait3A_129 = arith.constant 0 : i32
          %dma_wait3A_130 = tpu.memref_slice %arg13[%dma_wait3A_128, %dma_wait3A_129] : memref<5120x128xf32, #tpu.memory_space<vmem_shared>> -> memref<5120x128xf32, #tpu.memory_space<vmem_shared>>
          tpu.wait_indirect_dma semaphore(%run_scoped3A_119 : memref<!tpu.dma_semaphore, #tpu.memory_space<semaphore_mem>>) src(%arg10 : memref<128x128xf32, #tpu.memory_space<vmem>>) dst(%dma_wait3A_130 : memref<5120x128xf32, #tpu.memory_space<vmem_shared>>)
          tpu.yield
        }) : () -> ()
        %add3A_111 = arith.constant 3 : i32
        %add3A_112 = arith.addi %add3A_80, %add3A_111 : i32
        %mul3A_113 = arith.constant 128 : i32
        %mul3A_114 = arith.muli %add3A_112, %mul3A_113 : i32
        %lt3A_115 = arith.cmpi slt, %mul3A_114, %squeeze3A_40 : i32
        %convert_element_type3A_116 = arith.extui %lt3A_115 : i1 to i32
        %cond3A_117 = arith.constant 0 : i32
        %cond3A_118 = arith.cmpi ne, %convert_element_type3A_116, %cond3A_117 : i32
        scf.if %cond3A_118 {
          %add3A_119 = arith.constant 3 : i32
          %add3A_120 = arith.addi %add3A_80, %add3A_119 : i32
          %dma_start3A = arith.constant 0 : i32
          %dma_start3A_121 = tpu.memref_slice %arg7[%add3A_120, %dma_start3A] : memref<81x128xi32, #tpu.memory_space<vmem>> -> memref<1x128xi32, #tpu.memory_space<vmem>>
          %dma_start3A_122 = tpu.memref_squeeze %dma_start3A_121 : memref<1x128xi32, #tpu.memory_space<vmem>> -> memref<128xi32, #tpu.memory_space<vmem>>
          %dma_start3A_123 = arith.constant 0 : i32
          %dma_start3A_124 = arith.constant 0 : i32
          %dma_start3A_125 = tpu.memref_slice %arg5[%dma_start3A_123, %dma_start3A_124] : memref<10240x128xf32, #tpu.memory_space<hbm>> -> memref<10240x128xf32, #tpu.memory_space<hbm>>
          tpu.enqueue_indirect_dma source(%dma_start3A_125 : memref<10240x128xf32, #tpu.memory_space<hbm>>) target(%arg10 : memref<128x128xf32, #tpu.memory_space<vmem>>) offsets(%dma_start3A_122 : memref<128xi32, #tpu.memory_space<vmem>>) semaphore(%arg14 : memref<!tpu.dma_semaphore, #tpu.memory_space<semaphore_mem>>)
        } else {
        }
      } else {
      }
      %mul3A_86 = arith.constant 3 : i32
      %mul3A_87 = arith.muli %mul3A_86, %scan3A_76 : i32
      %add3A_88 = arith.constant 1 : i32
      %add3A_89 = arith.addi %mul3A_87, %add3A_88 : i32
      %mul3A_90 = arith.constant 128 : i32
      %mul3A_91 = arith.muli %add3A_89, %mul3A_90 : i32
      %lt3A_92 = arith.cmpi slt, %mul3A_91, %squeeze3A_40 : i32
      %convert_element_type3A_93 = arith.extui %lt3A_92 : i1 to i32
      %cond3A_94 = arith.constant 0 : i32
      %cond3A_95 = arith.cmpi ne, %convert_element_type3A_93, %cond3A_94 : i32
      scf.if %cond3A_95 {
        %dma_wait3A = arith.constant 0 : i32
        %dma_wait3A_106 = tpu.memref_slice %arg7[%add3A_89, %dma_wait3A] : memref<81x128xi32, #tpu.memory_space<vmem>> -> memref<1x128xi32, #tpu.memory_space<vmem>>
        %dma_wait3A_107 = tpu.memref_squeeze %dma_wait3A_106 : memref<1x128xi32, #tpu.memory_space<vmem>> -> memref<128xi32, #tpu.memory_space<vmem>>
        %dma_wait3A_108 = arith.constant 0 : i32
        %dma_wait3A_109 = arith.constant 0 : i32
        %dma_wait3A_110 = tpu.memref_slice %arg5[%dma_wait3A_108, %dma_wait3A_109] : memref<10240x128xf32, #tpu.memory_space<hbm>> -> memref<10240x128xf32, #tpu.memory_space<hbm>>
        tpu.wait_indirect_dma semaphore(%arg15 : memref<!tpu.dma_semaphore, #tpu.memory_space<semaphore_mem>>) src(%dma_wait3A_110 : memref<10240x128xf32, #tpu.memory_space<hbm>>) dst(%arg11 : memref<128x128xf32, #tpu.memory_space<vmem>>)
        "tpu.region"() ({
          %run_scoped3A_119 = tpu.sem_alloc : memref<!tpu.dma_semaphore, #tpu.memory_space<semaphore_mem>>
          %dma_start3A = arith.constant 0 : i32
          %dma_start3A_120 = tpu.memref_slice %arg8[%add3A_89, %dma_start3A] : memref<81x128xi32, #tpu.memory_space<vmem>> -> memref<1x128xi32, #tpu.memory_space<vmem>>
          %dma_start3A_121 = tpu.memref_squeeze %dma_start3A_120 : memref<1x128xi32, #tpu.memory_space<vmem>> -> memref<128xi32, #tpu.memory_space<vmem>>
          %dma_start3A_122 = arith.constant 0 : i32
          %dma_start3A_123 = arith.constant 0 : i32
          %dma_start3A_124 = tpu.memref_slice %arg13[%dma_start3A_122, %dma_start3A_123] : memref<5120x128xf32, #tpu.memory_space<vmem_shared>> -> memref<5120x128xf32, #tpu.memory_space<vmem_shared>>
          tpu.enqueue_indirect_dma source(%arg11 : memref<128x128xf32, #tpu.memory_space<vmem>>) target(%dma_start3A_124 : memref<5120x128xf32, #tpu.memory_space<vmem_shared>>) offsets(%dma_start3A_121 : memref<128xi32, #tpu.memory_space<vmem>>) semaphore(%run_scoped3A_119 : memref<!tpu.dma_semaphore, #tpu.memory_space<semaphore_mem>>) {add = true}
          %dma_wait3A_125 = arith.constant 0 : i32
          %dma_wait3A_126 = tpu.memref_slice %arg8[%add3A_89, %dma_wait3A_125] : memref<81x128xi32, #tpu.memory_space<vmem>> -> memref<1x128xi32, #tpu.memory_space<vmem>>
          %dma_wait3A_127 = tpu.memref_squeeze %dma_wait3A_126 : memref<1x128xi32, #tpu.memory_space<vmem>> -> memref<128xi32, #tpu.memory_space<vmem>>
          %dma_wait3A_128 = arith.constant 0 : i32
          %dma_wait3A_129 = arith.constant 0 : i32
          %dma_wait3A_130 = tpu.memref_slice %arg13[%dma_wait3A_128, %dma_wait3A_129] : memref<5120x128xf32, #tpu.memory_space<vmem_shared>> -> memref<5120x128xf32, #tpu.memory_space<vmem_shared>>
          tpu.wait_indirect_dma semaphore(%run_scoped3A_119 : memref<!tpu.dma_semaphore, #tpu.memory_space<semaphore_mem>>) src(%arg11 : memref<128x128xf32, #tpu.memory_space<vmem>>) dst(%dma_wait3A_130 : memref<5120x128xf32, #tpu.memory_space<vmem_shared>>)
          tpu.yield
        }) : () -> ()
        %add3A_111 = arith.constant 3 : i32
        %add3A_112 = arith.addi %add3A_89, %add3A_111 : i32
        %mul3A_113 = arith.constant 128 : i32
        %mul3A_114 = arith.muli %add3A_112, %mul3A_113 : i32
        %lt3A_115 = arith.cmpi slt, %mul3A_114, %squeeze3A_40 : i32
        %convert_element_type3A_116 = arith.extui %lt3A_115 : i1 to i32
        %cond3A_117 = arith.constant 0 : i32
        %cond3A_118 = arith.cmpi ne, %convert_element_type3A_116, %cond3A_117 : i32
        scf.if %cond3A_118 {
          %add3A_119 = arith.constant 3 : i32
          %add3A_120 = arith.addi %add3A_89, %add3A_119 : i32
          %dma_start3A = arith.constant 0 : i32
          %dma_start3A_121 = tpu.memref_slice %arg7[%add3A_120, %dma_start3A] : memref<81x128xi32, #tpu.memory_space<vmem>> -> memref<1x128xi32, #tpu.memory_space<vmem>>
          %dma_start3A_122 = tpu.memref_squeeze %dma_start3A_121 : memref<1x128xi32, #tpu.memory_space<vmem>> -> memref<128xi32, #tpu.memory_space<vmem>>
          %dma_start3A_123 = arith.constant 0 : i32
          %dma_start3A_124 = arith.constant 0 : i32
          %dma_start3A_125 = tpu.memref_slice %arg5[%dma_start3A_123, %dma_start3A_124] : memref<10240x128xf32, #tpu.memory_space<hbm>> -> memref<10240x128xf32, #tpu.memory_space<hbm>>
          tpu.enqueue_indirect_dma source(%dma_start3A_125 : memref<10240x128xf32, #tpu.memory_space<hbm>>) target(%arg11 : memref<128x128xf32, #tpu.memory_space<vmem>>) offsets(%dma_start3A_122 : memref<128xi32, #tpu.memory_space<vmem>>) semaphore(%arg15 : memref<!tpu.dma_semaphore, #tpu.memory_space<semaphore_mem>>)
        } else {
        }
      } else {
      }
      %mul3A_96 = arith.constant 3 : i32
      %mul3A_97 = arith.muli %mul3A_96, %scan3A_76 : i32
      %add3A_98 = arith.constant 2 : i32
      %add3A_99 = arith.addi %mul3A_97, %add3A_98 : i32
      %mul3A_100 = arith.constant 128 : i32
      %mul3A_101 = arith.muli %add3A_99, %mul3A_100 : i32
      %lt3A_102 = arith.cmpi slt, %mul3A_101, %squeeze3A_40 : i32
      %convert_element_type3A_103 = arith.extui %lt3A_102 : i1 to i32
      %cond3A_104 = arith.constant 0 : i32
      %cond3A_105 = arith.cmpi ne, %convert_element_type3A_103, %cond3A_104 : i32
      scf.if %cond3A_105 {
        %dma_wait3A = arith.constant 0 : i32
        %dma_wait3A_106 = tpu.memref_slice %arg7[%add3A_99, %dma_wait3A] : memref<81x128xi32, #tpu.memory_space<vmem>> -> memref<1x128xi32, #tpu.memory_space<vmem>>
        %dma_wait3A_107 = tpu.memref_squeeze %dma_wait3A_106 : memref<1x128xi32, #tpu.memory_space<vmem>> -> memref<128xi32, #tpu.memory_space<vmem>>
        %dma_wait3A_108 = arith.constant 0 : i32
        %dma_wait3A_109 = arith.constant 0 : i32
        %dma_wait3A_110 = tpu.memref_slice %arg5[%dma_wait3A_108, %dma_wait3A_109] : memref<10240x128xf32, #tpu.memory_space<hbm>> -> memref<10240x128xf32, #tpu.memory_space<hbm>>
        tpu.wait_indirect_dma semaphore(%arg16 : memref<!tpu.dma_semaphore, #tpu.memory_space<semaphore_mem>>) src(%dma_wait3A_110 : memref<10240x128xf32, #tpu.memory_space<hbm>>) dst(%arg12 : memref<128x128xf32, #tpu.memory_space<vmem>>)
        "tpu.region"() ({
          %run_scoped3A_119 = tpu.sem_alloc : memref<!tpu.dma_semaphore, #tpu.memory_space<semaphore_mem>>
          %dma_start3A = arith.constant 0 : i32
          %dma_start3A_120 = tpu.memref_slice %arg8[%add3A_99, %dma_start3A] : memref<81x128xi32, #tpu.memory_space<vmem>> -> memref<1x128xi32, #tpu.memory_space<vmem>>
          %dma_start3A_121 = tpu.memref_squeeze %dma_start3A_120 : memref<1x128xi32, #tpu.memory_space<vmem>> -> memref<128xi32, #tpu.memory_space<vmem>>
          %dma_start3A_122 = arith.constant 0 : i32
          %dma_start3A_123 = arith.constant 0 : i32
          %dma_start3A_124 = tpu.memref_slice %arg13[%dma_start3A_122, %dma_start3A_123] : memref<5120x128xf32, #tpu.memory_space<vmem_shared>> -> memref<5120x128xf32, #tpu.memory_space<vmem_shared>>
          tpu.enqueue_indirect_dma source(%arg12 : memref<128x128xf32, #tpu.memory_space<vmem>>) target(%dma_start3A_124 : memref<5120x128xf32, #tpu.memory_space<vmem_shared>>) offsets(%dma_start3A_121 : memref<128xi32, #tpu.memory_space<vmem>>) semaphore(%run_scoped3A_119 : memref<!tpu.dma_semaphore, #tpu.memory_space<semaphore_mem>>) {add = true}
          %dma_wait3A_125 = arith.constant 0 : i32
          %dma_wait3A_126 = tpu.memref_slice %arg8[%add3A_99, %dma_wait3A_125] : memref<81x128xi32, #tpu.memory_space<vmem>> -> memref<1x128xi32, #tpu.memory_space<vmem>>
          %dma_wait3A_127 = tpu.memref_squeeze %dma_wait3A_126 : memref<1x128xi32, #tpu.memory_space<vmem>> -> memref<128xi32, #tpu.memory_space<vmem>>
          %dma_wait3A_128 = arith.constant 0 : i32
          %dma_wait3A_129 = arith.constant 0 : i32
          %dma_wait3A_130 = tpu.memref_slice %arg13[%dma_wait3A_128, %dma_wait3A_129] : memref<5120x128xf32, #tpu.memory_space<vmem_shared>> -> memref<5120x128xf32, #tpu.memory_space<vmem_shared>>
          tpu.wait_indirect_dma semaphore(%run_scoped3A_119 : memref<!tpu.dma_semaphore, #tpu.memory_space<semaphore_mem>>) src(%arg12 : memref<128x128xf32, #tpu.memory_space<vmem>>) dst(%dma_wait3A_130 : memref<5120x128xf32, #tpu.memory_space<vmem_shared>>)
          tpu.yield
        }) : () -> ()
        %add3A_111 = arith.constant 3 : i32
        %add3A_112 = arith.addi %add3A_99, %add3A_111 : i32
        %mul3A_113 = arith.constant 128 : i32
        %mul3A_114 = arith.muli %add3A_112, %mul3A_113 : i32
        %lt3A_115 = arith.cmpi slt, %mul3A_114, %squeeze3A_40 : i32
        %convert_element_type3A_116 = arith.extui %lt3A_115 : i1 to i32
        %cond3A_117 = arith.constant 0 : i32
        %cond3A_118 = arith.cmpi ne, %convert_element_type3A_116, %cond3A_117 : i32
        scf.if %cond3A_118 {
          %add3A_119 = arith.constant 3 : i32
          %add3A_120 = arith.addi %add3A_99, %add3A_119 : i32
          %dma_start3A = arith.constant 0 : i32
          %dma_start3A_121 = tpu.memref_slice %arg7[%add3A_120, %dma_start3A] : memref<81x128xi32, #tpu.memory_space<vmem>> -> memref<1x128xi32, #tpu.memory_space<vmem>>
          %dma_start3A_122 = tpu.memref_squeeze %dma_start3A_121 : memref<1x128xi32, #tpu.memory_space<vmem>> -> memref<128xi32, #tpu.memory_space<vmem>>
          %dma_start3A_123 = arith.constant 0 : i32
          %dma_start3A_124 = arith.constant 0 : i32
          %dma_start3A_125 = tpu.memref_slice %arg5[%dma_start3A_123, %dma_start3A_124] : memref<10240x128xf32, #tpu.memory_space<hbm>> -> memref<10240x128xf32, #tpu.memory_space<hbm>>
          tpu.enqueue_indirect_dma source(%dma_start3A_125 : memref<10240x128xf32, #tpu.memory_space<hbm>>) target(%arg12 : memref<128x128xf32, #tpu.memory_space<vmem>>) offsets(%dma_start3A_122 : memref<128xi32, #tpu.memory_space<vmem>>) semaphore(%arg16 : memref<!tpu.dma_semaphore, #tpu.memory_space<semaphore_mem>>)
        } else {
        }
      } else {
      }
    }
    %scan3A_68 = arith.constant 27 : i32
    %barrier3A_69 = arith.constant 0 : index
    tpu.barrier barrier_id(%barrier3A_69)
    %mul3A_70 = arith.constant 320 : i32
    %mul3A_71 = arith.muli %arg1, %mul3A_70 : i32
    %mul3A_72 = arith.constant 320 : i32
    %mul3A_73 = arith.muli %arg1, %mul3A_72 : i32
    %add3A_74 = arith.constant 5120 : i32
    %add3A_75 = arith.addi %add3A_74, %mul3A_73 : i32
    "tpu.region"() ({
      %run_scoped3A_76 = tpu.sem_alloc : memref<!tpu.dma_semaphore, #tpu.memory_space<semaphore_mem>>
      %dma_start3A = arith.constant 0 : i32
      %dma_start3A_77 = tpu.memref_slice %arg6[%arg0, %add3A_75, %dma_start3A] : memref<2x10240x128xf32, #tpu.memory_space<hbm>> -> memref<1x320x128xf32, #tpu.memory_space<hbm>>
      %dma_start3A_78 = tpu.memref_squeeze %dma_start3A_77 : memref<1x320x128xf32, #tpu.memory_space<hbm>> -> memref<320x128xf32, #tpu.memory_space<hbm>>
      %dma_start3A_79 = arith.constant 0 : i32
      %dma_start3A_80 = tpu.memref_slice %arg13[%mul3A_71, %dma_start3A_79] : memref<5120x128xf32, #tpu.memory_space<vmem_shared>> -> memref<320x128xf32, #tpu.memory_space<vmem_shared>>
      tpu.enqueue_dma source(%dma_start3A_80 : memref<320x128xf32, #tpu.memory_space<vmem_shared>>) target(%dma_start3A_78 : memref<320x128xf32, #tpu.memory_space<hbm>>) target_semaphore(%run_scoped3A_76 : memref<!tpu.dma_semaphore, #tpu.memory_space<semaphore_mem>>)
      %dma_wait3A = arith.constant 0 : i32
      %dma_wait3A_81 = tpu.memref_slice %arg6[%arg0, %add3A_75, %dma_wait3A] : memref<2x10240x128xf32, #tpu.memory_space<hbm>> -> memref<1x320x128xf32, #tpu.memory_space<hbm>>
      %dma_wait3A_82 = tpu.memref_squeeze %dma_wait3A_81 : memref<1x320x128xf32, #tpu.memory_space<hbm>> -> memref<320x128xf32, #tpu.memory_space<hbm>>
      %dma_wait3A_83 = arith.constant 0 : i32
      %dma_wait3A_84 = tpu.memref_slice %arg13[%mul3A_71, %dma_wait3A_83] : memref<5120x128xf32, #tpu.memory_space<vmem_shared>> -> memref<320x128xf32, #tpu.memory_space<vmem_shared>>
      tpu.wait_dma2 semaphore(%run_scoped3A_76 : memref<!tpu.dma_semaphore, #tpu.memory_space<semaphore_mem>>) src(%dma_wait3A_84 : memref<320x128xf32, #tpu.memory_space<vmem_shared>>) dst(%dma_wait3A_82 : memref<320x128xf32, #tpu.memory_space<hbm>>)
      tpu.yield
    }) : () -> ()
    return
  }
}

module attributes {stable_mosaic.version = 14 : i64} {
  func.func @_tc_pos_body(%arg0: i32, %arg1: memref<80x128xi32, #tpu.memory_space<vmem>>, %arg2: memref<80x128xi32, #tpu.memory_space<vmem>>, %arg3: memref<8x128xi32, #tpu.memory_space<vmem>>) attributes {dimension_semantics = [#tpu.dimension_semantics<arbitrary>], iteration_bounds = array<i64: 32>, scalar_prefetch = 0 : i64, scratch_operands = 0 : i64, tpu.core_type = #tpu.core_type<tc>, window_params = [{transform_indices = @transform_0, window_bounds = array<i64: 80, 128>}, {transform_indices = @transform_1, window_bounds = array<i64: 80, 128>}, {transform_indices = @transform_2, window_bounds = array<i64: 8, 128>}]} {
    %get3A = arith.constant 0 : index
    %get3A_0 = arith.constant 0 : index
    %get3A_1 = vector.load %arg1[%get3A, %get3A_0] : memref<80x128xi32, #tpu.memory_space<vmem>>, vector<80x128xi32>
    %lt3A = arith.constant 5120 : i32
    %lt3A_2 = vector.broadcast %lt3A : i32 to vector<80x128xi32>
    %lt3A_3 = arith.cmpi slt, %get3A_1, %lt3A_2 : vector<80x128xi32>
    %convert_element_type3A = arith.extui %lt3A_3 : vector<80x128xi1> to vector<80x128xi32>
    %convert_element_type3A_4 = arith.sitofp %convert_element_type3A : vector<80x128xi32> to vector<80x128xf32>
    %sub3A = arith.constant 1.000000e+00 : f32
    %sub3A_5 = vector.broadcast %sub3A : f32 to vector<80x128xf32>
    %sub3A_6 = arith.subf %sub3A_5, %convert_element_type3A_4 : vector<80x128xf32>
    %iota3A = tpu.iota {dimensions = array<i32: 0>} : vector<128x128xi32>
    %iota3A_7 = tpu.iota {dimensions = array<i32: 1>} : vector<128x128xi32>
    %lt3A_8 = arith.cmpi slt, %iota3A, %iota3A_7 : vector<128x128xi32>
    %convert_element_type3A_9 = arith.extui %lt3A_8 : vector<128x128xi1> to vector<128x128xi32>
    %convert_element_type3A_10 = arith.sitofp %convert_element_type3A_9 : vector<128x128xi32> to vector<128x128xf32>
    %iota3A_11 = tpu.iota {dimensions = array<i32: 0>} : vector<80x80xi32>
    %iota3A_12 = tpu.iota {dimensions = array<i32: 1>} : vector<80x80xi32>
    %lt3A_13 = arith.cmpi slt, %iota3A_12, %iota3A_11 : vector<80x80xi32>
    %convert_element_type3A_14 = arith.extui %lt3A_13 : vector<80x80xi1> to vector<80x80xi32>
    %convert_element_type3A_15 = arith.sitofp %convert_element_type3A_14 : vector<80x80xi32> to vector<80x80xf32>
    %dot_general3A = arith.constant dense<0.000000e+00> : vector<80x128xf32>
    %dot_general3A_16 = tpu.matmul %convert_element_type3A_4, %convert_element_type3A_10, %dot_general3A {dimension_numbers = #tpu.dot_dimension_numbers<[1], [0], [0], [1], [0, 0, 1, 1], [], []>, precision = #tpu.contract_precision<fp32>, transpose_lhs_hint = false} : vector<80x128xf32>, vector<128x128xf32>, vector<80x128xf32> -> vector<80x128xf32>
    %reduce_sum3A = arith.constant dense<0.000000e+00> : vector<80xf32>
    %reduce_sum3A_17 = vector.multi_reduction <add>, %convert_element_type3A_4, %reduce_sum3A [1] : vector<80x128xf32> to vector<80xf32>
    %broadcast_in_dim3A = vector.shape_cast %reduce_sum3A_17 : vector<80xf32> to vector<80x1xf32>
    %dot_general3A_18 = arith.constant dense<0.000000e+00> : vector<80x1xf32>
    %dot_general3A_19 = tpu.matmul %convert_element_type3A_15, %broadcast_in_dim3A, %dot_general3A_18 {dimension_numbers = #tpu.dot_dimension_numbers<[1], [0], [0], [1], [0, 0, 1, 1], [], []>, precision = #tpu.contract_precision<fp32>, transpose_lhs_hint = false} : vector<80x80xf32>, vector<80x1xf32>, vector<80x1xf32> -> vector<80x1xf32>
    %add3A = vector.broadcast %dot_general3A_19 : vector<80x1xf32> to vector<80x128xf32>
    %add3A_20 = arith.addf %dot_general3A_16, %add3A : vector<80x128xf32>
    %reduce_sum3A_21 = vector.shape_cast %broadcast_in_dim3A : vector<80x1xf32> to vector<1x80x1xf32>
    %reduce_sum3A_22 = arith.constant dense<0.000000e+00> : vector<1xf32>
    %reduce_sum3A_23 = vector.multi_reduction <add>, %reduce_sum3A_21, %reduce_sum3A_22 [1, 2] : vector<1x80x1xf32> to vector<1xf32>
    %reduce_sum3A_24 = vector.shape_cast %reduce_sum3A_23 : vector<1xf32> to vector<1x1x1xf32>
    %reduce_sum3A_25 = vector.extract %reduce_sum3A_24[0, 0, 0] : f32 from vector<1x1x1xf32>
    %dot_general3A_26 = arith.constant dense<0.000000e+00> : vector<80x128xf32>
    %dot_general3A_27 = tpu.matmul %sub3A_6, %convert_element_type3A_10, %dot_general3A_26 {dimension_numbers = #tpu.dot_dimension_numbers<[1], [0], [0], [1], [0, 0, 1, 1], [], []>, precision = #tpu.contract_precision<fp32>, transpose_lhs_hint = false} : vector<80x128xf32>, vector<128x128xf32>, vector<80x128xf32> -> vector<80x128xf32>
    %reduce_sum3A_28 = arith.constant dense<0.000000e+00> : vector<80xf32>
    %reduce_sum3A_29 = vector.multi_reduction <add>, %sub3A_6, %reduce_sum3A_28 [1] : vector<80x128xf32> to vector<80xf32>
    %broadcast_in_dim3A_30 = vector.shape_cast %reduce_sum3A_29 : vector<80xf32> to vector<80x1xf32>
    %dot_general3A_31 = arith.constant dense<0.000000e+00> : vector<80x1xf32>
    %dot_general3A_32 = tpu.matmul %convert_element_type3A_15, %broadcast_in_dim3A_30, %dot_general3A_31 {dimension_numbers = #tpu.dot_dimension_numbers<[1], [0], [0], [1], [0, 0, 1, 1], [], []>, precision = #tpu.contract_precision<fp32>, transpose_lhs_hint = false} : vector<80x80xf32>, vector<80x1xf32>, vector<80x1xf32> -> vector<80x1xf32>
    %add3A_33 = vector.broadcast %dot_general3A_32 : vector<80x1xf32> to vector<80x128xf32>
    %add3A_34 = arith.addf %dot_general3A_27, %add3A_33 : vector<80x128xf32>
    %reduce_sum3A_35 = vector.shape_cast %broadcast_in_dim3A_30 : vector<80x1xf32> to vector<1x80x1xf32>
    %reduce_sum3A_36 = arith.constant dense<0.000000e+00> : vector<1xf32>
    %reduce_sum3A_37 = vector.multi_reduction <add>, %reduce_sum3A_35, %reduce_sum3A_36 [1, 2] : vector<1x80x1xf32> to vector<1xf32>
    %reduce_sum3A_38 = vector.shape_cast %reduce_sum3A_37 : vector<1xf32> to vector<1x1x1xf32>
    %reduce_sum3A_39 = vector.extract %reduce_sum3A_38[0, 0, 0] : f32 from vector<1x1x1xf32>
    %lt3A_40 = arith.constant 5120 : i32
    %lt3A_41 = vector.broadcast %lt3A_40 : i32 to vector<80x128xi32>
    %lt3A_42 = arith.cmpi slt, %get3A_1, %lt3A_41 : vector<80x128xi32>
    %add3A_43 = arith.constant 1.036800e+04 : f32
    %add3A_44 = vector.broadcast %add3A_43 : f32 to vector<80x128xf32>
    %add3A_45 = arith.addf %add3A_44, %add3A_34 : vector<80x128xf32>
    %select_n3A = arith.select %lt3A_42, %add3A_20, %add3A_45 : vector<80x128xi1>, vector<80x128xf32>
    %convert_element_type3A_46 = arith.fptosi %select_n3A : vector<80x128xf32> to vector<80x128xi32>
    %jit3A = arith.constant 16 : i32
    %eq3A = arith.constant 0 : i32
    %eq3A_47 = arith.cmpi eq, %jit3A, %eq3A : i32
    %jit3A_48 = arith.constant 1 : i32
    %select_n3A_49 = arith.select %eq3A_47, %jit3A_48, %jit3A : i32
    %rem3A = arith.remsi %arg0, %select_n3A_49 : i32
    %ne3A = arith.constant 0 : i32
    %ne3A_50 = arith.cmpi ne, %rem3A, %ne3A : i32
    %lt3A_51 = arith.constant 0 : i32
    %lt3A_52 = arith.cmpi slt, %rem3A, %lt3A_51 : i32
    %lt3A_53 = arith.constant 0 : i32
    %lt3A_54 = arith.cmpi slt, %select_n3A_49, %lt3A_53 : i32
    %ne3A_55 = arith.xori %lt3A_52, %lt3A_54 : i1
    %and3A = arith.andi %ne3A_55, %ne3A_50 : i1
    %add3A_56 = arith.addi %rem3A, %select_n3A_49 : i32
    %select_n3A_57 = arith.select %and3A, %add3A_56, %rem3A : i32
    %mul3A = arith.constant 20736 : i32
    %mul3A_58 = arith.muli %select_n3A_57, %mul3A : i32
    %add3A_59 = vector.broadcast %mul3A_58 : i32 to vector<80x128xi32>
    %add3A_60 = arith.addi %convert_element_type3A_46, %add3A_59 : vector<80x128xi32>
    %swap3A = arith.constant 0 : index
    %swap3A_61 = arith.constant 0 : index
    %swap3A_62 = vector.load %arg2[%swap3A, %swap3A_61] : memref<80x128xi32, #tpu.memory_space<vmem>>, vector<80x128xi32>
    tpu.vector_store %arg2[%swap3A, %swap3A_61], %add3A_60 {strides = array<i32>} : memref<80x128xi32, #tpu.memory_space<vmem>>, vector<80x128xi32>,
    %reshape3A = vector.broadcast %reduce_sum3A_25 : f32 to vector<1x1xf32>
    %reshape3A_63 = vector.broadcast %reduce_sum3A_39 : f32 to vector<1x1xf32>
    %broadcast_in_dim3A_64 = arith.constant 0.000000e+00 : f32
    %broadcast_in_dim3A_65 = vector.broadcast %broadcast_in_dim3A_64 : f32 to vector<1x126xf32>
    %concatenate3A = tpu.concatenate %reshape3A, %reshape3A_63, %broadcast_in_dim3A_65 in 1 : vector<1x1xf32>, vector<1x1xf32>, vector<1x126xf32> -> vector<1x128xf32>
    %broadcast_in_dim3A_66 = arith.constant 0.000000e+00 : f32
    %broadcast_in_dim3A_67 = vector.broadcast %broadcast_in_dim3A_66 : f32 to vector<8x128xf32>
    %add3A_68 = vector.broadcast %concatenate3A : vector<1x128xf32> to vector<8x128xf32>
    %add3A_69 = arith.addf %add3A_68, %broadcast_in_dim3A_67 : vector<8x128xf32>
    %convert_element_type3A_70 = arith.fptosi %add3A_69 : vector<8x128xf32> to vector<8x128xi32>
    %swap3A_71 = arith.constant 0 : index
    %swap3A_72 = arith.constant 0 : index
    %swap3A_73 = vector.load %arg3[%swap3A_71, %swap3A_72] : memref<8x128xi32, #tpu.memory_space<vmem>>, vector<8x128xi32>
    tpu.vector_store %arg3[%swap3A_71, %swap3A_72], %convert_element_type3A_70 {strides = array<i32>} : memref<8x128xi32, #tpu.memory_space<vmem>>, vector<8x128xi32>,
    return
  }
  func.func @transform_0(%arg0: i32) -> (i32, i32) {
    %c0_i32 = arith.constant 0 : i32
    %c0_i32_0 = arith.constant 0 : i32
    return %arg0, %c0_i32 : i32, i32
  }
  func.func @transform_1(%arg0: i32) -> (i32, i32) {
    %c0_i32 = arith.constant 0 : i32
    %c0_i32_0 = arith.constant 0 : i32
    return %arg0, %c0_i32 : i32, i32
  }
  func.func @transform_2(%arg0: i32) -> (i32, i32) {
    %c0_i32 = arith.constant 0 : i32
    %c0_i32_0 = arith.constant 0 : i32
    return %arg0, %c0_i32 : i32, i32
  }
}

module attributes {stable_mosaic.version = 14 : i64} {
  func.func @_tc_first_body(%arg0: i32, %arg1: memref<1280x1xf32, #tpu.memory_space<vmem>>, %arg2: memref<1280x1xf32, #tpu.memory_space<vmem>>, %arg3: memref<1280x128xf32, #tpu.memory_space<vmem>>, %arg4: memref<128x128xf32, #tpu.memory_space<vmem>>, %arg5: memref<1280x128xf32, #tpu.memory_space<vmem>>, %arg6: memref<1280x1xf32, #tpu.memory_space<vmem>>) attributes {dimension_semantics = [#tpu.dimension_semantics<arbitrary>], iteration_bounds = array<i64: 8>, scalar_prefetch = 0 : i64, scratch_operands = 0 : i64, tpu.core_type = #tpu.core_type<tc>, window_params = [{transform_indices = @transform_0, window_bounds = array<i64: 1280, 1>}, {transform_indices = @transform_1, window_bounds = array<i64: 1280, 1>}, {transform_indices = @transform_2, window_bounds = array<i64: 1280, 128>}, {pipeline_mode = #tpu.pipeline_mode<synchronous>, transform_indices = @transform_3, window_bounds = array<i64: 128, 128>}, {transform_indices = @transform_4, window_bounds = array<i64: 1280, 128>}, {transform_indices = @transform_5, window_bounds = array<i64: 1280, 1>}]} {
    %get3A = arith.constant 0 : index
    %get3A_0 = arith.constant 0 : index
    %get3A_1 = vector.load %arg1[%get3A, %get3A_0] : memref<1280x1xf32, #tpu.memory_space<vmem>>, vector<1280x1xf32>
    %get3A_2 = arith.constant 0 : index
    %get3A_3 = arith.constant 0 : index
    %get3A_4 = vector.load %arg2[%get3A_2, %get3A_3] : memref<1280x1xf32, #tpu.memory_space<vmem>>, vector<1280x1xf32>
    %add3A = arith.addf %get3A_1, %get3A_4 : vector<1280x1xf32>
    %add3A_5 = arith.constant 1.000000e+00 : f32
    %add3A_6 = vector.broadcast %add3A_5 : f32 to vector<1280x1xf32>
    %add3A_7 = arith.addf %add3A, %add3A_6 : vector<1280x1xf32>
    %mul3A = arith.constant 1280 : i32
    %mul3A_8 = arith.muli %arg0, %mul3A : i32
    %iota3A = tpu.iota {dimensions = array<i32: 0>} : vector<1280x1xi32>
    %add3A_9 = vector.broadcast %mul3A_8 : i32 to vector<1280x1xi32>
    %add3A_10 = arith.addi %add3A_9, %iota3A : vector<1280x1xi32>
    %lt3A = arith.constant 10000 : i32
    %lt3A_11 = vector.broadcast %lt3A : i32 to vector<1280x1xi32>
    %lt3A_12 = arith.cmpi slt, %add3A_10, %lt3A_11 : vector<1280x1xi32>
    %rsqrt3A = math.rsqrt %add3A_7 : vector<1280x1xf32>
    %jit3A = arith.constant 0.000000e+00 : f32
    %broadcast_in_dim3A = vector.broadcast %jit3A : f32 to vector<1280x1xf32>
    %select_n3A = arith.select %lt3A_12, %rsqrt3A, %broadcast_in_dim3A : vector<1280x1xi1>, vector<1280x1xf32>
    %get3A_13 = arith.constant 0 : index
    %get3A_14 = arith.constant 0 : index
    %get3A_15 = vector.load %arg3[%get3A_13, %get3A_14] : memref<1280x128xf32, #tpu.memory_space<vmem>>, vector<1280x128xf32>
    %get3A_16 = arith.constant 0 : index
    %get3A_17 = arith.constant 0 : index
    %get3A_18 = vector.load %arg4[%get3A_16, %get3A_17] : memref<128x128xf32, #tpu.memory_space<vmem>>, vector<128x128xf32>
    %dot_general3A = arith.constant dense<0.000000e+00> : vector<1280x128xf32>
    %dot_general3A_19 = tpu.matmul %get3A_15, %get3A_18, %dot_general3A {dimension_numbers = #tpu.dot_dimension_numbers<[1], [0], [0], [1], [0, 0, 1, 1], [], []>, precision = #tpu.contract_precision<fp32>, transpose_lhs_hint = false} : vector<1280x128xf32>, vector<128x128xf32>, vector<1280x128xf32> -> vector<1280x128xf32>
    %mul3A_20 = vector.broadcast %select_n3A : vector<1280x1xf32> to vector<1280x128xf32>
    %mul3A_21 = arith.mulf %dot_general3A_19, %mul3A_20 : vector<1280x128xf32>
    %swap3A = arith.constant 0 : index
    %swap3A_22 = arith.constant 0 : index
    %swap3A_23 = vector.load %arg5[%swap3A, %swap3A_22] : memref<1280x128xf32, #tpu.memory_space<vmem>>, vector<1280x128xf32>
    tpu.vector_store %arg5[%swap3A, %swap3A_22], %mul3A_21 {strides = array<i32>} : memref<1280x128xf32, #tpu.memory_space<vmem>>, vector<1280x128xf32>,
    %swap3A_24 = arith.constant 0 : index
    %swap3A_25 = arith.constant 0 : index
    %swap3A_26 = vector.load %arg6[%swap3A_24, %swap3A_25] : memref<1280x1xf32, #tpu.memory_space<vmem>>, vector<1280x1xf32>
    tpu.vector_store %arg6[%swap3A_24, %swap3A_25], %select_n3A {strides = array<i32>} : memref<1280x1xf32, #tpu.memory_space<vmem>>, vector<1280x1xf32>,
    return
  }
  func.func @transform_0(%arg0: i32) -> (i32, i32) {
    %c0_i32 = arith.constant 0 : i32
    %c0_i32_0 = arith.constant 0 : i32
    return %arg0, %c0_i32 : i32, i32
  }
  func.func @transform_1(%arg0: i32) -> (i32, i32) {
    %c0_i32 = arith.constant 0 : i32
    %c0_i32_0 = arith.constant 0 : i32
    return %arg0, %c0_i32 : i32, i32
  }
  func.func @transform_2(%arg0: i32) -> (i32, i32) {
    %c0_i32 = arith.constant 0 : i32
    %c0_i32_0 = arith.constant 0 : i32
    return %arg0, %c0_i32 : i32, i32
  }
  func.func @transform_3(%arg0: i32) -> (i32, i32) {
    %c0_i32 = arith.constant 0 : i32
    %c0_i32_0 = arith.constant 0 : i32
    %c0_i32_1 = arith.constant 0 : i32
    return %c0_i32, %c0_i32_0 : i32, i32
  }
  func.func @transform_4(%arg0: i32) -> (i32, i32) {
    %c0_i32 = arith.constant 0 : i32
    %c0_i32_0 = arith.constant 0 : i32
    return %arg0, %c0_i32 : i32, i32
  }
  func.func @transform_5(%arg0: i32) -> (i32, i32) {
    %c0_i32 = arith.constant 0 : i32
    %c0_i32_0 = arith.constant 0 : i32
    return %arg0, %c0_i32 : i32, i32
  }
}

module attributes {stable_mosaic.version = 14 : i64} {
  func.func @_tc_mid_body(%arg0: i32, %arg1: memref<1280x128xf32, #tpu.memory_space<vmem>>, %arg2: memref<1280x128xf32, #tpu.memory_space<vmem>>, %arg3: memref<1280x128xf32, #tpu.memory_space<vmem>>, %arg4: memref<1280x1xf32, #tpu.memory_space<vmem>>, %arg5: memref<1x128xf32, #tpu.memory_space<vmem>>, %arg6: memref<128x128xf32, #tpu.memory_space<vmem>>, %arg7: memref<1280x128xf32, #tpu.memory_space<vmem>>) attributes {dimension_semantics = [#tpu.dimension_semantics<arbitrary>], iteration_bounds = array<i64: 8>, scalar_prefetch = 0 : i64, scratch_operands = 0 : i64, tpu.core_type = #tpu.core_type<tc>, window_params = [{transform_indices = @transform_0, window_bounds = array<i64: 1280, 128>}, {transform_indices = @transform_1, window_bounds = array<i64: 1280, 128>}, {transform_indices = @transform_2, window_bounds = array<i64: 1280, 128>}, {transform_indices = @transform_3, window_bounds = array<i64: 1280, 1>}, {pipeline_mode = #tpu.pipeline_mode<synchronous>, transform_indices = @transform_4, window_bounds = array<i64: 1, 128>}, {pipeline_mode = #tpu.pipeline_mode<synchronous>, transform_indices = @transform_5, window_bounds = array<i64: 128, 128>}, {transform_indices = @transform_6, window_bounds = array<i64: 1280, 128>}]} {
    %get3A = arith.constant 0 : index
    %get3A_0 = arith.constant 0 : index
    %get3A_1 = vector.load %arg4[%get3A, %get3A_0] : memref<1280x1xf32, #tpu.memory_space<vmem>>, vector<1280x1xf32>
    %get3A_2 = arith.constant 0 : index
    %get3A_3 = arith.constant 0 : index
    %get3A_4 = vector.load %arg1[%get3A_2, %get3A_3] : memref<1280x128xf32, #tpu.memory_space<vmem>>, vector<1280x128xf32>
    %get3A_5 = arith.constant 0 : index
    %get3A_6 = arith.constant 0 : index
    %get3A_7 = vector.load %arg2[%get3A_5, %get3A_6] : memref<1280x128xf32, #tpu.memory_space<vmem>>, vector<1280x128xf32>
    %add3A = arith.addf %get3A_4, %get3A_7 : vector<1280x128xf32>
    %get3A_8 = arith.constant 0 : index
    %get3A_9 = arith.constant 0 : index
    %get3A_10 = vector.load %arg3[%get3A_8, %get3A_9] : memref<1280x128xf32, #tpu.memory_space<vmem>>, vector<1280x128xf32>
    %sub3A = arith.subf %add3A, %get3A_10 : vector<1280x128xf32>
    %mul3A = vector.broadcast %get3A_1 : vector<1280x1xf32> to vector<1280x128xf32>
    %mul3A_11 = arith.mulf %mul3A, %sub3A : vector<1280x128xf32>
    %get3A_12 = arith.constant 0 : index
    %get3A_13 = arith.constant 0 : index
    %get3A_14 = vector.load %arg5[%get3A_12, %get3A_13] : memref<1x128xf32, #tpu.memory_space<vmem>>, vector<1x128xf32>
    %add3A_15 = vector.broadcast %get3A_14 : vector<1x128xf32> to vector<1280x128xf32>
    %add3A_16 = arith.addf %mul3A_11, %add3A_15 : vector<1280x128xf32>
    %max3A = arith.constant 0.000000e+00 : f32
    %max3A_17 = vector.broadcast %max3A : f32 to vector<1280x128xf32>
    %max3A_18 = arith.maximumf %add3A_16, %max3A_17 : vector<1280x128xf32>
    %get3A_19 = arith.constant 0 : index
    %get3A_20 = arith.constant 0 : index
    %get3A_21 = vector.load %arg6[%get3A_19, %get3A_20] : memref<128x128xf32, #tpu.memory_space<vmem>>, vector<128x128xf32>
    %dot_general3A = arith.constant dense<0.000000e+00> : vector<1280x128xf32>
    %dot_general3A_22 = tpu.matmul %max3A_18, %get3A_21, %dot_general3A {dimension_numbers = #tpu.dot_dimension_numbers<[1], [0], [0], [1], [0, 0, 1, 1], [], []>, precision = #tpu.contract_precision<fp32>, transpose_lhs_hint = false} : vector<1280x128xf32>, vector<128x128xf32>, vector<1280x128xf32> -> vector<1280x128xf32>
    %get3A_23 = arith.constant 0 : index
    %get3A_24 = arith.constant 0 : index
    %get3A_25 = vector.load %arg4[%get3A_23, %get3A_24] : memref<1280x1xf32, #tpu.memory_space<vmem>>, vector<1280x1xf32>
    %mul3A_26 = vector.broadcast %get3A_25 : vector<1280x1xf32> to vector<1280x128xf32>
    %mul3A_27 = arith.mulf %dot_general3A_22, %mul3A_26 : vector<1280x128xf32>
    %swap3A = arith.constant 0 : index
    %swap3A_28 = arith.constant 0 : index
    %swap3A_29 = vector.load %arg7[%swap3A, %swap3A_28] : memref<1280x128xf32, #tpu.memory_space<vmem>>, vector<1280x128xf32>
    tpu.vector_store %arg7[%swap3A, %swap3A_28], %mul3A_27 {strides = array<i32>} : memref<1280x128xf32, #tpu.memory_space<vmem>>, vector<1280x128xf32>,
    return
  }
  func.func @transform_0(%arg0: i32) -> (i32, i32) {
    %c0_i32 = arith.constant 0 : i32
    %c0_i32_0 = arith.constant 0 : i32
    return %arg0, %c0_i32 : i32, i32
  }
  func.func @transform_1(%arg0: i32) -> (i32, i32) {
    %c0_i32 = arith.constant 0 : i32
    %c0_i32_0 = arith.constant 0 : i32
    return %arg0, %c0_i32 : i32, i32
  }
  func.func @transform_2(%arg0: i32) -> (i32, i32) {
    %c0_i32 = arith.constant 0 : i32
    %c0_i32_0 = arith.constant 0 : i32
    return %arg0, %c0_i32 : i32, i32
  }
  func.func @transform_3(%arg0: i32) -> (i32, i32) {
    %c0_i32 = arith.constant 0 : i32
    %c0_i32_0 = arith.constant 0 : i32
    return %arg0, %c0_i32 : i32, i32
  }
  func.func @transform_4(%arg0: i32) -> (i32, i32) {
    %c0_i32 = arith.constant 0 : i32
    %c0_i32_0 = arith.constant 0 : i32
    %c0_i32_1 = arith.constant 0 : i32
    return %c0_i32, %c0_i32_0 : i32, i32
  }
  func.func @transform_5(%arg0: i32) -> (i32, i32) {
    %c0_i32 = arith.constant 0 : i32
    %c0_i32_0 = arith.constant 0 : i32
    %c0_i32_1 = arith.constant 0 : i32
    return %c0_i32, %c0_i32_0 : i32, i32
  }
  func.func @transform_6(%arg0: i32) -> (i32, i32) {
    %c0_i32 = arith.constant 0 : i32
    %c0_i32_0 = arith.constant 0 : i32
    return %arg0, %c0_i32 : i32, i32
  }
}

module attributes {stable_mosaic.version = 14 : i64} {
  func.func @_tc_last_body(%arg0: i32, %arg1: memref<1280x128xf32, #tpu.memory_space<vmem>>, %arg2: memref<1280x128xf32, #tpu.memory_space<vmem>>, %arg3: memref<1280x128xf32, #tpu.memory_space<vmem>>, %arg4: memref<1280x1xf32, #tpu.memory_space<vmem>>, %arg5: memref<1x128xf32, #tpu.memory_space<vmem>>, %arg6: memref<1280x128xf32, #tpu.memory_space<vmem>>) attributes {dimension_semantics = [#tpu.dimension_semantics<arbitrary>], iteration_bounds = array<i64: 8>, scalar_prefetch = 0 : i64, scratch_operands = 0 : i64, tpu.core_type = #tpu.core_type<tc>, window_params = [{transform_indices = @transform_0, window_bounds = array<i64: 1280, 128>}, {transform_indices = @transform_1, window_bounds = array<i64: 1280, 128>}, {transform_indices = @transform_2, window_bounds = array<i64: 1280, 128>}, {transform_indices = @transform_3, window_bounds = array<i64: 1280, 1>}, {pipeline_mode = #tpu.pipeline_mode<synchronous>, transform_indices = @transform_4, window_bounds = array<i64: 1, 128>}, {transform_indices = @transform_5, window_bounds = array<i64: 1280, 128>}]} {
    %get3A = arith.constant 0 : index
    %get3A_0 = arith.constant 0 : index
    %get3A_1 = vector.load %arg4[%get3A, %get3A_0] : memref<1280x1xf32, #tpu.memory_space<vmem>>, vector<1280x1xf32>
    %get3A_2 = arith.constant 0 : index
    %get3A_3 = arith.constant 0 : index
    %get3A_4 = vector.load %arg1[%get3A_2, %get3A_3] : memref<1280x128xf32, #tpu.memory_space<vmem>>, vector<1280x128xf32>
    %get3A_5 = arith.constant 0 : index
    %get3A_6 = arith.constant 0 : index
    %get3A_7 = vector.load %arg2[%get3A_5, %get3A_6] : memref<1280x128xf32, #tpu.memory_space<vmem>>, vector<1280x128xf32>
    %add3A = arith.addf %get3A_4, %get3A_7 : vector<1280x128xf32>
    %get3A_8 = arith.constant 0 : index
    %get3A_9 = arith.constant 0 : index
    %get3A_10 = vector.load %arg3[%get3A_8, %get3A_9] : memref<1280x128xf32, #tpu.memory_space<vmem>>, vector<1280x128xf32>
    %sub3A = arith.subf %add3A, %get3A_10 : vector<1280x128xf32>
    %mul3A = vector.broadcast %get3A_1 : vector<1280x1xf32> to vector<1280x128xf32>
    %mul3A_11 = arith.mulf %mul3A, %sub3A : vector<1280x128xf32>
    %get3A_12 = arith.constant 0 : index
    %get3A_13 = arith.constant 0 : index
    %get3A_14 = vector.load %arg5[%get3A_12, %get3A_13] : memref<1x128xf32, #tpu.memory_space<vmem>>, vector<1x128xf32>
    %add3A_15 = vector.broadcast %get3A_14 : vector<1x128xf32> to vector<1280x128xf32>
    %add3A_16 = arith.addf %mul3A_11, %add3A_15 : vector<1280x128xf32>
    %reduce_max3A = arith.constant dense<0xFF800000> : vector<1280xf32>
    %reduce_max3A_17 = vector.multi_reduction <maximumf>, %add3A_16, %reduce_max3A [1] : vector<1280x128xf32> to vector<1280xf32>
    %broadcast_in_dim3A = vector.shape_cast %reduce_max3A_17 : vector<1280xf32> to vector<1280x1xf32>
    %sub3A_18 = vector.broadcast %broadcast_in_dim3A : vector<1280x1xf32> to vector<1280x128xf32>
    %sub3A_19 = arith.subf %add3A_16, %sub3A_18 : vector<1280x128xf32>
    %exp3A = math.exp %sub3A_19 : vector<1280x128xf32>
    %reduce_sum3A = arith.constant dense<0.000000e+00> : vector<1280xf32>
    %reduce_sum3A_20 = vector.multi_reduction <add>, %exp3A, %reduce_sum3A [1] : vector<1280x128xf32> to vector<1280xf32>
    %broadcast_in_dim3A_21 = vector.shape_cast %reduce_sum3A_20 : vector<1280xf32> to vector<1280x1xf32>
    %sub3A_22 = vector.broadcast %broadcast_in_dim3A : vector<1280x1xf32> to vector<1280x128xf32>
    %sub3A_23 = arith.subf %add3A_16, %sub3A_22 : vector<1280x128xf32>
    %log3A = math.log %broadcast_in_dim3A_21 : vector<1280x1xf32>
    %sub3A_24 = vector.broadcast %log3A : vector<1280x1xf32> to vector<1280x128xf32>
    %sub3A_25 = arith.subf %sub3A_23, %sub3A_24 : vector<1280x128xf32>
    %swap3A = arith.constant 0 : index
    %swap3A_26 = arith.constant 0 : index
    %swap3A_27 = vector.load %arg6[%swap3A, %swap3A_26] : memref<1280x128xf32, #tpu.memory_space<vmem>>, vector<1280x128xf32>
    tpu.vector_store %arg6[%swap3A, %swap3A_26], %sub3A_25 {strides = array<i32>} : memref<1280x128xf32, #tpu.memory_space<vmem>>, vector<1280x128xf32>,
    return
  }
  func.func @transform_0(%arg0: i32) -> (i32, i32) {
    %c0_i32 = arith.constant 0 : i32
    %c0_i32_0 = arith.constant 0 : i32
    return %arg0, %c0_i32 : i32, i32
  }
  func.func @transform_1(%arg0: i32) -> (i32, i32) {
    %c0_i32 = arith.constant 0 : i32
    %c0_i32_0 = arith.constant 0 : i32
    return %arg0, %c0_i32 : i32, i32
  }
  func.func @transform_2(%arg0: i32) -> (i32, i32) {
    %c0_i32 = arith.constant 0 : i32
    %c0_i32_0 = arith.constant 0 : i32
    return %arg0, %c0_i32 : i32, i32
  }
  func.func @transform_3(%arg0: i32) -> (i32, i32) {
    %c0_i32 = arith.constant 0 : i32
    %c0_i32_0 = arith.constant 0 : i32
    return %arg0, %c0_i32 : i32, i32
  }
  func.func @transform_4(%arg0: i32) -> (i32, i32) {
    %c0_i32 = arith.constant 0 : i32
    %c0_i32_0 = arith.constant 0 : i32
    %c0_i32_1 = arith.constant 0 : i32
    return %c0_i32, %c0_i32_0 : i32, i32
  }
  func.func @transform_5(%arg0: i32) -> (i32, i32) {
    %c0_i32 = arith.constant 0 : i32
    %c0_i32_0 = arith.constant 0 : i32
    return %arg0, %c0_i32 : i32, i32
  }
}

</mosaic_0001>

<sc_bundles>
// kernel: kernel.11.cloned.1.call-start
scs
__scs_entry_jumppad:
0x0: {  	(pc) =	sbr.rel $0x88, $3  }
0x1: {  	(tag) =	ssettag $0x0;
	lr =	simm.s32 $0x1  }
0x2: {  	[smem:$0x3F99] =	sst lr;
	_ =	strace $0xD0000000  }
0x3: {  	_ = 	snop  }
0x4: {  	_ = 	snop  }
0x5: {  	_ = 	snop  }
0x6: {  	_ = 	snop  }
0x7: {  	_ = 	snop  }
__scs_overlays_trampoline_lowered:
0x8: {  	[smem:$0x3FA8] =	sst s0  }
0x9: {  	[smem:$0x3FA9] =	sst s1  }
0xa: {  	[smem:$0x3FAA] =	sst s2  }
0xb: {  	[smem:$0x3FAB] =	sst s3  }
0xc: {  	[smem:$0x3FAC] =	sst s4  }
0xd: {  	[smem:$0x3FAD] =	sst s5  }
0xe: {  	[smem:$0x3FAE] =	sst s6  }
0xf: {  	[smem:$0x3FAF] =	sst s7  }
0x10: {  	[smem:$0x3FB0] =	sst s8  }
0x11: {  	[smem:$0x3FB1] =	sst s9;
	s0 =	simm.s32 @!p0 $0x0  }
0x12: {  	s1 =	sld [smem:$0x3F97];
	s0 =	simm.s32 @p0 $0x1  }
0x13: {  	[smem:$0x3FB2] =	sst s0;
	s0 =	simm.s32 @!p1 $0x0  }
0x14: {  	s2 =	sld [smem:$0x3F96];
	s0 =	simm.s32 @p1 $0x1  }
0x15: {  	[smem:$0x3FB3] =	sst s0;
	s0 =	simm.s32 @!p2 $0x0  }
0x16: {  	s3 =	sld [smem:$0x3FDB];
	s0 =	simm.s32 @p2 $0x1  }
0x17: {  	s4 =	simm.s32 $0x1BF5;
	[smem:$0x3FB5] =	sst s0  }
0x18: {  	s0 =	sld [smem:$0x3F98];
	_ =	swait.ge [sflag:s4], $0x0  }
0x19: {  	s7 =	sld [smem:$0x3F99]  }
0x1a: {  	s8 =	sadd.s32 $0xFFFFE003, lr  }
0x1b: {  	s9 =	sadd.s32 $0xFFFFFEF7, lr;
	s5 =	simm.s32 $0xFFFFFFFF;
	p2 =	slt.u32 s8, $0xFFFFF086  }
0x1c: {  	p1 =	slt.u32 s9, $0xF7A;
	s5 =	simm.s32 @!p2 $0x0  }
0x1d: {  	s5 =	simm.s32 @p1 $0x1;
	p0 =	seq.s32 s7, s2  }
0x1e: {  	s7 =	smul.u32 @!p0 $0xF7A, s2;
	p2 =	seq.s32 @!p0 s5, $0x0  }
0x1f: {  	s9 =	smul.u32 $0xF7A, s1;
	s8 =	simm.s32 @!p0 $0x1BF5;
	p2 =	por !p2, p0  }
0x20: {  	[sflag:s8] =	ssyncset.s32 @!p0 $0xFFFFF086;
	s6 =	sadd.s32 @!p0 s3, s7;
	s7 =	simm.s32 @!p0 $0x108  }
0x21: {  	s3 =	sadd.s32 s3, s9;
	s6 =	sadd.s32 @!p0 $0x88, s6;
	s7 =	simm.s32 @p2 $0x1082  }
0x22: {  	[simem:s7], [sflag:s8] =	dma.local @!p0 [hbm:s6], $0xF7A  }
0x23: {  	s9 =	sor.u32 $0xD0000000, s2;
	s6 =	simm.s32 $0x108;
	_ =	swait.ge @!p0 [sflag:s8], $0x0  }
0x24: {  	s3 =	sadd.s32 $0x88, s3;
	s6 =	simm.s32 @!p1 $0x1082;
	[sflag:s4] =	ssyncset.s32 $0xFFFFF086  }
0x25: {  	[simem:s6], [sflag:s4] =	dma.local [hbm:s3], $0xF7A  }
0x26: {  	[smem:$0x3F99] =	sst s1;
	(tag) =	ssettag s2;
	_ =	strace s9  }
0x27: {  	s1 =	sld [smem:$0x3FA9]  }
0x28: {  	s2 =	sld [smem:$0x3FAA]  }
0x29: {  	s4 =	sld [smem:$0x3FAC]  }
0x2a: {  	p0 =	seq.s32 s5, $0x0;
	s5 =	sld [smem:$0x3FAD]  }
0x2b: {  	s6 =	sld [smem:$0x3FAE]  }
0x2c: {  	s7 =	sld [smem:$0x3FAF]  }
0x2d: {  	s3 =	simm.s32 $0x108;
	s8 =	sld [smem:$0x3FB0]  }
0x2e: {  	s3 =	simm.s32 @!p0 $0x1082;
	s9 =	sld [smem:$0x3FB1]  }
0x2f: {  	lr =	sadd.s32 s0, s3;
	s0 =	sld [smem:$0x3FA8]  }
0x30: {  	s3 =	sld [smem:$0x3FAB]  }
0x31: {  	[smem:$0x3FB4] =	sst s10  }
0x32: {  	s10 =	sld [smem:$0x3FB2];
	_ =	sdelay $0x3  }
0x33: {  	p0 =	seq.s32 s10, $0x1;
	s10 =	sld [smem:$0x3FB4];
	_ =	sdelay $0x3  }
0x34: {  	[smem:$0x3FB4] =	sst s10  }
0x35: {  	s10 =	sld [smem:$0x3FB3];
	_ =	sdelay $0x3  }
0x36: {  	p1 =	seq.s32 s10, $0x1;
	s10 =	sld [smem:$0x3FB4];
	_ =	sdelay $0x3  }
0x37: {  	[smem:$0x3FB4] =	sst s10  }
0x38: {  	s10 =	sld [smem:$0x3FB5]  }
0x39: {  	_ = 	snop;
	(pc) =	sbr.ind lr, $3  }
0x3a: {  	_ = 	snop  }
0x3b: {  	_ = 	snop  }
0x3c: {  	p2 =	seq.s32 s10, $0x1;
	s10 =	sld [smem:$0x3FB4]  }
0x3d: {  	_ =	shalt  }
0x3e: {  	_ =	shalt  }
0x3f: {  	_ =	shalt  }
0x40: {  	_ =	shalt  }
0x41: {  	_ =	shalt  }
0x42: {  	_ =	shalt  }
0x43: {  	_ =	shalt  }
0x44: {  	_ =	shalt  }
0x45: {  	_ =	shalt  }
0x46: {  	_ =	shalt  }
0x47: {  	_ =	shalt  }
0x48: {  	_ =	shalt  }
0x49: {  	_ =	shalt  }
0x4a: {  	_ =	shalt  }
0x4b: {  	_ =	shalt  }
0x4c: {  	_ =	shalt  }
0x4d: {  	_ =	shalt  }
0x4e: {  	_ =	shalt  }
0x4f: {  	_ =	shalt  }
0x50: {  	_ =	shalt  }
0x51: {  	_ =	shalt  }
0x52: {  	_ =	shalt  }
0x53: {  	_ =	shalt  }
0x54: {  	_ =	shalt  }
0x55: {  	_ =	shalt  }
0x56: {  	_ =	shalt  }
0x57: {  	_ =	shalt  }
0x58: {  	_ =	shalt  }
0x59: {  	_ =	shalt  }
0x5a: {  	_ =	shalt  }
0x5b: {  	_ =	shalt  }
0x5c: {  	_ =	shalt  }
0x5d: {  	_ =	shalt  }
0x5e: {  	_ =	shalt  }
0x5f: {  	_ =	shalt  }
0x60: {  	_ =	shalt  }
0x61: {  	_ =	shalt  }
0x62: {  	_ =	shalt  }
0x63: {  	_ =	shalt  }
0x64: {  	_ =	shalt  }
0x65: {  	_ =	shalt  }
0x66: {  	_ =	shalt  }
0x67: {  	_ =	shalt  }
0x68: {  	_ =	shalt  }
0x69: {  	_ =	shalt  }
0x6a: {  	_ =	shalt  }
0x6b: {  	_ =	shalt  }
0x6c: {  	_ =	shalt  }
0x6d: {  	_ =	shalt  }
0x6e: {  	_ =	shalt  }
0x6f: {  	_ =	shalt  }
0x70: {  	_ =	shalt  }
0x71: {  	_ =	shalt  }
0x72: {  	_ =	shalt  }
0x73: {  	_ =	shalt  }
0x74: {  	_ =	shalt  }
0x75: {  	_ =	shalt  }
0x76: {  	_ =	shalt  }
0x77: {  	_ =	shalt  }
0x78: {  	_ =	shalt  }
0x79: {  	_ =	shalt  }
0x7a: {  	_ =	shalt  }
0x7b: {  	_ =	shalt  }
0x7c: {  	_ =	shalt  }
0x7d: {  	_ =	shalt  }
0x7e: {  	_ =	shalt  }
0x7f: {  	_ =	shalt  }
0x80: {  	_ =	shalt  }
0x81: {  	_ =	shalt  }
0x82: {  	_ =	shalt  }
0x83: {  	_ =	shalt  }
0x84: {  	_ =	shalt  }
0x85: {  	_ =	shalt  }
0x86: {  	_ =	shalt  }
0x87: {  	_ =	shalt  }
.Lfunc_end0:
.L_simem_size_0:
called_computation_lowered:
.L_overlay_start_0:
0x88: {  	s2 =	sld [smem:$0x3FD9]  }
0x89: {  	s3 =	sld [smem:$0x3FFE];
	_ =	sdelay $0x1  }
0x8a: {  	s1 =	srdreg.scid  }
0x8b: {  	s0 =	sand.u32 $0x1, s1  }
0x8c: {  	s17 =	sshll.u32 s0, $0xA;
	s2 =	sadd.s32 s3, s2  }
0x8d: {  	s2 =	sadd.s32 s2, s17  }
0x8e: {  	[smem:$0x3FC0] =	sst s2  }
0x8f: {  	_ = 	snop  }
0x90: {  	s2 =	sld [smem:$0x3FD0];
	(tm) =	ssettm $0x1  }
0x91: {  	s18 =	sld [smem:$0x3FFB];
	_ =	sdelay $0x3  }
0x92: {  	_ =	strace s18  }
0x93: {  	s3 =	sld [smem:$0x3FFC];
	_ =	sdelay $0x3  }
0x94: {  	_ =	strace s3  }
0x95: {  	s3 =	sld [smem:$0x3FFD];
	_ =	sdelay $0x3  }
0x96: {  	_ =	strace s3  }
0x97: {  	_ =	strace $0x8FFFFFFF  }
0x98: {  	s19 =	sld [smem:$0x3FDB];
	_ =	sdelay $0x1  }
0x99: {  	s4 =	simm.s32 $_scs_section_size  }
0x9a: {  	s5 =	simm.s32 $_size__tile_overlayer_lowered;
	s6 =	simm.s32 $_tile_overlayer_lowered  }
0x9b: {  	s22 =	simm.s32 $0x1BFF;
	s21 =	sshll.u32 s6, $0x1;
	s3 =	sadd.s32 s4, s19  }
0x9c: {  	s7 =	simm.s32 $0x0;
	s20 =	sshll.u32 s5, $0x1;
	s5 =	sadd.s32 s21, s3  }
0x9d: {  	[timem:s7], [sflag:s22] =	dma.local [hbm:s5], s20  }
0x9e: {  	_ =	swait.ge [sflag:s22], s20  }
0x9f: {  	s4 =	ssub.s32 $0x0, s20;
	[sflag:s22] =	ssyncset.done $0x0  }
0xa0: {  	[sflag:s22] =	ssyncadd.s32 s4;
	_ =	sdelay $0x1  }
0xa1: {  	s23 =	simm.s32 $0x1B8B  }
0xa2: {  	_ =	swait.ge [sflag:s23], $0x1  }
0xa3: {  	[sflag:s23] =	ssyncset.done $0x0  }
0xa4: {  	s25 =	simm.s32 $0x1B8E;
	s24 =	sld [smem:$0x3FFE];
	[sflag:s23] =	ssyncadd.s32 $0xFFFFFFFF  }
0xa5: {  	s26 =	simm.s32 $execute0_lowered;
	[smem:$0x3FD2] =	sst s25  }
0xa6: {  	s5 =	sshll.u32 s26, $0x1;
	_ =	strace $0x80000046;
	[dreg:$0x1] =	wrdreg $0xFFFFFFFF  }
0xa7: {  	s28 =	simm.s32 $_size_execute0_lowered;
	s3 =	sadd.s32 s3, s5;
	[dreg:$0x0] =	wrdreg $0x0  }
0xa8: {  	s5 =	sshll.u32 s28, $0x1;
	[dreg:$0x2] =	wrdreg s3  }
0xa9: {  	[dreg:$0x3] =	wrdreg s5  }
0xaa: {  	[dreg:$0x4] =	wrdreg $0xC0  }
0xab: {  	_ =	task [dreg:s7], $0x5FFFF  }
0xac: {  	[dreg:$0x1] =	wrdreg $0xFFFFFFFF  }
0xad: {  	[dreg:$0x0] =	wrdreg $0x60  }
0xae: {  	[dreg:$0x2] =	wrdreg s24  }
0xaf: {  	[dreg:$0x3] =	wrdreg s2  }
0xb0: {  	[dreg:$0x4] =	wrdreg $0xA0800  }
0xb1: {  	[dreg:$0x5] =	wrdreg $0xA3000  }
0xb2: {  	[dreg:$0x6] =	wrdreg $0xF4000  }
0xb3: {  	[dreg:$0x7] =	wrdreg $0x9  }
0xb4: {  	_ =	task.clear_ibuf [dreg:s7], $0x8FFFF;
	_ =	strace $0x90000046  }
0xb5: {  	s29 =	simm.s32 $0x9;
	_ =	strace $0x80000048  }
0xb6: {  	_ =	swait.ge [sflag:s29], $0x1  }
0xb7: {  	[sflag:s29] =	ssyncadd.s32 $0xFFFFFFFF  }
0xb8: {  	_ =	strace $0x90000048  }
0xb9: {  	_ =	sfence  }
0xba: {  	s30 =	sld [smem:$0x0];
	_ =	sdelay $0x2  }
0xbb: {  	s31 =	sshll.u32 s1, $0xD;
	s1 =	sshrl.u32 s1, $0x2  }
0xbc: {  	s3 =	sand.u32 $0x4000, s31;
	s1 =	sadd.s32 s1, s30  }
0xbd: {  	s0 =	sor.u32 s3, s0;
	s1 =	sshll.u32 s1, $0x11  }
0xbe: {  	s0 =	sor.u32 s1, s0  }
0xbf: {  	s0 =	sadd.s32 $0x8F2B, s0  }
0xc0: {  	[sflag:s0] =	ssyncadd.remote.s32 $0x1  }
0xc1: {  	_ =	sfence.sel $0xFFFF  }
0xc2: {  	[dreg:$0x0] =	wrdreg $0xFFFFFFFF;
	(pc) =	sbr.abs _section_cstart, $3  }
0xc3: {  	[dreg:$0x1] =	wrdreg $0xFFFFFFFF  }
0xc4: {  	_ =	task.clear_ibuf [dreg:s7], $0x2FFFF;
	_ =	strace $0x9FFFFFFF  }
0xc5: {  	(tm) =	ssettm $0x7FFFFFFF  }
tec
execute0_lowered:
.L_overlay_start_1:
0x0: {  	(tag) =	ssettag $0x1  }
0x1: {  	s0 =	rddreg [dreg:$0x0]  }
0x2: {  	s2 =	rddreg [dreg:$0x1];
	s3 =	srdreg.scid  }
0x3: {  	s1 =	rddreg [dreg:$0x2];
	s18 =	stileid.u32  }
0x4: {  	s4 =	rddreg [dreg:$0x4];
	s20 =	simm.s32 $0x1;
	s28 =	simm.s32 $0x10  }
0x5: {  	s29 =	simm.s32 $0x0;
	s8 =	sand.u32 $0x1, s3;
	s12 =	smul.u32 $0x280, s18  }
0x6: {  	s3 =	rddreg [dreg:$0x3];
	s10 =	smul.u32 $0x500, s18;
	s23 =	sadd.s32 $0x4E00, s0  }
0x7: {  	s14 =	sshrl.u32 s18, $0x3;
	s7 =	sadd.s32 $0x24000, s0;
	s31 =	smul.u32 $0x5100, s18  }
0x8: {  	s17 =	sshll.u32 s18, $0x7;
	s5 =	sshll.u32 s8, $0x4;
	s13 =	smul.u32 $0x51000, s8  }
0x9: {  	s14 =	smul.u32 $0x28800, s14;
	s16 =	sshll.u32 s8, $0x7;
	s24 =	sand.u32 $0x380, s17  }
0xa: {  	s8 =	ssub.s32 $0x2, s8;
	s6 =	sor.u32 s18, s5;
	s5 =	simm.s32 $0x0  }
0xb: {  	s15 =	sshrl.u32 s12, $0x3;
	s10 =	sor.u32 s16, s10;
	s30 =	sshrl.u32 s8, $0x1  }
0xc: {  	s12 =	sadd.s32 s12, s1;
	s9 =	smul.u32 $0x500, s6;
	[smem:$0x7FF] =	sst s5  }
0xd: {  	s15 =	sadd.s32 s15, s0;
	s13 =	sadd.s32 s13, s14;
	s10 =	sshrl.u32 s10, $0x3  }
0xe: {  	s19 =	ssub.s32 s8, s30;
	s14 =	sadd.s32 s31, s3;
	_ =	strace $0x80000047  }
0xf: {  	[dreg:$0x6] =	wrdreg s23;
	s13 =	sor.u32 s24, s13;
	s25 =	sadd.s32 s10, s0  }
0x10: {  	s19 =	smax.u32 s19, $0x1;
	s24 =	simm.s32 $0x80;
	s11 =	sadd.s32 s9, s0  }
0x11: {  	s26 =	sshrl.u32 s13, $0x3;
	s9 =	sadd.s32 s2, s9;
	s13 =	sadd.s32 $0x23A00, s15  }
0x12: {  	s15 =	sadd.s32 s31, s4;
	s16 =	sadd.s32 $0x24C00, s25;
	s25 =	simm.s32 $0xA000  }
0x13: {  	s0 =	sadd.s32 s26, s0;
	s8 =	sadd.s32 $0x5A00, s11;
	s10 =	sadd.s32 $0xFA00, s11  }
0x14: {  	v0 =	vimm.f32 $1.000000000e+00;
	s11 =	sadd.s32 $0x19A00, s11;
	s17 =	sadd.s32 $0x25600, s0;
	s18 =	sadd.s32 $0x39A00, s0  }
.LBB2_1:
0x15: {  	[tilespmem:s5], [sflag:$0x1] =	stream.linear.gather [hbm4b:s8+s5], $0x2800, $0x38;
	[tilespmem:$0x14500] =	vst v63  }
0x16: {  	_ =	swait.ge [sflag:s20], $0x2800  }
0x17: {  	[sflag:s20] =	ssyncset.done $0x0  }
0x18: {  	s0 =	simm.s32 $0x2800;
	[sflag:s20] =	ssyncadd.s32 $0xFFFFD800  }
0x19: {  	[tilespmem:s0], [sflag:$0x1] =	stream.linear.gather [hbm4b:s9+s5], $0x2800, $0x38;
	[tilespmem:$0x14500] =	vst v63  }
0x1a: {  	_ =	swait.ge [sflag:s20], $0x2800  }
0x1b: {  	[sflag:s20] =	ssyncset.done $0x0  }
0x1c: {  	s2 =	simm.s32 $0x5000;
	[sflag:s20] =	ssyncadd.s32 $0xFFFFD800  }
0x1d: {  	[tilespmem:s2], [sflag:$0x1] =	stream.linear.gather [hbm4b:s10+s5], $0x2800, $0x38;
	[tilespmem:$0x14500] =	vst v63  }
0x1e: {  	_ =	swait.ge [sflag:s20], $0x2800  }
0x1f: {  	[sflag:s20] =	ssyncset.done $0x0  }
0x20: {  	s6 =	simm.s32 $0x7800;
	[sflag:s20] =	ssyncadd.s32 $0xFFFFD800  }
0x21: {  	[tilespmem:s6], [sflag:$0x1] =	stream.linear.gather [hbm4b:s11+s5], $0x2800, $0x38;
	[tilespmem:$0x14500] =	vst v63  }
0x22: {  	s21 =	stileid.u32;
	_ =	swait.ge [sflag:s20], $0x2800  }
0x23: {  	s0 =	sshll.u32 s21, $0x6;
	[sflag:s20] =	ssyncset.done $0x0  }
0x24: {  	s31 =	sshrl.u32 s12, $0x3;
	s30 =	sor.u32 $0x1C01, s0;
	[sflag:s20] =	ssyncadd.s32 $0xFFFFD800  }
0x25: {  	[spmem:s31], [sflag:s30] =	dma.local [hbm:s13], $0x50  }
0x26: {  	_ =	swait.ge [sflag:s20], $0x50  }
0x27: {  	[sflag:s20] =	ssyncset.done $0x0  }
0x28: {  	s2 =	sshrl.u32 s14, $0x3;
	s22 =	rddreg [dreg:$0x6];
	[sflag:s20] =	ssyncadd.s32 $0xFFFFFFB0  }
0x29: {  	[spmem:s2], [sflag:s30] =	dma.local [hbm:s22], $0xA20  }
0x2a: {  	_ =	swait.ge [sflag:s20], $0xA20  }
0x2b: {  	[sflag:s20] =	ssyncset.done $0x0  }
0x2c: {  	s0 =	sshrl.u32 s15, $0x3;
	[sflag:s20] =	ssyncadd.s32 $0xFFFFF5E0  }
0x2d: {  	[spmem:s0], [sflag:s30] =	dma.local [hbm:s7], $0xA20  }
0x2e: {  	_ =	swait.ge [sflag:s20], $0xA20  }
0x2f: {  	[sflag:s20] =	ssyncset.done $0x0  }
0x30: {  	[sflag:s20] =	ssyncadd.s32 $0xFFFFF5E0  }
0x31: {  	[tilespmem:$0xA000] =	vst v0  }
0x32: {  	[tilespmem:$0xA010] =	vst v0  }
0x33: {  	[tilespmem:$0xA020] =	vst v0  }
0x34: {  	[tilespmem:$0xA030] =	vst v0  }
0x35: {  	[tilespmem:$0xA040] =	vst v0  }
0x36: {  	[tilespmem:$0xA050] =	vst v0  }
0x37: {  	[tilespmem:$0xA060] =	vst v0  }
0x38: {  	[tilespmem:$0xA070] =	vst v0  }
0x39: {  	s21 =	simm.s32 $0x0;
	[bflag:$0x0] =	sbarrier.arrive $0xFFFF  }
0x3a: {  	[spmem:s1] =	stream.indirect.scatter.add.f32 [tilespmem:s25], [sflag:$0x1], $0x1, s21, s24, $0xb8;
	[tilespmem:$0x14500] =	vst v63  }
0x3b: {  	_ =	swait.ge [sflag:s20], $0x80  }
0x3c: {  	[sflag:s20] =	ssyncset.done $0x0  }
0x3d: {  	s23 =	simm.s32 $0x2800;
	s22 =	simm.s32 $0x7800;
	[sflag:s20] =	ssyncadd.s32 $0xFFFFFF80  }
0x3e: {  	[spmem:s3] =	stream.indirect.scatter [tilespmem:s23], [sflag:$0x1], $0x1, s22, s24, $0xb8;
	[tilespmem:$0x14500] =	vst v63  }
0x3f: {  	_ =	swait.ge [sflag:s20], $0x80  }
0x40: {  	[sflag:s20] =	ssyncset.done $0x0  }
0x41: {  	s26 =	simm.s32 $0x5000;
	[sflag:s20] =	ssyncadd.s32 $0xFFFFFF80  }
0x42: {  	[spmem:s4] =	stream.indirect.scatter [tilespmem:s26], [sflag:$0x1], $0x1, s22, s24, $0xb8;
	[tilespmem:$0x14500] =	vst v63  }
0x43: {  	_ =	swait.ge [sflag:s20], $0x80  }
0x44: {  	s21 =	simm.s32 $0x200;
	s22 =	simm.s32 $0x400;
	[sflag:s20] =	ssyncset.done $0x0  }
.LBB2_2:
0x45: {  	s23 =	sshra.s32 s21, $0x2  }
0x46: {  	[sflag:s20] =	ssyncadd.s32 $0xFFFFFF80;
	s21 =	smov.u32 s22;
	s26 =	sadd.s32 $0x200, s22  }
0x47: {  	[spmem:s1] =	stream.indirect.scatter.add.f32 [tilespmem:s25], [sflag:$0x1], $0x1, s23, s24, $0xb8;
	[tilespmem:$0x14500] =	vst v63  }
0x48: {  	p0 =	sne.s32 s22, $0x9E00;
	_ =	swait.ge [sflag:s20], $0x80  }
0x49: {  	[sflag:s20] =	ssyncset.done $0x0  }
0x4a: {  	s22 =	sadd.s32 $0x2800, s23;
	s6 =	sadd.s32 $0x7800, s23;
	[sflag:s20] =	ssyncadd.s32 $0xFFFFFF80  }
0x4b: {  	[spmem:s3] =	stream.indirect.scatter [tilespmem:s22], [sflag:$0x1], $0x1, s6, s24, $0xb8;
	[tilespmem:$0x14500] =	vst v63  }
0x4c: {  	_ =	swait.ge [sflag:s20], $0x80  }
.Ltmp0:
0x4d: {  	[sflag:s20] =	ssyncset.done $0x0;
	(pc) =	sbr.rel @p0 .LBB2_2-.Ltmp0, $4  }
0x4e: {  	s22 =	sadd.s32 $0x5000, s23;
	[sflag:s20] =	ssyncadd.s32 $0xFFFFFF80  }
0x4f: {  	[spmem:s4] =	stream.indirect.scatter [tilespmem:s22], [sflag:$0x1], $0x1, s6, s24, $0xb8;
	[tilespmem:$0x14500] =	vst v63  }
0x50: {  	_ =	swait.ge [sflag:s20], $0x80  }
0x51: {  	s22 =	smov.u32 s26;
	[sflag:s20] =	ssyncset.done $0x0  }
0x52: {  	s6 =	sshra.s32 s21, $0x2;
	[sflag:s20] =	ssyncadd.s32 $0xFFFFFF80  }
0x53: {  	[spmem:s1] =	stream.indirect.scatter.add.f32 [tilespmem:s25], [sflag:$0x1], $0x1, s6, s24, $0xb8;
	[tilespmem:$0x14500] =	vst v63  }
0x54: {  	_ =	swait.ge [sflag:s20], $0x80  }
0x55: {  	[sflag:s20] =	ssyncset.done $0x0  }
0x56: {  	s21 =	sadd.s32 $0x2800, s6;
	s22 =	sadd.s32 $0x7800, s6;
	[sflag:s20] =	ssyncadd.s32 $0xFFFFFF80  }
0x57: {  	[spmem:s3] =	stream.indirect.scatter [tilespmem:s21], [sflag:$0x1], $0x1, s22, s24, $0xb8;
	[tilespmem:$0x14500] =	vst v63  }
0x58: {  	_ =	swait.ge [sflag:s20], $0x80  }
0x59: {  	[sflag:s20] =	ssyncset.done $0x0  }
0x5a: {  	s6 =	sadd.s32 $0x5000, s6;
	[sflag:s20] =	ssyncadd.s32 $0xFFFFFF80  }
0x5b: {  	[spmem:s4] =	stream.indirect.scatter [tilespmem:s6], [sflag:$0x1], $0x1, s22, s24, $0xb8;
	[tilespmem:$0x14500] =	vst v63  }
0x5c: {  	_ =	swait.ge [sflag:s20], $0x80  }
0x5d: {  	[sflag:s20] =	ssyncset.done $0x0  }
0x5e: {  	[sflag:s20] =	ssyncadd.s32 $0xFFFFFF80  }
0x5f: {  	s26 =	simm.s32 $0x20;
	[bflag:$0x0] =	sbarrier.arrive $0xFFFF  }
0x60: {  	[hbm:s16@s26], [sflag:s30] =	dma.strided [spmem:s31@s28], $0x50, s20, $0x10   }
0x61: {  	_ =	swait.ge [sflag:s20], $0x50  }
0x62: {  	[sflag:s20] =	ssyncset.done $0x0  }
0x63: {  	[sflag:s20] =	ssyncadd.s32 $0xFFFFFFB0  }
0x64: {  	[hbm:s17@s24], [sflag:s30] =	dma.strided [spmem:s2@s28], $0xA20, s20, $0x10   }
0x65: {  	s29 =	sadd.s32 $0x1, s29;
	_ =	swait.ge [sflag:s20], $0xA20  }
0x66: {  	p0 =	sne.s32 s29, s19;
	[sflag:s20] =	ssyncset.done $0x0  }
.Ltmp1:
0x67: {  	[sflag:s20] =	ssyncadd.s32 $0xFFFFF5E0;
	(pc) =	sbr.rel @p0 .LBB2_1-.Ltmp1, $4  }
0x68: {  	[hbm:s18@s24], [sflag:s30] =	dma.strided [spmem:s0@s28], $0xA20, s20, $0x10   }
0x69: {  	_ =	swait.ge [sflag:s20], $0xA20  }
0x6a: {  	[sflag:s20] =	ssyncset.done $0x0  }
0x6b: {  	[sflag:s20] =	ssyncadd.s32 $0xFFFFF5E0  }
0x6c: {  	_ =	sfence.sel $0x180000  }
0x6d: {  	[bflag:$0x0] =	sbarrier.arrive $0xFFFF  }
0x6e: {  	_ =	strace $0x90000047  }
0x6f: {  	s0 =	stileid.u32;
	[bflag:$0x2] =	sbarrier.arrive $0xFFFF  }
0x70: {  	p0 =	sne.s32 s0, $0x0;
	s0 =	rddreg [dreg:$0x5]  }
0x71: {  	s0 =	sadd.s32 @!p0 $0x100000, s0  }
0x72: {  	[sflag:s0] =	ssyncadd.tile.s32 @!p0 $0x1;
	_ =	shalt  }
.Lfunc_end2:
_tile_overlayer_lowered:
.L_overlay_start_2:
0x73: {  	(tag) =	ssettag $0x2  }
0x74: {  	s0 =	rddreg [dreg:$0x0];
	s2 =	stileid.u32  }
0x75: {  	s1 =	rddreg [dreg:$0x1];
	p0 =	sne.s32 s2, $0x0  }
0x76: {  	s3 =	rddreg [dreg:$0x2];
	[bflag:$0x3] =	sbarrier.arrive $0xFFFF;
	s2 =	simm.s32 @!p0 $0x1C01  }
0x77: {  	[timem:s3], [sflag:s2] =	dma.local @!p0 [hbm:s0], s1  }
0x78: {  	s0 =	simm.s32 @!p0 $0x1  }
0x79: {  	_ =	swait.ge @!p0 [sflag:s0], s1  }
0x7a: {  	s1 =	ssub.s32 @!p0 $0x0, s1;
	[sflag:s0] =	ssyncset.done @!p0 $0x0  }
0x7b: {  	[sflag:s0] =	ssyncadd.s32 @!p0 s1  }
0x7c: {  	[bflag:$0x3] =	sbarrier.arrive $0xFFFF  }
0x7d: {  	_ =	shalt  }

// kernel: kernel.14.cloned.1.call-start
scs
__scs_entry_jumppad:
0x0: {  	(pc) =	sbr.rel $0x88, $3  }
0x1: {  	(tag) =	ssettag $0x0;
	lr =	simm.s32 $0x1  }
0x2: {  	[smem:$0x3F99] =	sst lr;
	_ =	strace $0xD0000000  }
0x3: {  	_ = 	snop  }
0x4: {  	_ = 	snop  }
0x5: {  	_ = 	snop  }
0x6: {  	_ = 	snop  }
0x7: {  	_ = 	snop  }
__scs_overlays_trampoline_lowered:
0x8: {  	[smem:$0x3FA8] =	sst s0  }
0x9: {  	[smem:$0x3FA9] =	sst s1  }
0xa: {  	[smem:$0x3FAA] =	sst s2  }
0xb: {  	[smem:$0x3FAB] =	sst s3  }
0xc: {  	[smem:$0x3FAC] =	sst s4  }
0xd: {  	[smem:$0x3FAD] =	sst s5  }
0xe: {  	[smem:$0x3FAE] =	sst s6  }
0xf: {  	[smem:$0x3FAF] =	sst s7  }
0x10: {  	[smem:$0x3FB0] =	sst s8  }
0x11: {  	[smem:$0x3FB1] =	sst s9;
	s0 =	simm.s32 @!p0 $0x0  }
0x12: {  	s1 =	sld [smem:$0x3F97];
	s0 =	simm.s32 @p0 $0x1  }
0x13: {  	[smem:$0x3FB2] =	sst s0;
	s0 =	simm.s32 @!p1 $0x0  }
0x14: {  	s2 =	sld [smem:$0x3F96];
	s0 =	simm.s32 @p1 $0x1  }
0x15: {  	[smem:$0x3FB3] =	sst s0;
	s0 =	simm.s32 @!p2 $0x0  }
0x16: {  	s3 =	sld [smem:$0x3FDB];
	s0 =	simm.s32 @p2 $0x1  }
0x17: {  	s4 =	simm.s32 $0x1BF5;
	[smem:$0x3FB5] =	sst s0  }
0x18: {  	s0 =	sld [smem:$0x3F98];
	_ =	swait.ge [sflag:s4], $0x0  }
0x19: {  	s7 =	sld [smem:$0x3F99]  }
0x1a: {  	s8 =	sadd.s32 $0xFFFFE003, lr  }
0x1b: {  	s9 =	sadd.s32 $0xFFFFFEF7, lr;
	s5 =	simm.s32 $0xFFFFFFFF;
	p2 =	slt.u32 s8, $0xFFFFF086  }
0x1c: {  	p1 =	slt.u32 s9, $0xF7A;
	s5 =	simm.s32 @!p2 $0x0  }
0x1d: {  	s5 =	simm.s32 @p1 $0x1;
	p0 =	seq.s32 s7, s2  }
0x1e: {  	s7 =	smul.u32 @!p0 $0xF7A, s2;
	p2 =	seq.s32 @!p0 s5, $0x0  }
0x1f: {  	s9 =	smul.u32 $0xF7A, s1;
	s8 =	simm.s32 @!p0 $0x1BF5;
	p2 =	por !p2, p0  }
0x20: {  	[sflag:s8] =	ssyncset.s32 @!p0 $0xFFFFF086;
	s6 =	sadd.s32 @!p0 s3, s7;
	s7 =	simm.s32 @!p0 $0x108  }
0x21: {  	s3 =	sadd.s32 s3, s9;
	s6 =	sadd.s32 @!p0 $0x88, s6;
	s7 =	simm.s32 @p2 $0x1082  }
0x22: {  	[simem:s7], [sflag:s8] =	dma.local @!p0 [hbm:s6], $0xF7A  }
0x23: {  	s9 =	sor.u32 $0xD0000000, s2;
	s6 =	simm.s32 $0x108;
	_ =	swait.ge @!p0 [sflag:s8], $0x0  }
0x24: {  	s3 =	sadd.s32 $0x88, s3;
	s6 =	simm.s32 @!p1 $0x1082;
	[sflag:s4] =	ssyncset.s32 $0xFFFFF086  }
0x25: {  	[simem:s6], [sflag:s4] =	dma.local [hbm:s3], $0xF7A  }
0x26: {  	[smem:$0x3F99] =	sst s1;
	(tag) =	ssettag s2;
	_ =	strace s9  }
0x27: {  	s1 =	sld [smem:$0x3FA9]  }
0x28: {  	s2 =	sld [smem:$0x3FAA]  }
0x29: {  	s4 =	sld [smem:$0x3FAC]  }
0x2a: {  	p0 =	seq.s32 s5, $0x0;
	s5 =	sld [smem:$0x3FAD]  }
0x2b: {  	s6 =	sld [smem:$0x3FAE]  }
0x2c: {  	s7 =	sld [smem:$0x3FAF]  }
0x2d: {  	s3 =	simm.s32 $0x108;
	s8 =	sld [smem:$0x3FB0]  }
0x2e: {  	s3 =	simm.s32 @!p0 $0x1082;
	s9 =	sld [smem:$0x3FB1]  }
0x2f: {  	lr =	sadd.s32 s0, s3;
	s0 =	sld [smem:$0x3FA8]  }
0x30: {  	s3 =	sld [smem:$0x3FAB]  }
0x31: {  	[smem:$0x3FB4] =	sst s10  }
0x32: {  	s10 =	sld [smem:$0x3FB2];
	_ =	sdelay $0x3  }
0x33: {  	p0 =	seq.s32 s10, $0x1;
	s10 =	sld [smem:$0x3FB4];
	_ =	sdelay $0x3  }
0x34: {  	[smem:$0x3FB4] =	sst s10  }
0x35: {  	s10 =	sld [smem:$0x3FB3];
	_ =	sdelay $0x3  }
0x36: {  	p1 =	seq.s32 s10, $0x1;
	s10 =	sld [smem:$0x3FB4];
	_ =	sdelay $0x3  }
0x37: {  	[smem:$0x3FB4] =	sst s10  }
0x38: {  	s10 =	sld [smem:$0x3FB5]  }
0x39: {  	_ = 	snop;
	(pc) =	sbr.ind lr, $3  }
0x3a: {  	_ = 	snop  }
0x3b: {  	_ = 	snop  }
0x3c: {  	p2 =	seq.s32 s10, $0x1;
	s10 =	sld [smem:$0x3FB4]  }
0x3d: {  	_ =	shalt  }
0x3e: {  	_ =	shalt  }
0x3f: {  	_ =	shalt  }
0x40: {  	_ =	shalt  }
0x41: {  	_ =	shalt  }
0x42: {  	_ =	shalt  }
0x43: {  	_ =	shalt  }
0x44: {  	_ =	shalt  }
0x45: {  	_ =	shalt  }
0x46: {  	_ =	shalt  }
0x47: {  	_ =	shalt  }
0x48: {  	_ =	shalt  }
0x49: {  	_ =	shalt  }
0x4a: {  	_ =	shalt  }
0x4b: {  	_ =	shalt  }
0x4c: {  	_ =	shalt  }
0x4d: {  	_ =	shalt  }
0x4e: {  	_ =	shalt  }
0x4f: {  	_ =	shalt  }
0x50: {  	_ =	shalt  }
0x51: {  	_ =	shalt  }
0x52: {  	_ =	shalt  }
0x53: {  	_ =	shalt  }
0x54: {  	_ =	shalt  }
0x55: {  	_ =	shalt  }
0x56: {  	_ =	shalt  }
0x57: {  	_ =	shalt  }
0x58: {  	_ =	shalt  }
0x59: {  	_ =	shalt  }
0x5a: {  	_ =	shalt  }
0x5b: {  	_ =	shalt  }
0x5c: {  	_ =	shalt  }
0x5d: {  	_ =	shalt  }
0x5e: {  	_ =	shalt  }
0x5f: {  	_ =	shalt  }
0x60: {  	_ =	shalt  }
0x61: {  	_ =	shalt  }
0x62: {  	_ =	shalt  }
0x63: {  	_ =	shalt  }
0x64: {  	_ =	shalt  }
0x65: {  	_ =	shalt  }
0x66: {  	_ =	shalt  }
0x67: {  	_ =	shalt  }
0x68: {  	_ =	shalt  }
0x69: {  	_ =	shalt  }
0x6a: {  	_ =	shalt  }
0x6b: {  	_ =	shalt  }
0x6c: {  	_ =	shalt  }
0x6d: {  	_ =	shalt  }
0x6e: {  	_ =	shalt  }
0x6f: {  	_ =	shalt  }
0x70: {  	_ =	shalt  }
0x71: {  	_ =	shalt  }
0x72: {  	_ =	shalt  }
0x73: {  	_ =	shalt  }
0x74: {  	_ =	shalt  }
0x75: {  	_ =	shalt  }
0x76: {  	_ =	shalt  }
0x77: {  	_ =	shalt  }
0x78: {  	_ =	shalt  }
0x79: {  	_ =	shalt  }
0x7a: {  	_ =	shalt  }
0x7b: {  	_ =	shalt  }
0x7c: {  	_ =	shalt  }
0x7d: {  	_ =	shalt  }
0x7e: {  	_ =	shalt  }
0x7f: {  	_ =	shalt  }
0x80: {  	_ =	shalt  }
0x81: {  	_ =	shalt  }
0x82: {  	_ =	shalt  }
0x83: {  	_ =	shalt  }
0x84: {  	_ =	shalt  }
0x85: {  	_ =	shalt  }
0x86: {  	_ =	shalt  }
0x87: {  	_ =	shalt  }
.Lfunc_end0:
.L_simem_size_0:
called_computation.1_lowered:
.L_overlay_start_0:
0x88: {  	s2 =	sld [smem:$0x3FD9]  }
0x89: {  	s3 =	sld [smem:$0x3FFE];
	_ =	sdelay $0x1  }
0x8a: {  	s1 =	srdreg.scid  }
0x8b: {  	s0 =	sand.u32 $0x1, s1  }
0x8c: {  	s17 =	sshll.u32 s0, $0xA;
	s2 =	sadd.s32 s3, s2  }
0x8d: {  	s2 =	sadd.s32 s2, s17  }
0x8e: {  	[smem:$0x3FC0] =	sst s2  }
0x8f: {  	_ = 	snop  }
0x90: {  	s2 =	sld [smem:$0x3FD0];
	(tm) =	ssettm $0x1  }
0x91: {  	s18 =	sld [smem:$0x3FFB];
	_ =	sdelay $0x3  }
0x92: {  	_ =	strace s18  }
0x93: {  	s3 =	sld [smem:$0x3FFC];
	_ =	sdelay $0x3  }
0x94: {  	_ =	strace s3  }
0x95: {  	s3 =	sld [smem:$0x3FFD];
	_ =	sdelay $0x3  }
0x96: {  	_ =	strace s3  }
0x97: {  	_ =	strace $0x8FFFFFFF  }
0x98: {  	s19 =	sld [smem:$0x3FDB];
	_ =	sdelay $0x1  }
0x99: {  	s4 =	simm.s32 $_scs_section_size  }
0x9a: {  	s5 =	simm.s32 $_size__tile_overlayer_lowered;
	s6 =	simm.s32 $_tile_overlayer_lowered  }
0x9b: {  	s22 =	simm.s32 $0x1BFF;
	s21 =	sshll.u32 s6, $0x1;
	s3 =	sadd.s32 s4, s19  }
0x9c: {  	s7 =	simm.s32 $0x0;
	s20 =	sshll.u32 s5, $0x1;
	s5 =	sadd.s32 s21, s3  }
0x9d: {  	[timem:s7], [sflag:s22] =	dma.local [hbm:s5], s20  }
0x9e: {  	_ =	swait.ge [sflag:s22], s20  }
0x9f: {  	s4 =	ssub.s32 $0x0, s20;
	[sflag:s22] =	ssyncset.done $0x0  }
0xa0: {  	[sflag:s22] =	ssyncadd.s32 s4;
	_ =	sdelay $0x1  }
0xa1: {  	s23 =	simm.s32 $0x1B8B  }
0xa2: {  	_ =	swait.ge [sflag:s23], $0x1  }
0xa3: {  	[sflag:s23] =	ssyncset.done $0x0  }
0xa4: {  	s25 =	simm.s32 $0x1B8E;
	s24 =	sld [smem:$0x3FFE];
	[sflag:s23] =	ssyncadd.s32 $0xFFFFFFFF  }
0xa5: {  	s26 =	simm.s32 $execute0_lowered;
	[smem:$0x3FD2] =	sst s25  }
0xa6: {  	s5 =	sshll.u32 s26, $0x1;
	_ =	strace $0x80000049;
	[dreg:$0x1] =	wrdreg $0xFFFFFFFF  }
0xa7: {  	s28 =	simm.s32 $_size_execute0_lowered;
	s3 =	sadd.s32 s3, s5;
	[dreg:$0x0] =	wrdreg $0x0  }
0xa8: {  	s5 =	sshll.u32 s28, $0x1;
	[dreg:$0x2] =	wrdreg s3  }
0xa9: {  	[dreg:$0x3] =	wrdreg s5  }
0xaa: {  	[dreg:$0x4] =	wrdreg $0xC0  }
0xab: {  	_ =	task [dreg:s7], $0x5FFFF  }
0xac: {  	[dreg:$0x1] =	wrdreg $0xFFFFFFFF  }
0xad: {  	[dreg:$0x0] =	wrdreg $0x60  }
0xae: {  	[dreg:$0x2] =	wrdreg s2  }
0xaf: {  	[dreg:$0x3] =	wrdreg s24  }
0xb0: {  	[dreg:$0x4] =	wrdreg $0x118800  }
0xb1: {  	[dreg:$0x5] =	wrdreg $0x9  }
0xb2: {  	_ =	task.clear_ibuf [dreg:s7], $0x6FFFF;
	_ =	strace $0x90000049  }
0xb3: {  	s29 =	simm.s32 $0x9;
	_ =	strace $0x8000004B  }
0xb4: {  	_ =	swait.ge [sflag:s29], $0x1  }
0xb5: {  	[sflag:s29] =	ssyncadd.s32 $0xFFFFFFFF  }
0xb6: {  	_ =	strace $0x9000004B  }
0xb7: {  	_ =	sfence  }
0xb8: {  	s30 =	sld [smem:$0x0];
	_ =	sdelay $0x2  }
0xb9: {  	s31 =	sshll.u32 s1, $0xD;
	s1 =	sshrl.u32 s1, $0x2  }
0xba: {  	s3 =	sand.u32 $0x4000, s31;
	s1 =	sadd.s32 s1, s30  }
0xbb: {  	s0 =	sor.u32 s3, s0;
	s1 =	sshll.u32 s1, $0x11  }
0xbc: {  	s0 =	sor.u32 s1, s0  }
0xbd: {  	s0 =	sadd.s32 $0x8F2B, s0  }
0xbe: {  	[sflag:s0] =	ssyncadd.remote.s32 $0x1  }
0xbf: {  	_ =	sfence.sel $0xFFFF  }
0xc0: {  	[dreg:$0x0] =	wrdreg $0xFFFFFFFF;
	(pc) =	sbr.abs _section_cstart, $3  }
0xc1: {  	[dreg:$0x1] =	wrdreg $0xFFFFFFFF  }
0xc2: {  	_ =	task.clear_ibuf [dreg:s7], $0x2FFFF;
	_ =	strace $0x9FFFFFFF  }
0xc3: {  	(tm) =	ssettm $0x7FFFFFFF  }
tec
execute0_lowered:
.L_overlay_start_1:
0x0: {  	(tag) =	ssettag $0x1  }
0x1: {  	s11 =	rddreg [dreg:$0x0]  }
0x2: {  	s5 =	rddreg [dreg:$0x1]  }
0x3: {  	s2 =	rddreg [dreg:$0x2]  }
0x4: {  	s3 =	simm.s32 $0x0;
	s1 =	stileid.u32;
	s4 =	srdreg.scid  }
0x5: {  	s19 =	simm.s32 $0x0;
	[smem:$0x7FF] =	sst s3;
	s6 =	sshll.u32 s1, $0x4  }
0x6: {  	s7 =	sand.u32 $0x1, s4;
	s12 =	sadd.s32 $0x4E00, s5;
	s13 =	smul.u32 $0x28000, s1  }
0x7: {  	s4 =	sadd.s32 $0x1AE00, s5;
	s14 =	sadd.s32 $0x76000, s5;
	s16 =	smul.u32 $0xA000, s1  }
0x8: {  	_ =	strace $0x8000004A;
	s22 =	sand.u32 $0x70, s6;
	s23 =	sshll.u32 s7, $0x4  }
0x9: {  	s24 =	ssub.s32 $0x2, s7;
	s18 =	smul.u32 $0x140000, s7;
	s8 =	sadd.s32 s22, s5  }
0xa: {  	s6 =	sor.u32 s1, s23;
	s10 =	sshrl.u32 s24, $0x1;
	s26 =	sshrl.u32 s13, $0x2  }
0xb: {  	s28 =	sshrl.u32 s16, $0x3;
	s9 =	smul.u32 $0x5800, s6;
	s6 =	sshll.u32 s6, $0x4  }
0xc: {  	s15 =	ssub.s32 s24, s10;
	s29 =	sadd.s32 s16, s18;
	s16 =	sadd.s32 $0xA0000, s16  }
0xd: {  	s25 =	sand.u32 $0x180, s6;
	s10 =	sshrl.u32 s29, $0x3;
	s31 =	sshrl.u32 s16, $0x3  }
0xe: {  	s16 =	sadd.s32 s18, s16;
	s15 =	smax.u32 s15, $0x1;
	s18 =	simm.s32 $0x2C00  }
0xf: {  	s5 =	sadd.s32 s25, s8;
	s17 =	sshrl.u32 s9, $0x3;
	s8 =	sadd.s32 s26, s2  }
0x10: {  	s9 =	sadd.s32 s4, s28;
	s10 =	sadd.s32 s14, s10;
	s13 =	sadd.s32 s4, s31  }
0x11: {  	s16 =	sshrl.u32 s16, $0x3;
	s5 =	sadd.s32 $0x4DE00, s5;
	s6 =	sadd.s32 s11, s17  }
0x12: {  	s7 =	sadd.s32 s12, s17;
	s30 =	sadd.s32 $0x580, s17;
	s14 =	sadd.s32 s14, s16  }
0x13: {  	s17 =	simm.s32 $0x4;
	s11 =	sadd.s32 s11, s30;
	s12 =	sadd.s32 s12, s30  }
.LBB2_1:
0x14: {  	s0 =	simm.s32 $0x5800  }
0x15: {  	[tilespmem:s0], [sflag:$0x4] =	stream.linear.gather [hbm4b:s5+s3], $0x80, $0x38;
	[tilespmem:$0x1B880] =	vst v63  }
0x16: {  	_ =	swait.ge [sflag:s17], $0x80  }
0x17: {  	[sflag:s17] =	ssyncset.done $0x0  }
0x18: {  	[sflag:s17] =	ssyncadd.s32 $0xFFFFFF80  }
0x19: {  	[tilespmem:s3], [sflag:$0x4] =	stream.linear.gather [hbm4b:s6+s3], $0x2880, $0x38;
	[tilespmem:$0x1B880] =	vst v63  }
0x1a: {  	_ =	swait.ge [sflag:s17], $0x2880  }
0x1b: {  	[sflag:s17] =	ssyncset.done $0x0  }
0x1c: {  	[sflag:s17] =	ssyncadd.s32 $0xFFFFD780  }
0x1d: {  	[tilespmem:s18], [sflag:$0x4] =	stream.linear.gather [hbm4b:s7+s3], $0x2880, $0x38;
	[tilespmem:$0x1B880] =	vst v63  }
0x1e: {  	_ =	swait.ge [sflag:s17], $0x2880  }
0x1f: {  	[sflag:s17] =	ssyncset.done $0x0  }
0x20: {  	[sflag:s17] =	ssyncadd.s32 $0xFFFFD780  }
0x21: {  	v0 =	vld [tilespmem:$0x5800];
	_ =	sdelay $0x4  }
0x22: {  	(v2sf) =	vpush v0, $0x0;
	_ =	sdelay $0xd  }
0x23: {  	s20 =	sshll.u32 s1, $0x6  }
0x24: {  	s21 =	sshrl.u32 s8, $0x3;
	s20 =	sor.u32 $0x1C04, s20;
	s22 =	spop (v2sf)  }
0x25: {  	[spmem:s21], [sflag:s20] =	dma.local [hbm:s9], $0x1400  }
0x26: {  	p0 =	slt.s32 s22, $0x1;
	_ =	swait.ge [sflag:s17], $0x1400  }
0x27: {  	s23 =	simm.s32 @!p0 $0x80;
	[sflag:s17] =	ssyncset.done $0x0  }
0x28: {  	s24 =	simm.s32 @!p0 $0x0;
	p1 =	slt.u32 @!p0 s22, $0x81;
	[sflag:s17] =	ssyncadd.s32 $0xFFFFEC00  }
0x29: {  	s25 =	simm.s32 @!p0 $0x5880;
	p2 =	por p1, p0;
	[bflag:$0x0] =	sbarrier.arrive $0xFFFF  }
0x2a: {  	[tilespmem:s25], [sflag:$0x1] =	stream.indirect.gather @!p0 [hbm4b:s4+s23], $0x80, s24, s23, $0xb8;
	[tilespmem:$0x1B880] =	vst v63  }
0x2b: {  	s23 =	simm.s32 @!p2 $0x80;
	s24 =	simm.s32 @!p2 $0x9880  }
0x2c: {  	[tilespmem:s24], [sflag:$0x2] =	stream.indirect.gather @!p2 [hbm4b:s4+s23], $0x80, s23, s23, $0xb8;
	[tilespmem:$0x1B880] =	vst v63  }
0x2d: {  	p2 =	slt.u32 @!p2 s22, $0x101  }
0x2e: {  	p1 =	por @!p0 p2, p1  }
0x2f: {  	p0 =	por p1, p0  }
0x30: {  	s23 =	simm.s32 @!p0 $0x80;
	s24 =	simm.s32 @!p0 $0x100;
	s25 =	simm.s32 @!p0 $0xD880  }
0x31: {  	[tilespmem:s25], [sflag:$0x3] =	stream.indirect.gather @!p0 [hbm4b:s4+s23], $0x80, s24, s23, $0xb8;
	[tilespmem:$0x1B880] =	vst v63  }
0x32: {  	p0 =	sle.s32 s22, $0x0  }
0x33: {  	s23 =	simm.s32 @!p0 $0x1  }
0x34: {  	s24 =	simm.s32 @!p0 $0x4;
	_ =	swait.ge @!p0 [sflag:s23], $0x4000  }
0x35: {  	s25 =	simm.s32 @!p0 $0x2C00;
	s26 =	simm.s32 @!p0 $0x5880;
	[sflag:s23] =	ssyncset.done @!p0 $0x0  }
0x36: {  	p1 =	sle.u32 @!p0 s22, $0x180;
	[sflag:s23] =	ssyncadd.s32 @!p0 $0xFFFFC000;
	s23 =	simm.s32 @!p0 $0x80  }
0x37: {  	[spmem:s2] =	stream.indirect.scatter.add.f32 @!p0 [tilespmem:s26], [sflag:$0x4], $0x80, s25, s23, $0xb8;
	[tilespmem:$0x1B880] =	vst v63  }
0x38: {  	p2 =	por p1, p0;
	p1 =	sle.s32 s22, $0x80;
	_ =	swait.ge @!p0 [sflag:s24], $0x4000  }
0x39: {  	s23 =	simm.s32 @!p2 $0x180;
	s25 =	simm.s32 @!p1 $0x2;
	[sflag:s24] =	ssyncset.done @!p0 $0x0  }
0x3a: {  	s26 =	simm.s32 @!p2 $0x5880;
	[sflag:s24] =	ssyncadd.s32 @!p0 $0xFFFFC000;
	s24 =	simm.s32 @!p2 $0x80  }
0x3b: {  	[tilespmem:s26], [sflag:$0x1] =	stream.indirect.gather @!p2 [hbm4b:s4+s24], $0x80, s23, s24, $0xb8;
	[tilespmem:$0x1B880] =	vst v63  }
0x3c: {  	s28 =	simm.s32 @!p1 $0x9880;
	_ =	swait.ge @!p1 [sflag:s25], $0x4000  }
0x3d: {  	s23 =	simm.s32 @!p1 $0x2C80;
	p2 =	sle.u32 @!p1 s22, $0x200;
	[sflag:s25] =	ssyncset.done @!p1 $0x0  }
0x3e: {  	s24 =	simm.s32 @!p1 $0x4;
	s26 =	simm.s32 @!p1 $0x80;
	[sflag:s25] =	ssyncadd.s32 @!p1 $0xFFFFC000  }
0x3f: {  	[spmem:s2] =	stream.indirect.scatter.add.f32 @!p1 [tilespmem:s28], [sflag:$0x4], $0x80, s23, s26, $0xb8;
	[tilespmem:$0x1B880] =	vst v63  }
0x40: {  	p2 =	por p2, p1;
	_ =	swait.ge @!p1 [sflag:s24], $0x4000  }
0x41: {  	p0 =	sle.s32 s22, $0x100;
	s25 =	simm.s32 @!p2 $0x200;
	[sflag:s24] =	ssyncset.done @!p1 $0x0  }
0x42: {  	s23 =	simm.s32 @!p2 $0x9880;
	[sflag:s24] =	ssyncadd.s32 @!p1 $0xFFFFC000;
	s24 =	simm.s32 @!p2 $0x80  }
0x43: {  	[tilespmem:s23], [sflag:$0x2] =	stream.indirect.gather @!p2 [hbm4b:s4+s24], $0x80, s25, s24, $0xb8;
	[tilespmem:$0x1B880] =	vst v63  }
0x44: {  	s26 =	simm.s32 @!p0 $0x3;
	p1 =	sle.u32 @!p0 s22, $0x280;
	s23 =	simm.s32 @!p0 $0x2D00  }
0x45: {  	p2 =	por p1, p0;
	s24 =	simm.s32 @!p0 $0x80;
	_ =	swait.ge @!p0 [sflag:s26], $0x4000  }
0x46: {  	s25 =	simm.s32 @!p0 $0xD880;
	s28 =	simm.s32 @!p2 $0x80;
	[sflag:s26] =	ssyncset.done @!p0 $0x0  }
0x47: {  	s29 =	simm.s32 @!p2 $0xD880;
	[sflag:s26] =	ssyncadd.s32 @!p0 $0xFFFFC000;
	s26 =	simm.s32 @!p0 $0x4  }
0x48: {  	[spmem:s2] =	stream.indirect.scatter.add.f32 @!p0 [tilespmem:s25], [sflag:$0x4], $0x80, s23, s24, $0xb8;
	[tilespmem:$0x1B880] =	vst v63  }
0x49: {  	s23 =	simm.s32 $0x400;
	s25 =	simm.s32 @!p2 $0x280;
	s24 =	simm.s32 $0x0  }
.LBB2_2:
0x4a: {  	_ =	swait.ge @!p0 [sflag:s26], $0x4000  }
0x4b: {  	s24 =	sadd.s32 $0x600, s24;
	s30 =	smov.u32 s23;
	s23 =	sadd.s32 $0x180, s23  }
0x4c: {  	p1 =	sne.s32 s23, $0x2B00;
	[sflag:s26] =	ssyncset.done @!p0 $0x0  }
0x4d: {  	s31 =	sadd.s32 $0xFFFFFD80, s30;
	[sflag:s26] =	ssyncadd.s32 @!p0 $0xFFFFC000  }
0x4e: {  	[tilespmem:s29], [sflag:$0x3] =	stream.indirect.gather @!p2 [hbm4b:s4+s28], $0x80, s25, s28, $0xb8;
	[tilespmem:$0x1B880] =	vst v63  }
0x4f: {  	p2 =	sge.s32 s31, s22;
	s25 =	sadd.s32 $0xFFFFFE80, s30  }
0x50: {  	s26 =	simm.s32 @!p2 $0x1;
	s28 =	sshra.s32 @!p2 s24, $0x2;
	s29 =	simm.s32 @!p2 $0x4  }
0x51: {  	s31 =	sadd.s32 @!p2 $0xFFFFFF00, s30;
	s28 =	sadd.s32 @!p2 $0x2C00, s28;
	_ =	swait.ge @!p2 [sflag:s26], $0x4000  }
0x52: {  	p0 =	sge.s32 s25, s22;
	p3 =	sge.u32 @!p2 s31, s22;
	[sflag:s26] =	ssyncset.done @!p2 $0x0  }
0x53: {  	s25 =	simm.s32 @!p2 $0x80;
	[sflag:s26] =	ssyncadd.s32 @!p2 $0xFFFFC000;
	s26 =	simm.s32 @!p2 $0x5880  }
0x54: {  	[spmem:s2] =	stream.indirect.scatter.add.f32 @!p2 [tilespmem:s26], [sflag:$0x4], $0x80, s28, s25, $0xb8;
	[tilespmem:$0x1B880] =	vst v63  }
0x55: {  	p4 =	por p3, p2;
	s25 =	sshra.s32 @!p0 s24, $0x2;
	_ =	swait.ge @!p2 [sflag:s29], $0x4000  }
0x56: {  	s26 =	sshra.s32 @!p4 s24, $0x2;
	s28 =	sadd.s32 $0xFFFFFE00, s30;
	[sflag:s29] =	ssyncset.done @!p2 $0x0  }
0x57: {  	s26 =	sadd.s32 @!p4 $0x180, s26;
	p3 =	sge.s32 s28, s22;
	[sflag:s29] =	ssyncadd.s32 @!p2 $0xFFFFC000  }
0x58: {  	s28 =	simm.s32 @!p4 $0x80;
	s31 =	sshra.s32 @!p3 s24, $0x2;
	s29 =	simm.s32 @!p3 $0x2  }
0x59: {  	s0 =	simm.s32 @!p4 $0x5880;
	s16 =	sadd.s32 @!p3 $0xFFFFFF80, s30;
	s31 =	sadd.s32 @!p3 $0x2C80, s31  }
0x5a: {  	p5 =	sge.u32 @!p3 s16, s22;
	s16 =	sadd.s32 @!p0 $0x2D00, s25;
	p2 =	sge.u32 @!p0 s30, s22  }
0x5b: {  	[tilespmem:s0], [sflag:$0x1] =	stream.indirect.gather @!p4 [hbm4b:s4+s28], $0x80, s26, s28, $0xb8;
	[tilespmem:$0x1B880] =	vst v63  }
0x5c: {  	s0 =	simm.s32 @!p3 $0x4;
	p4 =	por p5, p3;
	_ =	swait.ge @!p3 [sflag:s29], $0x4000  }
0x5d: {  	s25 =	simm.s32 @!p3 $0x80;
	s26 =	simm.s32 @!p3 $0x9880;
	[sflag:s29] =	ssyncset.done @!p3 $0x0  }
0x5e: {  	s28 =	sshra.s32 @!p4 s24, $0x2;
	[sflag:s29] =	ssyncadd.s32 @!p3 $0xFFFFC000;
	s29 =	simm.s32 @!p4 $0x9880  }
0x5f: {  	[spmem:s2] =	stream.indirect.scatter.add.f32 @!p3 [tilespmem:s26], [sflag:$0x4], $0x80, s31, s25, $0xb8;
	[tilespmem:$0x1B880] =	vst v63  }
0x60: {  	s25 =	sadd.s32 @!p4 $0x200, s28;
	s28 =	simm.s32 @!p0 $0x3;
	_ =	swait.ge @!p3 [sflag:s0], $0x4000  }
0x61: {  	p2 =	por p2, p0;
	[sflag:s0] =	ssyncset.done @!p3 $0x0  }
0x62: {  	s30 =	sshra.s32 @!p2 s24, $0x2;
	[sflag:s0] =	ssyncadd.s32 @!p3 $0xFFFFC000;
	s0 =	simm.s32 @!p4 $0x80  }
0x63: {  	[tilespmem:s29], [sflag:$0x2] =	stream.indirect.gather @!p4 [hbm4b:s4+s0], $0x80, s25, s0, $0xb8;
	[tilespmem:$0x1B880] =	vst v63  }
.Ltmp0:
0x64: {  	_ = 	snop;
	(pc) =	sbr.rel @p1 .LBB2_2-.Ltmp0, $4  }
0x65: {  	s31 =	simm.s32 @!p0 $0xD880;
	s0 =	simm.s32 @!p0 $0x80;
	_ =	swait.ge @!p0 [sflag:s28], $0x4000  }
0x66: {  	s26 =	simm.s32 @!p0 $0x4;
	s25 =	sadd.s32 @!p2 $0x280, s30;
	[sflag:s28] =	ssyncset.done @!p0 $0x0  }
0x67: {  	s29 =	simm.s32 @!p2 $0xD880;
	[sflag:s28] =	ssyncadd.s32 @!p0 $0xFFFFC000;
	s28 =	simm.s32 @!p2 $0x80  }
0x68: {  	[spmem:s2] =	stream.indirect.scatter.add.f32 @!p0 [tilespmem:s31], [sflag:$0x4], $0x80, s16, s0, $0xb8;
	[tilespmem:$0x1B880] =	vst v63  }
0x69: {  	_ =	swait.ge @!p0 [sflag:s26], $0x4000  }
0x6a: {  	[sflag:s26] =	ssyncset.done @!p0 $0x0  }
0x6b: {  	[sflag:s26] =	ssyncadd.s32 @!p0 $0xFFFFC000  }
0x6c: {  	[tilespmem:s29], [sflag:$0x3] =	stream.indirect.gather @!p2 [hbm4b:s4+s28], $0x80, s25, s28, $0xb8;
	[tilespmem:$0x1B880] =	vst v63  }
0x6d: {  	[bflag:$0x0] =	sbarrier.arrive $0xFFFF  }
0x6e: {  	[hbm:s10], [sflag:s20] =	dma.local [spmem:s21], $0x1400  }
0x6f: {  	_ =	swait.ge [sflag:s17], $0x1400  }
0x70: {  	[sflag:s17] =	ssyncset.done $0x0  }
0x71: {  	[sflag:s17] =	ssyncadd.s32 $0xFFFFEC00  }
0x72: {  	[tilespmem:s3], [sflag:$0x4] =	stream.linear.gather [hbm4b:s11+s3], $0x2880, $0x38;
	[tilespmem:$0x1B880] =	vst v63  }
0x73: {  	_ =	swait.ge [sflag:s17], $0x2880  }
0x74: {  	[sflag:s17] =	ssyncset.done $0x0  }
0x75: {  	[sflag:s17] =	ssyncadd.s32 $0xFFFFD780  }
0x76: {  	[tilespmem:s18], [sflag:$0x4] =	stream.linear.gather [hbm4b:s12+s3], $0x2880, $0x38;
	[tilespmem:$0x1B880] =	vst v63  }
0x77: {  	_ =	swait.ge [sflag:s17], $0x2880  }
0x78: {  	[sflag:s17] =	ssyncset.done $0x0  }
0x79: {  	[sflag:s17] =	ssyncadd.s32 $0xFFFFD780  }
0x7a: {  	v0 =	vld [tilespmem:$0x5800];
	_ =	sdelay $0x4  }
0x7b: {  	(v2sf) =	vpush v0, $0x1;
	_ =	sdelay $0xe  }
0x7c: {  	s22 =	spop (v2sf)  }
0x7d: {  	[spmem:s21], [sflag:s20] =	dma.local [hbm:s13], $0x1400  }
0x7e: {  	p0 =	slt.s32 s22, $0x1;
	_ =	swait.ge [sflag:s17], $0x1400  }
0x7f: {  	s0 =	simm.s32 @!p0 $0x80;
	[sflag:s17] =	ssyncset.done $0x0  }
0x80: {  	s16 =	simm.s32 @!p0 $0x0;
	p1 =	slt.u32 @!p0 s22, $0x81;
	[sflag:s17] =	ssyncadd.s32 $0xFFFFEC00  }
0x81: {  	s23 =	simm.s32 @!p0 $0x5880;
	p2 =	por p1, p0;
	[bflag:$0x0] =	sbarrier.arrive $0xFFFF  }
0x82: {  	[tilespmem:s23], [sflag:$0x1] =	stream.indirect.gather @!p0 [hbm4b:s4+s0], $0x80, s16, s0, $0xb8;
	[tilespmem:$0x1B880] =	vst v63  }
0x83: {  	s0 =	simm.s32 @!p2 $0x80;
	s16 =	simm.s32 @!p2 $0x9880  }
0x84: {  	[tilespmem:s16], [sflag:$0x2] =	stream.indirect.gather @!p2 [hbm4b:s4+s0], $0x80, s0, s0, $0xb8;
	[tilespmem:$0x1B880] =	vst v63  }
0x85: {  	p2 =	slt.u32 @!p2 s22, $0x101  }
0x86: {  	p1 =	por @!p0 p2, p1  }
0x87: {  	p0 =	por p1, p0  }
0x88: {  	s0 =	simm.s32 @!p0 $0x80;
	s16 =	simm.s32 @!p0 $0x100;
	s23 =	simm.s32 @!p0 $0xD880  }
0x89: {  	[tilespmem:s23], [sflag:$0x3] =	stream.indirect.gather @!p0 [hbm4b:s4+s0], $0x80, s16, s0, $0xb8;
	[tilespmem:$0x1B880] =	vst v63  }
0x8a: {  	p0 =	sle.s32 s22, $0x0  }
0x8b: {  	s0 =	simm.s32 @!p0 $0x1;
	s16 =	simm.s32 @!p0 $0x4  }
0x8c: {  	s23 =	simm.s32 @!p0 $0x2C00;
	p1 =	sle.u32 @!p0 s22, $0x180;
	_ =	swait.ge @!p0 [sflag:s0], $0x4000  }
0x8d: {  	s24 =	simm.s32 @!p0 $0x5880;
	p2 =	por p1, p0;
	[sflag:s0] =	ssyncset.done @!p0 $0x0  }
0x8e: {  	p1 =	sle.s32 s22, $0x80;
	[sflag:s0] =	ssyncadd.s32 @!p0 $0xFFFFC000;
	s0 =	simm.s32 @!p0 $0x80  }
0x8f: {  	[spmem:s2] =	stream.indirect.scatter.add.f32 @!p0 [tilespmem:s24], [sflag:$0x4], $0x80, s23, s0, $0xb8;
	[tilespmem:$0x1B880] =	vst v63  }
0x90: {  	s25 =	simm.s32 @!p1 $0x9880;
	_ =	swait.ge @!p0 [sflag:s16], $0x4000  }
0x91: {  	s0 =	simm.s32 @!p2 $0x180;
	s23 =	simm.s32 @!p1 $0x2;
	[sflag:s16] =	ssyncset.done @!p0 $0x0  }
0x92: {  	s24 =	simm.s32 @!p2 $0x5880;
	[sflag:s16] =	ssyncadd.s32 @!p0 $0xFFFFC000;
	s16 =	simm.s32 @!p2 $0x80  }
0x93: {  	[tilespmem:s24], [sflag:$0x1] =	stream.indirect.gather @!p2 [hbm4b:s4+s16], $0x80, s0, s16, $0xb8;
	[tilespmem:$0x1B880] =	vst v63  }
0x94: {  	p0 =	sle.s32 s22, $0x100;
	s0 =	simm.s32 @!p1 $0x2C80;
	_ =	swait.ge @!p1 [sflag:s23], $0x4000  }
0x95: {  	p2 =	sle.u32 @!p1 s22, $0x200;
	s16 =	simm.s32 @!p1 $0x4;
	[sflag:s23] =	ssyncset.done @!p1 $0x0  }
0x96: {  	s24 =	simm.s32 @!p1 $0x80;
	p2 =	por p2, p1;
	[sflag:s23] =	ssyncadd.s32 @!p1 $0xFFFFC000  }
0x97: {  	[spmem:s2] =	stream.indirect.scatter.add.f32 @!p1 [tilespmem:s25], [sflag:$0x4], $0x80, s0, s24, $0xb8;
	[tilespmem:$0x1B880] =	vst v63  }
0x98: {  	s26 =	simm.s32 @!p0 $0x4;
	s23 =	simm.s32 @!p2 $0x200;
	_ =	swait.ge @!p1 [sflag:s16], $0x4000  }
0x99: {  	s0 =	simm.s32 @!p2 $0x9880;
	s24 =	simm.s32 @!p0 $0x3;
	[sflag:s16] =	ssyncset.done @!p1 $0x0  }
0x9a: {  	s25 =	simm.s32 @!p0 $0xD880;
	[sflag:s16] =	ssyncadd.s32 @!p1 $0xFFFFC000;
	s16 =	simm.s32 @!p2 $0x80  }
0x9b: {  	[tilespmem:s0], [sflag:$0x2] =	stream.indirect.gather @!p2 [hbm4b:s4+s16], $0x80, s23, s16, $0xb8;
	[tilespmem:$0x1B880] =	vst v63  }
0x9c: {  	p1 =	sle.u32 @!p0 s22, $0x280;
	s23 =	simm.s32 $0x0;
	_ =	swait.ge @!p0 [sflag:s24], $0x4000  }
0x9d: {  	s0 =	simm.s32 @!p0 $0x2D00;
	p2 =	por p1, p0;
	[sflag:s24] =	ssyncset.done @!p0 $0x0  }
0x9e: {  	s16 =	simm.s32 @!p0 $0x80;
	s28 =	simm.s32 @!p2 $0x80;
	[sflag:s24] =	ssyncadd.s32 @!p0 $0xFFFFC000  }
0x9f: {  	[spmem:s2] =	stream.indirect.scatter.add.f32 @!p0 [tilespmem:s25], [sflag:$0x4], $0x80, s0, s16, $0xb8;
	[tilespmem:$0x1B880] =	vst v63  }
0xa0: {  	s29 =	simm.s32 @!p2 $0xD880;
	s24 =	simm.s32 $0x400;
	s25 =	simm.s32 @!p2 $0x280  }
.LBB2_4:
0xa1: {  	_ =	swait.ge @!p0 [sflag:s26], $0x4000  }
0xa2: {  	s23 =	sadd.s32 $0x600, s23;
	s0 =	smov.u32 s24;
	s24 =	sadd.s32 $0x180, s24  }
0xa3: {  	p1 =	sne.s32 s24, $0x2B00;
	[sflag:s26] =	ssyncset.done @!p0 $0x0  }
0xa4: {  	s16 =	sadd.s32 $0xFFFFFD80, s0;
	[sflag:s26] =	ssyncadd.s32 @!p0 $0xFFFFC000  }
0xa5: {  	[tilespmem:s29], [sflag:$0x3] =	stream.indirect.gather @!p2 [hbm4b:s4+s28], $0x80, s25, s28, $0xb8;
	[tilespmem:$0x1B880] =	vst v63  }
0xa6: {  	p2 =	sge.s32 s16, s22;
	s16 =	sadd.s32 $0xFFFFFE80, s0  }
0xa7: {  	s25 =	simm.s32 @!p2 $0x1;
	s26 =	sshra.s32 @!p2 s23, $0x2;
	s28 =	simm.s32 @!p2 $0x4  }
0xa8: {  	s29 =	sadd.s32 @!p2 $0xFFFFFF00, s0;
	s26 =	sadd.s32 @!p2 $0x2C00, s26;
	_ =	swait.ge @!p2 [sflag:s25], $0x4000  }
0xa9: {  	p0 =	sge.s32 s16, s22;
	p3 =	sge.u32 @!p2 s29, s22;
	[sflag:s25] =	ssyncset.done @!p2 $0x0  }
0xaa: {  	s16 =	simm.s32 @!p2 $0x80;
	[sflag:s25] =	ssyncadd.s32 @!p2 $0xFFFFC000;
	s25 =	simm.s32 @!p2 $0x5880  }
0xab: {  	[spmem:s2] =	stream.indirect.scatter.add.f32 @!p2 [tilespmem:s25], [sflag:$0x4], $0x80, s26, s16, $0xb8;
	[tilespmem:$0x1B880] =	vst v63  }
0xac: {  	p4 =	por p3, p2;
	s16 =	sshra.s32 @!p0 s23, $0x2;
	_ =	swait.ge @!p2 [sflag:s28], $0x4000  }
0xad: {  	s25 =	sshra.s32 @!p4 s23, $0x2;
	s26 =	sadd.s32 $0xFFFFFE00, s0;
	[sflag:s28] =	ssyncset.done @!p2 $0x0  }
0xae: {  	s25 =	sadd.s32 @!p4 $0x180, s25;
	p3 =	sge.s32 s26, s22;
	[sflag:s28] =	ssyncadd.s32 @!p2 $0xFFFFC000  }
0xaf: {  	s26 =	simm.s32 @!p4 $0x80;
	s29 =	sshra.s32 @!p3 s23, $0x2;
	s28 =	simm.s32 @!p3 $0x2  }
0xb0: {  	s30 =	simm.s32 @!p4 $0x5880;
	s31 =	sadd.s32 @!p3 $0xFFFFFF80, s0;
	s29 =	sadd.s32 @!p3 $0x2C80, s29  }
0xb1: {  	s16 =	sadd.s32 @!p0 $0x2D00, s16;
	p5 =	sge.u32 @!p3 s31, s22;
	p2 =	sge.u32 @!p0 s0, s22  }
0xb2: {  	[tilespmem:s30], [sflag:$0x1] =	stream.indirect.gather @!p4 [hbm4b:s4+s26], $0x80, s25, s26, $0xb8;
	[tilespmem:$0x1B880] =	vst v63  }
0xb3: {  	s0 =	simm.s32 @!p3 $0x4;
	p4 =	por p5, p3;
	_ =	swait.ge @!p3 [sflag:s28], $0x4000  }
0xb4: {  	s25 =	simm.s32 @!p3 $0x80;
	s26 =	simm.s32 @!p3 $0x9880;
	[sflag:s28] =	ssyncset.done @!p3 $0x0  }
0xb5: {  	s30 =	simm.s32 @!p4 $0x9880;
	[sflag:s28] =	ssyncadd.s32 @!p3 $0xFFFFC000;
	s28 =	sshra.s32 @!p4 s23, $0x2  }
0xb6: {  	[spmem:s2] =	stream.indirect.scatter.add.f32 @!p3 [tilespmem:s26], [sflag:$0x4], $0x80, s29, s25, $0xb8;
	[tilespmem:$0x1B880] =	vst v63  }
0xb7: {  	s25 =	sadd.s32 @!p4 $0x200, s28;
	s28 =	simm.s32 @!p0 $0x3;
	_ =	swait.ge @!p3 [sflag:s0], $0x4000  }
0xb8: {  	p2 =	por p2, p0;
	[sflag:s0] =	ssyncset.done @!p3 $0x0  }
0xb9: {  	s29 =	sshra.s32 @!p2 s23, $0x2;
	[sflag:s0] =	ssyncadd.s32 @!p3 $0xFFFFC000;
	s0 =	simm.s32 @!p4 $0x80  }
0xba: {  	[tilespmem:s30], [sflag:$0x2] =	stream.indirect.gather @!p4 [hbm4b:s4+s0], $0x80, s25, s0, $0xb8;
	[tilespmem:$0x1B880] =	vst v63  }
.Ltmp1:
0xbb: {  	_ = 	snop;
	(pc) =	sbr.rel @p1 .LBB2_4-.Ltmp1, $4  }
0xbc: {  	s0 =	simm.s32 @!p0 $0x80;
	s30 =	simm.s32 @!p0 $0xD880;
	_ =	swait.ge @!p0 [sflag:s28], $0x4000  }
0xbd: {  	s26 =	simm.s32 @!p0 $0x4;
	s25 =	sadd.s32 @!p2 $0x280, s29;
	[sflag:s28] =	ssyncset.done @!p0 $0x0  }
0xbe: {  	s29 =	simm.s32 @!p2 $0xD880;
	[sflag:s28] =	ssyncadd.s32 @!p0 $0xFFFFC000;
	s28 =	simm.s32 @!p2 $0x80  }
0xbf: {  	[spmem:s2] =	stream.indirect.scatter.add.f32 @!p0 [tilespmem:s30], [sflag:$0x4], $0x80, s16, s0, $0xb8;
	[tilespmem:$0x1B880] =	vst v63  }
0xc0: {  	_ =	swait.ge @!p0 [sflag:s26], $0x4000  }
0xc1: {  	s19 =	sadd.s32 $0x1, s19;
	[sflag:s26] =	ssyncset.done @!p0 $0x0  }
0xc2: {  	[sflag:s26] =	ssyncadd.s32 @!p0 $0xFFFFC000;
	p0 =	sne.s32 s19, s15  }
0xc3: {  	[tilespmem:s29], [sflag:$0x3] =	stream.indirect.gather @!p2 [hbm4b:s4+s28], $0x80, s25, s28, $0xb8;
	[tilespmem:$0x1B880] =	vst v63  }
.Ltmp2:
0xc4: {  	[bflag:$0x0] =	sbarrier.arrive $0xFFFF;
	(pc) =	sbr.rel @p0 .LBB2_1-.Ltmp2, $4  }
0xc5: {  	[hbm:s14], [sflag:s20] =	dma.local [spmem:s21], $0x1400  }
0xc6: {  	_ =	swait.ge [sflag:s17], $0x1400  }
0xc7: {  	[sflag:s17] =	ssyncset.done $0x0  }
0xc8: {  	[sflag:s17] =	ssyncadd.s32 $0xFFFFEC00  }
0xc9: {  	_ =	sfence.sel $0x180000  }
0xca: {  	[bflag:$0x0] =	sbarrier.arrive $0xFFFF  }
0xcb: {  	_ =	strace $0x9000004A  }
0xcc: {  	[bflag:$0x2] =	sbarrier.arrive $0xFFFF  }
0xcd: {  	p0 =	sne.s32 s1, $0x0;
	s0 =	rddreg [dreg:$0x3]  }
0xce: {  	s0 =	sadd.s32 @!p0 $0x100000, s0  }
0xcf: {  	[sflag:s0] =	ssyncadd.tile.s32 @!p0 $0x1;
	_ =	shalt  }
.Lfunc_end2:
_tile_overlayer_lowered:
.L_overlay_start_2:
0xd0: {  	(tag) =	ssettag $0x2  }
0xd1: {  	s0 =	rddreg [dreg:$0x0];
	s2 =	stileid.u32  }
0xd2: {  	s1 =	rddreg [dreg:$0x1];
	p0 =	sne.s32 s2, $0x0  }
0xd3: {  	s3 =	rddreg [dreg:$0x2];
	[bflag:$0x3] =	sbarrier.arrive $0xFFFF;
	s2 =	simm.s32 @!p0 $0x1C04  }
0xd4: {  	[timem:s3], [sflag:s2] =	dma.local @!p0 [hbm:s0], s1  }
0xd5: {  	s0 =	simm.s32 @!p0 $0x4  }
0xd6: {  	_ =	swait.ge @!p0 [sflag:s0], s1  }
0xd7: {  	s1 =	ssub.s32 @!p0 $0x0, s1;
	[sflag:s0] =	ssyncset.done @!p0 $0x0  }
0xd8: {  	[sflag:s0] =	ssyncadd.s32 @!p0 s1  }
0xd9: {  	[bflag:$0x3] =	sbarrier.arrive $0xFFFF  }
0xda: {  	_ =	shalt  }

// kernel: kernel.17.cloned.1.call-start
scs
__scs_entry_jumppad:
0x0: {  	(pc) =	sbr.rel $0x88, $3  }
0x1: {  	(tag) =	ssettag $0x0;
	lr =	simm.s32 $0x1  }
0x2: {  	[smem:$0x3F99] =	sst lr;
	_ =	strace $0xD0000000  }
0x3: {  	_ = 	snop  }
0x4: {  	_ = 	snop  }
0x5: {  	_ = 	snop  }
0x6: {  	_ = 	snop  }
0x7: {  	_ = 	snop  }
__scs_overlays_trampoline_lowered:
0x8: {  	[smem:$0x3FA8] =	sst s0  }
0x9: {  	[smem:$0x3FA9] =	sst s1  }
0xa: {  	[smem:$0x3FAA] =	sst s2  }
0xb: {  	[smem:$0x3FAB] =	sst s3  }
0xc: {  	[smem:$0x3FAC] =	sst s4  }
0xd: {  	[smem:$0x3FAD] =	sst s5  }
0xe: {  	[smem:$0x3FAE] =	sst s6  }
0xf: {  	[smem:$0x3FAF] =	sst s7  }
0x10: {  	[smem:$0x3FB0] =	sst s8  }
0x11: {  	[smem:$0x3FB1] =	sst s9;
	s0 =	simm.s32 @!p0 $0x0  }
0x12: {  	s1 =	sld [smem:$0x3F97];
	s0 =	simm.s32 @p0 $0x1  }
0x13: {  	[smem:$0x3FB2] =	sst s0;
	s0 =	simm.s32 @!p1 $0x0  }
0x14: {  	s2 =	sld [smem:$0x3F96];
	s0 =	simm.s32 @p1 $0x1  }
0x15: {  	[smem:$0x3FB3] =	sst s0;
	s0 =	simm.s32 @!p2 $0x0  }
0x16: {  	s3 =	sld [smem:$0x3FDB];
	s0 =	simm.s32 @p2 $0x1  }
0x17: {  	s4 =	simm.s32 $0x1BF5;
	[smem:$0x3FB5] =	sst s0  }
0x18: {  	s0 =	sld [smem:$0x3F98];
	_ =	swait.ge [sflag:s4], $0x0  }
0x19: {  	s7 =	sld [smem:$0x3F99]  }
0x1a: {  	s8 =	sadd.s32 $0xFFFFE003, lr  }
0x1b: {  	s9 =	sadd.s32 $0xFFFFFEF7, lr;
	s5 =	simm.s32 $0xFFFFFFFF;
	p2 =	slt.u32 s8, $0xFFFFF086  }
0x1c: {  	p1 =	slt.u32 s9, $0xF7A;
	s5 =	simm.s32 @!p2 $0x0  }
0x1d: {  	s5 =	simm.s32 @p1 $0x1;
	p0 =	seq.s32 s7, s2  }
0x1e: {  	s7 =	smul.u32 @!p0 $0xF7A, s2;
	p2 =	seq.s32 @!p0 s5, $0x0  }
0x1f: {  	s9 =	smul.u32 $0xF7A, s1;
	s8 =	simm.s32 @!p0 $0x1BF5;
	p2 =	por !p2, p0  }
0x20: {  	[sflag:s8] =	ssyncset.s32 @!p0 $0xFFFFF086;
	s6 =	sadd.s32 @!p0 s3, s7;
	s7 =	simm.s32 @!p0 $0x108  }
0x21: {  	s3 =	sadd.s32 s3, s9;
	s6 =	sadd.s32 @!p0 $0x88, s6;
	s7 =	simm.s32 @p2 $0x1082  }
0x22: {  	[simem:s7], [sflag:s8] =	dma.local @!p0 [hbm:s6], $0xF7A  }
0x23: {  	s9 =	sor.u32 $0xD0000000, s2;
	s6 =	simm.s32 $0x108;
	_ =	swait.ge @!p0 [sflag:s8], $0x0  }
0x24: {  	s3 =	sadd.s32 $0x88, s3;
	s6 =	simm.s32 @!p1 $0x1082;
	[sflag:s4] =	ssyncset.s32 $0xFFFFF086  }
0x25: {  	[simem:s6], [sflag:s4] =	dma.local [hbm:s3], $0xF7A  }
0x26: {  	[smem:$0x3F99] =	sst s1;
	(tag) =	ssettag s2;
	_ =	strace s9  }
0x27: {  	s1 =	sld [smem:$0x3FA9]  }
0x28: {  	s2 =	sld [smem:$0x3FAA]  }
0x29: {  	s4 =	sld [smem:$0x3FAC]  }
0x2a: {  	p0 =	seq.s32 s5, $0x0;
	s5 =	sld [smem:$0x3FAD]  }
0x2b: {  	s6 =	sld [smem:$0x3FAE]  }
0x2c: {  	s7 =	sld [smem:$0x3FAF]  }
0x2d: {  	s3 =	simm.s32 $0x108;
	s8 =	sld [smem:$0x3FB0]  }
0x2e: {  	s3 =	simm.s32 @!p0 $0x1082;
	s9 =	sld [smem:$0x3FB1]  }
0x2f: {  	lr =	sadd.s32 s0, s3;
	s0 =	sld [smem:$0x3FA8]  }
0x30: {  	s3 =	sld [smem:$0x3FAB]  }
0x31: {  	[smem:$0x3FB4] =	sst s10  }
0x32: {  	s10 =	sld [smem:$0x3FB2];
	_ =	sdelay $0x3  }
0x33: {  	p0 =	seq.s32 s10, $0x1;
	s10 =	sld [smem:$0x3FB4];
	_ =	sdelay $0x3  }
0x34: {  	[smem:$0x3FB4] =	sst s10  }
0x35: {  	s10 =	sld [smem:$0x3FB3];
	_ =	sdelay $0x3  }
0x36: {  	p1 =	seq.s32 s10, $0x1;
	s10 =	sld [smem:$0x3FB4];
	_ =	sdelay $0x3  }
0x37: {  	[smem:$0x3FB4] =	sst s10  }
0x38: {  	s10 =	sld [smem:$0x3FB5]  }
0x39: {  	_ = 	snop;
	(pc) =	sbr.ind lr, $3  }
0x3a: {  	_ = 	snop  }
0x3b: {  	_ = 	snop  }
0x3c: {  	p2 =	seq.s32 s10, $0x1;
	s10 =	sld [smem:$0x3FB4]  }
0x3d: {  	_ =	shalt  }
0x3e: {  	_ =	shalt  }
0x3f: {  	_ =	shalt  }
0x40: {  	_ =	shalt  }
0x41: {  	_ =	shalt  }
0x42: {  	_ =	shalt  }
0x43: {  	_ =	shalt  }
0x44: {  	_ =	shalt  }
0x45: {  	_ =	shalt  }
0x46: {  	_ =	shalt  }
0x47: {  	_ =	shalt  }
0x48: {  	_ =	shalt  }
0x49: {  	_ =	shalt  }
0x4a: {  	_ =	shalt  }
0x4b: {  	_ =	shalt  }
0x4c: {  	_ =	shalt  }
0x4d: {  	_ =	shalt  }
0x4e: {  	_ =	shalt  }
0x4f: {  	_ =	shalt  }
0x50: {  	_ =	shalt  }
0x51: {  	_ =	shalt  }
0x52: {  	_ =	shalt  }
0x53: {  	_ =	shalt  }
0x54: {  	_ =	shalt  }
0x55: {  	_ =	shalt  }
0x56: {  	_ =	shalt  }
0x57: {  	_ =	shalt  }
0x58: {  	_ =	shalt  }
0x59: {  	_ =	shalt  }
0x5a: {  	_ =	shalt  }
0x5b: {  	_ =	shalt  }
0x5c: {  	_ =	shalt  }
0x5d: {  	_ =	shalt  }
0x5e: {  	_ =	shalt  }
0x5f: {  	_ =	shalt  }
0x60: {  	_ =	shalt  }
0x61: {  	_ =	shalt  }
0x62: {  	_ =	shalt  }
0x63: {  	_ =	shalt  }
0x64: {  	_ =	shalt  }
0x65: {  	_ =	shalt  }
0x66: {  	_ =	shalt  }
0x67: {  	_ =	shalt  }
0x68: {  	_ =	shalt  }
0x69: {  	_ =	shalt  }
0x6a: {  	_ =	shalt  }
0x6b: {  	_ =	shalt  }
0x6c: {  	_ =	shalt  }
0x6d: {  	_ =	shalt  }
0x6e: {  	_ =	shalt  }
0x6f: {  	_ =	shalt  }
0x70: {  	_ =	shalt  }
0x71: {  	_ =	shalt  }
0x72: {  	_ =	shalt  }
0x73: {  	_ =	shalt  }
0x74: {  	_ =	shalt  }
0x75: {  	_ =	shalt  }
0x76: {  	_ =	shalt  }
0x77: {  	_ =	shalt  }
0x78: {  	_ =	shalt  }
0x79: {  	_ =	shalt  }
0x7a: {  	_ =	shalt  }
0x7b: {  	_ =	shalt  }
0x7c: {  	_ =	shalt  }
0x7d: {  	_ =	shalt  }
0x7e: {  	_ =	shalt  }
0x7f: {  	_ =	shalt  }
0x80: {  	_ =	shalt  }
0x81: {  	_ =	shalt  }
0x82: {  	_ =	shalt  }
0x83: {  	_ =	shalt  }
0x84: {  	_ =	shalt  }
0x85: {  	_ =	shalt  }
0x86: {  	_ =	shalt  }
0x87: {  	_ =	shalt  }
.Lfunc_end0:
.L_simem_size_0:
called_computation.2_lowered:
.L_overlay_start_0:
0x88: {  	s2 =	sld [smem:$0x3FD9]  }
0x89: {  	s3 =	sld [smem:$0x3FFE];
	_ =	sdelay $0x1  }
0x8a: {  	s1 =	srdreg.scid  }
0x8b: {  	s0 =	sand.u32 $0x1, s1  }
0x8c: {  	s17 =	sshll.u32 s0, $0xA;
	s2 =	sadd.s32 s3, s2  }
0x8d: {  	s2 =	sadd.s32 s2, s17  }
0x8e: {  	[smem:$0x3FC0] =	sst s2  }
0x8f: {  	_ = 	snop  }
0x90: {  	s2 =	sld [smem:$0x3FD0];
	(tm) =	ssettm $0x1  }
0x91: {  	s18 =	sld [smem:$0x3FFB];
	_ =	sdelay $0x3  }
0x92: {  	_ =	strace s18  }
0x93: {  	s3 =	sld [smem:$0x3FFC];
	_ =	sdelay $0x3  }
0x94: {  	_ =	strace s3  }
0x95: {  	s3 =	sld [smem:$0x3FFD];
	_ =	sdelay $0x3  }
0x96: {  	_ =	strace s3  }
0x97: {  	_ =	strace $0x8FFFFFFF  }
0x98: {  	s19 =	sld [smem:$0x3FDB];
	_ =	sdelay $0x1  }
0x99: {  	s4 =	simm.s32 $_scs_section_size  }
0x9a: {  	s5 =	simm.s32 $_size__tile_overlayer_lowered;
	s6 =	simm.s32 $_tile_overlayer_lowered  }
0x9b: {  	s22 =	simm.s32 $0x1BFF;
	s21 =	sshll.u32 s6, $0x1;
	s3 =	sadd.s32 s4, s19  }
0x9c: {  	s7 =	simm.s32 $0x0;
	s20 =	sshll.u32 s5, $0x1;
	s5 =	sadd.s32 s21, s3  }
0x9d: {  	[timem:s7], [sflag:s22] =	dma.local [hbm:s5], s20  }
0x9e: {  	_ =	swait.ge [sflag:s22], s20  }
0x9f: {  	s4 =	ssub.s32 $0x0, s20;
	[sflag:s22] =	ssyncset.done $0x0  }
0xa0: {  	[sflag:s22] =	ssyncadd.s32 s4;
	_ =	sdelay $0x1  }
0xa1: {  	s23 =	simm.s32 $0x1B8B  }
0xa2: {  	_ =	swait.ge [sflag:s23], $0x1  }
0xa3: {  	[sflag:s23] =	ssyncset.done $0x0  }
0xa4: {  	s25 =	simm.s32 $0x1B8E;
	s24 =	sld [smem:$0x3FFE];
	[sflag:s23] =	ssyncadd.s32 $0xFFFFFFFF  }
0xa5: {  	s26 =	simm.s32 $execute0_lowered;
	[smem:$0x3FD2] =	sst s25  }
0xa6: {  	s5 =	sshll.u32 s26, $0x1;
	_ =	strace $0x8000004C;
	[dreg:$0x1] =	wrdreg $0xFFFFFFFF  }
0xa7: {  	s28 =	simm.s32 $_size_execute0_lowered;
	s3 =	sadd.s32 s3, s5;
	[dreg:$0x0] =	wrdreg $0x0  }
0xa8: {  	s5 =	sshll.u32 s28, $0x1;
	[dreg:$0x2] =	wrdreg s3  }
0xa9: {  	[dreg:$0x3] =	wrdreg s5  }
0xaa: {  	[dreg:$0x4] =	wrdreg $0xC0  }
0xab: {  	_ =	task [dreg:s7], $0x5FFFF  }
0xac: {  	[dreg:$0x1] =	wrdreg $0xFFFFFFFF  }
0xad: {  	[dreg:$0x0] =	wrdreg $0x60  }
0xae: {  	[dreg:$0x2] =	wrdreg s2  }
0xaf: {  	[dreg:$0x3] =	wrdreg s24  }
0xb0: {  	[dreg:$0x4] =	wrdreg $0x118800  }
0xb1: {  	[dreg:$0x5] =	wrdreg $0x9  }
0xb2: {  	_ =	task.clear_ibuf [dreg:s7], $0x6FFFF;
	_ =	strace $0x9000004C  }
0xb3: {  	s29 =	simm.s32 $0x9;
	_ =	strace $0x8000004E  }
0xb4: {  	_ =	swait.ge [sflag:s29], $0x1  }
0xb5: {  	[sflag:s29] =	ssyncadd.s32 $0xFFFFFFFF  }
0xb6: {  	_ =	strace $0x9000004E  }
0xb7: {  	_ =	sfence  }
0xb8: {  	s30 =	sld [smem:$0x0];
	_ =	sdelay $0x2  }
0xb9: {  	s31 =	sshll.u32 s1, $0xD;
	s1 =	sshrl.u32 s1, $0x2  }
0xba: {  	s3 =	sand.u32 $0x4000, s31;
	s1 =	sadd.s32 s1, s30  }
0xbb: {  	s0 =	sor.u32 s3, s0;
	s1 =	sshll.u32 s1, $0x11  }
0xbc: {  	s0 =	sor.u32 s1, s0  }
0xbd: {  	s0 =	sadd.s32 $0x8F2B, s0  }
0xbe: {  	[sflag:s0] =	ssyncadd.remote.s32 $0x1  }
0xbf: {  	_ =	sfence.sel $0xFFFF  }
0xc0: {  	[dreg:$0x0] =	wrdreg $0xFFFFFFFF;
	(pc) =	sbr.abs _section_cstart, $3  }
0xc1: {  	[dreg:$0x1] =	wrdreg $0xFFFFFFFF  }
0xc2: {  	_ =	task.clear_ibuf [dreg:s7], $0x2FFFF;
	_ =	strace $0x9FFFFFFF  }
0xc3: {  	(tm) =	ssettm $0x7FFFFFFF  }
tec
execute0_lowered:
.L_overlay_start_1:
0x0: {  	(tag) =	ssettag $0x1  }
0x1: {  	s11 =	rddreg [dreg:$0x0]  }
0x2: {  	s5 =	rddreg [dreg:$0x1]  }
0x3: {  	s2 =	rddreg [dreg:$0x2]  }
0x4: {  	s3 =	simm.s32 $0x0;
	s1 =	stileid.u32;
	s4 =	srdreg.scid  }
0x5: {  	s19 =	simm.s32 $0x0;
	[smem:$0x7FF] =	sst s3;
	s6 =	sshll.u32 s1, $0x4  }
0x6: {  	s7 =	sand.u32 $0x1, s4;
	s12 =	sadd.s32 $0x4E00, s5;
	s13 =	smul.u32 $0x28000, s1  }
0x7: {  	s4 =	sadd.s32 $0x1AE00, s5;
	s14 =	sadd.s32 $0x76000, s5;
	s16 =	smul.u32 $0xA000, s1  }
0x8: {  	_ =	strace $0x8000004D;
	s22 =	sand.u32 $0x70, s6;
	s23 =	sshll.u32 s7, $0x4  }
0x9: {  	s24 =	ssub.s32 $0x2, s7;
	s18 =	smul.u32 $0x140000, s7;
	s8 =	sadd.s32 s22, s5  }
0xa: {  	s6 =	sor.u32 s1, s23;
	s10 =	sshrl.u32 s24, $0x1;
	s26 =	sshrl.u32 s13, $0x2  }
0xb: {  	s28 =	sshrl.u32 s16, $0x3;
	s9 =	smul.u32 $0x5800, s6;
	s6 =	sshll.u32 s6, $0x4  }
0xc: {  	s15 =	ssub.s32 s24, s10;
	s29 =	sadd.s32 s16, s18;
	s16 =	sadd.s32 $0xA0000, s16  }
0xd: {  	s25 =	sand.u32 $0x180, s6;
	s10 =	sshrl.u32 s29, $0x3;
	s31 =	sshrl.u32 s16, $0x3  }
0xe: {  	s16 =	sadd.s32 s18, s16;
	s15 =	smax.u32 s15, $0x1;
	s18 =	simm.s32 $0x2C00  }
0xf: {  	s5 =	sadd.s32 s25, s8;
	s17 =	sshrl.u32 s9, $0x3;
	s8 =	sadd.s32 s26, s2  }
0x10: {  	s9 =	sadd.s32 s4, s28;
	s10 =	sadd.s32 s14, s10;
	s13 =	sadd.s32 s4, s31  }
0x11: {  	s16 =	sshrl.u32 s16, $0x3;
	s5 =	sadd.s32 $0x4DE00, s5;
	s6 =	sadd.s32 s11, s17  }
0x12: {  	s7 =	sadd.s32 s12, s17;
	s30 =	sadd.s32 $0x580, s17;
	s14 =	sadd.s32 s14, s16  }
0x13: {  	s17 =	simm.s32 $0x4;
	s11 =	sadd.s32 s11, s30;
	s12 =	sadd.s32 s12, s30  }
.LBB2_1:
0x14: {  	s0 =	simm.s32 $0x5800  }
0x15: {  	[tilespmem:s0], [sflag:$0x4] =	stream.linear.gather [hbm4b:s5+s3], $0x80, $0x38;
	[tilespmem:$0x1B880] =	vst v63  }
0x16: {  	_ =	swait.ge [sflag:s17], $0x80  }
0x17: {  	[sflag:s17] =	ssyncset.done $0x0  }
0x18: {  	[sflag:s17] =	ssyncadd.s32 $0xFFFFFF80  }
0x19: {  	[tilespmem:s3], [sflag:$0x4] =	stream.linear.gather [hbm4b:s6+s3], $0x2880, $0x38;
	[tilespmem:$0x1B880] =	vst v63  }
0x1a: {  	_ =	swait.ge [sflag:s17], $0x2880  }
0x1b: {  	[sflag:s17] =	ssyncset.done $0x0  }
0x1c: {  	[sflag:s17] =	ssyncadd.s32 $0xFFFFD780  }
0x1d: {  	[tilespmem:s18], [sflag:$0x4] =	stream.linear.gather [hbm4b:s7+s3], $0x2880, $0x38;
	[tilespmem:$0x1B880] =	vst v63  }
0x1e: {  	_ =	swait.ge [sflag:s17], $0x2880  }
0x1f: {  	[sflag:s17] =	ssyncset.done $0x0  }
0x20: {  	[sflag:s17] =	ssyncadd.s32 $0xFFFFD780  }
0x21: {  	v0 =	vld [tilespmem:$0x5800];
	_ =	sdelay $0x4  }
0x22: {  	(v2sf) =	vpush v0, $0x0;
	_ =	sdelay $0xd  }
0x23: {  	s20 =	sshll.u32 s1, $0x6  }
0x24: {  	s21 =	sshrl.u32 s8, $0x3;
	s20 =	sor.u32 $0x1C04, s20;
	s22 =	spop (v2sf)  }
0x25: {  	[spmem:s21], [sflag:s20] =	dma.local [hbm:s9], $0x1400  }
0x26: {  	p0 =	slt.s32 s22, $0x1;
	_ =	swait.ge [sflag:s17], $0x1400  }
0x27: {  	s23 =	simm.s32 @!p0 $0x80;
	[sflag:s17] =	ssyncset.done $0x0  }
0x28: {  	s24 =	simm.s32 @!p0 $0x0;
	p1 =	slt.u32 @!p0 s22, $0x81;
	[sflag:s17] =	ssyncadd.s32 $0xFFFFEC00  }
0x29: {  	s25 =	simm.s32 @!p0 $0x5880;
	p2 =	por p1, p0;
	[bflag:$0x0] =	sbarrier.arrive $0xFFFF  }
0x2a: {  	[tilespmem:s25], [sflag:$0x1] =	stream.indirect.gather @!p0 [hbm4b:s4+s23], $0x80, s24, s23, $0xb8;
	[tilespmem:$0x1B880] =	vst v63  }
0x2b: {  	s23 =	simm.s32 @!p2 $0x80;
	s24 =	simm.s32 @!p2 $0x9880  }
0x2c: {  	[tilespmem:s24], [sflag:$0x2] =	stream.indirect.gather @!p2 [hbm4b:s4+s23], $0x80, s23, s23, $0xb8;
	[tilespmem:$0x1B880] =	vst v63  }
0x2d: {  	p2 =	slt.u32 @!p2 s22, $0x101  }
0x2e: {  	p1 =	por @!p0 p2, p1  }
0x2f: {  	p0 =	por p1, p0  }
0x30: {  	s23 =	simm.s32 @!p0 $0x80;
	s24 =	simm.s32 @!p0 $0x100;
	s25 =	simm.s32 @!p0 $0xD880  }
0x31: {  	[tilespmem:s25], [sflag:$0x3] =	stream.indirect.gather @!p0 [hbm4b:s4+s23], $0x80, s24, s23, $0xb8;
	[tilespmem:$0x1B880] =	vst v63  }
0x32: {  	p0 =	sle.s32 s22, $0x0  }
0x33: {  	s23 =	simm.s32 @!p0 $0x1  }
0x34: {  	s24 =	simm.s32 @!p0 $0x4;
	_ =	swait.ge @!p0 [sflag:s23], $0x4000  }
0x35: {  	s25 =	simm.s32 @!p0 $0x2C00;
	s26 =	simm.s32 @!p0 $0x5880;
	[sflag:s23] =	ssyncset.done @!p0 $0x0  }
0x36: {  	p1 =	sle.u32 @!p0 s22, $0x180;
	[sflag:s23] =	ssyncadd.s32 @!p0 $0xFFFFC000;
	s23 =	simm.s32 @!p0 $0x80  }
0x37: {  	[spmem:s2] =	stream.indirect.scatter.add.f32 @!p0 [tilespmem:s26], [sflag:$0x4], $0x80, s25, s23, $0xb8;
	[tilespmem:$0x1B880] =	vst v63  }
0x38: {  	p2 =	por p1, p0;
	p1 =	sle.s32 s22, $0x80;
	_ =	swait.ge @!p0 [sflag:s24], $0x4000  }
0x39: {  	s23 =	simm.s32 @!p2 $0x180;
	s25 =	simm.s32 @!p1 $0x2;
	[sflag:s24] =	ssyncset.done @!p0 $0x0  }
0x3a: {  	s26 =	simm.s32 @!p2 $0x5880;
	[sflag:s24] =	ssyncadd.s32 @!p0 $0xFFFFC000;
	s24 =	simm.s32 @!p2 $0x80  }
0x3b: {  	[tilespmem:s26], [sflag:$0x1] =	stream.indirect.gather @!p2 [hbm4b:s4+s24], $0x80, s23, s24, $0xb8;
	[tilespmem:$0x1B880] =	vst v63  }
0x3c: {  	s28 =	simm.s32 @!p1 $0x9880;
	_ =	swait.ge @!p1 [sflag:s25], $0x4000  }
0x3d: {  	s23 =	simm.s32 @!p1 $0x2C80;
	p2 =	sle.u32 @!p1 s22, $0x200;
	[sflag:s25] =	ssyncset.done @!p1 $0x0  }
0x3e: {  	s24 =	simm.s32 @!p1 $0x4;
	s26 =	simm.s32 @!p1 $0x80;
	[sflag:s25] =	ssyncadd.s32 @!p1 $0xFFFFC000  }
0x3f: {  	[spmem:s2] =	stream.indirect.scatter.add.f32 @!p1 [tilespmem:s28], [sflag:$0x4], $0x80, s23, s26, $0xb8;
	[tilespmem:$0x1B880] =	vst v63  }
0x40: {  	p2 =	por p2, p1;
	_ =	swait.ge @!p1 [sflag:s24], $0x4000  }
0x41: {  	p0 =	sle.s32 s22, $0x100;
	s25 =	simm.s32 @!p2 $0x200;
	[sflag:s24] =	ssyncset.done @!p1 $0x0  }
0x42: {  	s23 =	simm.s32 @!p2 $0x9880;
	[sflag:s24] =	ssyncadd.s32 @!p1 $0xFFFFC000;
	s24 =	simm.s32 @!p2 $0x80  }
0x43: {  	[tilespmem:s23], [sflag:$0x2] =	stream.indirect.gather @!p2 [hbm4b:s4+s24], $0x80, s25, s24, $0xb8;
	[tilespmem:$0x1B880] =	vst v63  }
0x44: {  	s26 =	simm.s32 @!p0 $0x3;
	p1 =	sle.u32 @!p0 s22, $0x280;
	s23 =	simm.s32 @!p0 $0x2D00  }
0x45: {  	p2 =	por p1, p0;
	s24 =	simm.s32 @!p0 $0x80;
	_ =	swait.ge @!p0 [sflag:s26], $0x4000  }
0x46: {  	s25 =	simm.s32 @!p0 $0xD880;
	s28 =	simm.s32 @!p2 $0x80;
	[sflag:s26] =	ssyncset.done @!p0 $0x0  }
0x47: {  	s29 =	simm.s32 @!p2 $0xD880;
	[sflag:s26] =	ssyncadd.s32 @!p0 $0xFFFFC000;
	s26 =	simm.s32 @!p0 $0x4  }
0x48: {  	[spmem:s2] =	stream.indirect.scatter.add.f32 @!p0 [tilespmem:s25], [sflag:$0x4], $0x80, s23, s24, $0xb8;
	[tilespmem:$0x1B880] =	vst v63  }
0x49: {  	s23 =	simm.s32 $0x400;
	s25 =	simm.s32 @!p2 $0x280;
	s24 =	simm.s32 $0x0  }
.LBB2_2:
0x4a: {  	_ =	swait.ge @!p0 [sflag:s26], $0x4000  }
0x4b: {  	s24 =	sadd.s32 $0x600, s24;
	s30 =	smov.u32 s23;
	s23 =	sadd.s32 $0x180, s23  }
0x4c: {  	p1 =	sne.s32 s23, $0x2B00;
	[sflag:s26] =	ssyncset.done @!p0 $0x0  }
0x4d: {  	s31 =	sadd.s32 $0xFFFFFD80, s30;
	[sflag:s26] =	ssyncadd.s32 @!p0 $0xFFFFC000  }
0x4e: {  	[tilespmem:s29], [sflag:$0x3] =	stream.indirect.gather @!p2 [hbm4b:s4+s28], $0x80, s25, s28, $0xb8;
	[tilespmem:$0x1B880] =	vst v63  }
0x4f: {  	p2 =	sge.s32 s31, s22;
	s25 =	sadd.s32 $0xFFFFFE80, s30  }
0x50: {  	s26 =	simm.s32 @!p2 $0x1;
	s28 =	sshra.s32 @!p2 s24, $0x2;
	s29 =	simm.s32 @!p2 $0x4  }
0x51: {  	s31 =	sadd.s32 @!p2 $0xFFFFFF00, s30;
	s28 =	sadd.s32 @!p2 $0x2C00, s28;
	_ =	swait.ge @!p2 [sflag:s26], $0x4000  }
0x52: {  	p0 =	sge.s32 s25, s22;
	p3 =	sge.u32 @!p2 s31, s22;
	[sflag:s26] =	ssyncset.done @!p2 $0x0  }
0x53: {  	s25 =	simm.s32 @!p2 $0x80;
	[sflag:s26] =	ssyncadd.s32 @!p2 $0xFFFFC000;
	s26 =	simm.s32 @!p2 $0x5880  }
0x54: {  	[spmem:s2] =	stream.indirect.scatter.add.f32 @!p2 [tilespmem:s26], [sflag:$0x4], $0x80, s28, s25, $0xb8;
	[tilespmem:$0x1B880] =	vst v63  }
0x55: {  	p4 =	por p3, p2;
	s25 =	sshra.s32 @!p0 s24, $0x2;
	_ =	swait.ge @!p2 [sflag:s29], $0x4000  }
0x56: {  	s26 =	sshra.s32 @!p4 s24, $0x2;
	s28 =	sadd.s32 $0xFFFFFE00, s30;
	[sflag:s29] =	ssyncset.done @!p2 $0x0  }
0x57: {  	s26 =	sadd.s32 @!p4 $0x180, s26;
	p3 =	sge.s32 s28, s22;
	[sflag:s29] =	ssyncadd.s32 @!p2 $0xFFFFC000  }
0x58: {  	s28 =	simm.s32 @!p4 $0x80;
	s31 =	sshra.s32 @!p3 s24, $0x2;
	s29 =	simm.s32 @!p3 $0x2  }
0x59: {  	s0 =	simm.s32 @!p4 $0x5880;
	s16 =	sadd.s32 @!p3 $0xFFFFFF80, s30;
	s31 =	sadd.s32 @!p3 $0x2C80, s31  }
0x5a: {  	p5 =	sge.u32 @!p3 s16, s22;
	s16 =	sadd.s32 @!p0 $0x2D00, s25;
	p2 =	sge.u32 @!p0 s30, s22  }
0x5b: {  	[tilespmem:s0], [sflag:$0x1] =	stream.indirect.gather @!p4 [hbm4b:s4+s28], $0x80, s26, s28, $0xb8;
	[tilespmem:$0x1B880] =	vst v63  }
0x5c: {  	s0 =	simm.s32 @!p3 $0x4;
	p4 =	por p5, p3;
	_ =	swait.ge @!p3 [sflag:s29], $0x4000  }
0x5d: {  	s25 =	simm.s32 @!p3 $0x80;
	s26 =	simm.s32 @!p3 $0x9880;
	[sflag:s29] =	ssyncset.done @!p3 $0x0  }
0x5e: {  	s28 =	sshra.s32 @!p4 s24, $0x2;
	[sflag:s29] =	ssyncadd.s32 @!p3 $0xFFFFC000;
	s29 =	simm.s32 @!p4 $0x9880  }
0x5f: {  	[spmem:s2] =	stream.indirect.scatter.add.f32 @!p3 [tilespmem:s26], [sflag:$0x4], $0x80, s31, s25, $0xb8;
	[tilespmem:$0x1B880] =	vst v63  }
0x60: {  	s25 =	sadd.s32 @!p4 $0x200, s28;
	s28 =	simm.s32 @!p0 $0x3;
	_ =	swait.ge @!p3 [sflag:s0], $0x4000  }
0x61: {  	p2 =	por p2, p0;
	[sflag:s0] =	ssyncset.done @!p3 $0x0  }
0x62: {  	s30 =	sshra.s32 @!p2 s24, $0x2;
	[sflag:s0] =	ssyncadd.s32 @!p3 $0xFFFFC000;
	s0 =	simm.s32 @!p4 $0x80  }
0x63: {  	[tilespmem:s29], [sflag:$0x2] =	stream.indirect.gather @!p4 [hbm4b:s4+s0], $0x80, s25, s0, $0xb8;
	[tilespmem:$0x1B880] =	vst v63  }
.Ltmp0:
0x64: {  	_ = 	snop;
	(pc) =	sbr.rel @p1 .LBB2_2-.Ltmp0, $4  }
0x65: {  	s31 =	simm.s32 @!p0 $0xD880;
	s0 =	simm.s32 @!p0 $0x80;
	_ =	swait.ge @!p0 [sflag:s28], $0x4000  }
0x66: {  	s26 =	simm.s32 @!p0 $0x4;
	s25 =	sadd.s32 @!p2 $0x280, s30;
	[sflag:s28] =	ssyncset.done @!p0 $0x0  }
0x67: {  	s29 =	simm.s32 @!p2 $0xD880;
	[sflag:s28] =	ssyncadd.s32 @!p0 $0xFFFFC000;
	s28 =	simm.s32 @!p2 $0x80  }
0x68: {  	[spmem:s2] =	stream.indirect.scatter.add.f32 @!p0 [tilespmem:s31], [sflag:$0x4], $0x80, s16, s0, $0xb8;
	[tilespmem:$0x1B880] =	vst v63  }
0x69: {  	_ =	swait.ge @!p0 [sflag:s26], $0x4000  }
0x6a: {  	[sflag:s26] =	ssyncset.done @!p0 $0x0  }
0x6b: {  	[sflag:s26] =	ssyncadd.s32 @!p0 $0xFFFFC000  }
0x6c: {  	[tilespmem:s29], [sflag:$0x3] =	stream.indirect.gather @!p2 [hbm4b:s4+s28], $0x80, s25, s28, $0xb8;
	[tilespmem:$0x1B880] =	vst v63  }
0x6d: {  	[bflag:$0x0] =	sbarrier.arrive $0xFFFF  }
0x6e: {  	[hbm:s10], [sflag:s20] =	dma.local [spmem:s21], $0x1400  }
0x6f: {  	_ =	swait.ge [sflag:s17], $0x1400  }
0x70: {  	[sflag:s17] =	ssyncset.done $0x0  }
0x71: {  	[sflag:s17] =	ssyncadd.s32 $0xFFFFEC00  }
0x72: {  	[tilespmem:s3], [sflag:$0x4] =	stream.linear.gather [hbm4b:s11+s3], $0x2880, $0x38;
	[tilespmem:$0x1B880] =	vst v63  }
0x73: {  	_ =	swait.ge [sflag:s17], $0x2880  }
0x74: {  	[sflag:s17] =	ssyncset.done $0x0  }
0x75: {  	[sflag:s17] =	ssyncadd.s32 $0xFFFFD780  }
0x76: {  	[tilespmem:s18], [sflag:$0x4] =	stream.linear.gather [hbm4b:s12+s3], $0x2880, $0x38;
	[tilespmem:$0x1B880] =	vst v63  }
0x77: {  	_ =	swait.ge [sflag:s17], $0x2880  }
0x78: {  	[sflag:s17] =	ssyncset.done $0x0  }
0x79: {  	[sflag:s17] =	ssyncadd.s32 $0xFFFFD780  }
0x7a: {  	v0 =	vld [tilespmem:$0x5800];
	_ =	sdelay $0x4  }
0x7b: {  	(v2sf) =	vpush v0, $0x1;
	_ =	sdelay $0xe  }
0x7c: {  	s22 =	spop (v2sf)  }
0x7d: {  	[spmem:s21], [sflag:s20] =	dma.local [hbm:s13], $0x1400  }
0x7e: {  	p0 =	slt.s32 s22, $0x1;
	_ =	swait.ge [sflag:s17], $0x1400  }
0x7f: {  	s0 =	simm.s32 @!p0 $0x80;
	[sflag:s17] =	ssyncset.done $0x0  }
0x80: {  	s16 =	simm.s32 @!p0 $0x0;
	p1 =	slt.u32 @!p0 s22, $0x81;
	[sflag:s17] =	ssyncadd.s32 $0xFFFFEC00  }
0x81: {  	s23 =	simm.s32 @!p0 $0x5880;
	p2 =	por p1, p0;
	[bflag:$0x0] =	sbarrier.arrive $0xFFFF  }
0x82: {  	[tilespmem:s23], [sflag:$0x1] =	stream.indirect.gather @!p0 [hbm4b:s4+s0], $0x80, s16, s0, $0xb8;
	[tilespmem:$0x1B880] =	vst v63  }
0x83: {  	s0 =	simm.s32 @!p2 $0x80;
	s16 =	simm.s32 @!p2 $0x9880  }
0x84: {  	[tilespmem:s16], [sflag:$0x2] =	stream.indirect.gather @!p2 [hbm4b:s4+s0], $0x80, s0, s0, $0xb8;
	[tilespmem:$0x1B880] =	vst v63  }
0x85: {  	p2 =	slt.u32 @!p2 s22, $0x101  }
0x86: {  	p1 =	por @!p0 p2, p1  }
0x87: {  	p0 =	por p1, p0  }
0x88: {  	s0 =	simm.s32 @!p0 $0x80;
	s16 =	simm.s32 @!p0 $0x100;
	s23 =	simm.s32 @!p0 $0xD880  }
0x89: {  	[tilespmem:s23], [sflag:$0x3] =	stream.indirect.gather @!p0 [hbm4b:s4+s0], $0x80, s16, s0, $0xb8;
	[tilespmem:$0x1B880] =	vst v63  }
0x8a: {  	p0 =	sle.s32 s22, $0x0  }
0x8b: {  	s0 =	simm.s32 @!p0 $0x1;
	s16 =	simm.s32 @!p0 $0x4  }
0x8c: {  	s23 =	simm.s32 @!p0 $0x2C00;
	p1 =	sle.u32 @!p0 s22, $0x180;
	_ =	swait.ge @!p0 [sflag:s0], $0x4000  }
0x8d: {  	s24 =	simm.s32 @!p0 $0x5880;
	p2 =	por p1, p0;
	[sflag:s0] =	ssyncset.done @!p0 $0x0  }
0x8e: {  	p1 =	sle.s32 s22, $0x80;
	[sflag:s0] =	ssyncadd.s32 @!p0 $0xFFFFC000;
	s0 =	simm.s32 @!p0 $0x80  }
0x8f: {  	[spmem:s2] =	stream.indirect.scatter.add.f32 @!p0 [tilespmem:s24], [sflag:$0x4], $0x80, s23, s0, $0xb8;
	[tilespmem:$0x1B880] =	vst v63  }
0x90: {  	s25 =	simm.s32 @!p1 $0x9880;
	_ =	swait.ge @!p0 [sflag:s16], $0x4000  }
0x91: {  	s0 =	simm.s32 @!p2 $0x180;
	s23 =	simm.s32 @!p1 $0x2;
	[sflag:s16] =	ssyncset.done @!p0 $0x0  }
0x92: {  	s24 =	simm.s32 @!p2 $0x5880;
	[sflag:s16] =	ssyncadd.s32 @!p0 $0xFFFFC000;
	s16 =	simm.s32 @!p2 $0x80  }
0x93: {  	[tilespmem:s24], [sflag:$0x1] =	stream.indirect.gather @!p2 [hbm4b:s4+s16], $0x80, s0, s16, $0xb8;
	[tilespmem:$0x1B880] =	vst v63  }
0x94: {  	p0 =	sle.s32 s22, $0x100;
	s0 =	simm.s32 @!p1 $0x2C80;
	_ =	swait.ge @!p1 [sflag:s23], $0x4000  }
0x95: {  	p2 =	sle.u32 @!p1 s22, $0x200;
	s16 =	simm.s32 @!p1 $0x4;
	[sflag:s23] =	ssyncset.done @!p1 $0x0  }
0x96: {  	s24 =	simm.s32 @!p1 $0x80;
	p2 =	por p2, p1;
	[sflag:s23] =	ssyncadd.s32 @!p1 $0xFFFFC000  }
0x97: {  	[spmem:s2] =	stream.indirect.scatter.add.f32 @!p1 [tilespmem:s25], [sflag:$0x4], $0x80, s0, s24, $0xb8;
	[tilespmem:$0x1B880] =	vst v63  }
0x98: {  	s26 =	simm.s32 @!p0 $0x4;
	s23 =	simm.s32 @!p2 $0x200;
	_ =	swait.ge @!p1 [sflag:s16], $0x4000  }
0x99: {  	s0 =	simm.s32 @!p2 $0x9880;
	s24 =	simm.s32 @!p0 $0x3;
	[sflag:s16] =	ssyncset.done @!p1 $0x0  }
0x9a: {  	s25 =	simm.s32 @!p0 $0xD880;
	[sflag:s16] =	ssyncadd.s32 @!p1 $0xFFFFC000;
	s16 =	simm.s32 @!p2 $0x80  }
0x9b: {  	[tilespmem:s0], [sflag:$0x2] =	stream.indirect.gather @!p2 [hbm4b:s4+s16], $0x80, s23, s16, $0xb8;
	[tilespmem:$0x1B880] =	vst v63  }
0x9c: {  	p1 =	sle.u32 @!p0 s22, $0x280;
	s23 =	simm.s32 $0x0;
	_ =	swait.ge @!p0 [sflag:s24], $0x4000  }
0x9d: {  	s0 =	simm.s32 @!p0 $0x2D00;
	p2 =	por p1, p0;
	[sflag:s24] =	ssyncset.done @!p0 $0x0  }
0x9e: {  	s16 =	simm.s32 @!p0 $0x80;
	s28 =	simm.s32 @!p2 $0x80;
	[sflag:s24] =	ssyncadd.s32 @!p0 $0xFFFFC000  }
0x9f: {  	[spmem:s2] =	stream.indirect.scatter.add.f32 @!p0 [tilespmem:s25], [sflag:$0x4], $0x80, s0, s16, $0xb8;
	[tilespmem:$0x1B880] =	vst v63  }
0xa0: {  	s29 =	simm.s32 @!p2 $0xD880;
	s24 =	simm.s32 $0x400;
	s25 =	simm.s32 @!p2 $0x280  }
.LBB2_4:
0xa1: {  	_ =	swait.ge @!p0 [sflag:s26], $0x4000  }
0xa2: {  	s23 =	sadd.s32 $0x600, s23;
	s0 =	smov.u32 s24;
	s24 =	sadd.s32 $0x180, s24  }
0xa3: {  	p1 =	sne.s32 s24, $0x2B00;
	[sflag:s26] =	ssyncset.done @!p0 $0x0  }
0xa4: {  	s16 =	sadd.s32 $0xFFFFFD80, s0;
	[sflag:s26] =	ssyncadd.s32 @!p0 $0xFFFFC000  }
0xa5: {  	[tilespmem:s29], [sflag:$0x3] =	stream.indirect.gather @!p2 [hbm4b:s4+s28], $0x80, s25, s28, $0xb8;
	[tilespmem:$0x1B880] =	vst v63  }
0xa6: {  	p2 =	sge.s32 s16, s22;
	s16 =	sadd.s32 $0xFFFFFE80, s0  }
0xa7: {  	s25 =	simm.s32 @!p2 $0x1;
	s26 =	sshra.s32 @!p2 s23, $0x2;
	s28 =	simm.s32 @!p2 $0x4  }
0xa8: {  	s29 =	sadd.s32 @!p2 $0xFFFFFF00, s0;
	s26 =	sadd.s32 @!p2 $0x2C00, s26;
	_ =	swait.ge @!p2 [sflag:s25], $0x4000  }
0xa9: {  	p0 =	sge.s32 s16, s22;
	p3 =	sge.u32 @!p2 s29, s22;
	[sflag:s25] =	ssyncset.done @!p2 $0x0  }
0xaa: {  	s16 =	simm.s32 @!p2 $0x80;
	[sflag:s25] =	ssyncadd.s32 @!p2 $0xFFFFC000;
	s25 =	simm.s32 @!p2 $0x5880  }
0xab: {  	[spmem:s2] =	stream.indirect.scatter.add.f32 @!p2 [tilespmem:s25], [sflag:$0x4], $0x80, s26, s16, $0xb8;
	[tilespmem:$0x1B880] =	vst v63  }
0xac: {  	p4 =	por p3, p2;
	s16 =	sshra.s32 @!p0 s23, $0x2;
	_ =	swait.ge @!p2 [sflag:s28], $0x4000  }
0xad: {  	s25 =	sshra.s32 @!p4 s23, $0x2;
	s26 =	sadd.s32 $0xFFFFFE00, s0;
	[sflag:s28] =	ssyncset.done @!p2 $0x0  }
0xae: {  	s25 =	sadd.s32 @!p4 $0x180, s25;
	p3 =	sge.s32 s26, s22;
	[sflag:s28] =	ssyncadd.s32 @!p2 $0xFFFFC000  }
0xaf: {  	s26 =	simm.s32 @!p4 $0x80;
	s29 =	sshra.s32 @!p3 s23, $0x2;
	s28 =	simm.s32 @!p3 $0x2  }
0xb0: {  	s30 =	simm.s32 @!p4 $0x5880;
	s31 =	sadd.s32 @!p3 $0xFFFFFF80, s0;
	s29 =	sadd.s32 @!p3 $0x2C80, s29  }
0xb1: {  	s16 =	sadd.s32 @!p0 $0x2D00, s16;
	p5 =	sge.u32 @!p3 s31, s22;
	p2 =	sge.u32 @!p0 s0, s22  }
0xb2: {  	[tilespmem:s30], [sflag:$0x1] =	stream.indirect.gather @!p4 [hbm4b:s4+s26], $0x80, s25, s26, $0xb8;
	[tilespmem:$0x1B880] =	vst v63  }
0xb3: {  	s0 =	simm.s32 @!p3 $0x4;
	p4 =	por p5, p3;
	_ =	swait.ge @!p3 [sflag:s28], $0x4000  }
0xb4: {  	s25 =	simm.s32 @!p3 $0x80;
	s26 =	simm.s32 @!p3 $0x9880;
	[sflag:s28] =	ssyncset.done @!p3 $0x0  }
0xb5: {  	s30 =	simm.s32 @!p4 $0x9880;
	[sflag:s28] =	ssyncadd.s32 @!p3 $0xFFFFC000;
	s28 =	sshra.s32 @!p4 s23, $0x2  }
0xb6: {  	[spmem:s2] =	stream.indirect.scatter.add.f32 @!p3 [tilespmem:s26], [sflag:$0x4], $0x80, s29, s25, $0xb8;
	[tilespmem:$0x1B880] =	vst v63  }
0xb7: {  	s25 =	sadd.s32 @!p4 $0x200, s28;
	s28 =	simm.s32 @!p0 $0x3;
	_ =	swait.ge @!p3 [sflag:s0], $0x4000  }
0xb8: {  	p2 =	por p2, p0;
	[sflag:s0] =	ssyncset.done @!p3 $0x0  }
0xb9: {  	s29 =	sshra.s32 @!p2 s23, $0x2;
	[sflag:s0] =	ssyncadd.s32 @!p3 $0xFFFFC000;
	s0 =	simm.s32 @!p4 $0x80  }
0xba: {  	[tilespmem:s30], [sflag:$0x2] =	stream.indirect.gather @!p4 [hbm4b:s4+s0], $0x80, s25, s0, $0xb8;
	[tilespmem:$0x1B880] =	vst v63  }
.Ltmp1:
0xbb: {  	_ = 	snop;
	(pc) =	sbr.rel @p1 .LBB2_4-.Ltmp1, $4  }
0xbc: {  	s0 =	simm.s32 @!p0 $0x80;
	s30 =	simm.s32 @!p0 $0xD880;
	_ =	swait.ge @!p0 [sflag:s28], $0x4000  }
0xbd: {  	s26 =	simm.s32 @!p0 $0x4;
	s25 =	sadd.s32 @!p2 $0x280, s29;
	[sflag:s28] =	ssyncset.done @!p0 $0x0  }
0xbe: {  	s29 =	simm.s32 @!p2 $0xD880;
	[sflag:s28] =	ssyncadd.s32 @!p0 $0xFFFFC000;
	s28 =	simm.s32 @!p2 $0x80  }
0xbf: {  	[spmem:s2] =	stream.indirect.scatter.add.f32 @!p0 [tilespmem:s30], [sflag:$0x4], $0x80, s16, s0, $0xb8;
	[tilespmem:$0x1B880] =	vst v63  }
0xc0: {  	_ =	swait.ge @!p0 [sflag:s26], $0x4000  }
0xc1: {  	s19 =	sadd.s32 $0x1, s19;
	[sflag:s26] =	ssyncset.done @!p0 $0x0  }
0xc2: {  	[sflag:s26] =	ssyncadd.s32 @!p0 $0xFFFFC000;
	p0 =	sne.s32 s19, s15  }
0xc3: {  	[tilespmem:s29], [sflag:$0x3] =	stream.indirect.gather @!p2 [hbm4b:s4+s28], $0x80, s25, s28, $0xb8;
	[tilespmem:$0x1B880] =	vst v63  }
.Ltmp2:
0xc4: {  	[bflag:$0x0] =	sbarrier.arrive $0xFFFF;
	(pc) =	sbr.rel @p0 .LBB2_1-.Ltmp2, $4  }
0xc5: {  	[hbm:s14], [sflag:s20] =	dma.local [spmem:s21], $0x1400  }
0xc6: {  	_ =	swait.ge [sflag:s17], $0x1400  }
0xc7: {  	[sflag:s17] =	ssyncset.done $0x0  }
0xc8: {  	[sflag:s17] =	ssyncadd.s32 $0xFFFFEC00  }
0xc9: {  	_ =	sfence.sel $0x180000  }
0xca: {  	[bflag:$0x0] =	sbarrier.arrive $0xFFFF  }
0xcb: {  	_ =	strace $0x9000004D  }
0xcc: {  	[bflag:$0x2] =	sbarrier.arrive $0xFFFF  }
0xcd: {  	p0 =	sne.s32 s1, $0x0;
	s0 =	rddreg [dreg:$0x3]  }
0xce: {  	s0 =	sadd.s32 @!p0 $0x100000, s0  }
0xcf: {  	[sflag:s0] =	ssyncadd.tile.s32 @!p0 $0x1;
	_ =	shalt  }
.Lfunc_end2:
_tile_overlayer_lowered:
.L_overlay_start_2:
0xd0: {  	(tag) =	ssettag $0x2  }
0xd1: {  	s0 =	rddreg [dreg:$0x0];
	s2 =	stileid.u32  }
0xd2: {  	s1 =	rddreg [dreg:$0x1];
	p0 =	sne.s32 s2, $0x0  }
0xd3: {  	s3 =	rddreg [dreg:$0x2];
	[bflag:$0x3] =	sbarrier.arrive $0xFFFF;
	s2 =	simm.s32 @!p0 $0x1C04  }
0xd4: {  	[timem:s3], [sflag:s2] =	dma.local @!p0 [hbm:s0], s1  }
0xd5: {  	s0 =	simm.s32 @!p0 $0x4  }
0xd6: {  	_ =	swait.ge @!p0 [sflag:s0], s1  }
0xd7: {  	s1 =	ssub.s32 @!p0 $0x0, s1;
	[sflag:s0] =	ssyncset.done @!p0 $0x0  }
0xd8: {  	[sflag:s0] =	ssyncadd.s32 @!p0 s1  }
0xd9: {  	[bflag:$0x3] =	sbarrier.arrive $0xFFFF  }
0xda: {  	_ =	shalt  }

// kernel: kernel.20.cloned.1.call-start
scs
__scs_entry_jumppad:
0x0: {  	(pc) =	sbr.rel $0x88, $3  }
0x1: {  	(tag) =	ssettag $0x0;
	lr =	simm.s32 $0x1  }
0x2: {  	[smem:$0x3F99] =	sst lr;
	_ =	strace $0xD0000000  }
0x3: {  	_ = 	snop  }
0x4: {  	_ = 	snop  }
0x5: {  	_ = 	snop  }
0x6: {  	_ = 	snop  }
0x7: {  	_ = 	snop  }
__scs_overlays_trampoline_lowered:
0x8: {  	[smem:$0x3FA8] =	sst s0  }
0x9: {  	[smem:$0x3FA9] =	sst s1  }
0xa: {  	[smem:$0x3FAA] =	sst s2  }
0xb: {  	[smem:$0x3FAB] =	sst s3  }
0xc: {  	[smem:$0x3FAC] =	sst s4  }
0xd: {  	[smem:$0x3FAD] =	sst s5  }
0xe: {  	[smem:$0x3FAE] =	sst s6  }
0xf: {  	[smem:$0x3FAF] =	sst s7  }
0x10: {  	[smem:$0x3FB0] =	sst s8  }
0x11: {  	[smem:$0x3FB1] =	sst s9;
	s0 =	simm.s32 @!p0 $0x0  }
0x12: {  	s1 =	sld [smem:$0x3F97];
	s0 =	simm.s32 @p0 $0x1  }
0x13: {  	[smem:$0x3FB2] =	sst s0;
	s0 =	simm.s32 @!p1 $0x0  }
0x14: {  	s2 =	sld [smem:$0x3F96];
	s0 =	simm.s32 @p1 $0x1  }
0x15: {  	[smem:$0x3FB3] =	sst s0;
	s0 =	simm.s32 @!p2 $0x0  }
0x16: {  	s3 =	sld [smem:$0x3FDB];
	s0 =	simm.s32 @p2 $0x1  }
0x17: {  	s4 =	simm.s32 $0x1BF5;
	[smem:$0x3FB5] =	sst s0  }
0x18: {  	s0 =	sld [smem:$0x3F98];
	_ =	swait.ge [sflag:s4], $0x0  }
0x19: {  	s7 =	sld [smem:$0x3F99]  }
0x1a: {  	s8 =	sadd.s32 $0xFFFFE003, lr  }
0x1b: {  	s9 =	sadd.s32 $0xFFFFFEF7, lr;
	s5 =	simm.s32 $0xFFFFFFFF;
	p2 =	slt.u32 s8, $0xFFFFF086  }
0x1c: {  	p1 =	slt.u32 s9, $0xF7A;
	s5 =	simm.s32 @!p2 $0x0  }
0x1d: {  	s5 =	simm.s32 @p1 $0x1;
	p0 =	seq.s32 s7, s2  }
0x1e: {  	s7 =	smul.u32 @!p0 $0xF7A, s2;
	p2 =	seq.s32 @!p0 s5, $0x0  }
0x1f: {  	s9 =	smul.u32 $0xF7A, s1;
	s8 =	simm.s32 @!p0 $0x1BF5;
	p2 =	por !p2, p0  }
0x20: {  	[sflag:s8] =	ssyncset.s32 @!p0 $0xFFFFF086;
	s6 =	sadd.s32 @!p0 s3, s7;
	s7 =	simm.s32 @!p0 $0x108  }
0x21: {  	s3 =	sadd.s32 s3, s9;
	s6 =	sadd.s32 @!p0 $0x88, s6;
	s7 =	simm.s32 @p2 $0x1082  }
0x22: {  	[simem:s7], [sflag:s8] =	dma.local @!p0 [hbm:s6], $0xF7A  }
0x23: {  	s9 =	sor.u32 $0xD0000000, s2;
	s6 =	simm.s32 $0x108;
	_ =	swait.ge @!p0 [sflag:s8], $0x0  }
0x24: {  	s3 =	sadd.s32 $0x88, s3;
	s6 =	simm.s32 @!p1 $0x1082;
	[sflag:s4] =	ssyncset.s32 $0xFFFFF086  }
0x25: {  	[simem:s6], [sflag:s4] =	dma.local [hbm:s3], $0xF7A  }
0x26: {  	[smem:$0x3F99] =	sst s1;
	(tag) =	ssettag s2;
	_ =	strace s9  }
0x27: {  	s1 =	sld [smem:$0x3FA9]  }
0x28: {  	s2 =	sld [smem:$0x3FAA]  }
0x29: {  	s4 =	sld [smem:$0x3FAC]  }
0x2a: {  	p0 =	seq.s32 s5, $0x0;
	s5 =	sld [smem:$0x3FAD]  }
0x2b: {  	s6 =	sld [smem:$0x3FAE]  }
0x2c: {  	s7 =	sld [smem:$0x3FAF]  }
0x2d: {  	s3 =	simm.s32 $0x108;
	s8 =	sld [smem:$0x3FB0]  }
0x2e: {  	s3 =	simm.s32 @!p0 $0x1082;
	s9 =	sld [smem:$0x3FB1]  }
0x2f: {  	lr =	sadd.s32 s0, s3;
	s0 =	sld [smem:$0x3FA8]  }
0x30: {  	s3 =	sld [smem:$0x3FAB]  }
0x31: {  	[smem:$0x3FB4] =	sst s10  }
0x32: {  	s10 =	sld [smem:$0x3FB2];
	_ =	sdelay $0x3  }
0x33: {  	p0 =	seq.s32 s10, $0x1;
	s10 =	sld [smem:$0x3FB4];
	_ =	sdelay $0x3  }
0x34: {  	[smem:$0x3FB4] =	sst s10  }
0x35: {  	s10 =	sld [smem:$0x3FB3];
	_ =	sdelay $0x3  }
0x36: {  	p1 =	seq.s32 s10, $0x1;
	s10 =	sld [smem:$0x3FB4];
	_ =	sdelay $0x3  }
0x37: {  	[smem:$0x3FB4] =	sst s10  }
0x38: {  	s10 =	sld [smem:$0x3FB5]  }
0x39: {  	_ = 	snop;
	(pc) =	sbr.ind lr, $3  }
0x3a: {  	_ = 	snop  }
0x3b: {  	_ = 	snop  }
0x3c: {  	p2 =	seq.s32 s10, $0x1;
	s10 =	sld [smem:$0x3FB4]  }
0x3d: {  	_ =	shalt  }
0x3e: {  	_ =	shalt  }
0x3f: {  	_ =	shalt  }
0x40: {  	_ =	shalt  }
0x41: {  	_ =	shalt  }
0x42: {  	_ =	shalt  }
0x43: {  	_ =	shalt  }
0x44: {  	_ =	shalt  }
0x45: {  	_ =	shalt  }
0x46: {  	_ =	shalt  }
0x47: {  	_ =	shalt  }
0x48: {  	_ =	shalt  }
0x49: {  	_ =	shalt  }
0x4a: {  	_ =	shalt  }
0x4b: {  	_ =	shalt  }
0x4c: {  	_ =	shalt  }
0x4d: {  	_ =	shalt  }
0x4e: {  	_ =	shalt  }
0x4f: {  	_ =	shalt  }
0x50: {  	_ =	shalt  }
0x51: {  	_ =	shalt  }
0x52: {  	_ =	shalt  }
0x53: {  	_ =	shalt  }
0x54: {  	_ =	shalt  }
0x55: {  	_ =	shalt  }
0x56: {  	_ =	shalt  }
0x57: {  	_ =	shalt  }
0x58: {  	_ =	shalt  }
0x59: {  	_ =	shalt  }
0x5a: {  	_ =	shalt  }
0x5b: {  	_ =	shalt  }
0x5c: {  	_ =	shalt  }
0x5d: {  	_ =	shalt  }
0x5e: {  	_ =	shalt  }
0x5f: {  	_ =	shalt  }
0x60: {  	_ =	shalt  }
0x61: {  	_ =	shalt  }
0x62: {  	_ =	shalt  }
0x63: {  	_ =	shalt  }
0x64: {  	_ =	shalt  }
0x65: {  	_ =	shalt  }
0x66: {  	_ =	shalt  }
0x67: {  	_ =	shalt  }
0x68: {  	_ =	shalt  }
0x69: {  	_ =	shalt  }
0x6a: {  	_ =	shalt  }
0x6b: {  	_ =	shalt  }
0x6c: {  	_ =	shalt  }
0x6d: {  	_ =	shalt  }
0x6e: {  	_ =	shalt  }
0x6f: {  	_ =	shalt  }
0x70: {  	_ =	shalt  }
0x71: {  	_ =	shalt  }
0x72: {  	_ =	shalt  }
0x73: {  	_ =	shalt  }
0x74: {  	_ =	shalt  }
0x75: {  	_ =	shalt  }
0x76: {  	_ =	shalt  }
0x77: {  	_ =	shalt  }
0x78: {  	_ =	shalt  }
0x79: {  	_ =	shalt  }
0x7a: {  	_ =	shalt  }
0x7b: {  	_ =	shalt  }
0x7c: {  	_ =	shalt  }
0x7d: {  	_ =	shalt  }
0x7e: {  	_ =	shalt  }
0x7f: {  	_ =	shalt  }
0x80: {  	_ =	shalt  }
0x81: {  	_ =	shalt  }
0x82: {  	_ =	shalt  }
0x83: {  	_ =	shalt  }
0x84: {  	_ =	shalt  }
0x85: {  	_ =	shalt  }
0x86: {  	_ =	shalt  }
0x87: {  	_ =	shalt  }
.Lfunc_end0:
.L_simem_size_0:
called_computation.3_lowered:
.L_overlay_start_0:
0x88: {  	s2 =	sld [smem:$0x3FD9]  }
0x89: {  	s3 =	sld [smem:$0x3FFE];
	_ =	sdelay $0x1  }
0x8a: {  	s1 =	srdreg.scid  }
0x8b: {  	s0 =	sand.u32 $0x1, s1  }
0x8c: {  	s17 =	sshll.u32 s0, $0xA;
	s2 =	sadd.s32 s3, s2  }
0x8d: {  	s2 =	sadd.s32 s2, s17  }
0x8e: {  	[smem:$0x3FC0] =	sst s2  }
0x8f: {  	_ = 	snop  }
0x90: {  	s2 =	sld [smem:$0x3FD0];
	(tm) =	ssettm $0x1  }
0x91: {  	s18 =	sld [smem:$0x3FFB];
	_ =	sdelay $0x3  }
0x92: {  	_ =	strace s18  }
0x93: {  	s3 =	sld [smem:$0x3FFC];
	_ =	sdelay $0x3  }
0x94: {  	_ =	strace s3  }
0x95: {  	s3 =	sld [smem:$0x3FFD];
	_ =	sdelay $0x3  }
0x96: {  	_ =	strace s3  }
0x97: {  	_ =	strace $0x8FFFFFFF  }
0x98: {  	s19 =	sld [smem:$0x3FDB];
	_ =	sdelay $0x1  }
0x99: {  	s4 =	simm.s32 $_scs_section_size  }
0x9a: {  	s5 =	simm.s32 $_size__tile_overlayer_lowered;
	s6 =	simm.s32 $_tile_overlayer_lowered  }
0x9b: {  	s22 =	simm.s32 $0x1BFF;
	s21 =	sshll.u32 s6, $0x1;
	s3 =	sadd.s32 s4, s19  }
0x9c: {  	s7 =	simm.s32 $0x0;
	s20 =	sshll.u32 s5, $0x1;
	s5 =	sadd.s32 s21, s3  }
0x9d: {  	[timem:s7], [sflag:s22] =	dma.local [hbm:s5], s20  }
0x9e: {  	_ =	swait.ge [sflag:s22], s20  }
0x9f: {  	s4 =	ssub.s32 $0x0, s20;
	[sflag:s22] =	ssyncset.done $0x0  }
0xa0: {  	[sflag:s22] =	ssyncadd.s32 s4;
	_ =	sdelay $0x1  }
0xa1: {  	s23 =	simm.s32 $0x1B8B  }
0xa2: {  	_ =	swait.ge [sflag:s23], $0x1  }
0xa3: {  	[sflag:s23] =	ssyncset.done $0x0  }
0xa4: {  	s25 =	simm.s32 $0x1B8E;
	s24 =	sld [smem:$0x3FFE];
	[sflag:s23] =	ssyncadd.s32 $0xFFFFFFFF  }
0xa5: {  	s26 =	simm.s32 $execute0_lowered;
	[smem:$0x3FD2] =	sst s25  }
0xa6: {  	s5 =	sshll.u32 s26, $0x1;
	_ =	strace $0x8000004F;
	[dreg:$0x1] =	wrdreg $0xFFFFFFFF  }
0xa7: {  	s28 =	simm.s32 $_size_execute0_lowered;
	s3 =	sadd.s32 s3, s5;
	[dreg:$0x0] =	wrdreg $0x0  }
0xa8: {  	s5 =	sshll.u32 s28, $0x1;
	[dreg:$0x2] =	wrdreg s3  }
0xa9: {  	[dreg:$0x3] =	wrdreg s5  }
0xaa: {  	[dreg:$0x4] =	wrdreg $0xC0  }
0xab: {  	_ =	task [dreg:s7], $0x5FFFF  }
0xac: {  	[dreg:$0x1] =	wrdreg $0xFFFFFFFF  }
0xad: {  	[dreg:$0x0] =	wrdreg $0x60  }
0xae: {  	[dreg:$0x2] =	wrdreg s2  }
0xaf: {  	[dreg:$0x3] =	wrdreg s24  }
0xb0: {  	[dreg:$0x4] =	wrdreg $0x118800  }
0xb1: {  	[dreg:$0x5] =	wrdreg $0x9  }
0xb2: {  	_ =	task.clear_ibuf [dreg:s7], $0x6FFFF;
	_ =	strace $0x9000004F  }
0xb3: {  	s29 =	simm.s32 $0x9;
	_ =	strace $0x80000051  }
0xb4: {  	_ =	swait.ge [sflag:s29], $0x1  }
0xb5: {  	[sflag:s29] =	ssyncadd.s32 $0xFFFFFFFF  }
0xb6: {  	_ =	strace $0x90000051  }
0xb7: {  	_ =	sfence  }
0xb8: {  	s30 =	sld [smem:$0x0];
	_ =	sdelay $0x2  }
0xb9: {  	s31 =	sshll.u32 s1, $0xD;
	s1 =	sshrl.u32 s1, $0x2  }
0xba: {  	s3 =	sand.u32 $0x4000, s31;
	s1 =	sadd.s32 s1, s30  }
0xbb: {  	s0 =	sor.u32 s3, s0;
	s1 =	sshll.u32 s1, $0x11  }
0xbc: {  	s0 =	sor.u32 s1, s0  }
0xbd: {  	s0 =	sadd.s32 $0x8F2B, s0  }
0xbe: {  	[sflag:s0] =	ssyncadd.remote.s32 $0x1  }
0xbf: {  	_ =	sfence.sel $0xFFFF  }
0xc0: {  	[dreg:$0x0] =	wrdreg $0xFFFFFFFF;
	(pc) =	sbr.abs _section_cstart, $3  }
0xc1: {  	[dreg:$0x1] =	wrdreg $0xFFFFFFFF  }
0xc2: {  	_ =	task.clear_ibuf [dreg:s7], $0x2FFFF;
	_ =	strace $0x9FFFFFFF  }
0xc3: {  	(tm) =	ssettm $0x7FFFFFFF  }
tec
execute0_lowered:
.L_overlay_start_1:
0x0: {  	(tag) =	ssettag $0x1  }
0x1: {  	s11 =	rddreg [dreg:$0x0]  }
0x2: {  	s5 =	rddreg [dreg:$0x1]  }
0x3: {  	s2 =	rddreg [dreg:$0x2]  }
0x4: {  	s3 =	simm.s32 $0x0;
	s1 =	stileid.u32;
	s4 =	srdreg.scid  }
0x5: {  	s19 =	simm.s32 $0x0;
	[smem:$0x7FF] =	sst s3;
	s6 =	sshll.u32 s1, $0x4  }
0x6: {  	s7 =	sand.u32 $0x1, s4;
	s12 =	sadd.s32 $0x4E00, s5;
	s13 =	smul.u32 $0x28000, s1  }
0x7: {  	s4 =	sadd.s32 $0x1AE00, s5;
	s14 =	sadd.s32 $0x76000, s5;
	s16 =	smul.u32 $0xA000, s1  }
0x8: {  	_ =	strace $0x80000050;
	s22 =	sand.u32 $0x70, s6;
	s23 =	sshll.u32 s7, $0x4  }
0x9: {  	s24 =	ssub.s32 $0x2, s7;
	s18 =	smul.u32 $0x140000, s7;
	s8 =	sadd.s32 s22, s5  }
0xa: {  	s6 =	sor.u32 s1, s23;
	s10 =	sshrl.u32 s24, $0x1;
	s26 =	sshrl.u32 s13, $0x2  }
0xb: {  	s28 =	sshrl.u32 s16, $0x3;
	s9 =	smul.u32 $0x5800, s6;
	s6 =	sshll.u32 s6, $0x4  }
0xc: {  	s15 =	ssub.s32 s24, s10;
	s29 =	sadd.s32 s16, s18;
	s16 =	sadd.s32 $0xA0000, s16  }
0xd: {  	s25 =	sand.u32 $0x180, s6;
	s10 =	sshrl.u32 s29, $0x3;
	s31 =	sshrl.u32 s16, $0x3  }
0xe: {  	s16 =	sadd.s32 s18, s16;
	s15 =	smax.u32 s15, $0x1;
	s18 =	simm.s32 $0x2C00  }
0xf: {  	s5 =	sadd.s32 s25, s8;
	s17 =	sshrl.u32 s9, $0x3;
	s8 =	sadd.s32 s26, s2  }
0x10: {  	s9 =	sadd.s32 s4, s28;
	s10 =	sadd.s32 s14, s10;
	s13 =	sadd.s32 s4, s31  }
0x11: {  	s16 =	sshrl.u32 s16, $0x3;
	s5 =	sadd.s32 $0x4DE00, s5;
	s6 =	sadd.s32 s11, s17  }
0x12: {  	s7 =	sadd.s32 s12, s17;
	s30 =	sadd.s32 $0x580, s17;
	s14 =	sadd.s32 s14, s16  }
0x13: {  	s17 =	simm.s32 $0x4;
	s11 =	sadd.s32 s11, s30;
	s12 =	sadd.s32 s12, s30  }
.LBB2_1:
0x14: {  	s0 =	simm.s32 $0x5800  }
0x15: {  	[tilespmem:s0], [sflag:$0x4] =	stream.linear.gather [hbm4b:s5+s3], $0x80, $0x38;
	[tilespmem:$0x1B880] =	vst v63  }
0x16: {  	_ =	swait.ge [sflag:s17], $0x80  }
0x17: {  	[sflag:s17] =	ssyncset.done $0x0  }
0x18: {  	[sflag:s17] =	ssyncadd.s32 $0xFFFFFF80  }
0x19: {  	[tilespmem:s3], [sflag:$0x4] =	stream.linear.gather [hbm4b:s6+s3], $0x2880, $0x38;
	[tilespmem:$0x1B880] =	vst v63  }
0x1a: {  	_ =	swait.ge [sflag:s17], $0x2880  }
0x1b: {  	[sflag:s17] =	ssyncset.done $0x0  }
0x1c: {  	[sflag:s17] =	ssyncadd.s32 $0xFFFFD780  }
0x1d: {  	[tilespmem:s18], [sflag:$0x4] =	stream.linear.gather [hbm4b:s7+s3], $0x2880, $0x38;
	[tilespmem:$0x1B880] =	vst v63  }
0x1e: {  	_ =	swait.ge [sflag:s17], $0x2880  }
0x1f: {  	[sflag:s17] =	ssyncset.done $0x0  }
0x20: {  	[sflag:s17] =	ssyncadd.s32 $0xFFFFD780  }
0x21: {  	v0 =	vld [tilespmem:$0x5800];
	_ =	sdelay $0x4  }
0x22: {  	(v2sf) =	vpush v0, $0x0;
	_ =	sdelay $0xd  }
0x23: {  	s20 =	sshll.u32 s1, $0x6  }
0x24: {  	s21 =	sshrl.u32 s8, $0x3;
	s20 =	sor.u32 $0x1C04, s20;
	s22 =	spop (v2sf)  }
0x25: {  	[spmem:s21], [sflag:s20] =	dma.local [hbm:s9], $0x1400  }
0x26: {  	p0 =	slt.s32 s22, $0x1;
	_ =	swait.ge [sflag:s17], $0x1400  }
0x27: {  	s23 =	simm.s32 @!p0 $0x80;
	[sflag:s17] =	ssyncset.done $0x0  }
0x28: {  	s24 =	simm.s32 @!p0 $0x0;
	p1 =	slt.u32 @!p0 s22, $0x81;
	[sflag:s17] =	ssyncadd.s32 $0xFFFFEC00  }
0x29: {  	s25 =	simm.s32 @!p0 $0x5880;
	p2 =	por p1, p0;
	[bflag:$0x0] =	sbarrier.arrive $0xFFFF  }
0x2a: {  	[tilespmem:s25], [sflag:$0x1] =	stream.indirect.gather @!p0 [hbm4b:s4+s23], $0x80, s24, s23, $0xb8;
	[tilespmem:$0x1B880] =	vst v63  }
0x2b: {  	s23 =	simm.s32 @!p2 $0x80;
	s24 =	simm.s32 @!p2 $0x9880  }
0x2c: {  	[tilespmem:s24], [sflag:$0x2] =	stream.indirect.gather @!p2 [hbm4b:s4+s23], $0x80, s23, s23, $0xb8;
	[tilespmem:$0x1B880] =	vst v63  }
0x2d: {  	p2 =	slt.u32 @!p2 s22, $0x101  }
0x2e: {  	p1 =	por @!p0 p2, p1  }
0x2f: {  	p0 =	por p1, p0  }
0x30: {  	s23 =	simm.s32 @!p0 $0x80;
	s24 =	simm.s32 @!p0 $0x100;
	s25 =	simm.s32 @!p0 $0xD880  }
0x31: {  	[tilespmem:s25], [sflag:$0x3] =	stream.indirect.gather @!p0 [hbm4b:s4+s23], $0x80, s24, s23, $0xb8;
	[tilespmem:$0x1B880] =	vst v63  }
0x32: {  	p0 =	sle.s32 s22, $0x0  }
0x33: {  	s23 =	simm.s32 @!p0 $0x1  }
0x34: {  	s24 =	simm.s32 @!p0 $0x4;
	_ =	swait.ge @!p0 [sflag:s23], $0x4000  }
0x35: {  	s25 =	simm.s32 @!p0 $0x2C00;
	s26 =	simm.s32 @!p0 $0x5880;
	[sflag:s23] =	ssyncset.done @!p0 $0x0  }
0x36: {  	p1 =	sle.u32 @!p0 s22, $0x180;
	[sflag:s23] =	ssyncadd.s32 @!p0 $0xFFFFC000;
	s23 =	simm.s32 @!p0 $0x80  }
0x37: {  	[spmem:s2] =	stream.indirect.scatter.add.f32 @!p0 [tilespmem:s26], [sflag:$0x4], $0x80, s25, s23, $0xb8;
	[tilespmem:$0x1B880] =	vst v63  }
0x38: {  	p2 =	por p1, p0;
	p1 =	sle.s32 s22, $0x80;
	_ =	swait.ge @!p0 [sflag:s24], $0x4000  }
0x39: {  	s23 =	simm.s32 @!p2 $0x180;
	s25 =	simm.s32 @!p1 $0x2;
	[sflag:s24] =	ssyncset.done @!p0 $0x0  }
0x3a: {  	s26 =	simm.s32 @!p2 $0x5880;
	[sflag:s24] =	ssyncadd.s32 @!p0 $0xFFFFC000;
	s24 =	simm.s32 @!p2 $0x80  }
0x3b: {  	[tilespmem:s26], [sflag:$0x1] =	stream.indirect.gather @!p2 [hbm4b:s4+s24], $0x80, s23, s24, $0xb8;
	[tilespmem:$0x1B880] =	vst v63  }
0x3c: {  	s28 =	simm.s32 @!p1 $0x9880;
	_ =	swait.ge @!p1 [sflag:s25], $0x4000  }
0x3d: {  	s23 =	simm.s32 @!p1 $0x2C80;
	p2 =	sle.u32 @!p1 s22, $0x200;
	[sflag:s25] =	ssyncset.done @!p1 $0x0  }
0x3e: {  	s24 =	simm.s32 @!p1 $0x4;
	s26 =	simm.s32 @!p1 $0x80;
	[sflag:s25] =	ssyncadd.s32 @!p1 $0xFFFFC000  }
0x3f: {  	[spmem:s2] =	stream.indirect.scatter.add.f32 @!p1 [tilespmem:s28], [sflag:$0x4], $0x80, s23, s26, $0xb8;
	[tilespmem:$0x1B880] =	vst v63  }
0x40: {  	p2 =	por p2, p1;
	_ =	swait.ge @!p1 [sflag:s24], $0x4000  }
0x41: {  	p0 =	sle.s32 s22, $0x100;
	s25 =	simm.s32 @!p2 $0x200;
	[sflag:s24] =	ssyncset.done @!p1 $0x0  }
0x42: {  	s23 =	simm.s32 @!p2 $0x9880;
	[sflag:s24] =	ssyncadd.s32 @!p1 $0xFFFFC000;
	s24 =	simm.s32 @!p2 $0x80  }
0x43: {  	[tilespmem:s23], [sflag:$0x2] =	stream.indirect.gather @!p2 [hbm4b:s4+s24], $0x80, s25, s24, $0xb8;
	[tilespmem:$0x1B880] =	vst v63  }
0x44: {  	s26 =	simm.s32 @!p0 $0x3;
	p1 =	sle.u32 @!p0 s22, $0x280;
	s23 =	simm.s32 @!p0 $0x2D00  }
0x45: {  	p2 =	por p1, p0;
	s24 =	simm.s32 @!p0 $0x80;
	_ =	swait.ge @!p0 [sflag:s26], $0x4000  }
0x46: {  	s25 =	simm.s32 @!p0 $0xD880;
	s28 =	simm.s32 @!p2 $0x80;
	[sflag:s26] =	ssyncset.done @!p0 $0x0  }
0x47: {  	s29 =	simm.s32 @!p2 $0xD880;
	[sflag:s26] =	ssyncadd.s32 @!p0 $0xFFFFC000;
	s26 =	simm.s32 @!p0 $0x4  }
0x48: {  	[spmem:s2] =	stream.indirect.scatter.add.f32 @!p0 [tilespmem:s25], [sflag:$0x4], $0x80, s23, s24, $0xb8;
	[tilespmem:$0x1B880] =	vst v63  }
0x49: {  	s23 =	simm.s32 $0x400;
	s25 =	simm.s32 @!p2 $0x280;
	s24 =	simm.s32 $0x0  }
.LBB2_2:
0x4a: {  	_ =	swait.ge @!p0 [sflag:s26], $0x4000  }
0x4b: {  	s24 =	sadd.s32 $0x600, s24;
	s30 =	smov.u32 s23;
	s23 =	sadd.s32 $0x180, s23  }
0x4c: {  	p1 =	sne.s32 s23, $0x2B00;
	[sflag:s26] =	ssyncset.done @!p0 $0x0  }
0x4d: {  	s31 =	sadd.s32 $0xFFFFFD80, s30;
	[sflag:s26] =	ssyncadd.s32 @!p0 $0xFFFFC000  }
0x4e: {  	[tilespmem:s29], [sflag:$0x3] =	stream.indirect.gather @!p2 [hbm4b:s4+s28], $0x80, s25, s28, $0xb8;
	[tilespmem:$0x1B880] =	vst v63  }
0x4f: {  	p2 =	sge.s32 s31, s22;
	s25 =	sadd.s32 $0xFFFFFE80, s30  }
0x50: {  	s26 =	simm.s32 @!p2 $0x1;
	s28 =	sshra.s32 @!p2 s24, $0x2;
	s29 =	simm.s32 @!p2 $0x4  }
0x51: {  	s31 =	sadd.s32 @!p2 $0xFFFFFF00, s30;
	s28 =	sadd.s32 @!p2 $0x2C00, s28;
	_ =	swait.ge @!p2 [sflag:s26], $0x4000  }
0x52: {  	p0 =	sge.s32 s25, s22;
	p3 =	sge.u32 @!p2 s31, s22;
	[sflag:s26] =	ssyncset.done @!p2 $0x0  }
0x53: {  	s25 =	simm.s32 @!p2 $0x80;
	[sflag:s26] =	ssyncadd.s32 @!p2 $0xFFFFC000;
	s26 =	simm.s32 @!p2 $0x5880  }
0x54: {  	[spmem:s2] =	stream.indirect.scatter.add.f32 @!p2 [tilespmem:s26], [sflag:$0x4], $0x80, s28, s25, $0xb8;
	[tilespmem:$0x1B880] =	vst v63  }
0x55: {  	p4 =	por p3, p2;
	s25 =	sshra.s32 @!p0 s24, $0x2;
	_ =	swait.ge @!p2 [sflag:s29], $0x4000  }
0x56: {  	s26 =	sshra.s32 @!p4 s24, $0x2;
	s28 =	sadd.s32 $0xFFFFFE00, s30;
	[sflag:s29] =	ssyncset.done @!p2 $0x0  }
0x57: {  	s26 =	sadd.s32 @!p4 $0x180, s26;
	p3 =	sge.s32 s28, s22;
	[sflag:s29] =	ssyncadd.s32 @!p2 $0xFFFFC000  }
0x58: {  	s28 =	simm.s32 @!p4 $0x80;
	s31 =	sshra.s32 @!p3 s24, $0x2;
	s29 =	simm.s32 @!p3 $0x2  }
0x59: {  	s0 =	simm.s32 @!p4 $0x5880;
	s16 =	sadd.s32 @!p3 $0xFFFFFF80, s30;
	s31 =	sadd.s32 @!p3 $0x2C80, s31  }
0x5a: {  	p5 =	sge.u32 @!p3 s16, s22;
	s16 =	sadd.s32 @!p0 $0x2D00, s25;
	p2 =	sge.u32 @!p0 s30, s22  }
0x5b: {  	[tilespmem:s0], [sflag:$0x1] =	stream.indirect.gather @!p4 [hbm4b:s4+s28], $0x80, s26, s28, $0xb8;
	[tilespmem:$0x1B880] =	vst v63  }
0x5c: {  	s0 =	simm.s32 @!p3 $0x4;
	p4 =	por p5, p3;
	_ =	swait.ge @!p3 [sflag:s29], $0x4000  }
0x5d: {  	s25 =	simm.s32 @!p3 $0x80;
	s26 =	simm.s32 @!p3 $0x9880;
	[sflag:s29] =	ssyncset.done @!p3 $0x0  }
0x5e: {  	s28 =	sshra.s32 @!p4 s24, $0x2;
	[sflag:s29] =	ssyncadd.s32 @!p3 $0xFFFFC000;
	s29 =	simm.s32 @!p4 $0x9880  }
0x5f: {  	[spmem:s2] =	stream.indirect.scatter.add.f32 @!p3 [tilespmem:s26], [sflag:$0x4], $0x80, s31, s25, $0xb8;
	[tilespmem:$0x1B880] =	vst v63  }
0x60: {  	s25 =	sadd.s32 @!p4 $0x200, s28;
	s28 =	simm.s32 @!p0 $0x3;
	_ =	swait.ge @!p3 [sflag:s0], $0x4000  }
0x61: {  	p2 =	por p2, p0;
	[sflag:s0] =	ssyncset.done @!p3 $0x0  }
0x62: {  	s30 =	sshra.s32 @!p2 s24, $0x2;
	[sflag:s0] =	ssyncadd.s32 @!p3 $0xFFFFC000;
	s0 =	simm.s32 @!p4 $0x80  }
0x63: {  	[tilespmem:s29], [sflag:$0x2] =	stream.indirect.gather @!p4 [hbm4b:s4+s0], $0x80, s25, s0, $0xb8;
	[tilespmem:$0x1B880] =	vst v63  }
.Ltmp0:
0x64: {  	_ = 	snop;
	(pc) =	sbr.rel @p1 .LBB2_2-.Ltmp0, $4  }
0x65: {  	s31 =	simm.s32 @!p0 $0xD880;
	s0 =	simm.s32 @!p0 $0x80;
	_ =	swait.ge @!p0 [sflag:s28], $0x4000  }
0x66: {  	s26 =	simm.s32 @!p0 $0x4;
	s25 =	sadd.s32 @!p2 $0x280, s30;
	[sflag:s28] =	ssyncset.done @!p0 $0x0  }
0x67: {  	s29 =	simm.s32 @!p2 $0xD880;
	[sflag:s28] =	ssyncadd.s32 @!p0 $0xFFFFC000;
	s28 =	simm.s32 @!p2 $0x80  }
0x68: {  	[spmem:s2] =	stream.indirect.scatter.add.f32 @!p0 [tilespmem:s31], [sflag:$0x4], $0x80, s16, s0, $0xb8;
	[tilespmem:$0x1B880] =	vst v63  }
0x69: {  	_ =	swait.ge @!p0 [sflag:s26], $0x4000  }
0x6a: {  	[sflag:s26] =	ssyncset.done @!p0 $0x0  }
0x6b: {  	[sflag:s26] =	ssyncadd.s32 @!p0 $0xFFFFC000  }
0x6c: {  	[tilespmem:s29], [sflag:$0x3] =	stream.indirect.gather @!p2 [hbm4b:s4+s28], $0x80, s25, s28, $0xb8;
	[tilespmem:$0x1B880] =	vst v63  }
0x6d: {  	[bflag:$0x0] =	sbarrier.arrive $0xFFFF  }
0x6e: {  	[hbm:s10], [sflag:s20] =	dma.local [spmem:s21], $0x1400  }
0x6f: {  	_ =	swait.ge [sflag:s17], $0x1400  }
0x70: {  	[sflag:s17] =	ssyncset.done $0x0  }
0x71: {  	[sflag:s17] =	ssyncadd.s32 $0xFFFFEC00  }
0x72: {  	[tilespmem:s3], [sflag:$0x4] =	stream.linear.gather [hbm4b:s11+s3], $0x2880, $0x38;
	[tilespmem:$0x1B880] =	vst v63  }
0x73: {  	_ =	swait.ge [sflag:s17], $0x2880  }
0x74: {  	[sflag:s17] =	ssyncset.done $0x0  }
0x75: {  	[sflag:s17] =	ssyncadd.s32 $0xFFFFD780  }
0x76: {  	[tilespmem:s18], [sflag:$0x4] =	stream.linear.gather [hbm4b:s12+s3], $0x2880, $0x38;
	[tilespmem:$0x1B880] =	vst v63  }
0x77: {  	_ =	swait.ge [sflag:s17], $0x2880  }
0x78: {  	[sflag:s17] =	ssyncset.done $0x0  }
0x79: {  	[sflag:s17] =	ssyncadd.s32 $0xFFFFD780  }
0x7a: {  	v0 =	vld [tilespmem:$0x5800];
	_ =	sdelay $0x4  }
0x7b: {  	(v2sf) =	vpush v0, $0x1;
	_ =	sdelay $0xe  }
0x7c: {  	s22 =	spop (v2sf)  }
0x7d: {  	[spmem:s21], [sflag:s20] =	dma.local [hbm:s13], $0x1400  }
0x7e: {  	p0 =	slt.s32 s22, $0x1;
	_ =	swait.ge [sflag:s17], $0x1400  }
0x7f: {  	s0 =	simm.s32 @!p0 $0x80;
	[sflag:s17] =	ssyncset.done $0x0  }
0x80: {  	s16 =	simm.s32 @!p0 $0x0;
	p1 =	slt.u32 @!p0 s22, $0x81;
	[sflag:s17] =	ssyncadd.s32 $0xFFFFEC00  }
0x81: {  	s23 =	simm.s32 @!p0 $0x5880;
	p2 =	por p1, p0;
	[bflag:$0x0] =	sbarrier.arrive $0xFFFF  }
0x82: {  	[tilespmem:s23], [sflag:$0x1] =	stream.indirect.gather @!p0 [hbm4b:s4+s0], $0x80, s16, s0, $0xb8;
	[tilespmem:$0x1B880] =	vst v63  }
0x83: {  	s0 =	simm.s32 @!p2 $0x80;
	s16 =	simm.s32 @!p2 $0x9880  }
0x84: {  	[tilespmem:s16], [sflag:$0x2] =	stream.indirect.gather @!p2 [hbm4b:s4+s0], $0x80, s0, s0, $0xb8;
	[tilespmem:$0x1B880] =	vst v63  }
0x85: {  	p2 =	slt.u32 @!p2 s22, $0x101  }
0x86: {  	p1 =	por @!p0 p2, p1  }
0x87: {  	p0 =	por p1, p0  }
0x88: {  	s0 =	simm.s32 @!p0 $0x80;
	s16 =	simm.s32 @!p0 $0x100;
	s23 =	simm.s32 @!p0 $0xD880  }
0x89: {  	[tilespmem:s23], [sflag:$0x3] =	stream.indirect.gather @!p0 [hbm4b:s4+s0], $0x80, s16, s0, $0xb8;
	[tilespmem:$0x1B880] =	vst v63  }
0x8a: {  	p0 =	sle.s32 s22, $0x0  }
0x8b: {  	s0 =	simm.s32 @!p0 $0x1;
	s16 =	simm.s32 @!p0 $0x4  }
0x8c: {  	s23 =	simm.s32 @!p0 $0x2C00;
	p1 =	sle.u32 @!p0 s22, $0x180;
	_ =	swait.ge @!p0 [sflag:s0], $0x4000  }
0x8d: {  	s24 =	simm.s32 @!p0 $0x5880;
	p2 =	por p1, p0;
	[sflag:s0] =	ssyncset.done @!p0 $0x0  }
0x8e: {  	p1 =	sle.s32 s22, $0x80;
	[sflag:s0] =	ssyncadd.s32 @!p0 $0xFFFFC000;
	s0 =	simm.s32 @!p0 $0x80  }
0x8f: {  	[spmem:s2] =	stream.indirect.scatter.add.f32 @!p0 [tilespmem:s24], [sflag:$0x4], $0x80, s23, s0, $0xb8;
	[tilespmem:$0x1B880] =	vst v63  }
0x90: {  	s25 =	simm.s32 @!p1 $0x9880;
	_ =	swait.ge @!p0 [sflag:s16], $0x4000  }
0x91: {  	s0 =	simm.s32 @!p2 $0x180;
	s23 =	simm.s32 @!p1 $0x2;
	[sflag:s16] =	ssyncset.done @!p0 $0x0  }
0x92: {  	s24 =	simm.s32 @!p2 $0x5880;
	[sflag:s16] =	ssyncadd.s32 @!p0 $0xFFFFC000;
	s16 =	simm.s32 @!p2 $0x80  }
0x93: {  	[tilespmem:s24], [sflag:$0x1] =	stream.indirect.gather @!p2 [hbm4b:s4+s16], $0x80, s0, s16, $0xb8;
	[tilespmem:$0x1B880] =	vst v63  }
0x94: {  	p0 =	sle.s32 s22, $0x100;
	s0 =	simm.s32 @!p1 $0x2C80;
	_ =	swait.ge @!p1 [sflag:s23], $0x4000  }
0x95: {  	p2 =	sle.u32 @!p1 s22, $0x200;
	s16 =	simm.s32 @!p1 $0x4;
	[sflag:s23] =	ssyncset.done @!p1 $0x0  }
0x96: {  	s24 =	simm.s32 @!p1 $0x80;
	p2 =	por p2, p1;
	[sflag:s23] =	ssyncadd.s32 @!p1 $0xFFFFC000  }
0x97: {  	[spmem:s2] =	stream.indirect.scatter.add.f32 @!p1 [tilespmem:s25], [sflag:$0x4], $0x80, s0, s24, $0xb8;
	[tilespmem:$0x1B880] =	vst v63  }
0x98: {  	s26 =	simm.s32 @!p0 $0x4;
	s23 =	simm.s32 @!p2 $0x200;
	_ =	swait.ge @!p1 [sflag:s16], $0x4000  }
0x99: {  	s0 =	simm.s32 @!p2 $0x9880;
	s24 =	simm.s32 @!p0 $0x3;
	[sflag:s16] =	ssyncset.done @!p1 $0x0  }
0x9a: {  	s25 =	simm.s32 @!p0 $0xD880;
	[sflag:s16] =	ssyncadd.s32 @!p1 $0xFFFFC000;
	s16 =	simm.s32 @!p2 $0x80  }
0x9b: {  	[tilespmem:s0], [sflag:$0x2] =	stream.indirect.gather @!p2 [hbm4b:s4+s16], $0x80, s23, s16, $0xb8;
	[tilespmem:$0x1B880] =	vst v63  }
0x9c: {  	p1 =	sle.u32 @!p0 s22, $0x280;
	s23 =	simm.s32 $0x0;
	_ =	swait.ge @!p0 [sflag:s24], $0x4000  }
0x9d: {  	s0 =	simm.s32 @!p0 $0x2D00;
	p2 =	por p1, p0;
	[sflag:s24] =	ssyncset.done @!p0 $0x0  }
0x9e: {  	s16 =	simm.s32 @!p0 $0x80;
	s28 =	simm.s32 @!p2 $0x80;
	[sflag:s24] =	ssyncadd.s32 @!p0 $0xFFFFC000  }
0x9f: {  	[spmem:s2] =	stream.indirect.scatter.add.f32 @!p0 [tilespmem:s25], [sflag:$0x4], $0x80, s0, s16, $0xb8;
	[tilespmem:$0x1B880] =	vst v63  }
0xa0: {  	s29 =	simm.s32 @!p2 $0xD880;
	s24 =	simm.s32 $0x400;
	s25 =	simm.s32 @!p2 $0x280  }
.LBB2_4:
0xa1: {  	_ =	swait.ge @!p0 [sflag:s26], $0x4000  }
0xa2: {  	s23 =	sadd.s32 $0x600, s23;
	s0 =	smov.u32 s24;
	s24 =	sadd.s32 $0x180, s24  }
0xa3: {  	p1 =	sne.s32 s24, $0x2B00;
	[sflag:s26] =	ssyncset.done @!p0 $0x0  }
0xa4: {  	s16 =	sadd.s32 $0xFFFFFD80, s0;
	[sflag:s26] =	ssyncadd.s32 @!p0 $0xFFFFC000  }
0xa5: {  	[tilespmem:s29], [sflag:$0x3] =	stream.indirect.gather @!p2 [hbm4b:s4+s28], $0x80, s25, s28, $0xb8;
	[tilespmem:$0x1B880] =	vst v63  }
0xa6: {  	p2 =	sge.s32 s16, s22;
	s16 =	sadd.s32 $0xFFFFFE80, s0  }
0xa7: {  	s25 =	simm.s32 @!p2 $0x1;
	s26 =	sshra.s32 @!p2 s23, $0x2;
	s28 =	simm.s32 @!p2 $0x4  }
0xa8: {  	s29 =	sadd.s32 @!p2 $0xFFFFFF00, s0;
	s26 =	sadd.s32 @!p2 $0x2C00, s26;
	_ =	swait.ge @!p2 [sflag:s25], $0x4000  }
0xa9: {  	p0 =	sge.s32 s16, s22;
	p3 =	sge.u32 @!p2 s29, s22;
	[sflag:s25] =	ssyncset.done @!p2 $0x0  }
0xaa: {  	s16 =	simm.s32 @!p2 $0x80;
	[sflag:s25] =	ssyncadd.s32 @!p2 $0xFFFFC000;
	s25 =	simm.s32 @!p2 $0x5880  }
0xab: {  	[spmem:s2] =	stream.indirect.scatter.add.f32 @!p2 [tilespmem:s25], [sflag:$0x4], $0x80, s26, s16, $0xb8;
	[tilespmem:$0x1B880] =	vst v63  }
0xac: {  	p4 =	por p3, p2;
	s16 =	sshra.s32 @!p0 s23, $0x2;
	_ =	swait.ge @!p2 [sflag:s28], $0x4000  }
0xad: {  	s25 =	sshra.s32 @!p4 s23, $0x2;
	s26 =	sadd.s32 $0xFFFFFE00, s0;
	[sflag:s28] =	ssyncset.done @!p2 $0x0  }
0xae: {  	s25 =	sadd.s32 @!p4 $0x180, s25;
	p3 =	sge.s32 s26, s22;
	[sflag:s28] =	ssyncadd.s32 @!p2 $0xFFFFC000  }
0xaf: {  	s26 =	simm.s32 @!p4 $0x80;
	s29 =	sshra.s32 @!p3 s23, $0x2;
	s28 =	simm.s32 @!p3 $0x2  }
0xb0: {  	s30 =	simm.s32 @!p4 $0x5880;
	s31 =	sadd.s32 @!p3 $0xFFFFFF80, s0;
	s29 =	sadd.s32 @!p3 $0x2C80, s29  }
0xb1: {  	s16 =	sadd.s32 @!p0 $0x2D00, s16;
	p5 =	sge.u32 @!p3 s31, s22;
	p2 =	sge.u32 @!p0 s0, s22  }
0xb2: {  	[tilespmem:s30], [sflag:$0x1] =	stream.indirect.gather @!p4 [hbm4b:s4+s26], $0x80, s25, s26, $0xb8;
	[tilespmem:$0x1B880] =	vst v63  }
0xb3: {  	s0 =	simm.s32 @!p3 $0x4;
	p4 =	por p5, p3;
	_ =	swait.ge @!p3 [sflag:s28], $0x4000  }
0xb4: {  	s25 =	simm.s32 @!p3 $0x80;
	s26 =	simm.s32 @!p3 $0x9880;
	[sflag:s28] =	ssyncset.done @!p3 $0x0  }
0xb5: {  	s30 =	simm.s32 @!p4 $0x9880;
	[sflag:s28] =	ssyncadd.s32 @!p3 $0xFFFFC000;
	s28 =	sshra.s32 @!p4 s23, $0x2  }
0xb6: {  	[spmem:s2] =	stream.indirect.scatter.add.f32 @!p3 [tilespmem:s26], [sflag:$0x4], $0x80, s29, s25, $0xb8;
	[tilespmem:$0x1B880] =	vst v63  }
0xb7: {  	s25 =	sadd.s32 @!p4 $0x200, s28;
	s28 =	simm.s32 @!p0 $0x3;
	_ =	swait.ge @!p3 [sflag:s0], $0x4000  }
0xb8: {  	p2 =	por p2, p0;
	[sflag:s0] =	ssyncset.done @!p3 $0x0  }
0xb9: {  	s29 =	sshra.s32 @!p2 s23, $0x2;
	[sflag:s0] =	ssyncadd.s32 @!p3 $0xFFFFC000;
	s0 =	simm.s32 @!p4 $0x80  }
0xba: {  	[tilespmem:s30], [sflag:$0x2] =	stream.indirect.gather @!p4 [hbm4b:s4+s0], $0x80, s25, s0, $0xb8;
	[tilespmem:$0x1B880] =	vst v63  }
.Ltmp1:
0xbb: {  	_ = 	snop;
	(pc) =	sbr.rel @p1 .LBB2_4-.Ltmp1, $4  }
0xbc: {  	s0 =	simm.s32 @!p0 $0x80;
	s30 =	simm.s32 @!p0 $0xD880;
	_ =	swait.ge @!p0 [sflag:s28], $0x4000  }
0xbd: {  	s26 =	simm.s32 @!p0 $0x4;
	s25 =	sadd.s32 @!p2 $0x280, s29;
	[sflag:s28] =	ssyncset.done @!p0 $0x0  }
0xbe: {  	s29 =	simm.s32 @!p2 $0xD880;
	[sflag:s28] =	ssyncadd.s32 @!p0 $0xFFFFC000;
	s28 =	simm.s32 @!p2 $0x80  }
0xbf: {  	[spmem:s2] =	stream.indirect.scatter.add.f32 @!p0 [tilespmem:s30], [sflag:$0x4], $0x80, s16, s0, $0xb8;
	[tilespmem:$0x1B880] =	vst v63  }
0xc0: {  	_ =	swait.ge @!p0 [sflag:s26], $0x4000  }
0xc1: {  	s19 =	sadd.s32 $0x1, s19;
	[sflag:s26] =	ssyncset.done @!p0 $0x0  }
0xc2: {  	[sflag:s26] =	ssyncadd.s32 @!p0 $0xFFFFC000;
	p0 =	sne.s32 s19, s15  }
0xc3: {  	[tilespmem:s29], [sflag:$0x3] =	stream.indirect.gather @!p2 [hbm4b:s4+s28], $0x80, s25, s28, $0xb8;
	[tilespmem:$0x1B880] =	vst v63  }
.Ltmp2:
0xc4: {  	[bflag:$0x0] =	sbarrier.arrive $0xFFFF;
	(pc) =	sbr.rel @p0 .LBB2_1-.Ltmp2, $4  }
0xc5: {  	[hbm:s14], [sflag:s20] =	dma.local [spmem:s21], $0x1400  }
0xc6: {  	_ =	swait.ge [sflag:s17], $0x1400  }
0xc7: {  	[sflag:s17] =	ssyncset.done $0x0  }
0xc8: {  	[sflag:s17] =	ssyncadd.s32 $0xFFFFEC00  }
0xc9: {  	_ =	sfence.sel $0x180000  }
0xca: {  	[bflag:$0x0] =	sbarrier.arrive $0xFFFF  }
0xcb: {  	_ =	strace $0x90000050  }
0xcc: {  	[bflag:$0x2] =	sbarrier.arrive $0xFFFF  }
0xcd: {  	p0 =	sne.s32 s1, $0x0;
	s0 =	rddreg [dreg:$0x3]  }
0xce: {  	s0 =	sadd.s32 @!p0 $0x100000, s0  }
0xcf: {  	[sflag:s0] =	ssyncadd.tile.s32 @!p0 $0x1;
	_ =	shalt  }
.Lfunc_end2:
_tile_overlayer_lowered:
.L_overlay_start_2:
0xd0: {  	(tag) =	ssettag $0x2  }
0xd1: {  	s0 =	rddreg [dreg:$0x0];
	s2 =	stileid.u32  }
0xd2: {  	s1 =	rddreg [dreg:$0x1];
	p0 =	sne.s32 s2, $0x0  }
0xd3: {  	s3 =	rddreg [dreg:$0x2];
	[bflag:$0x3] =	sbarrier.arrive $0xFFFF;
	s2 =	simm.s32 @!p0 $0x1C04  }
0xd4: {  	[timem:s3], [sflag:s2] =	dma.local @!p0 [hbm:s0], s1  }
0xd5: {  	s0 =	simm.s32 @!p0 $0x4  }
0xd6: {  	_ =	swait.ge @!p0 [sflag:s0], s1  }
0xd7: {  	s1 =	ssub.s32 @!p0 $0x0, s1;
	[sflag:s0] =	ssyncset.done @!p0 $0x0  }
0xd8: {  	[sflag:s0] =	ssyncadd.s32 @!p0 s1  }
0xd9: {  	[bflag:$0x3] =	sbarrier.arrive $0xFFFF  }
0xda: {  	_ =	shalt  }

</sc_bundles>
